<compile_context>
chip_gen: v7x
topology: tpu7x:2x2x1
jax: 0.10.2.dev20260603
libtpu: 0.0.44.dev20260713+nightly
codegen_flags: <defaults>
</compile_context>

<pallas_src>
import functools

import jax
import jax.numpy as jnp
from jax import lax
from jax.experimental import pallas as pl
from jax.experimental.pallas import tpu as pltpu
from jax.experimental.pallas import tpu_sc as plsc

N_NODES = 100000
NP = 100352
NPR = 784
NC, NS = 2, 16
NW = NC * NS
SLICE = NP // NS
CHUNK = 2048

_SC_PARAMS = pltpu.CompilerParams(needs_layout_passes=False)


def _mesh():
    return plsc.VectorSubcoreMesh(core_axis_name="c", subcore_axis_name="s")


def _fill(ref, n, value):
    v = jnp.full((16,), value, jnp.float32)

    def body(i, _):
        ref[pl.ds(i * 16, 16)] = v
        return 0

    lax.fori_loop(0, n // 16, body, 0)


def _zero_acc(acc_sp, zsrc, base):
    _fill(zsrc, CHUNK, 0.0)
    for i in range(SLICE // CHUNK):
        pltpu.sync_copy(zsrc, acc_sp.at[pl.ds(base + i * CHUNK, CHUNK)])
    rem = SLICE % CHUNK
    if rem:
        pltpu.sync_copy(zsrc.at[pl.ds(0, rem)],
                        acc_sp.at[pl.ds(base + SLICE - rem, rem)])


def _chunk_range(w, nw, nchunks):
    lo = (w * nchunks) // nw
    hi = ((w + 1) * nchunks) // nw
    return lo, hi


def _edge_pass(src_hbm, dst_hbm, tab, sv, dv, vw, acc_sp, sem_i, sem_s,
               w, nw, nchunks, gather):
    lo, hi = _chunk_range(w, nw, nchunks)
    total = hi - lo

    def vwb(b):
        return vw if not gather else vw[b]

    def prefetch(i, b):
        e0 = i * CHUNK
        if gather:
            pltpu.async_copy(src_hbm.at[pl.ds(e0, CHUNK)], sv[b], sem_i[b])
        pltpu.async_copy(dst_hbm.at[pl.ds(e0, CHUNK)], dv[b], sem_i[b])

    def wait_prefetch(i, b):
        e0 = i * CHUNK
        if gather:
            pltpu.make_async_copy(src_hbm.at[pl.ds(e0, CHUNK)], sv[b],
                                  sem_i[b]).wait()
        pltpu.make_async_copy(dst_hbm.at[pl.ds(e0, CHUNK)], dv[b],
                              sem_i[b]).wait()

    @pl.when(total > 0)
    def _():
        prefetch(lo, 0)

    def triple(p, _):
        for b in range(3):
            i = lo + p * 3 + b

            @pl.when(i < hi)
            def _():
                wait_prefetch(i, b)
                if gather:

                    @plsc.parallel_loop(0, CHUNK // 16, 1, unroll=16)
                    def _(t):
                        idx = sv[b][pl.ds(t * 16, 16)]
                        vw[b][pl.ds(t * 16, 16)] = (
                            plsc.load_gather(tab, [idx]))

                pltpu.async_copy(vwb(b), acc_sp.at[dv[b]], sem_s[b],
                                 add=True)
                nb = (b + 1) % 3

                @pl.when(i > lo + 1)
                def _():
                    pltpu.make_async_copy(vwb(nb), acc_sp.at[dv[nb]],
                                          sem_s[nb]).wait()

                @pl.when(i + 1 < hi)
                def _():
                    prefetch(i + 1, nb)
        return 0

    lax.fori_loop(0, (total + 2) // 3, triple, 0)

    for b in range(3):

        @pl.when(jnp.logical_and(total > 0, (total - 1) % 3 == b))
        def _():
            pltpu.make_async_copy(vwb(b), acc_sp.at[dv[b]], sem_s[b]).wait()

        @pl.when(jnp.logical_and(total > 1, (total - 2) % 3 == b))
        def _():
            pltpu.make_async_copy(vwb(b), acc_sp.at[dv[b]], sem_s[b]).wait()


@functools.lru_cache(maxsize=None)
def _sc_degree(nchunks):
    def body(dst_hbm, out_hbm, acc_sp, dv0, dv1, dv2, vw,
             si0, si1, si2, ss0, ss1, ss2):
        c = lax.axis_index("c")
        s = lax.axis_index("s")
        base = s * SLICE
        _zero_acc(acc_sp, vw, base)
        _fill(vw, CHUNK, 1.0)
        plsc.subcore_barrier()
        _edge_pass(None, dst_hbm, None, None, (dv0, dv1, dv2), vw,
                   acc_sp, (si0, si1, si2), (ss0, ss1, ss2),
                   s * NC + c, NW, nchunks, gather=False)
        plsc.subcore_barrier()
        pltpu.sync_copy(acc_sp.at[pl.ds(base, SLICE)],
                        out_hbm.at[c, pl.ds(base, SLICE)])

    return pl.kernel(
        body,
        out_type=jax.ShapeDtypeStruct((NC, NP), jnp.float32),
        mesh=_mesh(),
        compiler_params=_SC_PARAMS,
        scratch_types=[
            pltpu.VMEM_SHARED((NP,), jnp.float32),
            pltpu.VMEM((CHUNK,), jnp.int32),
            pltpu.VMEM((CHUNK,), jnp.int32),
            pltpu.VMEM((CHUNK,), jnp.int32),
            pltpu.VMEM((CHUNK,), jnp.float32),
        ] + [pltpu.SemaphoreType.DMA] * 6,
    )


_SEG_SCRATCH = (
    [pltpu.VMEM_SHARED((NP,), jnp.float32),
     pltpu.VMEM((NP,), jnp.float32)]
    + [pltpu.VMEM((CHUNK,), jnp.int32)] * 6
    + [pltpu.VMEM((CHUNK,), jnp.float32)] * 3
    + [pltpu.SemaphoreType.DMA] * 6
)


@functools.lru_cache(maxsize=None)
def _sc_segsum1(nchunks):
    def body(src_hbm, dst_hbm, g_hbm, out_hbm, acc_sp, tab,
             sv0, sv1, sv2, dv0, dv1, dv2, vw0, vw1, vw2,
             si0, si1, si2, ss0, ss1, ss2):
        c = lax.axis_index("c")
        s = lax.axis_index("s")
        base = s * SLICE
        _zero_acc(acc_sp, vw0, base)
        pltpu.sync_copy(g_hbm, tab)
        plsc.subcore_barrier()
        _edge_pass(src_hbm, dst_hbm, tab, (sv0, sv1, sv2),
                   (dv0, dv1, dv2), (vw0, vw1, vw2), acc_sp,
                   (si0, si1, si2), (ss0, ss1, ss2),
                   s * NC + c, NW, nchunks, gather=True)
        plsc.subcore_barrier()
        pltpu.sync_copy(acc_sp.at[pl.ds(base, SLICE)],
                        out_hbm.at[c, pl.ds(base, SLICE)])

    return pl.kernel(
        body,
        out_type=jax.ShapeDtypeStruct((NC, NP), jnp.float32),
        mesh=_mesh(),
        compiler_params=_SC_PARAMS,
        scratch_types=list(_SEG_SCRATCH),
    )


@functools.lru_cache(maxsize=None)
def _sc_segsum2(nchunks):
    def body(src_hbm, dst_hbm, ga_hbm, gb_hbm, out_hbm, acc_sp, tab,
             sv0, sv1, sv2, dv0, dv1, dv2, vw0, vw1, vw2,
             si0, si1, si2, ss0, ss1, ss2):
        c = lax.axis_index("c")
        s = lax.axis_index("s")
        base = s * SLICE
        _zero_acc(acc_sp, vw0, base)

        @pl.when(c == 0)
        def _():
            pltpu.sync_copy(ga_hbm, tab)

        @pl.when(c == 1)
        def _():
            pltpu.sync_copy(gb_hbm, tab)

        plsc.subcore_barrier()
        _edge_pass(src_hbm, dst_hbm, tab, (sv0, sv1, sv2),
                   (dv0, dv1, dv2), (vw0, vw1, vw2), acc_sp,
                   (si0, si1, si2), (ss0, ss1, ss2),
                   s, NS, nchunks, gather=True)
        plsc.subcore_barrier()
        pltpu.sync_copy(acc_sp.at[pl.ds(base, SLICE)],
                        out_hbm.at[c, pl.ds(base, SLICE)])

    return pl.kernel(
        body,
        out_type=jax.ShapeDtypeStruct((NC, NP), jnp.float32),
        mesh=_mesh(),
        compiler_params=_SC_PARAMS,
        scratch_types=list(_SEG_SCRATCH),
    )


def _tc_prep_body(degp_ref, x_ref, dinv_ref, g1_ref):
    deg = degp_ref[0] + degp_ref[1] + 1.0
    dinv = lax.rsqrt(deg)
    dinv_ref[...] = dinv
    g1_ref[...] = dinv * x_ref[...]


_tc_prep = pl.pallas_call(
    _tc_prep_body,
    out_shape=(jax.ShapeDtypeStruct((NPR, 128), jnp.float32),
               jax.ShapeDtypeStruct((NPR, 128), jnp.float32)),
)


def _tc_mid_body(s_ref, dinv_ref, x_ref, w1_ref, b1_ref, w2_ref,
                 ha_ref, hb_ref, ga_ref, gb_ref):
    dinv = dinv_ref[...]
    t = dinv * (s_ref[0] + s_ref[1]) + dinv * dinv * x_ref[...]
    acc0 = jnp.zeros_like(t)
    acc1 = jnp.zeros_like(t)
    for k in range(16):
        h = jnp.maximum(t * w1_ref[0, k] + b1_ref[0, k], 0.0)
        acc0 = acc0 + h * w2_ref[k, 0]
        acc1 = acc1 + h * w2_ref[k, 1]
    ha_ref[...] = acc0
    hb_ref[...] = acc1
    ga_ref[...] = dinv * acc0
    gb_ref[...] = dinv * acc1


_tc_mid = pl.pallas_call(
    _tc_mid_body,
    out_shape=tuple(jax.ShapeDtypeStruct((NPR, 128), jnp.float32)
                    for _ in range(4)),
)


def _tc_final_body(o_ref, dinv_ref, ha_ref, hb_ref, b2_ref,
                   outa_ref, outb_ref):
    dinv = dinv_ref[...]
    d2 = dinv * dinv
    outa_ref[...] = dinv * o_ref[0] + d2 * ha_ref[...] + b2_ref[0, 0]
    outb_ref[...] = dinv * o_ref[1] + d2 * hb_ref[...] + b2_ref[0, 1]


_tc_final = pl.pallas_call(
    _tc_final_body,
    out_shape=(jax.ShapeDtypeStruct((NPR, 128), jnp.float32),
               jax.ShapeDtypeStruct((NPR, 128), jnp.float32)),
)


def kernel(x, edge_index, W1, b1, W2, b2):
    n = x.shape[0]
    e = edge_index.shape[1]
    if e % CHUNK:
        pad = CHUNK - e % CHUNK
        edge_index = jnp.concatenate(
            [edge_index, jnp.full((2, pad), n, edge_index.dtype)], axis=1)
        e += pad
    nchunks = e // CHUNK
    src = edge_index[0]
    dst = edge_index[1]
    xf = jnp.concatenate(
        [x[:, 0], jnp.zeros((NP - n,), x.dtype)]).reshape(NPR, 128)

    deg2 = _sc_degree(nchunks)(dst).reshape(NC, NPR, 128)
    dinv, g1 = _tc_prep(deg2, xf)
    s2 = _sc_segsum1(nchunks)(src, dst, g1.reshape(NP)).reshape(NC, NPR, 128)
    ha, hb, ga, gb = _tc_mid(s2, dinv, xf, W1, b1.reshape(1, 16), W2)
    o2 = _sc_segsum2(nchunks)(src, dst, ga.reshape(NP), gb.reshape(NP))
    outa, outb = _tc_final(o2.reshape(NC, NPR, 128),
                           dinv, ha, hb, b2.reshape(1, 2))
    return jnp.stack([outa.reshape(NP)[:n], outb.reshape(NP)[:n]], axis=1)

# --- scband reference (transcript-rebuilt; emitter-appended) ---
"""Pipeline reference for scband-gcn-47605417509108 (READ-ONLY COPY).

The authoritative reference and input builder live on the scoring server;
editing this copy changes nothing except your own understanding.
"""

import jax, jax.numpy as jnp
import numpy as np

N = 100000
E = 6400000
D_IN = 1
D_HID = 16
D_OUT = 2


def gcn_conv(x, edge_index, W, b):
    n = x.shape[0]
    loop = jnp.arange(n, dtype=edge_index.dtype)
    src = jnp.concatenate([edge_index[0], loop])
    dst = jnp.concatenate([edge_index[1], loop])
    xw = x @ W
    ones = jnp.ones(src.shape[0], dtype=xw.dtype)
    deg = jax.ops.segment_sum(ones, dst, num_segments=n)
    dinv = jnp.where(deg > 0, jax.lax.rsqrt(jnp.maximum(deg, 1e-12)), 0.0)
    norm = dinv[src] * dinv[dst]
    msg = norm[:, None] * jnp.take(xw, src, axis=0)
    out = jax.ops.segment_sum(msg, dst, num_segments=n)
    return out + b


def setup_inputs(seed: int = 0) -> dict:
    key = jax.random.key(seed)
    k1, k2, k3, k4, k5, k6 = jax.random.split(key, 6)
    x = jax.random.normal(k1, (N, D_IN), dtype=jnp.float32)
    edge_index = jax.random.randint(k2, (2, E), 0, N, dtype=jnp.int32)
    W1 = jax.random.normal(k3, (D_IN, D_HID), dtype=jnp.float32) * 0.1
    b1 = jnp.zeros((D_HID,), dtype=jnp.float32)
    W2 = jax.random.normal(k4, (D_HID, D_OUT), dtype=jnp.float32) * 0.1
    b2 = jnp.zeros((D_OUT,), dtype=jnp.float32)
    return {"x": x, "edge_index": edge_index, "W1": W1, "b1": b1, "W2": W2, "b2": b2}


def reference(x, edge_index, W1, b1, W2, b2):
    h = gcn_conv(x, edge_index, W1, b1)
    h = jax.nn.relu(h)
    out = gcn_conv(h, edge_index, W2, b2)
    return out

if __name__ == "__main__":
    import jax
    _d = setup_inputs()
    print(jax.jit(kernel)(*tuple(_d.values())))

</pallas_src>

<mosaic_0001>
#map = affine_map<(d0, d1) -> (0)>
#map1 = affine_map<(d0, d1) -> (0, 0)>
module attributes {stable_mosaic.version = 14 : i64} {
  func.func @body(%arg0: i32, %arg1: i32, %arg2: memref<6400000xi32, #tpu.memory_space<hbm>>, %arg3: memref<6400000xi32, #tpu.memory_space<hbm>>, %arg4: memref<100352xf32, #tpu.memory_space<hbm>>, %arg5: memref<100352xf32, #tpu.memory_space<hbm>>, %arg6: memref<2x100352xf32, #tpu.memory_space<hbm>>, %arg7: memref<100352xf32, #tpu.memory_space<vmem_shared>>, %arg8: memref<100352xf32, #tpu.memory_space<vmem>>, %arg9: memref<2048xi32, #tpu.memory_space<vmem>>, %arg10: memref<2048xi32, #tpu.memory_space<vmem>>, %arg11: memref<2048xi32, #tpu.memory_space<vmem>>, %arg12: memref<2048xi32, #tpu.memory_space<vmem>>, %arg13: memref<2048xi32, #tpu.memory_space<vmem>>, %arg14: memref<2048xi32, #tpu.memory_space<vmem>>, %arg15: memref<2048xf32, #tpu.memory_space<vmem>>, %arg16: memref<2048xf32, #tpu.memory_space<vmem>>, %arg17: memref<2048xf32, #tpu.memory_space<vmem>>, %arg18: memref<!tpu.dma_semaphore, #tpu.memory_space<semaphore_mem>>, %arg19: memref<!tpu.dma_semaphore, #tpu.memory_space<semaphore_mem>>, %arg20: memref<!tpu.dma_semaphore, #tpu.memory_space<semaphore_mem>>, %arg21: memref<!tpu.dma_semaphore, #tpu.memory_space<semaphore_mem>>, %arg22: memref<!tpu.dma_semaphore, #tpu.memory_space<semaphore_mem>>, %arg23: memref<!tpu.dma_semaphore, #tpu.memory_space<semaphore_mem>>) attributes {dimension_semantics = [#tpu.dimension_semantics<core_parallel>, #tpu.dimension_semantics<subcore_parallel>], iteration_bounds = array<i64: 2, 16>, scalar_prefetch = 0 : i64, scratch_operands = 17 : i64, tpu.core_type = #tpu.core_type<sc_vector_subcore>, window_params = [{transform_indices = #map}, {transform_indices = #map}, {transform_indices = #map}, {transform_indices = #map}, {transform_indices = #map1}]} {
    %mul3A = arith.constant 6272 : i32
    %mul3A_0 = arith.muli %arg1, %mul3A : i32
    %broadcast_in_dim3A = arith.constant 0.000000e+00 : f32
    %broadcast_in_dim3A_1 = vector.broadcast %broadcast_in_dim3A : f32 to vector<16xf32>
    %scan3A = arith.constant 0 : i32
    %scan3A_2 = arith.constant 0 : i32
    %scan3A_3 = arith.constant 128 : i32
    %scan3A_4 = arith.addi %scan3A_2, %scan3A_3 : i32
    %scan3A_5 = arith.constant 1 : i32
    %scan3A_6 = scf.for %scan3A_268 = %scan3A_2 to %scan3A_4 step %scan3A_5 iter_args(%scan3A_269 = %scan3A) -> (i32)  : i32 {
      %mul3A_270 = arith.constant 16 : i32
      %mul3A_271 = arith.muli %scan3A_268, %mul3A_270 : i32
      %swap3A = arith.index_cast %mul3A_271 : i32 to index
      %swap3A_272 = tpu.vector_load %arg15[%swap3A] {strides = array<i32>} : memref<2048xf32, #tpu.memory_space<vmem>>, vector<16xf32>,
      tpu.vector_store %arg15[%swap3A], %broadcast_in_dim3A_1 {strides = array<i32>} : memref<2048xf32, #tpu.memory_space<vmem>>, vector<16xf32>,
      %scan3A_273 = arith.constant 0 : i32
      scf.yield %scan3A_273 : i32
    }
    %scan3A_7 = arith.constant 128 : i32
    %add3A = arith.constant 0 : i32
    %add3A_8 = arith.addi %mul3A_0, %add3A : i32
    "tpu.region"() ({
      %run_scoped3A = tpu.sem_alloc : memref<!tpu.dma_semaphore, #tpu.memory_space<semaphore_mem>>
      %dma_start3A = tpu.memref_slice %arg7[%add3A_8] : memref<100352xf32, #tpu.memory_space<vmem_shared>> -> memref<2048xf32, #tpu.memory_space<vmem_shared>>
      %dma_start3A_268 = tpu.memref_slice %arg7[%add3A_8] : memref<100352xf32, #tpu.memory_space<vmem_shared>> -> memref<2048xf32, #tpu.memory_space<vmem_shared>>
      tpu.enqueue_dma source(%arg15 : memref<2048xf32, #tpu.memory_space<vmem>>) target(%dma_start3A_268 : memref<2048xf32, #tpu.memory_space<vmem_shared>>) target_semaphore(%run_scoped3A : memref<!tpu.dma_semaphore, #tpu.memory_space<semaphore_mem>>)
      %dma_wait3A = tpu.memref_slice %arg7[%add3A_8] : memref<100352xf32, #tpu.memory_space<vmem_shared>> -> memref<2048xf32, #tpu.memory_space<vmem_shared>>
      %dma_wait3A_269 = tpu.memref_slice %arg7[%add3A_8] : memref<100352xf32, #tpu.memory_space<vmem_shared>> -> memref<2048xf32, #tpu.memory_space<vmem_shared>>
      tpu.wait_dma2 semaphore(%run_scoped3A : memref<!tpu.dma_semaphore, #tpu.memory_space<semaphore_mem>>) src(%arg15 : memref<2048xf32, #tpu.memory_space<vmem>>) dst(%dma_wait3A_269 : memref<2048xf32, #tpu.memory_space<vmem_shared>>)
      tpu.yield
    }) : () -> ()
    %add3A_9 = arith.constant 2048 : i32
    %add3A_10 = arith.addi %mul3A_0, %add3A_9 : i32
    "tpu.region"() ({
      %run_scoped3A = tpu.sem_alloc : memref<!tpu.dma_semaphore, #tpu.memory_space<semaphore_mem>>
      %dma_start3A = tpu.memref_slice %arg7[%add3A_10] : memref<100352xf32, #tpu.memory_space<vmem_shared>> -> memref<2048xf32, #tpu.memory_space<vmem_shared>>
      %dma_start3A_268 = tpu.memref_slice %arg7[%add3A_10] : memref<100352xf32, #tpu.memory_space<vmem_shared>> -> memref<2048xf32, #tpu.memory_space<vmem_shared>>
      tpu.enqueue_dma source(%arg15 : memref<2048xf32, #tpu.memory_space<vmem>>) target(%dma_start3A_268 : memref<2048xf32, #tpu.memory_space<vmem_shared>>) target_semaphore(%run_scoped3A : memref<!tpu.dma_semaphore, #tpu.memory_space<semaphore_mem>>)
      %dma_wait3A = tpu.memref_slice %arg7[%add3A_10] : memref<100352xf32, #tpu.memory_space<vmem_shared>> -> memref<2048xf32, #tpu.memory_space<vmem_shared>>
      %dma_wait3A_269 = tpu.memref_slice %arg7[%add3A_10] : memref<100352xf32, #tpu.memory_space<vmem_shared>> -> memref<2048xf32, #tpu.memory_space<vmem_shared>>
      tpu.wait_dma2 semaphore(%run_scoped3A : memref<!tpu.dma_semaphore, #tpu.memory_space<semaphore_mem>>) src(%arg15 : memref<2048xf32, #tpu.memory_space<vmem>>) dst(%dma_wait3A_269 : memref<2048xf32, #tpu.memory_space<vmem_shared>>)
      tpu.yield
    }) : () -> ()
    %add3A_11 = arith.constant 4096 : i32
    %add3A_12 = arith.addi %mul3A_0, %add3A_11 : i32
    "tpu.region"() ({
      %run_scoped3A = tpu.sem_alloc : memref<!tpu.dma_semaphore, #tpu.memory_space<semaphore_mem>>
      %dma_start3A = tpu.memref_slice %arg7[%add3A_12] : memref<100352xf32, #tpu.memory_space<vmem_shared>> -> memref<2048xf32, #tpu.memory_space<vmem_shared>>
      %dma_start3A_268 = tpu.memref_slice %arg7[%add3A_12] : memref<100352xf32, #tpu.memory_space<vmem_shared>> -> memref<2048xf32, #tpu.memory_space<vmem_shared>>
      tpu.enqueue_dma source(%arg15 : memref<2048xf32, #tpu.memory_space<vmem>>) target(%dma_start3A_268 : memref<2048xf32, #tpu.memory_space<vmem_shared>>) target_semaphore(%run_scoped3A : memref<!tpu.dma_semaphore, #tpu.memory_space<semaphore_mem>>)
      %dma_wait3A = tpu.memref_slice %arg7[%add3A_12] : memref<100352xf32, #tpu.memory_space<vmem_shared>> -> memref<2048xf32, #tpu.memory_space<vmem_shared>>
      %dma_wait3A_269 = tpu.memref_slice %arg7[%add3A_12] : memref<100352xf32, #tpu.memory_space<vmem_shared>> -> memref<2048xf32, #tpu.memory_space<vmem_shared>>
      tpu.wait_dma2 semaphore(%run_scoped3A : memref<!tpu.dma_semaphore, #tpu.memory_space<semaphore_mem>>) src(%arg15 : memref<2048xf32, #tpu.memory_space<vmem>>) dst(%dma_wait3A_269 : memref<2048xf32, #tpu.memory_space<vmem_shared>>)
      tpu.yield
    }) : () -> ()
    %add3A_13 = arith.constant 6272 : i32
    %add3A_14 = arith.addi %mul3A_0, %add3A_13 : i32
    %sub3A = arith.constant 128 : i32
    %sub3A_15 = arith.subi %add3A_14, %sub3A : i32
    "tpu.region"() ({
      %run_scoped3A = tpu.sem_alloc : memref<!tpu.dma_semaphore, #tpu.memory_space<semaphore_mem>>
      %dma_start3A = arith.constant 0 : i32
      %dma_start3A_268 = tpu.memref_slice %arg15[%dma_start3A] : memref<2048xf32, #tpu.memory_space<vmem>> -> memref<128xf32, #tpu.memory_space<vmem>>
      %dma_start3A_269 = tpu.memref_slice %arg7[%sub3A_15] : memref<100352xf32, #tpu.memory_space<vmem_shared>> -> memref<128xf32, #tpu.memory_space<vmem_shared>>
      %dma_start3A_270 = tpu.memref_slice %arg7[%sub3A_15] : memref<100352xf32, #tpu.memory_space<vmem_shared>> -> memref<128xf32, #tpu.memory_space<vmem_shared>>
      %dma_start3A_271 = arith.constant 0 : i32
      %dma_start3A_272 = tpu.memref_slice %arg15[%dma_start3A_271] : memref<2048xf32, #tpu.memory_space<vmem>> -> memref<128xf32, #tpu.memory_space<vmem>>
      tpu.enqueue_dma source(%dma_start3A_272 : memref<128xf32, #tpu.memory_space<vmem>>) target(%dma_start3A_270 : memref<128xf32, #tpu.memory_space<vmem_shared>>) target_semaphore(%run_scoped3A : memref<!tpu.dma_semaphore, #tpu.memory_space<semaphore_mem>>)
      %dma_wait3A = arith.constant 0 : i32
      %dma_wait3A_273 = tpu.memref_slice %arg15[%dma_wait3A] : memref<2048xf32, #tpu.memory_space<vmem>> -> memref<128xf32, #tpu.memory_space<vmem>>
      %dma_wait3A_274 = tpu.memref_slice %arg7[%sub3A_15] : memref<100352xf32, #tpu.memory_space<vmem_shared>> -> memref<128xf32, #tpu.memory_space<vmem_shared>>
      %dma_wait3A_275 = tpu.memref_slice %arg7[%sub3A_15] : memref<100352xf32, #tpu.memory_space<vmem_shared>> -> memref<128xf32, #tpu.memory_space<vmem_shared>>
      %dma_wait3A_276 = arith.constant 0 : i32
      %dma_wait3A_277 = tpu.memref_slice %arg15[%dma_wait3A_276] : memref<2048xf32, #tpu.memory_space<vmem>> -> memref<128xf32, #tpu.memory_space<vmem>>
      tpu.wait_dma2 semaphore(%run_scoped3A : memref<!tpu.dma_semaphore, #tpu.memory_space<semaphore_mem>>) src(%dma_wait3A_277 : memref<128xf32, #tpu.memory_space<vmem>>) dst(%dma_wait3A_275 : memref<128xf32, #tpu.memory_space<vmem_shared>>)
      tpu.yield
    }) : () -> ()
    %eq3A = arith.constant 0 : i32
    %eq3A_16 = arith.cmpi eq, %arg0, %eq3A : i32
    %convert_element_type3A = arith.extui %eq3A_16 : i1 to i32
    %cond3A = arith.constant 0 : i32
    %cond3A_17 = arith.cmpi ne, %convert_element_type3A, %cond3A : i32
    scf.if %cond3A_17 {
      "tpu.region"() ({
        %run_scoped3A = tpu.sem_alloc : memref<!tpu.dma_semaphore, #tpu.memory_space<semaphore_mem>>
        tpu.enqueue_dma source(%arg4 : memref<100352xf32, #tpu.memory_space<hbm>>) target(%arg8 : memref<100352xf32, #tpu.memory_space<vmem>>) target_semaphore(%run_scoped3A : memref<!tpu.dma_semaphore, #tpu.memory_space<semaphore_mem>>)
        tpu.wait_dma2 semaphore(%run_scoped3A : memref<!tpu.dma_semaphore, #tpu.memory_space<semaphore_mem>>) src(%arg4 : memref<100352xf32, #tpu.memory_space<hbm>>) dst(%arg8 : memref<100352xf32, #tpu.memory_space<vmem>>)
        tpu.yield
      }) : () -> ()
    } else {
    }
    %eq3A_18 = arith.constant 1 : i32
    %eq3A_19 = arith.cmpi eq, %arg0, %eq3A_18 : i32
    %convert_element_type3A_20 = arith.extui %eq3A_19 : i1 to i32
    %cond3A_21 = arith.constant 0 : i32
    %cond3A_22 = arith.cmpi ne, %convert_element_type3A_20, %cond3A_21 : i32
    scf.if %cond3A_22 {
      "tpu.region"() ({
        %run_scoped3A = tpu.sem_alloc : memref<!tpu.dma_semaphore, #tpu.memory_space<semaphore_mem>>
        tpu.enqueue_dma source(%arg5 : memref<100352xf32, #tpu.memory_space<hbm>>) target(%arg8 : memref<100352xf32, #tpu.memory_space<vmem>>) target_semaphore(%run_scoped3A : memref<!tpu.dma_semaphore, #tpu.memory_space<semaphore_mem>>)
        tpu.wait_dma2 semaphore(%run_scoped3A : memref<!tpu.dma_semaphore, #tpu.memory_space<semaphore_mem>>) src(%arg5 : memref<100352xf32, #tpu.memory_space<hbm>>) dst(%arg8 : memref<100352xf32, #tpu.memory_space<vmem>>)
        tpu.yield
      }) : () -> ()
    } else {
    }
    %barrier3A = arith.constant 0 : index
    tpu.barrier barrier_id(%barrier3A)
    %mul3A_23 = arith.constant 3125 : i32
    %mul3A_24 = arith.muli %arg1, %mul3A_23 : i32
    %jit3A = arith.constant 16 : i32
    %div3A = arith.divsi %mul3A_24, %jit3A : i32
    %sign3A = arith.constant 0 : i32
    %sign3A_25 = arith.cmpi sgt, %mul3A_24, %sign3A : i32
    %sign3A_26 = arith.extui %sign3A_25 : i1 to i32
    %sign3A_27 = arith.constant 0 : i32
    %sign3A_28 = arith.cmpi slt, %mul3A_24, %sign3A_27 : i32
    %sign3A_29 = arith.extui %sign3A_28 : i1 to i32
    %sign3A_30 = arith.subi %sign3A_26, %sign3A_29 : i32
    %sign3A_31 = arith.constant 0 : i32
    %sign3A_32 = arith.cmpi sgt, %jit3A, %sign3A_31 : i32
    %sign3A_33 = arith.extui %sign3A_32 : i1 to i32
    %sign3A_34 = arith.constant 0 : i32
    %sign3A_35 = arith.cmpi slt, %jit3A, %sign3A_34 : i32
    %sign3A_36 = arith.extui %sign3A_35 : i1 to i32
    %sign3A_37 = arith.subi %sign3A_33, %sign3A_36 : i32
    %ne3A = arith.cmpi ne, %sign3A_30, %sign3A_37 : i32
    %rem3A = arith.remsi %mul3A_24, %jit3A : i32
    %ne3A_38 = arith.constant 0 : i32
    %ne3A_39 = arith.cmpi ne, %rem3A, %ne3A_38 : i32
    %and3A = arith.andi %ne3A, %ne3A_39 : i1
    %sub3A_40 = arith.constant 1 : i32
    %sub3A_41 = arith.subi %div3A, %sub3A_40 : i32
    %select_n3A = arith.select %and3A, %sub3A_41, %div3A : i32
    %add3A_42 = arith.constant 1 : i32
    %add3A_43 = arith.addi %arg1, %add3A_42 : i32
    %mul3A_44 = arith.constant 3125 : i32
    %mul3A_45 = arith.muli %add3A_43, %mul3A_44 : i32
    %jit3A_46 = arith.constant 16 : i32
    %div3A_47 = arith.divsi %mul3A_45, %jit3A_46 : i32
    %sign3A_48 = arith.constant 0 : i32
    %sign3A_49 = arith.cmpi sgt, %mul3A_45, %sign3A_48 : i32
    %sign3A_50 = arith.extui %sign3A_49 : i1 to i32
    %sign3A_51 = arith.constant 0 : i32
    %sign3A_52 = arith.cmpi slt, %mul3A_45, %sign3A_51 : i32
    %sign3A_53 = arith.extui %sign3A_52 : i1 to i32
    %sign3A_54 = arith.subi %sign3A_50, %sign3A_53 : i32
    %sign3A_55 = arith.constant 0 : i32
    %sign3A_56 = arith.cmpi sgt, %jit3A_46, %sign3A_55 : i32
    %sign3A_57 = arith.extui %sign3A_56 : i1 to i32
    %sign3A_58 = arith.constant 0 : i32
    %sign3A_59 = arith.cmpi slt, %jit3A_46, %sign3A_58 : i32
    %sign3A_60 = arith.extui %sign3A_59 : i1 to i32
    %sign3A_61 = arith.subi %sign3A_57, %sign3A_60 : i32
    %ne3A_62 = arith.cmpi ne, %sign3A_54, %sign3A_61 : i32
    %rem3A_63 = arith.remsi %mul3A_45, %jit3A_46 : i32
    %ne3A_64 = arith.constant 0 : i32
    %ne3A_65 = arith.cmpi ne, %rem3A_63, %ne3A_64 : i32
    %and3A_66 = arith.andi %ne3A_62, %ne3A_65 : i1
    %sub3A_67 = arith.constant 1 : i32
    %sub3A_68 = arith.subi %div3A_47, %sub3A_67 : i32
    %select_n3A_69 = arith.select %and3A_66, %sub3A_68, %div3A_47 : i32
    %sub3A_70 = arith.subi %select_n3A_69, %select_n3A : i32
    %gt3A = arith.constant 0 : i32
    %gt3A_71 = arith.cmpi sgt, %sub3A_70, %gt3A : i32
    %convert_element_type3A_72 = arith.extui %gt3A_71 : i1 to i32
    %cond3A_73 = arith.constant 0 : i32
    %cond3A_74 = arith.cmpi ne, %convert_element_type3A_72, %cond3A_73 : i32
    scf.if %cond3A_74 {
      %mul3A_268 = arith.constant 2048 : i32
      %mul3A_269 = arith.muli %select_n3A, %mul3A_268 : i32
      %dma_start3A = tpu.memref_slice %arg2[%mul3A_269] : memref<6400000xi32, #tpu.memory_space<hbm>> -> memref<2048xi32, #tpu.memory_space<hbm>>
      %dma_start3A_270 = tpu.memref_slice %arg2[%mul3A_269] : memref<6400000xi32, #tpu.memory_space<hbm>> -> memref<2048xi32, #tpu.memory_space<hbm>>
      tpu.enqueue_dma source(%dma_start3A_270 : memref<2048xi32, #tpu.memory_space<hbm>>) target(%arg9 : memref<2048xi32, #tpu.memory_space<vmem>>) target_semaphore(%arg18 : memref<!tpu.dma_semaphore, #tpu.memory_space<semaphore_mem>>)
      %dma_start3A_271 = tpu.memref_slice %arg3[%mul3A_269] : memref<6400000xi32, #tpu.memory_space<hbm>> -> memref<2048xi32, #tpu.memory_space<hbm>>
      %dma_start3A_272 = tpu.memref_slice %arg3[%mul3A_269] : memref<6400000xi32, #tpu.memory_space<hbm>> -> memref<2048xi32, #tpu.memory_space<hbm>>
      tpu.enqueue_dma source(%dma_start3A_272 : memref<2048xi32, #tpu.memory_space<hbm>>) target(%arg12 : memref<2048xi32, #tpu.memory_space<vmem>>) target_semaphore(%arg18 : memref<!tpu.dma_semaphore, #tpu.memory_space<semaphore_mem>>)
    } else {
    }
    %add3A_75 = arith.constant 2 : i32
    %add3A_76 = arith.addi %sub3A_70, %add3A_75 : i32
    %jit3A_77 = arith.constant 3 : i32
    %div3A_78 = arith.divsi %add3A_76, %jit3A_77 : i32
    %sign3A_79 = arith.constant 0 : i32
    %sign3A_80 = arith.cmpi sgt, %add3A_76, %sign3A_79 : i32
    %sign3A_81 = arith.extui %sign3A_80 : i1 to i32
    %sign3A_82 = arith.constant 0 : i32
    %sign3A_83 = arith.cmpi slt, %add3A_76, %sign3A_82 : i32
    %sign3A_84 = arith.extui %sign3A_83 : i1 to i32
    %sign3A_85 = arith.subi %sign3A_81, %sign3A_84 : i32
    %sign3A_86 = arith.constant 0 : i32
    %sign3A_87 = arith.cmpi sgt, %jit3A_77, %sign3A_86 : i32
    %sign3A_88 = arith.extui %sign3A_87 : i1 to i32
    %sign3A_89 = arith.constant 0 : i32
    %sign3A_90 = arith.cmpi slt, %jit3A_77, %sign3A_89 : i32
    %sign3A_91 = arith.extui %sign3A_90 : i1 to i32
    %sign3A_92 = arith.subi %sign3A_88, %sign3A_91 : i32
    %ne3A_93 = arith.cmpi ne, %sign3A_85, %sign3A_92 : i32
    %rem3A_94 = arith.remsi %add3A_76, %jit3A_77 : i32
    %ne3A_95 = arith.constant 0 : i32
    %ne3A_96 = arith.cmpi ne, %rem3A_94, %ne3A_95 : i32
    %and3A_97 = arith.andi %ne3A_93, %ne3A_96 : i1
    %sub3A_98 = arith.constant 1 : i32
    %sub3A_99 = arith.subi %div3A_78, %sub3A_98 : i32
    %select_n3A_100 = arith.select %and3A_97, %sub3A_99, %div3A_78 : i32
    %while3A = arith.constant 0 : i32
    %while3A_101 = arith.constant 0 : i32
    %while3A_102 = arith.subi %select_n3A_100, %while3A : i32
    %while3A_103 = arith.addi %while3A, %while3A_102 : i32
    %while3A_104 = arith.constant 1 : i32
    %while3A_105 = arith.divsi %while3A_102, %while3A_104 : i32
    %while3A_106 = arith.muli %while3A_105, %while3A_104 : i32
    %while3A_107 = arith.addi %while3A, %while3A_106 : i32
    %while3A_108 = arith.constant 1 : i32
    %while3A_109 = scf.for %while3A_268 = %while3A to %while3A_107 step %while3A_108 iter_args(%while3A_269 = %while3A_101) -> (i32)  : i32 {
      %mul3A_270 = arith.constant 3 : i32
      %mul3A_271 = arith.muli %while3A_268, %mul3A_270 : i32
      %add3A_272 = arith.addi %select_n3A, %mul3A_271 : i32
      %add3A_273 = arith.constant 0 : i32
      %add3A_274 = arith.addi %add3A_272, %add3A_273 : i32
      %lt3A_275 = arith.cmpi slt, %add3A_274, %select_n3A_69 : i32
      %convert_element_type3A_276 = arith.extui %lt3A_275 : i1 to i32
      %cond3A_277 = arith.constant 0 : i32
      %cond3A_278 = arith.cmpi ne, %convert_element_type3A_276, %cond3A_277 : i32
      scf.if %cond3A_278 {
        %mul3A_298 = arith.constant 2048 : i32
        %mul3A_299 = arith.muli %add3A_274, %mul3A_298 : i32
        %dma_wait3A = tpu.memref_slice %arg2[%mul3A_299] : memref<6400000xi32, #tpu.memory_space<hbm>> -> memref<2048xi32, #tpu.memory_space<hbm>>
        %dma_wait3A_300 = tpu.memref_slice %arg2[%mul3A_299] : memref<6400000xi32, #tpu.memory_space<hbm>> -> memref<2048xi32, #tpu.memory_space<hbm>>
        tpu.wait_dma2 semaphore(%arg18 : memref<!tpu.dma_semaphore, #tpu.memory_space<semaphore_mem>>) src(%dma_wait3A_300 : memref<2048xi32, #tpu.memory_space<hbm>>) dst(%arg9 : memref<2048xi32, #tpu.memory_space<vmem>>)
        %dma_wait3A_301 = tpu.memref_slice %arg3[%mul3A_299] : memref<6400000xi32, #tpu.memory_space<hbm>> -> memref<2048xi32, #tpu.memory_space<hbm>>
        %dma_wait3A_302 = tpu.memref_slice %arg3[%mul3A_299] : memref<6400000xi32, #tpu.memory_space<hbm>> -> memref<2048xi32, #tpu.memory_space<hbm>>
        tpu.wait_dma2 semaphore(%arg18 : memref<!tpu.dma_semaphore, #tpu.memory_space<semaphore_mem>>) src(%dma_wait3A_302 : memref<2048xi32, #tpu.memory_space<hbm>>) dst(%arg12 : memref<2048xi32, #tpu.memory_space<vmem>>)
        %parallel_loop3A = arith.constant 0 : i32
        %parallel_loop3A_303 = arith.constant 128 : i32
        %parallel_loop3A_304 = arith.constant 1 : i32
        scf.for %parallel_loop3A_318 = %parallel_loop3A to %parallel_loop3A_303 step %parallel_loop3A_304  : i32 {
          %parallel_loop3A_319 = arith.constant 16 : i32
          %parallel_loop3A_320 = arith.muli %parallel_loop3A_318, %parallel_loop3A_319 : i32
          %parallel_loop3A_321 = arith.index_cast %parallel_loop3A_320 : i32 to index
          %parallel_loop3A_322 = tpu.vector_load %arg9[%parallel_loop3A_321] {strides = array<i32>} : memref<2048xi32, #tpu.memory_space<vmem>>, vector<16xi32>,
          %parallel_loop3A_323 = tpu.vector_load_idx %arg8[%parallel_loop3A_322] : memref<100352xf32, #tpu.memory_space<vmem>>[vector<16xi32>], vector<16xf32>,
          %parallel_loop3A_324 = arith.constant 16 : i32
          %parallel_loop3A_325 = arith.muli %parallel_loop3A_318, %parallel_loop3A_324 : i32
          %parallel_loop3A_326 = arith.index_cast %parallel_loop3A_325 : i32 to index
          %parallel_loop3A_327 = tpu.vector_load %arg15[%parallel_loop3A_326] {strides = array<i32>} : memref<2048xf32, #tpu.memory_space<vmem>>, vector<16xf32>,
          tpu.vector_store %arg15[%parallel_loop3A_326], %parallel_loop3A_323 {strides = array<i32>} : memref<2048xf32, #tpu.memory_space<vmem>>, vector<16xf32>,
        } {sc.loop_unroll_factor = 16 : i64, sc.parallel_access}
        %dma_start3A = arith.constant 0 : i32
        %dma_start3A_305 = tpu.memref_slice %arg7[%dma_start3A] : memref<100352xf32, #tpu.memory_space<vmem_shared>> -> memref<100352xf32, #tpu.memory_space<vmem_shared>>
        tpu.enqueue_indirect_dma source(%arg15 : memref<2048xf32, #tpu.memory_space<vmem>>) target(%dma_start3A_305 : memref<100352xf32, #tpu.memory_space<vmem_shared>>) offsets(%arg12 : memref<2048xi32, #tpu.memory_space<vmem>>) semaphore(%arg21 : memref<!tpu.dma_semaphore, #tpu.memory_space<semaphore_mem>>) {add = true}
        %add3A_306 = arith.constant 1 : i32
        %add3A_307 = arith.addi %select_n3A, %add3A_306 : i32
        %gt3A_308 = arith.cmpi sgt, %add3A_274, %add3A_307 : i32
        %convert_element_type3A_309 = arith.extui %gt3A_308 : i1 to i32
        %cond3A_310 = arith.constant 0 : i32
        %cond3A_311 = arith.cmpi ne, %convert_element_type3A_309, %cond3A_310 : i32
        scf.if %cond3A_311 {
          %dma_wait3A_318 = arith.constant 0 : i32
          %dma_wait3A_319 = tpu.memref_slice %arg7[%dma_wait3A_318] : memref<100352xf32, #tpu.memory_space<vmem_shared>> -> memref<100352xf32, #tpu.memory_space<vmem_shared>>
          tpu.wait_indirect_dma semaphore(%arg22 : memref<!tpu.dma_semaphore, #tpu.memory_space<semaphore_mem>>) src(%arg16 : memref<2048xf32, #tpu.memory_space<vmem>>) dst(%dma_wait3A_319 : memref<100352xf32, #tpu.memory_space<vmem_shared>>)
        } else {
        }
        %add3A_312 = arith.constant 1 : i32
        %add3A_313 = arith.addi %add3A_274, %add3A_312 : i32
        %lt3A_314 = arith.cmpi slt, %add3A_313, %select_n3A_69 : i32
        %convert_element_type3A_315 = arith.extui %lt3A_314 : i1 to i32
        %cond3A_316 = arith.constant 0 : i32
        %cond3A_317 = arith.cmpi ne, %convert_element_type3A_315, %cond3A_316 : i32
        scf.if %cond3A_317 {
          %add3A_318 = arith.constant 1 : i32
          %add3A_319 = arith.addi %add3A_274, %add3A_318 : i32
          %mul3A_320 = arith.constant 2048 : i32
          %mul3A_321 = arith.muli %add3A_319, %mul3A_320 : i32
          %dma_start3A_322 = tpu.memref_slice %arg2[%mul3A_321] : memref<6400000xi32, #tpu.memory_space<hbm>> -> memref<2048xi32, #tpu.memory_space<hbm>>
          %dma_start3A_323 = tpu.memref_slice %arg2[%mul3A_321] : memref<6400000xi32, #tpu.memory_space<hbm>> -> memref<2048xi32, #tpu.memory_space<hbm>>
          tpu.enqueue_dma source(%dma_start3A_323 : memref<2048xi32, #tpu.memory_space<hbm>>) target(%arg10 : memref<2048xi32, #tpu.memory_space<vmem>>) target_semaphore(%arg19 : memref<!tpu.dma_semaphore, #tpu.memory_space<semaphore_mem>>)
          %dma_start3A_324 = tpu.memref_slice %arg3[%mul3A_321] : memref<6400000xi32, #tpu.memory_space<hbm>> -> memref<2048xi32, #tpu.memory_space<hbm>>
          %dma_start3A_325 = tpu.memref_slice %arg3[%mul3A_321] : memref<6400000xi32, #tpu.memory_space<hbm>> -> memref<2048xi32, #tpu.memory_space<hbm>>
          tpu.enqueue_dma source(%dma_start3A_325 : memref<2048xi32, #tpu.memory_space<hbm>>) target(%arg13 : memref<2048xi32, #tpu.memory_space<vmem>>) target_semaphore(%arg19 : memref<!tpu.dma_semaphore, #tpu.memory_space<semaphore_mem>>)
        } else {
        }
      } else {
      }
      %mul3A_279 = arith.constant 3 : i32
      %mul3A_280 = arith.muli %while3A_268, %mul3A_279 : i32
      %add3A_281 = arith.addi %select_n3A, %mul3A_280 : i32
      %add3A_282 = arith.constant 1 : i32
      %add3A_283 = arith.addi %add3A_281, %add3A_282 : i32
      %lt3A_284 = arith.cmpi slt, %add3A_283, %select_n3A_69 : i32
      %convert_element_type3A_285 = arith.extui %lt3A_284 : i1 to i32
      %cond3A_286 = arith.constant 0 : i32
      %cond3A_287 = arith.cmpi ne, %convert_element_type3A_285, %cond3A_286 : i32
      scf.if %cond3A_287 {
        %mul3A_298 = arith.constant 2048 : i32
        %mul3A_299 = arith.muli %add3A_283, %mul3A_298 : i32
        %dma_wait3A = tpu.memref_slice %arg2[%mul3A_299] : memref<6400000xi32, #tpu.memory_space<hbm>> -> memref<2048xi32, #tpu.memory_space<hbm>>
        %dma_wait3A_300 = tpu.memref_slice %arg2[%mul3A_299] : memref<6400000xi32, #tpu.memory_space<hbm>> -> memref<2048xi32, #tpu.memory_space<hbm>>
        tpu.wait_dma2 semaphore(%arg19 : memref<!tpu.dma_semaphore, #tpu.memory_space<semaphore_mem>>) src(%dma_wait3A_300 : memref<2048xi32, #tpu.memory_space<hbm>>) dst(%arg10 : memref<2048xi32, #tpu.memory_space<vmem>>)
        %dma_wait3A_301 = tpu.memref_slice %arg3[%mul3A_299] : memref<6400000xi32, #tpu.memory_space<hbm>> -> memref<2048xi32, #tpu.memory_space<hbm>>
        %dma_wait3A_302 = tpu.memref_slice %arg3[%mul3A_299] : memref<6400000xi32, #tpu.memory_space<hbm>> -> memref<2048xi32, #tpu.memory_space<hbm>>
        tpu.wait_dma2 semaphore(%arg19 : memref<!tpu.dma_semaphore, #tpu.memory_space<semaphore_mem>>) src(%dma_wait3A_302 : memref<2048xi32, #tpu.memory_space<hbm>>) dst(%arg13 : memref<2048xi32, #tpu.memory_space<vmem>>)
        %parallel_loop3A = arith.constant 0 : i32
        %parallel_loop3A_303 = arith.constant 128 : i32
        %parallel_loop3A_304 = arith.constant 1 : i32
        scf.for %parallel_loop3A_318 = %parallel_loop3A to %parallel_loop3A_303 step %parallel_loop3A_304  : i32 {
          %parallel_loop3A_319 = arith.constant 16 : i32
          %parallel_loop3A_320 = arith.muli %parallel_loop3A_318, %parallel_loop3A_319 : i32
          %parallel_loop3A_321 = arith.index_cast %parallel_loop3A_320 : i32 to index
          %parallel_loop3A_322 = tpu.vector_load %arg10[%parallel_loop3A_321] {strides = array<i32>} : memref<2048xi32, #tpu.memory_space<vmem>>, vector<16xi32>,
          %parallel_loop3A_323 = tpu.vector_load_idx %arg8[%parallel_loop3A_322] : memref<100352xf32, #tpu.memory_space<vmem>>[vector<16xi32>], vector<16xf32>,
          %parallel_loop3A_324 = arith.constant 16 : i32
          %parallel_loop3A_325 = arith.muli %parallel_loop3A_318, %parallel_loop3A_324 : i32
          %parallel_loop3A_326 = arith.index_cast %parallel_loop3A_325 : i32 to index
          %parallel_loop3A_327 = tpu.vector_load %arg16[%parallel_loop3A_326] {strides = array<i32>} : memref<2048xf32, #tpu.memory_space<vmem>>, vector<16xf32>,
          tpu.vector_store %arg16[%parallel_loop3A_326], %parallel_loop3A_323 {strides = array<i32>} : memref<2048xf32, #tpu.memory_space<vmem>>, vector<16xf32>,
        } {sc.loop_unroll_factor = 16 : i64, sc.parallel_access}
        %dma_start3A = arith.constant 0 : i32
        %dma_start3A_305 = tpu.memref_slice %arg7[%dma_start3A] : memref<100352xf32, #tpu.memory_space<vmem_shared>> -> memref<100352xf32, #tpu.memory_space<vmem_shared>>
        tpu.enqueue_indirect_dma source(%arg16 : memref<2048xf32, #tpu.memory_space<vmem>>) target(%dma_start3A_305 : memref<100352xf32, #tpu.memory_space<vmem_shared>>) offsets(%arg13 : memref<2048xi32, #tpu.memory_space<vmem>>) semaphore(%arg22 : memref<!tpu.dma_semaphore, #tpu.memory_space<semaphore_mem>>) {add = true}
        %add3A_306 = arith.constant 1 : i32
        %add3A_307 = arith.addi %select_n3A, %add3A_306 : i32
        %gt3A_308 = arith.cmpi sgt, %add3A_283, %add3A_307 : i32
        %convert_element_type3A_309 = arith.extui %gt3A_308 : i1 to i32
        %cond3A_310 = arith.constant 0 : i32
        %cond3A_311 = arith.cmpi ne, %convert_element_type3A_309, %cond3A_310 : i32
        scf.if %cond3A_311 {
          %dma_wait3A_318 = arith.constant 0 : i32
          %dma_wait3A_319 = tpu.memref_slice %arg7[%dma_wait3A_318] : memref<100352xf32, #tpu.memory_space<vmem_shared>> -> memref<100352xf32, #tpu.memory_space<vmem_shared>>
          tpu.wait_indirect_dma semaphore(%arg23 : memref<!tpu.dma_semaphore, #tpu.memory_space<semaphore_mem>>) src(%arg17 : memref<2048xf32, #tpu.memory_space<vmem>>) dst(%dma_wait3A_319 : memref<100352xf32, #tpu.memory_space<vmem_shared>>)
        } else {
        }
        %add3A_312 = arith.constant 1 : i32
        %add3A_313 = arith.addi %add3A_283, %add3A_312 : i32
        %lt3A_314 = arith.cmpi slt, %add3A_313, %select_n3A_69 : i32
        %convert_element_type3A_315 = arith.extui %lt3A_314 : i1 to i32
        %cond3A_316 = arith.constant 0 : i32
        %cond3A_317 = arith.cmpi ne, %convert_element_type3A_315, %cond3A_316 : i32
        scf.if %cond3A_317 {
          %add3A_318 = arith.constant 1 : i32
          %add3A_319 = arith.addi %add3A_283, %add3A_318 : i32
          %mul3A_320 = arith.constant 2048 : i32
          %mul3A_321 = arith.muli %add3A_319, %mul3A_320 : i32
          %dma_start3A_322 = tpu.memref_slice %arg2[%mul3A_321] : memref<6400000xi32, #tpu.memory_space<hbm>> -> memref<2048xi32, #tpu.memory_space<hbm>>
          %dma_start3A_323 = tpu.memref_slice %arg2[%mul3A_321] : memref<6400000xi32, #tpu.memory_space<hbm>> -> memref<2048xi32, #tpu.memory_space<hbm>>
          tpu.enqueue_dma source(%dma_start3A_323 : memref<2048xi32, #tpu.memory_space<hbm>>) target(%arg11 : memref<2048xi32, #tpu.memory_space<vmem>>) target_semaphore(%arg20 : memref<!tpu.dma_semaphore, #tpu.memory_space<semaphore_mem>>)
          %dma_start3A_324 = tpu.memref_slice %arg3[%mul3A_321] : memref<6400000xi32, #tpu.memory_space<hbm>> -> memref<2048xi32, #tpu.memory_space<hbm>>
          %dma_start3A_325 = tpu.memref_slice %arg3[%mul3A_321] : memref<6400000xi32, #tpu.memory_space<hbm>> -> memref<2048xi32, #tpu.memory_space<hbm>>
          tpu.enqueue_dma source(%dma_start3A_325 : memref<2048xi32, #tpu.memory_space<hbm>>) target(%arg14 : memref<2048xi32, #tpu.memory_space<vmem>>) target_semaphore(%arg20 : memref<!tpu.dma_semaphore, #tpu.memory_space<semaphore_mem>>)
        } else {
        }
      } else {
      }
      %mul3A_288 = arith.constant 3 : i32
      %mul3A_289 = arith.muli %while3A_268, %mul3A_288 : i32
      %add3A_290 = arith.addi %select_n3A, %mul3A_289 : i32
      %add3A_291 = arith.constant 2 : i32
      %add3A_292 = arith.addi %add3A_290, %add3A_291 : i32
      %lt3A_293 = arith.cmpi slt, %add3A_292, %select_n3A_69 : i32
      %convert_element_type3A_294 = arith.extui %lt3A_293 : i1 to i32
      %cond3A_295 = arith.constant 0 : i32
      %cond3A_296 = arith.cmpi ne, %convert_element_type3A_294, %cond3A_295 : i32
      scf.if %cond3A_296 {
        %mul3A_298 = arith.constant 2048 : i32
        %mul3A_299 = arith.muli %add3A_292, %mul3A_298 : i32
        %dma_wait3A = tpu.memref_slice %arg2[%mul3A_299] : memref<6400000xi32, #tpu.memory_space<hbm>> -> memref<2048xi32, #tpu.memory_space<hbm>>
        %dma_wait3A_300 = tpu.memref_slice %arg2[%mul3A_299] : memref<6400000xi32, #tpu.memory_space<hbm>> -> memref<2048xi32, #tpu.memory_space<hbm>>
        tpu.wait_dma2 semaphore(%arg20 : memref<!tpu.dma_semaphore, #tpu.memory_space<semaphore_mem>>) src(%dma_wait3A_300 : memref<2048xi32, #tpu.memory_space<hbm>>) dst(%arg11 : memref<2048xi32, #tpu.memory_space<vmem>>)
        %dma_wait3A_301 = tpu.memref_slice %arg3[%mul3A_299] : memref<6400000xi32, #tpu.memory_space<hbm>> -> memref<2048xi32, #tpu.memory_space<hbm>>
        %dma_wait3A_302 = tpu.memref_slice %arg3[%mul3A_299] : memref<6400000xi32, #tpu.memory_space<hbm>> -> memref<2048xi32, #tpu.memory_space<hbm>>
        tpu.wait_dma2 semaphore(%arg20 : memref<!tpu.dma_semaphore, #tpu.memory_space<semaphore_mem>>) src(%dma_wait3A_302 : memref<2048xi32, #tpu.memory_space<hbm>>) dst(%arg14 : memref<2048xi32, #tpu.memory_space<vmem>>)
        %parallel_loop3A = arith.constant 0 : i32
        %parallel_loop3A_303 = arith.constant 128 : i32
        %parallel_loop3A_304 = arith.constant 1 : i32
        scf.for %parallel_loop3A_318 = %parallel_loop3A to %parallel_loop3A_303 step %parallel_loop3A_304  : i32 {
          %parallel_loop3A_319 = arith.constant 16 : i32
          %parallel_loop3A_320 = arith.muli %parallel_loop3A_318, %parallel_loop3A_319 : i32
          %parallel_loop3A_321 = arith.index_cast %parallel_loop3A_320 : i32 to index
          %parallel_loop3A_322 = tpu.vector_load %arg11[%parallel_loop3A_321] {strides = array<i32>} : memref<2048xi32, #tpu.memory_space<vmem>>, vector<16xi32>,
          %parallel_loop3A_323 = tpu.vector_load_idx %arg8[%parallel_loop3A_322] : memref<100352xf32, #tpu.memory_space<vmem>>[vector<16xi32>], vector<16xf32>,
          %parallel_loop3A_324 = arith.constant 16 : i32
          %parallel_loop3A_325 = arith.muli %parallel_loop3A_318, %parallel_loop3A_324 : i32
          %parallel_loop3A_326 = arith.index_cast %parallel_loop3A_325 : i32 to index
          %parallel_loop3A_327 = tpu.vector_load %arg17[%parallel_loop3A_326] {strides = array<i32>} : memref<2048xf32, #tpu.memory_space<vmem>>, vector<16xf32>,
          tpu.vector_store %arg17[%parallel_loop3A_326], %parallel_loop3A_323 {strides = array<i32>} : memref<2048xf32, #tpu.memory_space<vmem>>, vector<16xf32>,
        } {sc.loop_unroll_factor = 16 : i64, sc.parallel_access}
        %dma_start3A = arith.constant 0 : i32
        %dma_start3A_305 = tpu.memref_slice %arg7[%dma_start3A] : memref<100352xf32, #tpu.memory_space<vmem_shared>> -> memref<100352xf32, #tpu.memory_space<vmem_shared>>
        tpu.enqueue_indirect_dma source(%arg17 : memref<2048xf32, #tpu.memory_space<vmem>>) target(%dma_start3A_305 : memref<100352xf32, #tpu.memory_space<vmem_shared>>) offsets(%arg14 : memref<2048xi32, #tpu.memory_space<vmem>>) semaphore(%arg23 : memref<!tpu.dma_semaphore, #tpu.memory_space<semaphore_mem>>) {add = true}
        %add3A_306 = arith.constant 1 : i32
        %add3A_307 = arith.addi %select_n3A, %add3A_306 : i32
        %gt3A_308 = arith.cmpi sgt, %add3A_292, %add3A_307 : i32
        %convert_element_type3A_309 = arith.extui %gt3A_308 : i1 to i32
        %cond3A_310 = arith.constant 0 : i32
        %cond3A_311 = arith.cmpi ne, %convert_element_type3A_309, %cond3A_310 : i32
        scf.if %cond3A_311 {
          %dma_wait3A_318 = arith.constant 0 : i32
          %dma_wait3A_319 = tpu.memref_slice %arg7[%dma_wait3A_318] : memref<100352xf32, #tpu.memory_space<vmem_shared>> -> memref<100352xf32, #tpu.memory_space<vmem_shared>>
          tpu.wait_indirect_dma semaphore(%arg21 : memref<!tpu.dma_semaphore, #tpu.memory_space<semaphore_mem>>) src(%arg15 : memref<2048xf32, #tpu.memory_space<vmem>>) dst(%dma_wait3A_319 : memref<100352xf32, #tpu.memory_space<vmem_shared>>)
        } else {
        }
        %add3A_312 = arith.constant 1 : i32
        %add3A_313 = arith.addi %add3A_292, %add3A_312 : i32
        %lt3A_314 = arith.cmpi slt, %add3A_313, %select_n3A_69 : i32
        %convert_element_type3A_315 = arith.extui %lt3A_314 : i1 to i32
        %cond3A_316 = arith.constant 0 : i32
        %cond3A_317 = arith.cmpi ne, %convert_element_type3A_315, %cond3A_316 : i32
        scf.if %cond3A_317 {
          %add3A_318 = arith.constant 1 : i32
          %add3A_319 = arith.addi %add3A_292, %add3A_318 : i32
          %mul3A_320 = arith.constant 2048 : i32
          %mul3A_321 = arith.muli %add3A_319, %mul3A_320 : i32
          %dma_start3A_322 = tpu.memref_slice %arg2[%mul3A_321] : memref<6400000xi32, #tpu.memory_space<hbm>> -> memref<2048xi32, #tpu.memory_space<hbm>>
          %dma_start3A_323 = tpu.memref_slice %arg2[%mul3A_321] : memref<6400000xi32, #tpu.memory_space<hbm>> -> memref<2048xi32, #tpu.memory_space<hbm>>
          tpu.enqueue_dma source(%dma_start3A_323 : memref<2048xi32, #tpu.memory_space<hbm>>) target(%arg9 : memref<2048xi32, #tpu.memory_space<vmem>>) target_semaphore(%arg18 : memref<!tpu.dma_semaphore, #tpu.memory_space<semaphore_mem>>)
          %dma_start3A_324 = tpu.memref_slice %arg3[%mul3A_321] : memref<6400000xi32, #tpu.memory_space<hbm>> -> memref<2048xi32, #tpu.memory_space<hbm>>
          %dma_start3A_325 = tpu.memref_slice %arg3[%mul3A_321] : memref<6400000xi32, #tpu.memory_space<hbm>> -> memref<2048xi32, #tpu.memory_space<hbm>>
          tpu.enqueue_dma source(%dma_start3A_325 : memref<2048xi32, #tpu.memory_space<hbm>>) target(%arg12 : memref<2048xi32, #tpu.memory_space<vmem>>) target_semaphore(%arg18 : memref<!tpu.dma_semaphore, #tpu.memory_space<semaphore_mem>>)
        } else {
        }
      } else {
      }
      %while3A_297 = arith.constant 0 : i32
      scf.yield %while3A_297 : i32
    }
    %while3A_110 = arith.constant 1 : i32
    %while3A_111 = scf.for %while3A_268 = %while3A_107 to %while3A_103 step %while3A_110 iter_args(%while3A_269 = %while3A_109) -> (i32)  : i32 {
      %mul3A_270 = arith.constant 3 : i32
      %mul3A_271 = arith.muli %while3A_268, %mul3A_270 : i32
      %add3A_272 = arith.addi %select_n3A, %mul3A_271 : i32
      %add3A_273 = arith.constant 0 : i32
      %add3A_274 = arith.addi %add3A_272, %add3A_273 : i32
      %lt3A_275 = arith.cmpi slt, %add3A_274, %select_n3A_69 : i32
      %convert_element_type3A_276 = arith.extui %lt3A_275 : i1 to i32
      %cond3A_277 = arith.constant 0 : i32
      %cond3A_278 = arith.cmpi ne, %convert_element_type3A_276, %cond3A_277 : i32
      scf.if %cond3A_278 {
        %mul3A_298 = arith.constant 2048 : i32
        %mul3A_299 = arith.muli %add3A_274, %mul3A_298 : i32
        %dma_wait3A = tpu.memref_slice %arg2[%mul3A_299] : memref<6400000xi32, #tpu.memory_space<hbm>> -> memref<2048xi32, #tpu.memory_space<hbm>>
        %dma_wait3A_300 = tpu.memref_slice %arg2[%mul3A_299] : memref<6400000xi32, #tpu.memory_space<hbm>> -> memref<2048xi32, #tpu.memory_space<hbm>>
        tpu.wait_dma2 semaphore(%arg18 : memref<!tpu.dma_semaphore, #tpu.memory_space<semaphore_mem>>) src(%dma_wait3A_300 : memref<2048xi32, #tpu.memory_space<hbm>>) dst(%arg9 : memref<2048xi32, #tpu.memory_space<vmem>>)
        %dma_wait3A_301 = tpu.memref_slice %arg3[%mul3A_299] : memref<6400000xi32, #tpu.memory_space<hbm>> -> memref<2048xi32, #tpu.memory_space<hbm>>
        %dma_wait3A_302 = tpu.memref_slice %arg3[%mul3A_299] : memref<6400000xi32, #tpu.memory_space<hbm>> -> memref<2048xi32, #tpu.memory_space<hbm>>
        tpu.wait_dma2 semaphore(%arg18 : memref<!tpu.dma_semaphore, #tpu.memory_space<semaphore_mem>>) src(%dma_wait3A_302 : memref<2048xi32, #tpu.memory_space<hbm>>) dst(%arg12 : memref<2048xi32, #tpu.memory_space<vmem>>)
        %parallel_loop3A = arith.constant 0 : i32
        %parallel_loop3A_303 = arith.constant 128 : i32
        %parallel_loop3A_304 = arith.constant 1 : i32
        scf.for %parallel_loop3A_318 = %parallel_loop3A to %parallel_loop3A_303 step %parallel_loop3A_304  : i32 {
          %parallel_loop3A_319 = arith.constant 16 : i32
          %parallel_loop3A_320 = arith.muli %parallel_loop3A_318, %parallel_loop3A_319 : i32
          %parallel_loop3A_321 = arith.index_cast %parallel_loop3A_320 : i32 to index
          %parallel_loop3A_322 = tpu.vector_load %arg9[%parallel_loop3A_321] {strides = array<i32>} : memref<2048xi32, #tpu.memory_space<vmem>>, vector<16xi32>,
          %parallel_loop3A_323 = tpu.vector_load_idx %arg8[%parallel_loop3A_322] : memref<100352xf32, #tpu.memory_space<vmem>>[vector<16xi32>], vector<16xf32>,
          %parallel_loop3A_324 = arith.constant 16 : i32
          %parallel_loop3A_325 = arith.muli %parallel_loop3A_318, %parallel_loop3A_324 : i32
          %parallel_loop3A_326 = arith.index_cast %parallel_loop3A_325 : i32 to index
          %parallel_loop3A_327 = tpu.vector_load %arg15[%parallel_loop3A_326] {strides = array<i32>} : memref<2048xf32, #tpu.memory_space<vmem>>, vector<16xf32>,
          tpu.vector_store %arg15[%parallel_loop3A_326], %parallel_loop3A_323 {strides = array<i32>} : memref<2048xf32, #tpu.memory_space<vmem>>, vector<16xf32>,
        } {sc.loop_unroll_factor = 16 : i64, sc.parallel_access}
        %dma_start3A = arith.constant 0 : i32
        %dma_start3A_305 = tpu.memref_slice %arg7[%dma_start3A] : memref<100352xf32, #tpu.memory_space<vmem_shared>> -> memref<100352xf32, #tpu.memory_space<vmem_shared>>
        tpu.enqueue_indirect_dma source(%arg15 : memref<2048xf32, #tpu.memory_space<vmem>>) target(%dma_start3A_305 : memref<100352xf32, #tpu.memory_space<vmem_shared>>) offsets(%arg12 : memref<2048xi32, #tpu.memory_space<vmem>>) semaphore(%arg21 : memref<!tpu.dma_semaphore, #tpu.memory_space<semaphore_mem>>) {add = true}
        %add3A_306 = arith.constant 1 : i32
        %add3A_307 = arith.addi %select_n3A, %add3A_306 : i32
        %gt3A_308 = arith.cmpi sgt, %add3A_274, %add3A_307 : i32
        %convert_element_type3A_309 = arith.extui %gt3A_308 : i1 to i32
        %cond3A_310 = arith.constant 0 : i32
        %cond3A_311 = arith.cmpi ne, %convert_element_type3A_309, %cond3A_310 : i32
        scf.if %cond3A_311 {
          %dma_wait3A_318 = arith.constant 0 : i32
          %dma_wait3A_319 = tpu.memref_slice %arg7[%dma_wait3A_318] : memref<100352xf32, #tpu.memory_space<vmem_shared>> -> memref<100352xf32, #tpu.memory_space<vmem_shared>>
          tpu.wait_indirect_dma semaphore(%arg22 : memref<!tpu.dma_semaphore, #tpu.memory_space<semaphore_mem>>) src(%arg16 : memref<2048xf32, #tpu.memory_space<vmem>>) dst(%dma_wait3A_319 : memref<100352xf32, #tpu.memory_space<vmem_shared>>)
        } else {
        }
        %add3A_312 = arith.constant 1 : i32
        %add3A_313 = arith.addi %add3A_274, %add3A_312 : i32
        %lt3A_314 = arith.cmpi slt, %add3A_313, %select_n3A_69 : i32
        %convert_element_type3A_315 = arith.extui %lt3A_314 : i1 to i32
        %cond3A_316 = arith.constant 0 : i32
        %cond3A_317 = arith.cmpi ne, %convert_element_type3A_315, %cond3A_316 : i32
        scf.if %cond3A_317 {
          %add3A_318 = arith.constant 1 : i32
          %add3A_319 = arith.addi %add3A_274, %add3A_318 : i32
          %mul3A_320 = arith.constant 2048 : i32
          %mul3A_321 = arith.muli %add3A_319, %mul3A_320 : i32
          %dma_start3A_322 = tpu.memref_slice %arg2[%mul3A_321] : memref<6400000xi32, #tpu.memory_space<hbm>> -> memref<2048xi32, #tpu.memory_space<hbm>>
          %dma_start3A_323 = tpu.memref_slice %arg2[%mul3A_321] : memref<6400000xi32, #tpu.memory_space<hbm>> -> memref<2048xi32, #tpu.memory_space<hbm>>
          tpu.enqueue_dma source(%dma_start3A_323 : memref<2048xi32, #tpu.memory_space<hbm>>) target(%arg10 : memref<2048xi32, #tpu.memory_space<vmem>>) target_semaphore(%arg19 : memref<!tpu.dma_semaphore, #tpu.memory_space<semaphore_mem>>)
          %dma_start3A_324 = tpu.memref_slice %arg3[%mul3A_321] : memref<6400000xi32, #tpu.memory_space<hbm>> -> memref<2048xi32, #tpu.memory_space<hbm>>
          %dma_start3A_325 = tpu.memref_slice %arg3[%mul3A_321] : memref<6400000xi32, #tpu.memory_space<hbm>> -> memref<2048xi32, #tpu.memory_space<hbm>>
          tpu.enqueue_dma source(%dma_start3A_325 : memref<2048xi32, #tpu.memory_space<hbm>>) target(%arg13 : memref<2048xi32, #tpu.memory_space<vmem>>) target_semaphore(%arg19 : memref<!tpu.dma_semaphore, #tpu.memory_space<semaphore_mem>>)
        } else {
        }
      } else {
      }
      %mul3A_279 = arith.constant 3 : i32
      %mul3A_280 = arith.muli %while3A_268, %mul3A_279 : i32
      %add3A_281 = arith.addi %select_n3A, %mul3A_280 : i32
      %add3A_282 = arith.constant 1 : i32
      %add3A_283 = arith.addi %add3A_281, %add3A_282 : i32
      %lt3A_284 = arith.cmpi slt, %add3A_283, %select_n3A_69 : i32
      %convert_element_type3A_285 = arith.extui %lt3A_284 : i1 to i32
      %cond3A_286 = arith.constant 0 : i32
      %cond3A_287 = arith.cmpi ne, %convert_element_type3A_285, %cond3A_286 : i32
      scf.if %cond3A_287 {
        %mul3A_298 = arith.constant 2048 : i32
        %mul3A_299 = arith.muli %add3A_283, %mul3A_298 : i32
        %dma_wait3A = tpu.memref_slice %arg2[%mul3A_299] : memref<6400000xi32, #tpu.memory_space<hbm>> -> memref<2048xi32, #tpu.memory_space<hbm>>
        %dma_wait3A_300 = tpu.memref_slice %arg2[%mul3A_299] : memref<6400000xi32, #tpu.memory_space<hbm>> -> memref<2048xi32, #tpu.memory_space<hbm>>
        tpu.wait_dma2 semaphore(%arg19 : memref<!tpu.dma_semaphore, #tpu.memory_space<semaphore_mem>>) src(%dma_wait3A_300 : memref<2048xi32, #tpu.memory_space<hbm>>) dst(%arg10 : memref<2048xi32, #tpu.memory_space<vmem>>)
        %dma_wait3A_301 = tpu.memref_slice %arg3[%mul3A_299] : memref<6400000xi32, #tpu.memory_space<hbm>> -> memref<2048xi32, #tpu.memory_space<hbm>>
        %dma_wait3A_302 = tpu.memref_slice %arg3[%mul3A_299] : memref<6400000xi32, #tpu.memory_space<hbm>> -> memref<2048xi32, #tpu.memory_space<hbm>>
        tpu.wait_dma2 semaphore(%arg19 : memref<!tpu.dma_semaphore, #tpu.memory_space<semaphore_mem>>) src(%dma_wait3A_302 : memref<2048xi32, #tpu.memory_space<hbm>>) dst(%arg13 : memref<2048xi32, #tpu.memory_space<vmem>>)
        %parallel_loop3A = arith.constant 0 : i32
        %parallel_loop3A_303 = arith.constant 128 : i32
        %parallel_loop3A_304 = arith.constant 1 : i32
        scf.for %parallel_loop3A_318 = %parallel_loop3A to %parallel_loop3A_303 step %parallel_loop3A_304  : i32 {
          %parallel_loop3A_319 = arith.constant 16 : i32
          %parallel_loop3A_320 = arith.muli %parallel_loop3A_318, %parallel_loop3A_319 : i32
          %parallel_loop3A_321 = arith.index_cast %parallel_loop3A_320 : i32 to index
          %parallel_loop3A_322 = tpu.vector_load %arg10[%parallel_loop3A_321] {strides = array<i32>} : memref<2048xi32, #tpu.memory_space<vmem>>, vector<16xi32>,
          %parallel_loop3A_323 = tpu.vector_load_idx %arg8[%parallel_loop3A_322] : memref<100352xf32, #tpu.memory_space<vmem>>[vector<16xi32>], vector<16xf32>,
          %parallel_loop3A_324 = arith.constant 16 : i32
          %parallel_loop3A_325 = arith.muli %parallel_loop3A_318, %parallel_loop3A_324 : i32
          %parallel_loop3A_326 = arith.index_cast %parallel_loop3A_325 : i32 to index
          %parallel_loop3A_327 = tpu.vector_load %arg16[%parallel_loop3A_326] {strides = array<i32>} : memref<2048xf32, #tpu.memory_space<vmem>>, vector<16xf32>,
          tpu.vector_store %arg16[%parallel_loop3A_326], %parallel_loop3A_323 {strides = array<i32>} : memref<2048xf32, #tpu.memory_space<vmem>>, vector<16xf32>,
        } {sc.loop_unroll_factor = 16 : i64, sc.parallel_access}
        %dma_start3A = arith.constant 0 : i32
        %dma_start3A_305 = tpu.memref_slice %arg7[%dma_start3A] : memref<100352xf32, #tpu.memory_space<vmem_shared>> -> memref<100352xf32, #tpu.memory_space<vmem_shared>>
        tpu.enqueue_indirect_dma source(%arg16 : memref<2048xf32, #tpu.memory_space<vmem>>) target(%dma_start3A_305 : memref<100352xf32, #tpu.memory_space<vmem_shared>>) offsets(%arg13 : memref<2048xi32, #tpu.memory_space<vmem>>) semaphore(%arg22 : memref<!tpu.dma_semaphore, #tpu.memory_space<semaphore_mem>>) {add = true}
        %add3A_306 = arith.constant 1 : i32
        %add3A_307 = arith.addi %select_n3A, %add3A_306 : i32
        %gt3A_308 = arith.cmpi sgt, %add3A_283, %add3A_307 : i32
        %convert_element_type3A_309 = arith.extui %gt3A_308 : i1 to i32
        %cond3A_310 = arith.constant 0 : i32
        %cond3A_311 = arith.cmpi ne, %convert_element_type3A_309, %cond3A_310 : i32
        scf.if %cond3A_311 {
          %dma_wait3A_318 = arith.constant 0 : i32
          %dma_wait3A_319 = tpu.memref_slice %arg7[%dma_wait3A_318] : memref<100352xf32, #tpu.memory_space<vmem_shared>> -> memref<100352xf32, #tpu.memory_space<vmem_shared>>
          tpu.wait_indirect_dma semaphore(%arg23 : memref<!tpu.dma_semaphore, #tpu.memory_space<semaphore_mem>>) src(%arg17 : memref<2048xf32, #tpu.memory_space<vmem>>) dst(%dma_wait3A_319 : memref<100352xf32, #tpu.memory_space<vmem_shared>>)
        } else {
        }
        %add3A_312 = arith.constant 1 : i32
        %add3A_313 = arith.addi %add3A_283, %add3A_312 : i32
        %lt3A_314 = arith.cmpi slt, %add3A_313, %select_n3A_69 : i32
        %convert_element_type3A_315 = arith.extui %lt3A_314 : i1 to i32
        %cond3A_316 = arith.constant 0 : i32
        %cond3A_317 = arith.cmpi ne, %convert_element_type3A_315, %cond3A_316 : i32
        scf.if %cond3A_317 {
          %add3A_318 = arith.constant 1 : i32
          %add3A_319 = arith.addi %add3A_283, %add3A_318 : i32
          %mul3A_320 = arith.constant 2048 : i32
          %mul3A_321 = arith.muli %add3A_319, %mul3A_320 : i32
          %dma_start3A_322 = tpu.memref_slice %arg2[%mul3A_321] : memref<6400000xi32, #tpu.memory_space<hbm>> -> memref<2048xi32, #tpu.memory_space<hbm>>
          %dma_start3A_323 = tpu.memref_slice %arg2[%mul3A_321] : memref<6400000xi32, #tpu.memory_space<hbm>> -> memref<2048xi32, #tpu.memory_space<hbm>>
          tpu.enqueue_dma source(%dma_start3A_323 : memref<2048xi32, #tpu.memory_space<hbm>>) target(%arg11 : memref<2048xi32, #tpu.memory_space<vmem>>) target_semaphore(%arg20 : memref<!tpu.dma_semaphore, #tpu.memory_space<semaphore_mem>>)
          %dma_start3A_324 = tpu.memref_slice %arg3[%mul3A_321] : memref<6400000xi32, #tpu.memory_space<hbm>> -> memref<2048xi32, #tpu.memory_space<hbm>>
          %dma_start3A_325 = tpu.memref_slice %arg3[%mul3A_321] : memref<6400000xi32, #tpu.memory_space<hbm>> -> memref<2048xi32, #tpu.memory_space<hbm>>
          tpu.enqueue_dma source(%dma_start3A_325 : memref<2048xi32, #tpu.memory_space<hbm>>) target(%arg14 : memref<2048xi32, #tpu.memory_space<vmem>>) target_semaphore(%arg20 : memref<!tpu.dma_semaphore, #tpu.memory_space<semaphore_mem>>)
        } else {
        }
      } else {
      }
      %mul3A_288 = arith.constant 3 : i32
      %mul3A_289 = arith.muli %while3A_268, %mul3A_288 : i32
      %add3A_290 = arith.addi %select_n3A, %mul3A_289 : i32
      %add3A_291 = arith.constant 2 : i32
      %add3A_292 = arith.addi %add3A_290, %add3A_291 : i32
      %lt3A_293 = arith.cmpi slt, %add3A_292, %select_n3A_69 : i32
      %convert_element_type3A_294 = arith.extui %lt3A_293 : i1 to i32
      %cond3A_295 = arith.constant 0 : i32
      %cond3A_296 = arith.cmpi ne, %convert_element_type3A_294, %cond3A_295 : i32
      scf.if %cond3A_296 {
        %mul3A_298 = arith.constant 2048 : i32
        %mul3A_299 = arith.muli %add3A_292, %mul3A_298 : i32
        %dma_wait3A = tpu.memref_slice %arg2[%mul3A_299] : memref<6400000xi32, #tpu.memory_space<hbm>> -> memref<2048xi32, #tpu.memory_space<hbm>>
        %dma_wait3A_300 = tpu.memref_slice %arg2[%mul3A_299] : memref<6400000xi32, #tpu.memory_space<hbm>> -> memref<2048xi32, #tpu.memory_space<hbm>>
        tpu.wait_dma2 semaphore(%arg20 : memref<!tpu.dma_semaphore, #tpu.memory_space<semaphore_mem>>) src(%dma_wait3A_300 : memref<2048xi32, #tpu.memory_space<hbm>>) dst(%arg11 : memref<2048xi32, #tpu.memory_space<vmem>>)
        %dma_wait3A_301 = tpu.memref_slice %arg3[%mul3A_299] : memref<6400000xi32, #tpu.memory_space<hbm>> -> memref<2048xi32, #tpu.memory_space<hbm>>
        %dma_wait3A_302 = tpu.memref_slice %arg3[%mul3A_299] : memref<6400000xi32, #tpu.memory_space<hbm>> -> memref<2048xi32, #tpu.memory_space<hbm>>
        tpu.wait_dma2 semaphore(%arg20 : memref<!tpu.dma_semaphore, #tpu.memory_space<semaphore_mem>>) src(%dma_wait3A_302 : memref<2048xi32, #tpu.memory_space<hbm>>) dst(%arg14 : memref<2048xi32, #tpu.memory_space<vmem>>)
        %parallel_loop3A = arith.constant 0 : i32
        %parallel_loop3A_303 = arith.constant 128 : i32
        %parallel_loop3A_304 = arith.constant 1 : i32
        scf.for %parallel_loop3A_318 = %parallel_loop3A to %parallel_loop3A_303 step %parallel_loop3A_304  : i32 {
          %parallel_loop3A_319 = arith.constant 16 : i32
          %parallel_loop3A_320 = arith.muli %parallel_loop3A_318, %parallel_loop3A_319 : i32
          %parallel_loop3A_321 = arith.index_cast %parallel_loop3A_320 : i32 to index
          %parallel_loop3A_322 = tpu.vector_load %arg11[%parallel_loop3A_321] {strides = array<i32>} : memref<2048xi32, #tpu.memory_space<vmem>>, vector<16xi32>,
          %parallel_loop3A_323 = tpu.vector_load_idx %arg8[%parallel_loop3A_322] : memref<100352xf32, #tpu.memory_space<vmem>>[vector<16xi32>], vector<16xf32>,
          %parallel_loop3A_324 = arith.constant 16 : i32
          %parallel_loop3A_325 = arith.muli %parallel_loop3A_318, %parallel_loop3A_324 : i32
          %parallel_loop3A_326 = arith.index_cast %parallel_loop3A_325 : i32 to index
          %parallel_loop3A_327 = tpu.vector_load %arg17[%parallel_loop3A_326] {strides = array<i32>} : memref<2048xf32, #tpu.memory_space<vmem>>, vector<16xf32>,
          tpu.vector_store %arg17[%parallel_loop3A_326], %parallel_loop3A_323 {strides = array<i32>} : memref<2048xf32, #tpu.memory_space<vmem>>, vector<16xf32>,
        } {sc.loop_unroll_factor = 16 : i64, sc.parallel_access}
        %dma_start3A = arith.constant 0 : i32
        %dma_start3A_305 = tpu.memref_slice %arg7[%dma_start3A] : memref<100352xf32, #tpu.memory_space<vmem_shared>> -> memref<100352xf32, #tpu.memory_space<vmem_shared>>
        tpu.enqueue_indirect_dma source(%arg17 : memref<2048xf32, #tpu.memory_space<vmem>>) target(%dma_start3A_305 : memref<100352xf32, #tpu.memory_space<vmem_shared>>) offsets(%arg14 : memref<2048xi32, #tpu.memory_space<vmem>>) semaphore(%arg23 : memref<!tpu.dma_semaphore, #tpu.memory_space<semaphore_mem>>) {add = true}
        %add3A_306 = arith.constant 1 : i32
        %add3A_307 = arith.addi %select_n3A, %add3A_306 : i32
        %gt3A_308 = arith.cmpi sgt, %add3A_292, %add3A_307 : i32
        %convert_element_type3A_309 = arith.extui %gt3A_308 : i1 to i32
        %cond3A_310 = arith.constant 0 : i32
        %cond3A_311 = arith.cmpi ne, %convert_element_type3A_309, %cond3A_310 : i32
        scf.if %cond3A_311 {
          %dma_wait3A_318 = arith.constant 0 : i32
          %dma_wait3A_319 = tpu.memref_slice %arg7[%dma_wait3A_318] : memref<100352xf32, #tpu.memory_space<vmem_shared>> -> memref<100352xf32, #tpu.memory_space<vmem_shared>>
          tpu.wait_indirect_dma semaphore(%arg21 : memref<!tpu.dma_semaphore, #tpu.memory_space<semaphore_mem>>) src(%arg15 : memref<2048xf32, #tpu.memory_space<vmem>>) dst(%dma_wait3A_319 : memref<100352xf32, #tpu.memory_space<vmem_shared>>)
        } else {
        }
        %add3A_312 = arith.constant 1 : i32
        %add3A_313 = arith.addi %add3A_292, %add3A_312 : i32
        %lt3A_314 = arith.cmpi slt, %add3A_313, %select_n3A_69 : i32
        %convert_element_type3A_315 = arith.extui %lt3A_314 : i1 to i32
        %cond3A_316 = arith.constant 0 : i32
        %cond3A_317 = arith.cmpi ne, %convert_element_type3A_315, %cond3A_316 : i32
        scf.if %cond3A_317 {
          %add3A_318 = arith.constant 1 : i32
          %add3A_319 = arith.addi %add3A_292, %add3A_318 : i32
          %mul3A_320 = arith.constant 2048 : i32
          %mul3A_321 = arith.muli %add3A_319, %mul3A_320 : i32
          %dma_start3A_322 = tpu.memref_slice %arg2[%mul3A_321] : memref<6400000xi32, #tpu.memory_space<hbm>> -> memref<2048xi32, #tpu.memory_space<hbm>>
          %dma_start3A_323 = tpu.memref_slice %arg2[%mul3A_321] : memref<6400000xi32, #tpu.memory_space<hbm>> -> memref<2048xi32, #tpu.memory_space<hbm>>
          tpu.enqueue_dma source(%dma_start3A_323 : memref<2048xi32, #tpu.memory_space<hbm>>) target(%arg9 : memref<2048xi32, #tpu.memory_space<vmem>>) target_semaphore(%arg18 : memref<!tpu.dma_semaphore, #tpu.memory_space<semaphore_mem>>)
          %dma_start3A_324 = tpu.memref_slice %arg3[%mul3A_321] : memref<6400000xi32, #tpu.memory_space<hbm>> -> memref<2048xi32, #tpu.memory_space<hbm>>
          %dma_start3A_325 = tpu.memref_slice %arg3[%mul3A_321] : memref<6400000xi32, #tpu.memory_space<hbm>> -> memref<2048xi32, #tpu.memory_space<hbm>>
          tpu.enqueue_dma source(%dma_start3A_325 : memref<2048xi32, #tpu.memory_space<hbm>>) target(%arg12 : memref<2048xi32, #tpu.memory_space<vmem>>) target_semaphore(%arg18 : memref<!tpu.dma_semaphore, #tpu.memory_space<semaphore_mem>>)
        } else {
        }
      } else {
      }
      %while3A_297 = arith.constant 0 : i32
      scf.yield %while3A_297 : i32
    }
    %gt3A_112 = arith.constant 0 : i32
    %gt3A_113 = arith.cmpi sgt, %sub3A_70, %gt3A_112 : i32
    %sub3A_114 = arith.constant 1 : i32
    %sub3A_115 = arith.subi %sub3A_70, %sub3A_114 : i32
    %jit3A_116 = arith.constant 3 : i32
    %eq3A_117 = arith.constant 0 : i32
    %eq3A_118 = arith.cmpi eq, %jit3A_116, %eq3A_117 : i32
    %jit3A_119 = arith.constant 1 : i32
    %select_n3A_120 = arith.select %eq3A_118, %jit3A_119, %jit3A_116 : i32
    %rem3A_121 = arith.remsi %sub3A_115, %select_n3A_120 : i32
    %ne3A_122 = arith.constant 0 : i32
    %ne3A_123 = arith.cmpi ne, %rem3A_121, %ne3A_122 : i32
    %lt3A = arith.constant 0 : i32
    %lt3A_124 = arith.cmpi slt, %rem3A_121, %lt3A : i32
    %lt3A_125 = arith.constant 0 : i32
    %lt3A_126 = arith.cmpi slt, %select_n3A_120, %lt3A_125 : i32
    %ne3A_127 = arith.xori %lt3A_124, %lt3A_126 : i1
    %and3A_128 = arith.andi %ne3A_127, %ne3A_123 : i1
    %add3A_129 = arith.addi %rem3A_121, %select_n3A_120 : i32
    %select_n3A_130 = arith.select %and3A_128, %add3A_129, %rem3A_121 : i32
    %eq3A_131 = arith.constant 0 : i32
    %eq3A_132 = arith.cmpi eq, %select_n3A_130, %eq3A_131 : i32
    %and3A_133 = arith.andi %gt3A_113, %eq3A_132 : i1
    %convert_element_type3A_134 = arith.extui %and3A_133 : i1 to i32
    %cond3A_135 = arith.constant 0 : i32
    %cond3A_136 = arith.cmpi ne, %convert_element_type3A_134, %cond3A_135 : i32
    scf.if %cond3A_136 {
      %dma_wait3A = arith.constant 0 : i32
      %dma_wait3A_268 = tpu.memref_slice %arg7[%dma_wait3A] : memref<100352xf32, #tpu.memory_space<vmem_shared>> -> memref<100352xf32, #tpu.memory_space<vmem_shared>>
      tpu.wait_indirect_dma semaphore(%arg21 : memref<!tpu.dma_semaphore, #tpu.memory_space<semaphore_mem>>) src(%arg15 : memref<2048xf32, #tpu.memory_space<vmem>>) dst(%dma_wait3A_268 : memref<100352xf32, #tpu.memory_space<vmem_shared>>)
    } else {
    }
    %gt3A_137 = arith.constant 1 : i32
    %gt3A_138 = arith.cmpi sgt, %sub3A_70, %gt3A_137 : i32
    %sub3A_139 = arith.constant 2 : i32
    %sub3A_140 = arith.subi %sub3A_70, %sub3A_139 : i32
    %jit3A_141 = arith.constant 3 : i32
    %eq3A_142 = arith.constant 0 : i32
    %eq3A_143 = arith.cmpi eq, %jit3A_141, %eq3A_142 : i32
    %jit3A_144 = arith.constant 1 : i32
    %select_n3A_145 = arith.select %eq3A_143, %jit3A_144, %jit3A_141 : i32
    %rem3A_146 = arith.remsi %sub3A_140, %select_n3A_145 : i32
    %ne3A_147 = arith.constant 0 : i32
    %ne3A_148 = arith.cmpi ne, %rem3A_146, %ne3A_147 : i32
    %lt3A_149 = arith.constant 0 : i32
    %lt3A_150 = arith.cmpi slt, %rem3A_146, %lt3A_149 : i32
    %lt3A_151 = arith.constant 0 : i32
    %lt3A_152 = arith.cmpi slt, %select_n3A_145, %lt3A_151 : i32
    %ne3A_153 = arith.xori %lt3A_150, %lt3A_152 : i1
    %and3A_154 = arith.andi %ne3A_153, %ne3A_148 : i1
    %add3A_155 = arith.addi %rem3A_146, %select_n3A_145 : i32
    %select_n3A_156 = arith.select %and3A_154, %add3A_155, %rem3A_146 : i32
    %eq3A_157 = arith.constant 0 : i32
    %eq3A_158 = arith.cmpi eq, %select_n3A_156, %eq3A_157 : i32
    %and3A_159 = arith.andi %gt3A_138, %eq3A_158 : i1
    %convert_element_type3A_160 = arith.extui %and3A_159 : i1 to i32
    %cond3A_161 = arith.constant 0 : i32
    %cond3A_162 = arith.cmpi ne, %convert_element_type3A_160, %cond3A_161 : i32
    scf.if %cond3A_162 {
      %dma_wait3A = arith.constant 0 : i32
      %dma_wait3A_268 = tpu.memref_slice %arg7[%dma_wait3A] : memref<100352xf32, #tpu.memory_space<vmem_shared>> -> memref<100352xf32, #tpu.memory_space<vmem_shared>>
      tpu.wait_indirect_dma semaphore(%arg21 : memref<!tpu.dma_semaphore, #tpu.memory_space<semaphore_mem>>) src(%arg15 : memref<2048xf32, #tpu.memory_space<vmem>>) dst(%dma_wait3A_268 : memref<100352xf32, #tpu.memory_space<vmem_shared>>)
    } else {
    }
    %gt3A_163 = arith.constant 0 : i32
    %gt3A_164 = arith.cmpi sgt, %sub3A_70, %gt3A_163 : i32
    %sub3A_165 = arith.constant 1 : i32
    %sub3A_166 = arith.subi %sub3A_70, %sub3A_165 : i32
    %jit3A_167 = arith.constant 3 : i32
    %eq3A_168 = arith.constant 0 : i32
    %eq3A_169 = arith.cmpi eq, %jit3A_167, %eq3A_168 : i32
    %jit3A_170 = arith.constant 1 : i32
    %select_n3A_171 = arith.select %eq3A_169, %jit3A_170, %jit3A_167 : i32
    %rem3A_172 = arith.remsi %sub3A_166, %select_n3A_171 : i32
    %ne3A_173 = arith.constant 0 : i32
    %ne3A_174 = arith.cmpi ne, %rem3A_172, %ne3A_173 : i32
    %lt3A_175 = arith.constant 0 : i32
    %lt3A_176 = arith.cmpi slt, %rem3A_172, %lt3A_175 : i32
    %lt3A_177 = arith.constant 0 : i32
    %lt3A_178 = arith.cmpi slt, %select_n3A_171, %lt3A_177 : i32
    %ne3A_179 = arith.xori %lt3A_176, %lt3A_178 : i1
    %and3A_180 = arith.andi %ne3A_179, %ne3A_174 : i1
    %add3A_181 = arith.addi %rem3A_172, %select_n3A_171 : i32
    %select_n3A_182 = arith.select %and3A_180, %add3A_181, %rem3A_172 : i32
    %eq3A_183 = arith.constant 1 : i32
    %eq3A_184 = arith.cmpi eq, %select_n3A_182, %eq3A_183 : i32
    %and3A_185 = arith.andi %gt3A_164, %eq3A_184 : i1
    %convert_element_type3A_186 = arith.extui %and3A_185 : i1 to i32
    %cond3A_187 = arith.constant 0 : i32
    %cond3A_188 = arith.cmpi ne, %convert_element_type3A_186, %cond3A_187 : i32
    scf.if %cond3A_188 {
      %dma_wait3A = arith.constant 0 : i32
      %dma_wait3A_268 = tpu.memref_slice %arg7[%dma_wait3A] : memref<100352xf32, #tpu.memory_space<vmem_shared>> -> memref<100352xf32, #tpu.memory_space<vmem_shared>>
      tpu.wait_indirect_dma semaphore(%arg22 : memref<!tpu.dma_semaphore, #tpu.memory_space<semaphore_mem>>) src(%arg16 : memref<2048xf32, #tpu.memory_space<vmem>>) dst(%dma_wait3A_268 : memref<100352xf32, #tpu.memory_space<vmem_shared>>)
    } else {
    }
    %gt3A_189 = arith.constant 1 : i32
    %gt3A_190 = arith.cmpi sgt, %sub3A_70, %gt3A_189 : i32
    %sub3A_191 = arith.constant 2 : i32
    %sub3A_192 = arith.subi %sub3A_70, %sub3A_191 : i32
    %jit3A_193 = arith.constant 3 : i32
    %eq3A_194 = arith.constant 0 : i32
    %eq3A_195 = arith.cmpi eq, %jit3A_193, %eq3A_194 : i32
    %jit3A_196 = arith.constant 1 : i32
    %select_n3A_197 = arith.select %eq3A_195, %jit3A_196, %jit3A_193 : i32
    %rem3A_198 = arith.remsi %sub3A_192, %select_n3A_197 : i32
    %ne3A_199 = arith.constant 0 : i32
    %ne3A_200 = arith.cmpi ne, %rem3A_198, %ne3A_199 : i32
    %lt3A_201 = arith.constant 0 : i32
    %lt3A_202 = arith.cmpi slt, %rem3A_198, %lt3A_201 : i32
    %lt3A_203 = arith.constant 0 : i32
    %lt3A_204 = arith.cmpi slt, %select_n3A_197, %lt3A_203 : i32
    %ne3A_205 = arith.xori %lt3A_202, %lt3A_204 : i1
    %and3A_206 = arith.andi %ne3A_205, %ne3A_200 : i1
    %add3A_207 = arith.addi %rem3A_198, %select_n3A_197 : i32
    %select_n3A_208 = arith.select %and3A_206, %add3A_207, %rem3A_198 : i32
    %eq3A_209 = arith.constant 1 : i32
    %eq3A_210 = arith.cmpi eq, %select_n3A_208, %eq3A_209 : i32
    %and3A_211 = arith.andi %gt3A_190, %eq3A_210 : i1
    %convert_element_type3A_212 = arith.extui %and3A_211 : i1 to i32
    %cond3A_213 = arith.constant 0 : i32
    %cond3A_214 = arith.cmpi ne, %convert_element_type3A_212, %cond3A_213 : i32
    scf.if %cond3A_214 {
      %dma_wait3A = arith.constant 0 : i32
      %dma_wait3A_268 = tpu.memref_slice %arg7[%dma_wait3A] : memref<100352xf32, #tpu.memory_space<vmem_shared>> -> memref<100352xf32, #tpu.memory_space<vmem_shared>>
      tpu.wait_indirect_dma semaphore(%arg22 : memref<!tpu.dma_semaphore, #tpu.memory_space<semaphore_mem>>) src(%arg16 : memref<2048xf32, #tpu.memory_space<vmem>>) dst(%dma_wait3A_268 : memref<100352xf32, #tpu.memory_space<vmem_shared>>)
    } else {
    }
    %gt3A_215 = arith.constant 0 : i32
    %gt3A_216 = arith.cmpi sgt, %sub3A_70, %gt3A_215 : i32
    %sub3A_217 = arith.constant 1 : i32
    %sub3A_218 = arith.subi %sub3A_70, %sub3A_217 : i32
    %jit3A_219 = arith.constant 3 : i32
    %eq3A_220 = arith.constant 0 : i32
    %eq3A_221 = arith.cmpi eq, %jit3A_219, %eq3A_220 : i32
    %jit3A_222 = arith.constant 1 : i32
    %select_n3A_223 = arith.select %eq3A_221, %jit3A_222, %jit3A_219 : i32
    %rem3A_224 = arith.remsi %sub3A_218, %select_n3A_223 : i32
    %ne3A_225 = arith.constant 0 : i32
    %ne3A_226 = arith.cmpi ne, %rem3A_224, %ne3A_225 : i32
    %lt3A_227 = arith.constant 0 : i32
    %lt3A_228 = arith.cmpi slt, %rem3A_224, %lt3A_227 : i32
    %lt3A_229 = arith.constant 0 : i32
    %lt3A_230 = arith.cmpi slt, %select_n3A_223, %lt3A_229 : i32
    %ne3A_231 = arith.xori %lt3A_228, %lt3A_230 : i1
    %and3A_232 = arith.andi %ne3A_231, %ne3A_226 : i1
    %add3A_233 = arith.addi %rem3A_224, %select_n3A_223 : i32
    %select_n3A_234 = arith.select %and3A_232, %add3A_233, %rem3A_224 : i32
    %eq3A_235 = arith.constant 2 : i32
    %eq3A_236 = arith.cmpi eq, %select_n3A_234, %eq3A_235 : i32
    %and3A_237 = arith.andi %gt3A_216, %eq3A_236 : i1
    %convert_element_type3A_238 = arith.extui %and3A_237 : i1 to i32
    %cond3A_239 = arith.constant 0 : i32
    %cond3A_240 = arith.cmpi ne, %convert_element_type3A_238, %cond3A_239 : i32
    scf.if %cond3A_240 {
      %dma_wait3A = arith.constant 0 : i32
      %dma_wait3A_268 = tpu.memref_slice %arg7[%dma_wait3A] : memref<100352xf32, #tpu.memory_space<vmem_shared>> -> memref<100352xf32, #tpu.memory_space<vmem_shared>>
      tpu.wait_indirect_dma semaphore(%arg23 : memref<!tpu.dma_semaphore, #tpu.memory_space<semaphore_mem>>) src(%arg17 : memref<2048xf32, #tpu.memory_space<vmem>>) dst(%dma_wait3A_268 : memref<100352xf32, #tpu.memory_space<vmem_shared>>)
    } else {
    }
    %gt3A_241 = arith.constant 1 : i32
    %gt3A_242 = arith.cmpi sgt, %sub3A_70, %gt3A_241 : i32
    %sub3A_243 = arith.constant 2 : i32
    %sub3A_244 = arith.subi %sub3A_70, %sub3A_243 : i32
    %jit3A_245 = arith.constant 3 : i32
    %eq3A_246 = arith.constant 0 : i32
    %eq3A_247 = arith.cmpi eq, %jit3A_245, %eq3A_246 : i32
    %jit3A_248 = arith.constant 1 : i32
    %select_n3A_249 = arith.select %eq3A_247, %jit3A_248, %jit3A_245 : i32
    %rem3A_250 = arith.remsi %sub3A_244, %select_n3A_249 : i32
    %ne3A_251 = arith.constant 0 : i32
    %ne3A_252 = arith.cmpi ne, %rem3A_250, %ne3A_251 : i32
    %lt3A_253 = arith.constant 0 : i32
    %lt3A_254 = arith.cmpi slt, %rem3A_250, %lt3A_253 : i32
    %lt3A_255 = arith.constant 0 : i32
    %lt3A_256 = arith.cmpi slt, %select_n3A_249, %lt3A_255 : i32
    %ne3A_257 = arith.xori %lt3A_254, %lt3A_256 : i1
    %and3A_258 = arith.andi %ne3A_257, %ne3A_252 : i1
    %add3A_259 = arith.addi %rem3A_250, %select_n3A_249 : i32
    %select_n3A_260 = arith.select %and3A_258, %add3A_259, %rem3A_250 : i32
    %eq3A_261 = arith.constant 2 : i32
    %eq3A_262 = arith.cmpi eq, %select_n3A_260, %eq3A_261 : i32
    %and3A_263 = arith.andi %gt3A_242, %eq3A_262 : i1
    %convert_element_type3A_264 = arith.extui %and3A_263 : i1 to i32
    %cond3A_265 = arith.constant 0 : i32
    %cond3A_266 = arith.cmpi ne, %convert_element_type3A_264, %cond3A_265 : i32
    scf.if %cond3A_266 {
      %dma_wait3A = arith.constant 0 : i32
      %dma_wait3A_268 = tpu.memref_slice %arg7[%dma_wait3A] : memref<100352xf32, #tpu.memory_space<vmem_shared>> -> memref<100352xf32, #tpu.memory_space<vmem_shared>>
      tpu.wait_indirect_dma semaphore(%arg23 : memref<!tpu.dma_semaphore, #tpu.memory_space<semaphore_mem>>) src(%arg17 : memref<2048xf32, #tpu.memory_space<vmem>>) dst(%dma_wait3A_268 : memref<100352xf32, #tpu.memory_space<vmem_shared>>)
    } else {
    }
    %barrier3A_267 = arith.constant 0 : index
    tpu.barrier barrier_id(%barrier3A_267)
    "tpu.region"() ({
      %run_scoped3A = tpu.sem_alloc : memref<!tpu.dma_semaphore, #tpu.memory_space<semaphore_mem>>
      %dma_start3A = tpu.memref_slice %arg6[%arg0, %mul3A_0] : memref<2x100352xf32, #tpu.memory_space<hbm>> -> memref<1x6272xf32, #tpu.memory_space<hbm>>
      %dma_start3A_268 = tpu.memref_squeeze %dma_start3A : memref<1x6272xf32, #tpu.memory_space<hbm>> -> memref<6272xf32, #tpu.memory_space<hbm>>
      %dma_start3A_269 = tpu.memref_slice %arg7[%mul3A_0] : memref<100352xf32, #tpu.memory_space<vmem_shared>> -> memref<6272xf32, #tpu.memory_space<vmem_shared>>
      tpu.enqueue_dma source(%dma_start3A_269 : memref<6272xf32, #tpu.memory_space<vmem_shared>>) target(%dma_start3A_268 : memref<6272xf32, #tpu.memory_space<hbm>>) target_semaphore(%run_scoped3A : memref<!tpu.dma_semaphore, #tpu.memory_space<semaphore_mem>>)
      %dma_wait3A = tpu.memref_slice %arg6[%arg0, %mul3A_0] : memref<2x100352xf32, #tpu.memory_space<hbm>> -> memref<1x6272xf32, #tpu.memory_space<hbm>>
      %dma_wait3A_270 = tpu.memref_squeeze %dma_wait3A : memref<1x6272xf32, #tpu.memory_space<hbm>> -> memref<6272xf32, #tpu.memory_space<hbm>>
      %dma_wait3A_271 = tpu.memref_slice %arg7[%mul3A_0] : memref<100352xf32, #tpu.memory_space<vmem_shared>> -> memref<6272xf32, #tpu.memory_space<vmem_shared>>
      tpu.wait_dma2 semaphore(%run_scoped3A : memref<!tpu.dma_semaphore, #tpu.memory_space<semaphore_mem>>) src(%dma_wait3A_271 : memref<6272xf32, #tpu.memory_space<vmem_shared>>) dst(%dma_wait3A_270 : memref<6272xf32, #tpu.memory_space<hbm>>)
      tpu.yield
    }) : () -> ()
    return
  }
}

#map = affine_map<(d0, d1) -> (0)>
#map1 = affine_map<(d0, d1) -> (0, 0)>
module attributes {stable_mosaic.version = 14 : i64} {
  func.func @body(%arg0: i32, %arg1: i32, %arg2: memref<6400000xi32, #tpu.memory_space<hbm>>, %arg3: memref<2x100352xf32, #tpu.memory_space<hbm>>, %arg4: memref<100352xf32, #tpu.memory_space<vmem_shared>>, %arg5: memref<2048xi32, #tpu.memory_space<vmem>>, %arg6: memref<2048xi32, #tpu.memory_space<vmem>>, %arg7: memref<2048xi32, #tpu.memory_space<vmem>>, %arg8: memref<2048xf32, #tpu.memory_space<vmem>>, %arg9: memref<!tpu.dma_semaphore, #tpu.memory_space<semaphore_mem>>, %arg10: memref<!tpu.dma_semaphore, #tpu.memory_space<semaphore_mem>>, %arg11: memref<!tpu.dma_semaphore, #tpu.memory_space<semaphore_mem>>, %arg12: memref<!tpu.dma_semaphore, #tpu.memory_space<semaphore_mem>>, %arg13: memref<!tpu.dma_semaphore, #tpu.memory_space<semaphore_mem>>, %arg14: memref<!tpu.dma_semaphore, #tpu.memory_space<semaphore_mem>>) attributes {dimension_semantics = [#tpu.dimension_semantics<core_parallel>, #tpu.dimension_semantics<subcore_parallel>], iteration_bounds = array<i64: 2, 16>, scalar_prefetch = 0 : i64, scratch_operands = 11 : i64, tpu.core_type = #tpu.core_type<sc_vector_subcore>, window_params = [{transform_indices = #map}, {transform_indices = #map1}]} {
    %mul3A = arith.constant 6272 : i32
    %mul3A_0 = arith.muli %arg1, %mul3A : i32
    %broadcast_in_dim3A = arith.constant 0.000000e+00 : f32
    %broadcast_in_dim3A_1 = vector.broadcast %broadcast_in_dim3A : f32 to vector<16xf32>
    %scan3A = arith.constant 0 : i32
    %scan3A_2 = arith.constant 0 : i32
    %scan3A_3 = arith.constant 128 : i32
    %scan3A_4 = arith.addi %scan3A_2, %scan3A_3 : i32
    %scan3A_5 = arith.constant 1 : i32
    %scan3A_6 = scf.for %scan3A_270 = %scan3A_2 to %scan3A_4 step %scan3A_5 iter_args(%scan3A_271 = %scan3A) -> (i32)  : i32 {
      %mul3A_272 = arith.constant 16 : i32
      %mul3A_273 = arith.muli %scan3A_270, %mul3A_272 : i32
      %swap3A = arith.index_cast %mul3A_273 : i32 to index
      %swap3A_274 = tpu.vector_load %arg8[%swap3A] {strides = array<i32>} : memref<2048xf32, #tpu.memory_space<vmem>>, vector<16xf32>,
      tpu.vector_store %arg8[%swap3A], %broadcast_in_dim3A_1 {strides = array<i32>} : memref<2048xf32, #tpu.memory_space<vmem>>, vector<16xf32>,
      %scan3A_275 = arith.constant 0 : i32
      scf.yield %scan3A_275 : i32
    }
    %scan3A_7 = arith.constant 128 : i32
    %add3A = arith.constant 0 : i32
    %add3A_8 = arith.addi %mul3A_0, %add3A : i32
    "tpu.region"() ({
      %run_scoped3A = tpu.sem_alloc : memref<!tpu.dma_semaphore, #tpu.memory_space<semaphore_mem>>
      %dma_start3A = tpu.memref_slice %arg4[%add3A_8] : memref<100352xf32, #tpu.memory_space<vmem_shared>> -> memref<2048xf32, #tpu.memory_space<vmem_shared>>
      %dma_start3A_270 = tpu.memref_slice %arg4[%add3A_8] : memref<100352xf32, #tpu.memory_space<vmem_shared>> -> memref<2048xf32, #tpu.memory_space<vmem_shared>>
      tpu.enqueue_dma source(%arg8 : memref<2048xf32, #tpu.memory_space<vmem>>) target(%dma_start3A_270 : memref<2048xf32, #tpu.memory_space<vmem_shared>>) target_semaphore(%run_scoped3A : memref<!tpu.dma_semaphore, #tpu.memory_space<semaphore_mem>>)
      %dma_wait3A = tpu.memref_slice %arg4[%add3A_8] : memref<100352xf32, #tpu.memory_space<vmem_shared>> -> memref<2048xf32, #tpu.memory_space<vmem_shared>>
      %dma_wait3A_271 = tpu.memref_slice %arg4[%add3A_8] : memref<100352xf32, #tpu.memory_space<vmem_shared>> -> memref<2048xf32, #tpu.memory_space<vmem_shared>>
      tpu.wait_dma2 semaphore(%run_scoped3A : memref<!tpu.dma_semaphore, #tpu.memory_space<semaphore_mem>>) src(%arg8 : memref<2048xf32, #tpu.memory_space<vmem>>) dst(%dma_wait3A_271 : memref<2048xf32, #tpu.memory_space<vmem_shared>>)
      tpu.yield
    }) : () -> ()
    %add3A_9 = arith.constant 2048 : i32
    %add3A_10 = arith.addi %mul3A_0, %add3A_9 : i32
    "tpu.region"() ({
      %run_scoped3A = tpu.sem_alloc : memref<!tpu.dma_semaphore, #tpu.memory_space<semaphore_mem>>
      %dma_start3A = tpu.memref_slice %arg4[%add3A_10] : memref<100352xf32, #tpu.memory_space<vmem_shared>> -> memref<2048xf32, #tpu.memory_space<vmem_shared>>
      %dma_start3A_270 = tpu.memref_slice %arg4[%add3A_10] : memref<100352xf32, #tpu.memory_space<vmem_shared>> -> memref<2048xf32, #tpu.memory_space<vmem_shared>>
      tpu.enqueue_dma source(%arg8 : memref<2048xf32, #tpu.memory_space<vmem>>) target(%dma_start3A_270 : memref<2048xf32, #tpu.memory_space<vmem_shared>>) target_semaphore(%run_scoped3A : memref<!tpu.dma_semaphore, #tpu.memory_space<semaphore_mem>>)
      %dma_wait3A = tpu.memref_slice %arg4[%add3A_10] : memref<100352xf32, #tpu.memory_space<vmem_shared>> -> memref<2048xf32, #tpu.memory_space<vmem_shared>>
      %dma_wait3A_271 = tpu.memref_slice %arg4[%add3A_10] : memref<100352xf32, #tpu.memory_space<vmem_shared>> -> memref<2048xf32, #tpu.memory_space<vmem_shared>>
      tpu.wait_dma2 semaphore(%run_scoped3A : memref<!tpu.dma_semaphore, #tpu.memory_space<semaphore_mem>>) src(%arg8 : memref<2048xf32, #tpu.memory_space<vmem>>) dst(%dma_wait3A_271 : memref<2048xf32, #tpu.memory_space<vmem_shared>>)
      tpu.yield
    }) : () -> ()
    %add3A_11 = arith.constant 4096 : i32
    %add3A_12 = arith.addi %mul3A_0, %add3A_11 : i32
    "tpu.region"() ({
      %run_scoped3A = tpu.sem_alloc : memref<!tpu.dma_semaphore, #tpu.memory_space<semaphore_mem>>
      %dma_start3A = tpu.memref_slice %arg4[%add3A_12] : memref<100352xf32, #tpu.memory_space<vmem_shared>> -> memref<2048xf32, #tpu.memory_space<vmem_shared>>
      %dma_start3A_270 = tpu.memref_slice %arg4[%add3A_12] : memref<100352xf32, #tpu.memory_space<vmem_shared>> -> memref<2048xf32, #tpu.memory_space<vmem_shared>>
      tpu.enqueue_dma source(%arg8 : memref<2048xf32, #tpu.memory_space<vmem>>) target(%dma_start3A_270 : memref<2048xf32, #tpu.memory_space<vmem_shared>>) target_semaphore(%run_scoped3A : memref<!tpu.dma_semaphore, #tpu.memory_space<semaphore_mem>>)
      %dma_wait3A = tpu.memref_slice %arg4[%add3A_12] : memref<100352xf32, #tpu.memory_space<vmem_shared>> -> memref<2048xf32, #tpu.memory_space<vmem_shared>>
      %dma_wait3A_271 = tpu.memref_slice %arg4[%add3A_12] : memref<100352xf32, #tpu.memory_space<vmem_shared>> -> memref<2048xf32, #tpu.memory_space<vmem_shared>>
      tpu.wait_dma2 semaphore(%run_scoped3A : memref<!tpu.dma_semaphore, #tpu.memory_space<semaphore_mem>>) src(%arg8 : memref<2048xf32, #tpu.memory_space<vmem>>) dst(%dma_wait3A_271 : memref<2048xf32, #tpu.memory_space<vmem_shared>>)
      tpu.yield
    }) : () -> ()
    %add3A_13 = arith.constant 6272 : i32
    %add3A_14 = arith.addi %mul3A_0, %add3A_13 : i32
    %sub3A = arith.constant 128 : i32
    %sub3A_15 = arith.subi %add3A_14, %sub3A : i32
    "tpu.region"() ({
      %run_scoped3A = tpu.sem_alloc : memref<!tpu.dma_semaphore, #tpu.memory_space<semaphore_mem>>
      %dma_start3A = arith.constant 0 : i32
      %dma_start3A_270 = tpu.memref_slice %arg8[%dma_start3A] : memref<2048xf32, #tpu.memory_space<vmem>> -> memref<128xf32, #tpu.memory_space<vmem>>
      %dma_start3A_271 = tpu.memref_slice %arg4[%sub3A_15] : memref<100352xf32, #tpu.memory_space<vmem_shared>> -> memref<128xf32, #tpu.memory_space<vmem_shared>>
      %dma_start3A_272 = tpu.memref_slice %arg4[%sub3A_15] : memref<100352xf32, #tpu.memory_space<vmem_shared>> -> memref<128xf32, #tpu.memory_space<vmem_shared>>
      %dma_start3A_273 = arith.constant 0 : i32
      %dma_start3A_274 = tpu.memref_slice %arg8[%dma_start3A_273] : memref<2048xf32, #tpu.memory_space<vmem>> -> memref<128xf32, #tpu.memory_space<vmem>>
      tpu.enqueue_dma source(%dma_start3A_274 : memref<128xf32, #tpu.memory_space<vmem>>) target(%dma_start3A_272 : memref<128xf32, #tpu.memory_space<vmem_shared>>) target_semaphore(%run_scoped3A : memref<!tpu.dma_semaphore, #tpu.memory_space<semaphore_mem>>)
      %dma_wait3A = arith.constant 0 : i32
      %dma_wait3A_275 = tpu.memref_slice %arg8[%dma_wait3A] : memref<2048xf32, #tpu.memory_space<vmem>> -> memref<128xf32, #tpu.memory_space<vmem>>
      %dma_wait3A_276 = tpu.memref_slice %arg4[%sub3A_15] : memref<100352xf32, #tpu.memory_space<vmem_shared>> -> memref<128xf32, #tpu.memory_space<vmem_shared>>
      %dma_wait3A_277 = tpu.memref_slice %arg4[%sub3A_15] : memref<100352xf32, #tpu.memory_space<vmem_shared>> -> memref<128xf32, #tpu.memory_space<vmem_shared>>
      %dma_wait3A_278 = arith.constant 0 : i32
      %dma_wait3A_279 = tpu.memref_slice %arg8[%dma_wait3A_278] : memref<2048xf32, #tpu.memory_space<vmem>> -> memref<128xf32, #tpu.memory_space<vmem>>
      tpu.wait_dma2 semaphore(%run_scoped3A : memref<!tpu.dma_semaphore, #tpu.memory_space<semaphore_mem>>) src(%dma_wait3A_279 : memref<128xf32, #tpu.memory_space<vmem>>) dst(%dma_wait3A_277 : memref<128xf32, #tpu.memory_space<vmem_shared>>)
      tpu.yield
    }) : () -> ()
    %broadcast_in_dim3A_16 = arith.constant 1.000000e+00 : f32
    %broadcast_in_dim3A_17 = vector.broadcast %broadcast_in_dim3A_16 : f32 to vector<16xf32>
    %scan3A_18 = arith.constant 0 : i32
    %scan3A_19 = arith.constant 0 : i32
    %scan3A_20 = arith.constant 128 : i32
    %scan3A_21 = arith.addi %scan3A_19, %scan3A_20 : i32
    %scan3A_22 = arith.constant 1 : i32
    %scan3A_23 = scf.for %scan3A_270 = %scan3A_19 to %scan3A_21 step %scan3A_22 iter_args(%scan3A_271 = %scan3A_18) -> (i32)  : i32 {
      %mul3A_272 = arith.constant 16 : i32
      %mul3A_273 = arith.muli %scan3A_270, %mul3A_272 : i32
      %swap3A = arith.index_cast %mul3A_273 : i32 to index
      %swap3A_274 = tpu.vector_load %arg8[%swap3A] {strides = array<i32>} : memref<2048xf32, #tpu.memory_space<vmem>>, vector<16xf32>,
      tpu.vector_store %arg8[%swap3A], %broadcast_in_dim3A_17 {strides = array<i32>} : memref<2048xf32, #tpu.memory_space<vmem>>, vector<16xf32>,
      %scan3A_275 = arith.constant 0 : i32
      scf.yield %scan3A_275 : i32
    }
    %scan3A_24 = arith.constant 128 : i32
    %barrier3A = arith.constant 0 : index
    tpu.barrier barrier_id(%barrier3A)
    %mul3A_25 = arith.constant 2 : i32
    %mul3A_26 = arith.muli %arg1, %mul3A_25 : i32
    %add3A_27 = arith.addi %mul3A_26, %arg0 : i32
    %mul3A_28 = arith.constant 3125 : i32
    %mul3A_29 = arith.muli %add3A_27, %mul3A_28 : i32
    %jit3A = arith.constant 32 : i32
    %div3A = arith.divsi %mul3A_29, %jit3A : i32
    %sign3A = arith.constant 0 : i32
    %sign3A_30 = arith.cmpi sgt, %mul3A_29, %sign3A : i32
    %sign3A_31 = arith.extui %sign3A_30 : i1 to i32
    %sign3A_32 = arith.constant 0 : i32
    %sign3A_33 = arith.cmpi slt, %mul3A_29, %sign3A_32 : i32
    %sign3A_34 = arith.extui %sign3A_33 : i1 to i32
    %sign3A_35 = arith.subi %sign3A_31, %sign3A_34 : i32
    %sign3A_36 = arith.constant 0 : i32
    %sign3A_37 = arith.cmpi sgt, %jit3A, %sign3A_36 : i32
    %sign3A_38 = arith.extui %sign3A_37 : i1 to i32
    %sign3A_39 = arith.constant 0 : i32
    %sign3A_40 = arith.cmpi slt, %jit3A, %sign3A_39 : i32
    %sign3A_41 = arith.extui %sign3A_40 : i1 to i32
    %sign3A_42 = arith.subi %sign3A_38, %sign3A_41 : i32
    %ne3A = arith.cmpi ne, %sign3A_35, %sign3A_42 : i32
    %rem3A = arith.remsi %mul3A_29, %jit3A : i32
    %ne3A_43 = arith.constant 0 : i32
    %ne3A_44 = arith.cmpi ne, %rem3A, %ne3A_43 : i32
    %and3A = arith.andi %ne3A, %ne3A_44 : i1
    %sub3A_45 = arith.constant 1 : i32
    %sub3A_46 = arith.subi %div3A, %sub3A_45 : i32
    %select_n3A = arith.select %and3A, %sub3A_46, %div3A : i32
    %add3A_47 = arith.constant 1 : i32
    %add3A_48 = arith.addi %add3A_27, %add3A_47 : i32
    %mul3A_49 = arith.constant 3125 : i32
    %mul3A_50 = arith.muli %add3A_48, %mul3A_49 : i32
    %jit3A_51 = arith.constant 32 : i32
    %div3A_52 = arith.divsi %mul3A_50, %jit3A_51 : i32
    %sign3A_53 = arith.constant 0 : i32
    %sign3A_54 = arith.cmpi sgt, %mul3A_50, %sign3A_53 : i32
    %sign3A_55 = arith.extui %sign3A_54 : i1 to i32
    %sign3A_56 = arith.constant 0 : i32
    %sign3A_57 = arith.cmpi slt, %mul3A_50, %sign3A_56 : i32
    %sign3A_58 = arith.extui %sign3A_57 : i1 to i32
    %sign3A_59 = arith.subi %sign3A_55, %sign3A_58 : i32
    %sign3A_60 = arith.constant 0 : i32
    %sign3A_61 = arith.cmpi sgt, %jit3A_51, %sign3A_60 : i32
    %sign3A_62 = arith.extui %sign3A_61 : i1 to i32
    %sign3A_63 = arith.constant 0 : i32
    %sign3A_64 = arith.cmpi slt, %jit3A_51, %sign3A_63 : i32
    %sign3A_65 = arith.extui %sign3A_64 : i1 to i32
    %sign3A_66 = arith.subi %sign3A_62, %sign3A_65 : i32
    %ne3A_67 = arith.cmpi ne, %sign3A_59, %sign3A_66 : i32
    %rem3A_68 = arith.remsi %mul3A_50, %jit3A_51 : i32
    %ne3A_69 = arith.constant 0 : i32
    %ne3A_70 = arith.cmpi ne, %rem3A_68, %ne3A_69 : i32
    %and3A_71 = arith.andi %ne3A_67, %ne3A_70 : i1
    %sub3A_72 = arith.constant 1 : i32
    %sub3A_73 = arith.subi %div3A_52, %sub3A_72 : i32
    %select_n3A_74 = arith.select %and3A_71, %sub3A_73, %div3A_52 : i32
    %sub3A_75 = arith.subi %select_n3A_74, %select_n3A : i32
    %gt3A = arith.constant 0 : i32
    %gt3A_76 = arith.cmpi sgt, %sub3A_75, %gt3A : i32
    %convert_element_type3A = arith.extui %gt3A_76 : i1 to i32
    %cond3A = arith.constant 0 : i32
    %cond3A_77 = arith.cmpi ne, %convert_element_type3A, %cond3A : i32
    scf.if %cond3A_77 {
      %mul3A_270 = arith.constant 2048 : i32
      %mul3A_271 = arith.muli %select_n3A, %mul3A_270 : i32
      %dma_start3A = tpu.memref_slice %arg2[%mul3A_271] : memref<6400000xi32, #tpu.memory_space<hbm>> -> memref<2048xi32, #tpu.memory_space<hbm>>
      %dma_start3A_272 = tpu.memref_slice %arg2[%mul3A_271] : memref<6400000xi32, #tpu.memory_space<hbm>> -> memref<2048xi32, #tpu.memory_space<hbm>>
      tpu.enqueue_dma source(%dma_start3A_272 : memref<2048xi32, #tpu.memory_space<hbm>>) target(%arg5 : memref<2048xi32, #tpu.memory_space<vmem>>) target_semaphore(%arg9 : memref<!tpu.dma_semaphore, #tpu.memory_space<semaphore_mem>>)
    } else {
    }
    %add3A_78 = arith.constant 2 : i32
    %add3A_79 = arith.addi %sub3A_75, %add3A_78 : i32
    %jit3A_80 = arith.constant 3 : i32
    %div3A_81 = arith.divsi %add3A_79, %jit3A_80 : i32
    %sign3A_82 = arith.constant 0 : i32
    %sign3A_83 = arith.cmpi sgt, %add3A_79, %sign3A_82 : i32
    %sign3A_84 = arith.extui %sign3A_83 : i1 to i32
    %sign3A_85 = arith.constant 0 : i32
    %sign3A_86 = arith.cmpi slt, %add3A_79, %sign3A_85 : i32
    %sign3A_87 = arith.extui %sign3A_86 : i1 to i32
    %sign3A_88 = arith.subi %sign3A_84, %sign3A_87 : i32
    %sign3A_89 = arith.constant 0 : i32
    %sign3A_90 = arith.cmpi sgt, %jit3A_80, %sign3A_89 : i32
    %sign3A_91 = arith.extui %sign3A_90 : i1 to i32
    %sign3A_92 = arith.constant 0 : i32
    %sign3A_93 = arith.cmpi slt, %jit3A_80, %sign3A_92 : i32
    %sign3A_94 = arith.extui %sign3A_93 : i1 to i32
    %sign3A_95 = arith.subi %sign3A_91, %sign3A_94 : i32
    %ne3A_96 = arith.cmpi ne, %sign3A_88, %sign3A_95 : i32
    %rem3A_97 = arith.remsi %add3A_79, %jit3A_80 : i32
    %ne3A_98 = arith.constant 0 : i32
    %ne3A_99 = arith.cmpi ne, %rem3A_97, %ne3A_98 : i32
    %and3A_100 = arith.andi %ne3A_96, %ne3A_99 : i1
    %sub3A_101 = arith.constant 1 : i32
    %sub3A_102 = arith.subi %div3A_81, %sub3A_101 : i32
    %select_n3A_103 = arith.select %and3A_100, %sub3A_102, %div3A_81 : i32
    %while3A = arith.constant 0 : i32
    %while3A_104 = arith.constant 0 : i32
    %while3A_105 = arith.subi %select_n3A_103, %while3A : i32
    %while3A_106 = arith.addi %while3A, %while3A_105 : i32
    %while3A_107 = arith.constant 1 : i32
    %while3A_108 = arith.divsi %while3A_105, %while3A_107 : i32
    %while3A_109 = arith.muli %while3A_108, %while3A_107 : i32
    %while3A_110 = arith.addi %while3A, %while3A_109 : i32
    %while3A_111 = arith.constant 1 : i32
    %while3A_112 = scf.for %while3A_270 = %while3A to %while3A_110 step %while3A_111 iter_args(%while3A_271 = %while3A_104) -> (i32)  : i32 {
      %mul3A_272 = arith.constant 3 : i32
      %mul3A_273 = arith.muli %while3A_270, %mul3A_272 : i32
      %add3A_274 = arith.addi %select_n3A, %mul3A_273 : i32
      %add3A_275 = arith.constant 0 : i32
      %add3A_276 = arith.addi %add3A_274, %add3A_275 : i32
      %lt3A_277 = arith.cmpi slt, %add3A_276, %select_n3A_74 : i32
      %convert_element_type3A_278 = arith.extui %lt3A_277 : i1 to i32
      %cond3A_279 = arith.constant 0 : i32
      %cond3A_280 = arith.cmpi ne, %convert_element_type3A_278, %cond3A_279 : i32
      scf.if %cond3A_280 {
        %mul3A_300 = arith.constant 2048 : i32
        %mul3A_301 = arith.muli %add3A_276, %mul3A_300 : i32
        %dma_wait3A = tpu.memref_slice %arg2[%mul3A_301] : memref<6400000xi32, #tpu.memory_space<hbm>> -> memref<2048xi32, #tpu.memory_space<hbm>>
        %dma_wait3A_302 = tpu.memref_slice %arg2[%mul3A_301] : memref<6400000xi32, #tpu.memory_space<hbm>> -> memref<2048xi32, #tpu.memory_space<hbm>>
        tpu.wait_dma2 semaphore(%arg9 : memref<!tpu.dma_semaphore, #tpu.memory_space<semaphore_mem>>) src(%dma_wait3A_302 : memref<2048xi32, #tpu.memory_space<hbm>>) dst(%arg5 : memref<2048xi32, #tpu.memory_space<vmem>>)
        %dma_start3A = arith.constant 0 : i32
        %dma_start3A_303 = tpu.memref_slice %arg4[%dma_start3A] : memref<100352xf32, #tpu.memory_space<vmem_shared>> -> memref<100352xf32, #tpu.memory_space<vmem_shared>>
        tpu.enqueue_indirect_dma source(%arg8 : memref<2048xf32, #tpu.memory_space<vmem>>) target(%dma_start3A_303 : memref<100352xf32, #tpu.memory_space<vmem_shared>>) offsets(%arg5 : memref<2048xi32, #tpu.memory_space<vmem>>) semaphore(%arg12 : memref<!tpu.dma_semaphore, #tpu.memory_space<semaphore_mem>>) {add = true}
        %add3A_304 = arith.constant 1 : i32
        %add3A_305 = arith.addi %select_n3A, %add3A_304 : i32
        %gt3A_306 = arith.cmpi sgt, %add3A_276, %add3A_305 : i32
        %convert_element_type3A_307 = arith.extui %gt3A_306 : i1 to i32
        %cond3A_308 = arith.constant 0 : i32
        %cond3A_309 = arith.cmpi ne, %convert_element_type3A_307, %cond3A_308 : i32
        scf.if %cond3A_309 {
          %dma_wait3A_316 = arith.constant 0 : i32
          %dma_wait3A_317 = tpu.memref_slice %arg4[%dma_wait3A_316] : memref<100352xf32, #tpu.memory_space<vmem_shared>> -> memref<100352xf32, #tpu.memory_space<vmem_shared>>
          tpu.wait_indirect_dma semaphore(%arg13 : memref<!tpu.dma_semaphore, #tpu.memory_space<semaphore_mem>>) src(%arg8 : memref<2048xf32, #tpu.memory_space<vmem>>) dst(%dma_wait3A_317 : memref<100352xf32, #tpu.memory_space<vmem_shared>>)
        } else {
        }
        %add3A_310 = arith.constant 1 : i32
        %add3A_311 = arith.addi %add3A_276, %add3A_310 : i32
        %lt3A_312 = arith.cmpi slt, %add3A_311, %select_n3A_74 : i32
        %convert_element_type3A_313 = arith.extui %lt3A_312 : i1 to i32
        %cond3A_314 = arith.constant 0 : i32
        %cond3A_315 = arith.cmpi ne, %convert_element_type3A_313, %cond3A_314 : i32
        scf.if %cond3A_315 {
          %add3A_316 = arith.constant 1 : i32
          %add3A_317 = arith.addi %add3A_276, %add3A_316 : i32
          %mul3A_318 = arith.constant 2048 : i32
          %mul3A_319 = arith.muli %add3A_317, %mul3A_318 : i32
          %dma_start3A_320 = tpu.memref_slice %arg2[%mul3A_319] : memref<6400000xi32, #tpu.memory_space<hbm>> -> memref<2048xi32, #tpu.memory_space<hbm>>
          %dma_start3A_321 = tpu.memref_slice %arg2[%mul3A_319] : memref<6400000xi32, #tpu.memory_space<hbm>> -> memref<2048xi32, #tpu.memory_space<hbm>>
          tpu.enqueue_dma source(%dma_start3A_321 : memref<2048xi32, #tpu.memory_space<hbm>>) target(%arg6 : memref<2048xi32, #tpu.memory_space<vmem>>) target_semaphore(%arg10 : memref<!tpu.dma_semaphore, #tpu.memory_space<semaphore_mem>>)
        } else {
        }
      } else {
      }
      %mul3A_281 = arith.constant 3 : i32
      %mul3A_282 = arith.muli %while3A_270, %mul3A_281 : i32
      %add3A_283 = arith.addi %select_n3A, %mul3A_282 : i32
      %add3A_284 = arith.constant 1 : i32
      %add3A_285 = arith.addi %add3A_283, %add3A_284 : i32
      %lt3A_286 = arith.cmpi slt, %add3A_285, %select_n3A_74 : i32
      %convert_element_type3A_287 = arith.extui %lt3A_286 : i1 to i32
      %cond3A_288 = arith.constant 0 : i32
      %cond3A_289 = arith.cmpi ne, %convert_element_type3A_287, %cond3A_288 : i32
      scf.if %cond3A_289 {
        %mul3A_300 = arith.constant 2048 : i32
        %mul3A_301 = arith.muli %add3A_285, %mul3A_300 : i32
        %dma_wait3A = tpu.memref_slice %arg2[%mul3A_301] : memref<6400000xi32, #tpu.memory_space<hbm>> -> memref<2048xi32, #tpu.memory_space<hbm>>
        %dma_wait3A_302 = tpu.memref_slice %arg2[%mul3A_301] : memref<6400000xi32, #tpu.memory_space<hbm>> -> memref<2048xi32, #tpu.memory_space<hbm>>
        tpu.wait_dma2 semaphore(%arg10 : memref<!tpu.dma_semaphore, #tpu.memory_space<semaphore_mem>>) src(%dma_wait3A_302 : memref<2048xi32, #tpu.memory_space<hbm>>) dst(%arg6 : memref<2048xi32, #tpu.memory_space<vmem>>)
        %dma_start3A = arith.constant 0 : i32
        %dma_start3A_303 = tpu.memref_slice %arg4[%dma_start3A] : memref<100352xf32, #tpu.memory_space<vmem_shared>> -> memref<100352xf32, #tpu.memory_space<vmem_shared>>
        tpu.enqueue_indirect_dma source(%arg8 : memref<2048xf32, #tpu.memory_space<vmem>>) target(%dma_start3A_303 : memref<100352xf32, #tpu.memory_space<vmem_shared>>) offsets(%arg6 : memref<2048xi32, #tpu.memory_space<vmem>>) semaphore(%arg13 : memref<!tpu.dma_semaphore, #tpu.memory_space<semaphore_mem>>) {add = true}
        %add3A_304 = arith.constant 1 : i32
        %add3A_305 = arith.addi %select_n3A, %add3A_304 : i32
        %gt3A_306 = arith.cmpi sgt, %add3A_285, %add3A_305 : i32
        %convert_element_type3A_307 = arith.extui %gt3A_306 : i1 to i32
        %cond3A_308 = arith.constant 0 : i32
        %cond3A_309 = arith.cmpi ne, %convert_element_type3A_307, %cond3A_308 : i32
        scf.if %cond3A_309 {
          %dma_wait3A_316 = arith.constant 0 : i32
          %dma_wait3A_317 = tpu.memref_slice %arg4[%dma_wait3A_316] : memref<100352xf32, #tpu.memory_space<vmem_shared>> -> memref<100352xf32, #tpu.memory_space<vmem_shared>>
          tpu.wait_indirect_dma semaphore(%arg14 : memref<!tpu.dma_semaphore, #tpu.memory_space<semaphore_mem>>) src(%arg8 : memref<2048xf32, #tpu.memory_space<vmem>>) dst(%dma_wait3A_317 : memref<100352xf32, #tpu.memory_space<vmem_shared>>)
        } else {
        }
        %add3A_310 = arith.constant 1 : i32
        %add3A_311 = arith.addi %add3A_285, %add3A_310 : i32
        %lt3A_312 = arith.cmpi slt, %add3A_311, %select_n3A_74 : i32
        %convert_element_type3A_313 = arith.extui %lt3A_312 : i1 to i32
        %cond3A_314 = arith.constant 0 : i32
        %cond3A_315 = arith.cmpi ne, %convert_element_type3A_313, %cond3A_314 : i32
        scf.if %cond3A_315 {
          %add3A_316 = arith.constant 1 : i32
          %add3A_317 = arith.addi %add3A_285, %add3A_316 : i32
          %mul3A_318 = arith.constant 2048 : i32
          %mul3A_319 = arith.muli %add3A_317, %mul3A_318 : i32
          %dma_start3A_320 = tpu.memref_slice %arg2[%mul3A_319] : memref<6400000xi32, #tpu.memory_space<hbm>> -> memref<2048xi32, #tpu.memory_space<hbm>>
          %dma_start3A_321 = tpu.memref_slice %arg2[%mul3A_319] : memref<6400000xi32, #tpu.memory_space<hbm>> -> memref<2048xi32, #tpu.memory_space<hbm>>
          tpu.enqueue_dma source(%dma_start3A_321 : memref<2048xi32, #tpu.memory_space<hbm>>) target(%arg7 : memref<2048xi32, #tpu.memory_space<vmem>>) target_semaphore(%arg11 : memref<!tpu.dma_semaphore, #tpu.memory_space<semaphore_mem>>)
        } else {
        }
      } else {
      }
      %mul3A_290 = arith.constant 3 : i32
      %mul3A_291 = arith.muli %while3A_270, %mul3A_290 : i32
      %add3A_292 = arith.addi %select_n3A, %mul3A_291 : i32
      %add3A_293 = arith.constant 2 : i32
      %add3A_294 = arith.addi %add3A_292, %add3A_293 : i32
      %lt3A_295 = arith.cmpi slt, %add3A_294, %select_n3A_74 : i32
      %convert_element_type3A_296 = arith.extui %lt3A_295 : i1 to i32
      %cond3A_297 = arith.constant 0 : i32
      %cond3A_298 = arith.cmpi ne, %convert_element_type3A_296, %cond3A_297 : i32
      scf.if %cond3A_298 {
        %mul3A_300 = arith.constant 2048 : i32
        %mul3A_301 = arith.muli %add3A_294, %mul3A_300 : i32
        %dma_wait3A = tpu.memref_slice %arg2[%mul3A_301] : memref<6400000xi32, #tpu.memory_space<hbm>> -> memref<2048xi32, #tpu.memory_space<hbm>>
        %dma_wait3A_302 = tpu.memref_slice %arg2[%mul3A_301] : memref<6400000xi32, #tpu.memory_space<hbm>> -> memref<2048xi32, #tpu.memory_space<hbm>>
        tpu.wait_dma2 semaphore(%arg11 : memref<!tpu.dma_semaphore, #tpu.memory_space<semaphore_mem>>) src(%dma_wait3A_302 : memref<2048xi32, #tpu.memory_space<hbm>>) dst(%arg7 : memref<2048xi32, #tpu.memory_space<vmem>>)
        %dma_start3A = arith.constant 0 : i32
        %dma_start3A_303 = tpu.memref_slice %arg4[%dma_start3A] : memref<100352xf32, #tpu.memory_space<vmem_shared>> -> memref<100352xf32, #tpu.memory_space<vmem_shared>>
        tpu.enqueue_indirect_dma source(%arg8 : memref<2048xf32, #tpu.memory_space<vmem>>) target(%dma_start3A_303 : memref<100352xf32, #tpu.memory_space<vmem_shared>>) offsets(%arg7 : memref<2048xi32, #tpu.memory_space<vmem>>) semaphore(%arg14 : memref<!tpu.dma_semaphore, #tpu.memory_space<semaphore_mem>>) {add = true}
        %add3A_304 = arith.constant 1 : i32
        %add3A_305 = arith.addi %select_n3A, %add3A_304 : i32
        %gt3A_306 = arith.cmpi sgt, %add3A_294, %add3A_305 : i32
        %convert_element_type3A_307 = arith.extui %gt3A_306 : i1 to i32
        %cond3A_308 = arith.constant 0 : i32
        %cond3A_309 = arith.cmpi ne, %convert_element_type3A_307, %cond3A_308 : i32
        scf.if %cond3A_309 {
          %dma_wait3A_316 = arith.constant 0 : i32
          %dma_wait3A_317 = tpu.memref_slice %arg4[%dma_wait3A_316] : memref<100352xf32, #tpu.memory_space<vmem_shared>> -> memref<100352xf32, #tpu.memory_space<vmem_shared>>
          tpu.wait_indirect_dma semaphore(%arg12 : memref<!tpu.dma_semaphore, #tpu.memory_space<semaphore_mem>>) src(%arg8 : memref<2048xf32, #tpu.memory_space<vmem>>) dst(%dma_wait3A_317 : memref<100352xf32, #tpu.memory_space<vmem_shared>>)
        } else {
        }
        %add3A_310 = arith.constant 1 : i32
        %add3A_311 = arith.addi %add3A_294, %add3A_310 : i32
        %lt3A_312 = arith.cmpi slt, %add3A_311, %select_n3A_74 : i32
        %convert_element_type3A_313 = arith.extui %lt3A_312 : i1 to i32
        %cond3A_314 = arith.constant 0 : i32
        %cond3A_315 = arith.cmpi ne, %convert_element_type3A_313, %cond3A_314 : i32
        scf.if %cond3A_315 {
          %add3A_316 = arith.constant 1 : i32
          %add3A_317 = arith.addi %add3A_294, %add3A_316 : i32
          %mul3A_318 = arith.constant 2048 : i32
          %mul3A_319 = arith.muli %add3A_317, %mul3A_318 : i32
          %dma_start3A_320 = tpu.memref_slice %arg2[%mul3A_319] : memref<6400000xi32, #tpu.memory_space<hbm>> -> memref<2048xi32, #tpu.memory_space<hbm>>
          %dma_start3A_321 = tpu.memref_slice %arg2[%mul3A_319] : memref<6400000xi32, #tpu.memory_space<hbm>> -> memref<2048xi32, #tpu.memory_space<hbm>>
          tpu.enqueue_dma source(%dma_start3A_321 : memref<2048xi32, #tpu.memory_space<hbm>>) target(%arg5 : memref<2048xi32, #tpu.memory_space<vmem>>) target_semaphore(%arg9 : memref<!tpu.dma_semaphore, #tpu.memory_space<semaphore_mem>>)
        } else {
        }
      } else {
      }
      %while3A_299 = arith.constant 0 : i32
      scf.yield %while3A_299 : i32
    }
    %while3A_113 = arith.constant 1 : i32
    %while3A_114 = scf.for %while3A_270 = %while3A_110 to %while3A_106 step %while3A_113 iter_args(%while3A_271 = %while3A_112) -> (i32)  : i32 {
      %mul3A_272 = arith.constant 3 : i32
      %mul3A_273 = arith.muli %while3A_270, %mul3A_272 : i32
      %add3A_274 = arith.addi %select_n3A, %mul3A_273 : i32
      %add3A_275 = arith.constant 0 : i32
      %add3A_276 = arith.addi %add3A_274, %add3A_275 : i32
      %lt3A_277 = arith.cmpi slt, %add3A_276, %select_n3A_74 : i32
      %convert_element_type3A_278 = arith.extui %lt3A_277 : i1 to i32
      %cond3A_279 = arith.constant 0 : i32
      %cond3A_280 = arith.cmpi ne, %convert_element_type3A_278, %cond3A_279 : i32
      scf.if %cond3A_280 {
        %mul3A_300 = arith.constant 2048 : i32
        %mul3A_301 = arith.muli %add3A_276, %mul3A_300 : i32
        %dma_wait3A = tpu.memref_slice %arg2[%mul3A_301] : memref<6400000xi32, #tpu.memory_space<hbm>> -> memref<2048xi32, #tpu.memory_space<hbm>>
        %dma_wait3A_302 = tpu.memref_slice %arg2[%mul3A_301] : memref<6400000xi32, #tpu.memory_space<hbm>> -> memref<2048xi32, #tpu.memory_space<hbm>>
        tpu.wait_dma2 semaphore(%arg9 : memref<!tpu.dma_semaphore, #tpu.memory_space<semaphore_mem>>) src(%dma_wait3A_302 : memref<2048xi32, #tpu.memory_space<hbm>>) dst(%arg5 : memref<2048xi32, #tpu.memory_space<vmem>>)
        %dma_start3A = arith.constant 0 : i32
        %dma_start3A_303 = tpu.memref_slice %arg4[%dma_start3A] : memref<100352xf32, #tpu.memory_space<vmem_shared>> -> memref<100352xf32, #tpu.memory_space<vmem_shared>>
        tpu.enqueue_indirect_dma source(%arg8 : memref<2048xf32, #tpu.memory_space<vmem>>) target(%dma_start3A_303 : memref<100352xf32, #tpu.memory_space<vmem_shared>>) offsets(%arg5 : memref<2048xi32, #tpu.memory_space<vmem>>) semaphore(%arg12 : memref<!tpu.dma_semaphore, #tpu.memory_space<semaphore_mem>>) {add = true}
        %add3A_304 = arith.constant 1 : i32
        %add3A_305 = arith.addi %select_n3A, %add3A_304 : i32
        %gt3A_306 = arith.cmpi sgt, %add3A_276, %add3A_305 : i32
        %convert_element_type3A_307 = arith.extui %gt3A_306 : i1 to i32
        %cond3A_308 = arith.constant 0 : i32
        %cond3A_309 = arith.cmpi ne, %convert_element_type3A_307, %cond3A_308 : i32
        scf.if %cond3A_309 {
          %dma_wait3A_316 = arith.constant 0 : i32
          %dma_wait3A_317 = tpu.memref_slice %arg4[%dma_wait3A_316] : memref<100352xf32, #tpu.memory_space<vmem_shared>> -> memref<100352xf32, #tpu.memory_space<vmem_shared>>
          tpu.wait_indirect_dma semaphore(%arg13 : memref<!tpu.dma_semaphore, #tpu.memory_space<semaphore_mem>>) src(%arg8 : memref<2048xf32, #tpu.memory_space<vmem>>) dst(%dma_wait3A_317 : memref<100352xf32, #tpu.memory_space<vmem_shared>>)
        } else {
        }
        %add3A_310 = arith.constant 1 : i32
        %add3A_311 = arith.addi %add3A_276, %add3A_310 : i32
        %lt3A_312 = arith.cmpi slt, %add3A_311, %select_n3A_74 : i32
        %convert_element_type3A_313 = arith.extui %lt3A_312 : i1 to i32
        %cond3A_314 = arith.constant 0 : i32
        %cond3A_315 = arith.cmpi ne, %convert_element_type3A_313, %cond3A_314 : i32
        scf.if %cond3A_315 {
          %add3A_316 = arith.constant 1 : i32
          %add3A_317 = arith.addi %add3A_276, %add3A_316 : i32
          %mul3A_318 = arith.constant 2048 : i32
          %mul3A_319 = arith.muli %add3A_317, %mul3A_318 : i32
          %dma_start3A_320 = tpu.memref_slice %arg2[%mul3A_319] : memref<6400000xi32, #tpu.memory_space<hbm>> -> memref<2048xi32, #tpu.memory_space<hbm>>
          %dma_start3A_321 = tpu.memref_slice %arg2[%mul3A_319] : memref<6400000xi32, #tpu.memory_space<hbm>> -> memref<2048xi32, #tpu.memory_space<hbm>>
          tpu.enqueue_dma source(%dma_start3A_321 : memref<2048xi32, #tpu.memory_space<hbm>>) target(%arg6 : memref<2048xi32, #tpu.memory_space<vmem>>) target_semaphore(%arg10 : memref<!tpu.dma_semaphore, #tpu.memory_space<semaphore_mem>>)
        } else {
        }
      } else {
      }
      %mul3A_281 = arith.constant 3 : i32
      %mul3A_282 = arith.muli %while3A_270, %mul3A_281 : i32
      %add3A_283 = arith.addi %select_n3A, %mul3A_282 : i32
      %add3A_284 = arith.constant 1 : i32
      %add3A_285 = arith.addi %add3A_283, %add3A_284 : i32
      %lt3A_286 = arith.cmpi slt, %add3A_285, %select_n3A_74 : i32
      %convert_element_type3A_287 = arith.extui %lt3A_286 : i1 to i32
      %cond3A_288 = arith.constant 0 : i32
      %cond3A_289 = arith.cmpi ne, %convert_element_type3A_287, %cond3A_288 : i32
      scf.if %cond3A_289 {
        %mul3A_300 = arith.constant 2048 : i32
        %mul3A_301 = arith.muli %add3A_285, %mul3A_300 : i32
        %dma_wait3A = tpu.memref_slice %arg2[%mul3A_301] : memref<6400000xi32, #tpu.memory_space<hbm>> -> memref<2048xi32, #tpu.memory_space<hbm>>
        %dma_wait3A_302 = tpu.memref_slice %arg2[%mul3A_301] : memref<6400000xi32, #tpu.memory_space<hbm>> -> memref<2048xi32, #tpu.memory_space<hbm>>
        tpu.wait_dma2 semaphore(%arg10 : memref<!tpu.dma_semaphore, #tpu.memory_space<semaphore_mem>>) src(%dma_wait3A_302 : memref<2048xi32, #tpu.memory_space<hbm>>) dst(%arg6 : memref<2048xi32, #tpu.memory_space<vmem>>)
        %dma_start3A = arith.constant 0 : i32
        %dma_start3A_303 = tpu.memref_slice %arg4[%dma_start3A] : memref<100352xf32, #tpu.memory_space<vmem_shared>> -> memref<100352xf32, #tpu.memory_space<vmem_shared>>
        tpu.enqueue_indirect_dma source(%arg8 : memref<2048xf32, #tpu.memory_space<vmem>>) target(%dma_start3A_303 : memref<100352xf32, #tpu.memory_space<vmem_shared>>) offsets(%arg6 : memref<2048xi32, #tpu.memory_space<vmem>>) semaphore(%arg13 : memref<!tpu.dma_semaphore, #tpu.memory_space<semaphore_mem>>) {add = true}
        %add3A_304 = arith.constant 1 : i32
        %add3A_305 = arith.addi %select_n3A, %add3A_304 : i32
        %gt3A_306 = arith.cmpi sgt, %add3A_285, %add3A_305 : i32
        %convert_element_type3A_307 = arith.extui %gt3A_306 : i1 to i32
        %cond3A_308 = arith.constant 0 : i32
        %cond3A_309 = arith.cmpi ne, %convert_element_type3A_307, %cond3A_308 : i32
        scf.if %cond3A_309 {
          %dma_wait3A_316 = arith.constant 0 : i32
          %dma_wait3A_317 = tpu.memref_slice %arg4[%dma_wait3A_316] : memref<100352xf32, #tpu.memory_space<vmem_shared>> -> memref<100352xf32, #tpu.memory_space<vmem_shared>>
          tpu.wait_indirect_dma semaphore(%arg14 : memref<!tpu.dma_semaphore, #tpu.memory_space<semaphore_mem>>) src(%arg8 : memref<2048xf32, #tpu.memory_space<vmem>>) dst(%dma_wait3A_317 : memref<100352xf32, #tpu.memory_space<vmem_shared>>)
        } else {
        }
        %add3A_310 = arith.constant 1 : i32
        %add3A_311 = arith.addi %add3A_285, %add3A_310 : i32
        %lt3A_312 = arith.cmpi slt, %add3A_311, %select_n3A_74 : i32
        %convert_element_type3A_313 = arith.extui %lt3A_312 : i1 to i32
        %cond3A_314 = arith.constant 0 : i32
        %cond3A_315 = arith.cmpi ne, %convert_element_type3A_313, %cond3A_314 : i32
        scf.if %cond3A_315 {
          %add3A_316 = arith.constant 1 : i32
          %add3A_317 = arith.addi %add3A_285, %add3A_316 : i32
          %mul3A_318 = arith.constant 2048 : i32
          %mul3A_319 = arith.muli %add3A_317, %mul3A_318 : i32
          %dma_start3A_320 = tpu.memref_slice %arg2[%mul3A_319] : memref<6400000xi32, #tpu.memory_space<hbm>> -> memref<2048xi32, #tpu.memory_space<hbm>>
          %dma_start3A_321 = tpu.memref_slice %arg2[%mul3A_319] : memref<6400000xi32, #tpu.memory_space<hbm>> -> memref<2048xi32, #tpu.memory_space<hbm>>
          tpu.enqueue_dma source(%dma_start3A_321 : memref<2048xi32, #tpu.memory_space<hbm>>) target(%arg7 : memref<2048xi32, #tpu.memory_space<vmem>>) target_semaphore(%arg11 : memref<!tpu.dma_semaphore, #tpu.memory_space<semaphore_mem>>)
        } else {
        }
      } else {
      }
      %mul3A_290 = arith.constant 3 : i32
      %mul3A_291 = arith.muli %while3A_270, %mul3A_290 : i32
      %add3A_292 = arith.addi %select_n3A, %mul3A_291 : i32
      %add3A_293 = arith.constant 2 : i32
      %add3A_294 = arith.addi %add3A_292, %add3A_293 : i32
      %lt3A_295 = arith.cmpi slt, %add3A_294, %select_n3A_74 : i32
      %convert_element_type3A_296 = arith.extui %lt3A_295 : i1 to i32
      %cond3A_297 = arith.constant 0 : i32
      %cond3A_298 = arith.cmpi ne, %convert_element_type3A_296, %cond3A_297 : i32
      scf.if %cond3A_298 {
        %mul3A_300 = arith.constant 2048 : i32
        %mul3A_301 = arith.muli %add3A_294, %mul3A_300 : i32
        %dma_wait3A = tpu.memref_slice %arg2[%mul3A_301] : memref<6400000xi32, #tpu.memory_space<hbm>> -> memref<2048xi32, #tpu.memory_space<hbm>>
        %dma_wait3A_302 = tpu.memref_slice %arg2[%mul3A_301] : memref<6400000xi32, #tpu.memory_space<hbm>> -> memref<2048xi32, #tpu.memory_space<hbm>>
        tpu.wait_dma2 semaphore(%arg11 : memref<!tpu.dma_semaphore, #tpu.memory_space<semaphore_mem>>) src(%dma_wait3A_302 : memref<2048xi32, #tpu.memory_space<hbm>>) dst(%arg7 : memref<2048xi32, #tpu.memory_space<vmem>>)
        %dma_start3A = arith.constant 0 : i32
        %dma_start3A_303 = tpu.memref_slice %arg4[%dma_start3A] : memref<100352xf32, #tpu.memory_space<vmem_shared>> -> memref<100352xf32, #tpu.memory_space<vmem_shared>>
        tpu.enqueue_indirect_dma source(%arg8 : memref<2048xf32, #tpu.memory_space<vmem>>) target(%dma_start3A_303 : memref<100352xf32, #tpu.memory_space<vmem_shared>>) offsets(%arg7 : memref<2048xi32, #tpu.memory_space<vmem>>) semaphore(%arg14 : memref<!tpu.dma_semaphore, #tpu.memory_space<semaphore_mem>>) {add = true}
        %add3A_304 = arith.constant 1 : i32
        %add3A_305 = arith.addi %select_n3A, %add3A_304 : i32
        %gt3A_306 = arith.cmpi sgt, %add3A_294, %add3A_305 : i32
        %convert_element_type3A_307 = arith.extui %gt3A_306 : i1 to i32
        %cond3A_308 = arith.constant 0 : i32
        %cond3A_309 = arith.cmpi ne, %convert_element_type3A_307, %cond3A_308 : i32
        scf.if %cond3A_309 {
          %dma_wait3A_316 = arith.constant 0 : i32
          %dma_wait3A_317 = tpu.memref_slice %arg4[%dma_wait3A_316] : memref<100352xf32, #tpu.memory_space<vmem_shared>> -> memref<100352xf32, #tpu.memory_space<vmem_shared>>
          tpu.wait_indirect_dma semaphore(%arg12 : memref<!tpu.dma_semaphore, #tpu.memory_space<semaphore_mem>>) src(%arg8 : memref<2048xf32, #tpu.memory_space<vmem>>) dst(%dma_wait3A_317 : memref<100352xf32, #tpu.memory_space<vmem_shared>>)
        } else {
        }
        %add3A_310 = arith.constant 1 : i32
        %add3A_311 = arith.addi %add3A_294, %add3A_310 : i32
        %lt3A_312 = arith.cmpi slt, %add3A_311, %select_n3A_74 : i32
        %convert_element_type3A_313 = arith.extui %lt3A_312 : i1 to i32
        %cond3A_314 = arith.constant 0 : i32
        %cond3A_315 = arith.cmpi ne, %convert_element_type3A_313, %cond3A_314 : i32
        scf.if %cond3A_315 {
          %add3A_316 = arith.constant 1 : i32
          %add3A_317 = arith.addi %add3A_294, %add3A_316 : i32
          %mul3A_318 = arith.constant 2048 : i32
          %mul3A_319 = arith.muli %add3A_317, %mul3A_318 : i32
          %dma_start3A_320 = tpu.memref_slice %arg2[%mul3A_319] : memref<6400000xi32, #tpu.memory_space<hbm>> -> memref<2048xi32, #tpu.memory_space<hbm>>
          %dma_start3A_321 = tpu.memref_slice %arg2[%mul3A_319] : memref<6400000xi32, #tpu.memory_space<hbm>> -> memref<2048xi32, #tpu.memory_space<hbm>>
          tpu.enqueue_dma source(%dma_start3A_321 : memref<2048xi32, #tpu.memory_space<hbm>>) target(%arg5 : memref<2048xi32, #tpu.memory_space<vmem>>) target_semaphore(%arg9 : memref<!tpu.dma_semaphore, #tpu.memory_space<semaphore_mem>>)
        } else {
        }
      } else {
      }
      %while3A_299 = arith.constant 0 : i32
      scf.yield %while3A_299 : i32
    }
    %gt3A_115 = arith.constant 0 : i32
    %gt3A_116 = arith.cmpi sgt, %sub3A_75, %gt3A_115 : i32
    %sub3A_117 = arith.constant 1 : i32
    %sub3A_118 = arith.subi %sub3A_75, %sub3A_117 : i32
    %jit3A_119 = arith.constant 3 : i32
    %eq3A = arith.constant 0 : i32
    %eq3A_120 = arith.cmpi eq, %jit3A_119, %eq3A : i32
    %jit3A_121 = arith.constant 1 : i32
    %select_n3A_122 = arith.select %eq3A_120, %jit3A_121, %jit3A_119 : i32
    %rem3A_123 = arith.remsi %sub3A_118, %select_n3A_122 : i32
    %ne3A_124 = arith.constant 0 : i32
    %ne3A_125 = arith.cmpi ne, %rem3A_123, %ne3A_124 : i32
    %lt3A = arith.constant 0 : i32
    %lt3A_126 = arith.cmpi slt, %rem3A_123, %lt3A : i32
    %lt3A_127 = arith.constant 0 : i32
    %lt3A_128 = arith.cmpi slt, %select_n3A_122, %lt3A_127 : i32
    %ne3A_129 = arith.xori %lt3A_126, %lt3A_128 : i1
    %and3A_130 = arith.andi %ne3A_129, %ne3A_125 : i1
    %add3A_131 = arith.addi %rem3A_123, %select_n3A_122 : i32
    %select_n3A_132 = arith.select %and3A_130, %add3A_131, %rem3A_123 : i32
    %eq3A_133 = arith.constant 0 : i32
    %eq3A_134 = arith.cmpi eq, %select_n3A_132, %eq3A_133 : i32
    %and3A_135 = arith.andi %gt3A_116, %eq3A_134 : i1
    %convert_element_type3A_136 = arith.extui %and3A_135 : i1 to i32
    %cond3A_137 = arith.constant 0 : i32
    %cond3A_138 = arith.cmpi ne, %convert_element_type3A_136, %cond3A_137 : i32
    scf.if %cond3A_138 {
      %dma_wait3A = arith.constant 0 : i32
      %dma_wait3A_270 = tpu.memref_slice %arg4[%dma_wait3A] : memref<100352xf32, #tpu.memory_space<vmem_shared>> -> memref<100352xf32, #tpu.memory_space<vmem_shared>>
      tpu.wait_indirect_dma semaphore(%arg12 : memref<!tpu.dma_semaphore, #tpu.memory_space<semaphore_mem>>) src(%arg8 : memref<2048xf32, #tpu.memory_space<vmem>>) dst(%dma_wait3A_270 : memref<100352xf32, #tpu.memory_space<vmem_shared>>)
    } else {
    }
    %gt3A_139 = arith.constant 1 : i32
    %gt3A_140 = arith.cmpi sgt, %sub3A_75, %gt3A_139 : i32
    %sub3A_141 = arith.constant 2 : i32
    %sub3A_142 = arith.subi %sub3A_75, %sub3A_141 : i32
    %jit3A_143 = arith.constant 3 : i32
    %eq3A_144 = arith.constant 0 : i32
    %eq3A_145 = arith.cmpi eq, %jit3A_143, %eq3A_144 : i32
    %jit3A_146 = arith.constant 1 : i32
    %select_n3A_147 = arith.select %eq3A_145, %jit3A_146, %jit3A_143 : i32
    %rem3A_148 = arith.remsi %sub3A_142, %select_n3A_147 : i32
    %ne3A_149 = arith.constant 0 : i32
    %ne3A_150 = arith.cmpi ne, %rem3A_148, %ne3A_149 : i32
    %lt3A_151 = arith.constant 0 : i32
    %lt3A_152 = arith.cmpi slt, %rem3A_148, %lt3A_151 : i32
    %lt3A_153 = arith.constant 0 : i32
    %lt3A_154 = arith.cmpi slt, %select_n3A_147, %lt3A_153 : i32
    %ne3A_155 = arith.xori %lt3A_152, %lt3A_154 : i1
    %and3A_156 = arith.andi %ne3A_155, %ne3A_150 : i1
    %add3A_157 = arith.addi %rem3A_148, %select_n3A_147 : i32
    %select_n3A_158 = arith.select %and3A_156, %add3A_157, %rem3A_148 : i32
    %eq3A_159 = arith.constant 0 : i32
    %eq3A_160 = arith.cmpi eq, %select_n3A_158, %eq3A_159 : i32
    %and3A_161 = arith.andi %gt3A_140, %eq3A_160 : i1
    %convert_element_type3A_162 = arith.extui %and3A_161 : i1 to i32
    %cond3A_163 = arith.constant 0 : i32
    %cond3A_164 = arith.cmpi ne, %convert_element_type3A_162, %cond3A_163 : i32
    scf.if %cond3A_164 {
      %dma_wait3A = arith.constant 0 : i32
      %dma_wait3A_270 = tpu.memref_slice %arg4[%dma_wait3A] : memref<100352xf32, #tpu.memory_space<vmem_shared>> -> memref<100352xf32, #tpu.memory_space<vmem_shared>>
      tpu.wait_indirect_dma semaphore(%arg12 : memref<!tpu.dma_semaphore, #tpu.memory_space<semaphore_mem>>) src(%arg8 : memref<2048xf32, #tpu.memory_space<vmem>>) dst(%dma_wait3A_270 : memref<100352xf32, #tpu.memory_space<vmem_shared>>)
    } else {
    }
    %gt3A_165 = arith.constant 0 : i32
    %gt3A_166 = arith.cmpi sgt, %sub3A_75, %gt3A_165 : i32
    %sub3A_167 = arith.constant 1 : i32
    %sub3A_168 = arith.subi %sub3A_75, %sub3A_167 : i32
    %jit3A_169 = arith.constant 3 : i32
    %eq3A_170 = arith.constant 0 : i32
    %eq3A_171 = arith.cmpi eq, %jit3A_169, %eq3A_170 : i32
    %jit3A_172 = arith.constant 1 : i32
    %select_n3A_173 = arith.select %eq3A_171, %jit3A_172, %jit3A_169 : i32
    %rem3A_174 = arith.remsi %sub3A_168, %select_n3A_173 : i32
    %ne3A_175 = arith.constant 0 : i32
    %ne3A_176 = arith.cmpi ne, %rem3A_174, %ne3A_175 : i32
    %lt3A_177 = arith.constant 0 : i32
    %lt3A_178 = arith.cmpi slt, %rem3A_174, %lt3A_177 : i32
    %lt3A_179 = arith.constant 0 : i32
    %lt3A_180 = arith.cmpi slt, %select_n3A_173, %lt3A_179 : i32
    %ne3A_181 = arith.xori %lt3A_178, %lt3A_180 : i1
    %and3A_182 = arith.andi %ne3A_181, %ne3A_176 : i1
    %add3A_183 = arith.addi %rem3A_174, %select_n3A_173 : i32
    %select_n3A_184 = arith.select %and3A_182, %add3A_183, %rem3A_174 : i32
    %eq3A_185 = arith.constant 1 : i32
    %eq3A_186 = arith.cmpi eq, %select_n3A_184, %eq3A_185 : i32
    %and3A_187 = arith.andi %gt3A_166, %eq3A_186 : i1
    %convert_element_type3A_188 = arith.extui %and3A_187 : i1 to i32
    %cond3A_189 = arith.constant 0 : i32
    %cond3A_190 = arith.cmpi ne, %convert_element_type3A_188, %cond3A_189 : i32
    scf.if %cond3A_190 {
      %dma_wait3A = arith.constant 0 : i32
      %dma_wait3A_270 = tpu.memref_slice %arg4[%dma_wait3A] : memref<100352xf32, #tpu.memory_space<vmem_shared>> -> memref<100352xf32, #tpu.memory_space<vmem_shared>>
      tpu.wait_indirect_dma semaphore(%arg13 : memref<!tpu.dma_semaphore, #tpu.memory_space<semaphore_mem>>) src(%arg8 : memref<2048xf32, #tpu.memory_space<vmem>>) dst(%dma_wait3A_270 : memref<100352xf32, #tpu.memory_space<vmem_shared>>)
    } else {
    }
    %gt3A_191 = arith.constant 1 : i32
    %gt3A_192 = arith.cmpi sgt, %sub3A_75, %gt3A_191 : i32
    %sub3A_193 = arith.constant 2 : i32
    %sub3A_194 = arith.subi %sub3A_75, %sub3A_193 : i32
    %jit3A_195 = arith.constant 3 : i32
    %eq3A_196 = arith.constant 0 : i32
    %eq3A_197 = arith.cmpi eq, %jit3A_195, %eq3A_196 : i32
    %jit3A_198 = arith.constant 1 : i32
    %select_n3A_199 = arith.select %eq3A_197, %jit3A_198, %jit3A_195 : i32
    %rem3A_200 = arith.remsi %sub3A_194, %select_n3A_199 : i32
    %ne3A_201 = arith.constant 0 : i32
    %ne3A_202 = arith.cmpi ne, %rem3A_200, %ne3A_201 : i32
    %lt3A_203 = arith.constant 0 : i32
    %lt3A_204 = arith.cmpi slt, %rem3A_200, %lt3A_203 : i32
    %lt3A_205 = arith.constant 0 : i32
    %lt3A_206 = arith.cmpi slt, %select_n3A_199, %lt3A_205 : i32
    %ne3A_207 = arith.xori %lt3A_204, %lt3A_206 : i1
    %and3A_208 = arith.andi %ne3A_207, %ne3A_202 : i1
    %add3A_209 = arith.addi %rem3A_200, %select_n3A_199 : i32
    %select_n3A_210 = arith.select %and3A_208, %add3A_209, %rem3A_200 : i32
    %eq3A_211 = arith.constant 1 : i32
    %eq3A_212 = arith.cmpi eq, %select_n3A_210, %eq3A_211 : i32
    %and3A_213 = arith.andi %gt3A_192, %eq3A_212 : i1
    %convert_element_type3A_214 = arith.extui %and3A_213 : i1 to i32
    %cond3A_215 = arith.constant 0 : i32
    %cond3A_216 = arith.cmpi ne, %convert_element_type3A_214, %cond3A_215 : i32
    scf.if %cond3A_216 {
      %dma_wait3A = arith.constant 0 : i32
      %dma_wait3A_270 = tpu.memref_slice %arg4[%dma_wait3A] : memref<100352xf32, #tpu.memory_space<vmem_shared>> -> memref<100352xf32, #tpu.memory_space<vmem_shared>>
      tpu.wait_indirect_dma semaphore(%arg13 : memref<!tpu.dma_semaphore, #tpu.memory_space<semaphore_mem>>) src(%arg8 : memref<2048xf32, #tpu.memory_space<vmem>>) dst(%dma_wait3A_270 : memref<100352xf32, #tpu.memory_space<vmem_shared>>)
    } else {
    }
    %gt3A_217 = arith.constant 0 : i32
    %gt3A_218 = arith.cmpi sgt, %sub3A_75, %gt3A_217 : i32
    %sub3A_219 = arith.constant 1 : i32
    %sub3A_220 = arith.subi %sub3A_75, %sub3A_219 : i32
    %jit3A_221 = arith.constant 3 : i32
    %eq3A_222 = arith.constant 0 : i32
    %eq3A_223 = arith.cmpi eq, %jit3A_221, %eq3A_222 : i32
    %jit3A_224 = arith.constant 1 : i32
    %select_n3A_225 = arith.select %eq3A_223, %jit3A_224, %jit3A_221 : i32
    %rem3A_226 = arith.remsi %sub3A_220, %select_n3A_225 : i32
    %ne3A_227 = arith.constant 0 : i32
    %ne3A_228 = arith.cmpi ne, %rem3A_226, %ne3A_227 : i32
    %lt3A_229 = arith.constant 0 : i32
    %lt3A_230 = arith.cmpi slt, %rem3A_226, %lt3A_229 : i32
    %lt3A_231 = arith.constant 0 : i32
    %lt3A_232 = arith.cmpi slt, %select_n3A_225, %lt3A_231 : i32
    %ne3A_233 = arith.xori %lt3A_230, %lt3A_232 : i1
    %and3A_234 = arith.andi %ne3A_233, %ne3A_228 : i1
    %add3A_235 = arith.addi %rem3A_226, %select_n3A_225 : i32
    %select_n3A_236 = arith.select %and3A_234, %add3A_235, %rem3A_226 : i32
    %eq3A_237 = arith.constant 2 : i32
    %eq3A_238 = arith.cmpi eq, %select_n3A_236, %eq3A_237 : i32
    %and3A_239 = arith.andi %gt3A_218, %eq3A_238 : i1
    %convert_element_type3A_240 = arith.extui %and3A_239 : i1 to i32
    %cond3A_241 = arith.constant 0 : i32
    %cond3A_242 = arith.cmpi ne, %convert_element_type3A_240, %cond3A_241 : i32
    scf.if %cond3A_242 {
      %dma_wait3A = arith.constant 0 : i32
      %dma_wait3A_270 = tpu.memref_slice %arg4[%dma_wait3A] : memref<100352xf32, #tpu.memory_space<vmem_shared>> -> memref<100352xf32, #tpu.memory_space<vmem_shared>>
      tpu.wait_indirect_dma semaphore(%arg14 : memref<!tpu.dma_semaphore, #tpu.memory_space<semaphore_mem>>) src(%arg8 : memref<2048xf32, #tpu.memory_space<vmem>>) dst(%dma_wait3A_270 : memref<100352xf32, #tpu.memory_space<vmem_shared>>)
    } else {
    }
    %gt3A_243 = arith.constant 1 : i32
    %gt3A_244 = arith.cmpi sgt, %sub3A_75, %gt3A_243 : i32
    %sub3A_245 = arith.constant 2 : i32
    %sub3A_246 = arith.subi %sub3A_75, %sub3A_245 : i32
    %jit3A_247 = arith.constant 3 : i32
    %eq3A_248 = arith.constant 0 : i32
    %eq3A_249 = arith.cmpi eq, %jit3A_247, %eq3A_248 : i32
    %jit3A_250 = arith.constant 1 : i32
    %select_n3A_251 = arith.select %eq3A_249, %jit3A_250, %jit3A_247 : i32
    %rem3A_252 = arith.remsi %sub3A_246, %select_n3A_251 : i32
    %ne3A_253 = arith.constant 0 : i32
    %ne3A_254 = arith.cmpi ne, %rem3A_252, %ne3A_253 : i32
    %lt3A_255 = arith.constant 0 : i32
    %lt3A_256 = arith.cmpi slt, %rem3A_252, %lt3A_255 : i32
    %lt3A_257 = arith.constant 0 : i32
    %lt3A_258 = arith.cmpi slt, %select_n3A_251, %lt3A_257 : i32
    %ne3A_259 = arith.xori %lt3A_256, %lt3A_258 : i1
    %and3A_260 = arith.andi %ne3A_259, %ne3A_254 : i1
    %add3A_261 = arith.addi %rem3A_252, %select_n3A_251 : i32
    %select_n3A_262 = arith.select %and3A_260, %add3A_261, %rem3A_252 : i32
    %eq3A_263 = arith.constant 2 : i32
    %eq3A_264 = arith.cmpi eq, %select_n3A_262, %eq3A_263 : i32
    %and3A_265 = arith.andi %gt3A_244, %eq3A_264 : i1
    %convert_element_type3A_266 = arith.extui %and3A_265 : i1 to i32
    %cond3A_267 = arith.constant 0 : i32
    %cond3A_268 = arith.cmpi ne, %convert_element_type3A_266, %cond3A_267 : i32
    scf.if %cond3A_268 {
      %dma_wait3A = arith.constant 0 : i32
      %dma_wait3A_270 = tpu.memref_slice %arg4[%dma_wait3A] : memref<100352xf32, #tpu.memory_space<vmem_shared>> -> memref<100352xf32, #tpu.memory_space<vmem_shared>>
      tpu.wait_indirect_dma semaphore(%arg14 : memref<!tpu.dma_semaphore, #tpu.memory_space<semaphore_mem>>) src(%arg8 : memref<2048xf32, #tpu.memory_space<vmem>>) dst(%dma_wait3A_270 : memref<100352xf32, #tpu.memory_space<vmem_shared>>)
    } else {
    }
    %barrier3A_269 = arith.constant 0 : index
    tpu.barrier barrier_id(%barrier3A_269)
    "tpu.region"() ({
      %run_scoped3A = tpu.sem_alloc : memref<!tpu.dma_semaphore, #tpu.memory_space<semaphore_mem>>
      %dma_start3A = tpu.memref_slice %arg3[%arg0, %mul3A_0] : memref<2x100352xf32, #tpu.memory_space<hbm>> -> memref<1x6272xf32, #tpu.memory_space<hbm>>
      %dma_start3A_270 = tpu.memref_squeeze %dma_start3A : memref<1x6272xf32, #tpu.memory_space<hbm>> -> memref<6272xf32, #tpu.memory_space<hbm>>
      %dma_start3A_271 = tpu.memref_slice %arg4[%mul3A_0] : memref<100352xf32, #tpu.memory_space<vmem_shared>> -> memref<6272xf32, #tpu.memory_space<vmem_shared>>
      tpu.enqueue_dma source(%dma_start3A_271 : memref<6272xf32, #tpu.memory_space<vmem_shared>>) target(%dma_start3A_270 : memref<6272xf32, #tpu.memory_space<hbm>>) target_semaphore(%run_scoped3A : memref<!tpu.dma_semaphore, #tpu.memory_space<semaphore_mem>>)
      %dma_wait3A = tpu.memref_slice %arg3[%arg0, %mul3A_0] : memref<2x100352xf32, #tpu.memory_space<hbm>> -> memref<1x6272xf32, #tpu.memory_space<hbm>>
      %dma_wait3A_272 = tpu.memref_squeeze %dma_wait3A : memref<1x6272xf32, #tpu.memory_space<hbm>> -> memref<6272xf32, #tpu.memory_space<hbm>>
      %dma_wait3A_273 = tpu.memref_slice %arg4[%mul3A_0] : memref<100352xf32, #tpu.memory_space<vmem_shared>> -> memref<6272xf32, #tpu.memory_space<vmem_shared>>
      tpu.wait_dma2 semaphore(%run_scoped3A : memref<!tpu.dma_semaphore, #tpu.memory_space<semaphore_mem>>) src(%dma_wait3A_273 : memref<6272xf32, #tpu.memory_space<vmem_shared>>) dst(%dma_wait3A_272 : memref<6272xf32, #tpu.memory_space<hbm>>)
      tpu.yield
    }) : () -> ()
    return
  }
}

#map = affine_map<(d0, d1) -> (0)>
#map1 = affine_map<(d0, d1) -> (0, 0)>
module attributes {stable_mosaic.version = 14 : i64} {
  func.func @body(%arg0: i32, %arg1: i32, %arg2: memref<6400000xi32, #tpu.memory_space<hbm>>, %arg3: memref<6400000xi32, #tpu.memory_space<hbm>>, %arg4: memref<100352xf32, #tpu.memory_space<hbm>>, %arg5: memref<2x100352xf32, #tpu.memory_space<hbm>>, %arg6: memref<100352xf32, #tpu.memory_space<vmem_shared>>, %arg7: memref<100352xf32, #tpu.memory_space<vmem>>, %arg8: memref<2048xi32, #tpu.memory_space<vmem>>, %arg9: memref<2048xi32, #tpu.memory_space<vmem>>, %arg10: memref<2048xi32, #tpu.memory_space<vmem>>, %arg11: memref<2048xi32, #tpu.memory_space<vmem>>, %arg12: memref<2048xi32, #tpu.memory_space<vmem>>, %arg13: memref<2048xi32, #tpu.memory_space<vmem>>, %arg14: memref<2048xf32, #tpu.memory_space<vmem>>, %arg15: memref<2048xf32, #tpu.memory_space<vmem>>, %arg16: memref<2048xf32, #tpu.memory_space<vmem>>, %arg17: memref<!tpu.dma_semaphore, #tpu.memory_space<semaphore_mem>>, %arg18: memref<!tpu.dma_semaphore, #tpu.memory_space<semaphore_mem>>, %arg19: memref<!tpu.dma_semaphore, #tpu.memory_space<semaphore_mem>>, %arg20: memref<!tpu.dma_semaphore, #tpu.memory_space<semaphore_mem>>, %arg21: memref<!tpu.dma_semaphore, #tpu.memory_space<semaphore_mem>>, %arg22: memref<!tpu.dma_semaphore, #tpu.memory_space<semaphore_mem>>) attributes {dimension_semantics = [#tpu.dimension_semantics<core_parallel>, #tpu.dimension_semantics<subcore_parallel>], iteration_bounds = array<i64: 2, 16>, scalar_prefetch = 0 : i64, scratch_operands = 17 : i64, tpu.core_type = #tpu.core_type<sc_vector_subcore>, window_params = [{transform_indices = #map}, {transform_indices = #map}, {transform_indices = #map}, {transform_indices = #map1}]} {
    %mul3A = arith.constant 6272 : i32
    %mul3A_0 = arith.muli %arg1, %mul3A : i32
    %broadcast_in_dim3A = arith.constant 0.000000e+00 : f32
    %broadcast_in_dim3A_1 = vector.broadcast %broadcast_in_dim3A : f32 to vector<16xf32>
    %scan3A = arith.constant 0 : i32
    %scan3A_2 = arith.constant 0 : i32
    %scan3A_3 = arith.constant 128 : i32
    %scan3A_4 = arith.addi %scan3A_2, %scan3A_3 : i32
    %scan3A_5 = arith.constant 1 : i32
    %scan3A_6 = scf.for %scan3A_261 = %scan3A_2 to %scan3A_4 step %scan3A_5 iter_args(%scan3A_262 = %scan3A) -> (i32)  : i32 {
      %mul3A_263 = arith.constant 16 : i32
      %mul3A_264 = arith.muli %scan3A_261, %mul3A_263 : i32
      %swap3A = arith.index_cast %mul3A_264 : i32 to index
      %swap3A_265 = tpu.vector_load %arg14[%swap3A] {strides = array<i32>} : memref<2048xf32, #tpu.memory_space<vmem>>, vector<16xf32>,
      tpu.vector_store %arg14[%swap3A], %broadcast_in_dim3A_1 {strides = array<i32>} : memref<2048xf32, #tpu.memory_space<vmem>>, vector<16xf32>,
      %scan3A_266 = arith.constant 0 : i32
      scf.yield %scan3A_266 : i32
    }
    %scan3A_7 = arith.constant 128 : i32
    %add3A = arith.constant 0 : i32
    %add3A_8 = arith.addi %mul3A_0, %add3A : i32
    "tpu.region"() ({
      %run_scoped3A = tpu.sem_alloc : memref<!tpu.dma_semaphore, #tpu.memory_space<semaphore_mem>>
      %dma_start3A = tpu.memref_slice %arg6[%add3A_8] : memref<100352xf32, #tpu.memory_space<vmem_shared>> -> memref<2048xf32, #tpu.memory_space<vmem_shared>>
      %dma_start3A_261 = tpu.memref_slice %arg6[%add3A_8] : memref<100352xf32, #tpu.memory_space<vmem_shared>> -> memref<2048xf32, #tpu.memory_space<vmem_shared>>
      tpu.enqueue_dma source(%arg14 : memref<2048xf32, #tpu.memory_space<vmem>>) target(%dma_start3A_261 : memref<2048xf32, #tpu.memory_space<vmem_shared>>) target_semaphore(%run_scoped3A : memref<!tpu.dma_semaphore, #tpu.memory_space<semaphore_mem>>)
      %dma_wait3A = tpu.memref_slice %arg6[%add3A_8] : memref<100352xf32, #tpu.memory_space<vmem_shared>> -> memref<2048xf32, #tpu.memory_space<vmem_shared>>
      %dma_wait3A_262 = tpu.memref_slice %arg6[%add3A_8] : memref<100352xf32, #tpu.memory_space<vmem_shared>> -> memref<2048xf32, #tpu.memory_space<vmem_shared>>
      tpu.wait_dma2 semaphore(%run_scoped3A : memref<!tpu.dma_semaphore, #tpu.memory_space<semaphore_mem>>) src(%arg14 : memref<2048xf32, #tpu.memory_space<vmem>>) dst(%dma_wait3A_262 : memref<2048xf32, #tpu.memory_space<vmem_shared>>)
      tpu.yield
    }) : () -> ()
    %add3A_9 = arith.constant 2048 : i32
    %add3A_10 = arith.addi %mul3A_0, %add3A_9 : i32
    "tpu.region"() ({
      %run_scoped3A = tpu.sem_alloc : memref<!tpu.dma_semaphore, #tpu.memory_space<semaphore_mem>>
      %dma_start3A = tpu.memref_slice %arg6[%add3A_10] : memref<100352xf32, #tpu.memory_space<vmem_shared>> -> memref<2048xf32, #tpu.memory_space<vmem_shared>>
      %dma_start3A_261 = tpu.memref_slice %arg6[%add3A_10] : memref<100352xf32, #tpu.memory_space<vmem_shared>> -> memref<2048xf32, #tpu.memory_space<vmem_shared>>
      tpu.enqueue_dma source(%arg14 : memref<2048xf32, #tpu.memory_space<vmem>>) target(%dma_start3A_261 : memref<2048xf32, #tpu.memory_space<vmem_shared>>) target_semaphore(%run_scoped3A : memref<!tpu.dma_semaphore, #tpu.memory_space<semaphore_mem>>)
      %dma_wait3A = tpu.memref_slice %arg6[%add3A_10] : memref<100352xf32, #tpu.memory_space<vmem_shared>> -> memref<2048xf32, #tpu.memory_space<vmem_shared>>
      %dma_wait3A_262 = tpu.memref_slice %arg6[%add3A_10] : memref<100352xf32, #tpu.memory_space<vmem_shared>> -> memref<2048xf32, #tpu.memory_space<vmem_shared>>
      tpu.wait_dma2 semaphore(%run_scoped3A : memref<!tpu.dma_semaphore, #tpu.memory_space<semaphore_mem>>) src(%arg14 : memref<2048xf32, #tpu.memory_space<vmem>>) dst(%dma_wait3A_262 : memref<2048xf32, #tpu.memory_space<vmem_shared>>)
      tpu.yield
    }) : () -> ()
    %add3A_11 = arith.constant 4096 : i32
    %add3A_12 = arith.addi %mul3A_0, %add3A_11 : i32
    "tpu.region"() ({
      %run_scoped3A = tpu.sem_alloc : memref<!tpu.dma_semaphore, #tpu.memory_space<semaphore_mem>>
      %dma_start3A = tpu.memref_slice %arg6[%add3A_12] : memref<100352xf32, #tpu.memory_space<vmem_shared>> -> memref<2048xf32, #tpu.memory_space<vmem_shared>>
      %dma_start3A_261 = tpu.memref_slice %arg6[%add3A_12] : memref<100352xf32, #tpu.memory_space<vmem_shared>> -> memref<2048xf32, #tpu.memory_space<vmem_shared>>
      tpu.enqueue_dma source(%arg14 : memref<2048xf32, #tpu.memory_space<vmem>>) target(%dma_start3A_261 : memref<2048xf32, #tpu.memory_space<vmem_shared>>) target_semaphore(%run_scoped3A : memref<!tpu.dma_semaphore, #tpu.memory_space<semaphore_mem>>)
      %dma_wait3A = tpu.memref_slice %arg6[%add3A_12] : memref<100352xf32, #tpu.memory_space<vmem_shared>> -> memref<2048xf32, #tpu.memory_space<vmem_shared>>
      %dma_wait3A_262 = tpu.memref_slice %arg6[%add3A_12] : memref<100352xf32, #tpu.memory_space<vmem_shared>> -> memref<2048xf32, #tpu.memory_space<vmem_shared>>
      tpu.wait_dma2 semaphore(%run_scoped3A : memref<!tpu.dma_semaphore, #tpu.memory_space<semaphore_mem>>) src(%arg14 : memref<2048xf32, #tpu.memory_space<vmem>>) dst(%dma_wait3A_262 : memref<2048xf32, #tpu.memory_space<vmem_shared>>)
      tpu.yield
    }) : () -> ()
    %add3A_13 = arith.constant 6272 : i32
    %add3A_14 = arith.addi %mul3A_0, %add3A_13 : i32
    %sub3A = arith.constant 128 : i32
    %sub3A_15 = arith.subi %add3A_14, %sub3A : i32
    "tpu.region"() ({
      %run_scoped3A = tpu.sem_alloc : memref<!tpu.dma_semaphore, #tpu.memory_space<semaphore_mem>>
      %dma_start3A = arith.constant 0 : i32
      %dma_start3A_261 = tpu.memref_slice %arg14[%dma_start3A] : memref<2048xf32, #tpu.memory_space<vmem>> -> memref<128xf32, #tpu.memory_space<vmem>>
      %dma_start3A_262 = tpu.memref_slice %arg6[%sub3A_15] : memref<100352xf32, #tpu.memory_space<vmem_shared>> -> memref<128xf32, #tpu.memory_space<vmem_shared>>
      %dma_start3A_263 = tpu.memref_slice %arg6[%sub3A_15] : memref<100352xf32, #tpu.memory_space<vmem_shared>> -> memref<128xf32, #tpu.memory_space<vmem_shared>>
      %dma_start3A_264 = arith.constant 0 : i32
      %dma_start3A_265 = tpu.memref_slice %arg14[%dma_start3A_264] : memref<2048xf32, #tpu.memory_space<vmem>> -> memref<128xf32, #tpu.memory_space<vmem>>
      tpu.enqueue_dma source(%dma_start3A_265 : memref<128xf32, #tpu.memory_space<vmem>>) target(%dma_start3A_263 : memref<128xf32, #tpu.memory_space<vmem_shared>>) target_semaphore(%run_scoped3A : memref<!tpu.dma_semaphore, #tpu.memory_space<semaphore_mem>>)
      %dma_wait3A = arith.constant 0 : i32
      %dma_wait3A_266 = tpu.memref_slice %arg14[%dma_wait3A] : memref<2048xf32, #tpu.memory_space<vmem>> -> memref<128xf32, #tpu.memory_space<vmem>>
      %dma_wait3A_267 = tpu.memref_slice %arg6[%sub3A_15] : memref<100352xf32, #tpu.memory_space<vmem_shared>> -> memref<128xf32, #tpu.memory_space<vmem_shared>>
      %dma_wait3A_268 = tpu.memref_slice %arg6[%sub3A_15] : memref<100352xf32, #tpu.memory_space<vmem_shared>> -> memref<128xf32, #tpu.memory_space<vmem_shared>>
      %dma_wait3A_269 = arith.constant 0 : i32
      %dma_wait3A_270 = tpu.memref_slice %arg14[%dma_wait3A_269] : memref<2048xf32, #tpu.memory_space<vmem>> -> memref<128xf32, #tpu.memory_space<vmem>>
      tpu.wait_dma2 semaphore(%run_scoped3A : memref<!tpu.dma_semaphore, #tpu.memory_space<semaphore_mem>>) src(%dma_wait3A_270 : memref<128xf32, #tpu.memory_space<vmem>>) dst(%dma_wait3A_268 : memref<128xf32, #tpu.memory_space<vmem_shared>>)
      tpu.yield
    }) : () -> ()
    "tpu.region"() ({
      %run_scoped3A = tpu.sem_alloc : memref<!tpu.dma_semaphore, #tpu.memory_space<semaphore_mem>>
      tpu.enqueue_dma source(%arg4 : memref<100352xf32, #tpu.memory_space<hbm>>) target(%arg7 : memref<100352xf32, #tpu.memory_space<vmem>>) target_semaphore(%run_scoped3A : memref<!tpu.dma_semaphore, #tpu.memory_space<semaphore_mem>>)
      tpu.wait_dma2 semaphore(%run_scoped3A : memref<!tpu.dma_semaphore, #tpu.memory_space<semaphore_mem>>) src(%arg4 : memref<100352xf32, #tpu.memory_space<hbm>>) dst(%arg7 : memref<100352xf32, #tpu.memory_space<vmem>>)
      tpu.yield
    }) : () -> ()
    %barrier3A = arith.constant 0 : index
    tpu.barrier barrier_id(%barrier3A)
    %mul3A_16 = arith.constant 2 : i32
    %mul3A_17 = arith.muli %arg1, %mul3A_16 : i32
    %add3A_18 = arith.addi %mul3A_17, %arg0 : i32
    %mul3A_19 = arith.constant 3125 : i32
    %mul3A_20 = arith.muli %add3A_18, %mul3A_19 : i32
    %jit3A = arith.constant 32 : i32
    %div3A = arith.divsi %mul3A_20, %jit3A : i32
    %sign3A = arith.constant 0 : i32
    %sign3A_21 = arith.cmpi sgt, %mul3A_20, %sign3A : i32
    %sign3A_22 = arith.extui %sign3A_21 : i1 to i32
    %sign3A_23 = arith.constant 0 : i32
    %sign3A_24 = arith.cmpi slt, %mul3A_20, %sign3A_23 : i32
    %sign3A_25 = arith.extui %sign3A_24 : i1 to i32
    %sign3A_26 = arith.subi %sign3A_22, %sign3A_25 : i32
    %sign3A_27 = arith.constant 0 : i32
    %sign3A_28 = arith.cmpi sgt, %jit3A, %sign3A_27 : i32
    %sign3A_29 = arith.extui %sign3A_28 : i1 to i32
    %sign3A_30 = arith.constant 0 : i32
    %sign3A_31 = arith.cmpi slt, %jit3A, %sign3A_30 : i32
    %sign3A_32 = arith.extui %sign3A_31 : i1 to i32
    %sign3A_33 = arith.subi %sign3A_29, %sign3A_32 : i32
    %ne3A = arith.cmpi ne, %sign3A_26, %sign3A_33 : i32
    %rem3A = arith.remsi %mul3A_20, %jit3A : i32
    %ne3A_34 = arith.constant 0 : i32
    %ne3A_35 = arith.cmpi ne, %rem3A, %ne3A_34 : i32
    %and3A = arith.andi %ne3A, %ne3A_35 : i1
    %sub3A_36 = arith.constant 1 : i32
    %sub3A_37 = arith.subi %div3A, %sub3A_36 : i32
    %select_n3A = arith.select %and3A, %sub3A_37, %div3A : i32
    %add3A_38 = arith.constant 1 : i32
    %add3A_39 = arith.addi %add3A_18, %add3A_38 : i32
    %mul3A_40 = arith.constant 3125 : i32
    %mul3A_41 = arith.muli %add3A_39, %mul3A_40 : i32
    %jit3A_42 = arith.constant 32 : i32
    %div3A_43 = arith.divsi %mul3A_41, %jit3A_42 : i32
    %sign3A_44 = arith.constant 0 : i32
    %sign3A_45 = arith.cmpi sgt, %mul3A_41, %sign3A_44 : i32
    %sign3A_46 = arith.extui %sign3A_45 : i1 to i32
    %sign3A_47 = arith.constant 0 : i32
    %sign3A_48 = arith.cmpi slt, %mul3A_41, %sign3A_47 : i32
    %sign3A_49 = arith.extui %sign3A_48 : i1 to i32
    %sign3A_50 = arith.subi %sign3A_46, %sign3A_49 : i32
    %sign3A_51 = arith.constant 0 : i32
    %sign3A_52 = arith.cmpi sgt, %jit3A_42, %sign3A_51 : i32
    %sign3A_53 = arith.extui %sign3A_52 : i1 to i32
    %sign3A_54 = arith.constant 0 : i32
    %sign3A_55 = arith.cmpi slt, %jit3A_42, %sign3A_54 : i32
    %sign3A_56 = arith.extui %sign3A_55 : i1 to i32
    %sign3A_57 = arith.subi %sign3A_53, %sign3A_56 : i32
    %ne3A_58 = arith.cmpi ne, %sign3A_50, %sign3A_57 : i32
    %rem3A_59 = arith.remsi %mul3A_41, %jit3A_42 : i32
    %ne3A_60 = arith.constant 0 : i32
    %ne3A_61 = arith.cmpi ne, %rem3A_59, %ne3A_60 : i32
    %and3A_62 = arith.andi %ne3A_58, %ne3A_61 : i1
    %sub3A_63 = arith.constant 1 : i32
    %sub3A_64 = arith.subi %div3A_43, %sub3A_63 : i32
    %select_n3A_65 = arith.select %and3A_62, %sub3A_64, %div3A_43 : i32
    %sub3A_66 = arith.subi %select_n3A_65, %select_n3A : i32
    %gt3A = arith.constant 0 : i32
    %gt3A_67 = arith.cmpi sgt, %sub3A_66, %gt3A : i32
    %convert_element_type3A = arith.extui %gt3A_67 : i1 to i32
    %cond3A = arith.constant 0 : i32
    %cond3A_68 = arith.cmpi ne, %convert_element_type3A, %cond3A : i32
    scf.if %cond3A_68 {
      %mul3A_261 = arith.constant 2048 : i32
      %mul3A_262 = arith.muli %select_n3A, %mul3A_261 : i32
      %dma_start3A = tpu.memref_slice %arg2[%mul3A_262] : memref<6400000xi32, #tpu.memory_space<hbm>> -> memref<2048xi32, #tpu.memory_space<hbm>>
      %dma_start3A_263 = tpu.memref_slice %arg2[%mul3A_262] : memref<6400000xi32, #tpu.memory_space<hbm>> -> memref<2048xi32, #tpu.memory_space<hbm>>
      tpu.enqueue_dma source(%dma_start3A_263 : memref<2048xi32, #tpu.memory_space<hbm>>) target(%arg8 : memref<2048xi32, #tpu.memory_space<vmem>>) target_semaphore(%arg17 : memref<!tpu.dma_semaphore, #tpu.memory_space<semaphore_mem>>)
      %dma_start3A_264 = tpu.memref_slice %arg3[%mul3A_262] : memref<6400000xi32, #tpu.memory_space<hbm>> -> memref<2048xi32, #tpu.memory_space<hbm>>
      %dma_start3A_265 = tpu.memref_slice %arg3[%mul3A_262] : memref<6400000xi32, #tpu.memory_space<hbm>> -> memref<2048xi32, #tpu.memory_space<hbm>>
      tpu.enqueue_dma source(%dma_start3A_265 : memref<2048xi32, #tpu.memory_space<hbm>>) target(%arg11 : memref<2048xi32, #tpu.memory_space<vmem>>) target_semaphore(%arg17 : memref<!tpu.dma_semaphore, #tpu.memory_space<semaphore_mem>>)
    } else {
    }
    %add3A_69 = arith.constant 2 : i32
    %add3A_70 = arith.addi %sub3A_66, %add3A_69 : i32
    %jit3A_71 = arith.constant 3 : i32
    %div3A_72 = arith.divsi %add3A_70, %jit3A_71 : i32
    %sign3A_73 = arith.constant 0 : i32
    %sign3A_74 = arith.cmpi sgt, %add3A_70, %sign3A_73 : i32
    %sign3A_75 = arith.extui %sign3A_74 : i1 to i32
    %sign3A_76 = arith.constant 0 : i32
    %sign3A_77 = arith.cmpi slt, %add3A_70, %sign3A_76 : i32
    %sign3A_78 = arith.extui %sign3A_77 : i1 to i32
    %sign3A_79 = arith.subi %sign3A_75, %sign3A_78 : i32
    %sign3A_80 = arith.constant 0 : i32
    %sign3A_81 = arith.cmpi sgt, %jit3A_71, %sign3A_80 : i32
    %sign3A_82 = arith.extui %sign3A_81 : i1 to i32
    %sign3A_83 = arith.constant 0 : i32
    %sign3A_84 = arith.cmpi slt, %jit3A_71, %sign3A_83 : i32
    %sign3A_85 = arith.extui %sign3A_84 : i1 to i32
    %sign3A_86 = arith.subi %sign3A_82, %sign3A_85 : i32
    %ne3A_87 = arith.cmpi ne, %sign3A_79, %sign3A_86 : i32
    %rem3A_88 = arith.remsi %add3A_70, %jit3A_71 : i32
    %ne3A_89 = arith.constant 0 : i32
    %ne3A_90 = arith.cmpi ne, %rem3A_88, %ne3A_89 : i32
    %and3A_91 = arith.andi %ne3A_87, %ne3A_90 : i1
    %sub3A_92 = arith.constant 1 : i32
    %sub3A_93 = arith.subi %div3A_72, %sub3A_92 : i32
    %select_n3A_94 = arith.select %and3A_91, %sub3A_93, %div3A_72 : i32
    %while3A = arith.constant 0 : i32
    %while3A_95 = arith.constant 0 : i32
    %while3A_96 = arith.subi %select_n3A_94, %while3A : i32
    %while3A_97 = arith.addi %while3A, %while3A_96 : i32
    %while3A_98 = arith.constant 1 : i32
    %while3A_99 = arith.divsi %while3A_96, %while3A_98 : i32
    %while3A_100 = arith.muli %while3A_99, %while3A_98 : i32
    %while3A_101 = arith.addi %while3A, %while3A_100 : i32
    %while3A_102 = arith.constant 1 : i32
    %while3A_103 = scf.for %while3A_261 = %while3A to %while3A_101 step %while3A_102 iter_args(%while3A_262 = %while3A_95) -> (i32)  : i32 {
      %mul3A_263 = arith.constant 3 : i32
      %mul3A_264 = arith.muli %while3A_261, %mul3A_263 : i32
      %add3A_265 = arith.addi %select_n3A, %mul3A_264 : i32
      %add3A_266 = arith.constant 0 : i32
      %add3A_267 = arith.addi %add3A_265, %add3A_266 : i32
      %lt3A_268 = arith.cmpi slt, %add3A_267, %select_n3A_65 : i32
      %convert_element_type3A_269 = arith.extui %lt3A_268 : i1 to i32
      %cond3A_270 = arith.constant 0 : i32
      %cond3A_271 = arith.cmpi ne, %convert_element_type3A_269, %cond3A_270 : i32
      scf.if %cond3A_271 {
        %mul3A_291 = arith.constant 2048 : i32
        %mul3A_292 = arith.muli %add3A_267, %mul3A_291 : i32
        %dma_wait3A = tpu.memref_slice %arg2[%mul3A_292] : memref<6400000xi32, #tpu.memory_space<hbm>> -> memref<2048xi32, #tpu.memory_space<hbm>>
        %dma_wait3A_293 = tpu.memref_slice %arg2[%mul3A_292] : memref<6400000xi32, #tpu.memory_space<hbm>> -> memref<2048xi32, #tpu.memory_space<hbm>>
        tpu.wait_dma2 semaphore(%arg17 : memref<!tpu.dma_semaphore, #tpu.memory_space<semaphore_mem>>) src(%dma_wait3A_293 : memref<2048xi32, #tpu.memory_space<hbm>>) dst(%arg8 : memref<2048xi32, #tpu.memory_space<vmem>>)
        %dma_wait3A_294 = tpu.memref_slice %arg3[%mul3A_292] : memref<6400000xi32, #tpu.memory_space<hbm>> -> memref<2048xi32, #tpu.memory_space<hbm>>
        %dma_wait3A_295 = tpu.memref_slice %arg3[%mul3A_292] : memref<6400000xi32, #tpu.memory_space<hbm>> -> memref<2048xi32, #tpu.memory_space<hbm>>
        tpu.wait_dma2 semaphore(%arg17 : memref<!tpu.dma_semaphore, #tpu.memory_space<semaphore_mem>>) src(%dma_wait3A_295 : memref<2048xi32, #tpu.memory_space<hbm>>) dst(%arg11 : memref<2048xi32, #tpu.memory_space<vmem>>)
        %parallel_loop3A = arith.constant 0 : i32
        %parallel_loop3A_296 = arith.constant 128 : i32
        %parallel_loop3A_297 = arith.constant 1 : i32
        scf.for %parallel_loop3A_311 = %parallel_loop3A to %parallel_loop3A_296 step %parallel_loop3A_297  : i32 {
          %parallel_loop3A_312 = arith.constant 16 : i32
          %parallel_loop3A_313 = arith.muli %parallel_loop3A_311, %parallel_loop3A_312 : i32
          %parallel_loop3A_314 = arith.index_cast %parallel_loop3A_313 : i32 to index
          %parallel_loop3A_315 = tpu.vector_load %arg8[%parallel_loop3A_314] {strides = array<i32>} : memref<2048xi32, #tpu.memory_space<vmem>>, vector<16xi32>,
          %parallel_loop3A_316 = tpu.vector_load_idx %arg7[%parallel_loop3A_315] : memref<100352xf32, #tpu.memory_space<vmem>>[vector<16xi32>], vector<16xf32>,
          %parallel_loop3A_317 = arith.constant 16 : i32
          %parallel_loop3A_318 = arith.muli %parallel_loop3A_311, %parallel_loop3A_317 : i32
          %parallel_loop3A_319 = arith.index_cast %parallel_loop3A_318 : i32 to index
          %parallel_loop3A_320 = tpu.vector_load %arg14[%parallel_loop3A_319] {strides = array<i32>} : memref<2048xf32, #tpu.memory_space<vmem>>, vector<16xf32>,
          tpu.vector_store %arg14[%parallel_loop3A_319], %parallel_loop3A_316 {strides = array<i32>} : memref<2048xf32, #tpu.memory_space<vmem>>, vector<16xf32>,
        } {sc.loop_unroll_factor = 16 : i64, sc.parallel_access}
        %dma_start3A = arith.constant 0 : i32
        %dma_start3A_298 = tpu.memref_slice %arg6[%dma_start3A] : memref<100352xf32, #tpu.memory_space<vmem_shared>> -> memref<100352xf32, #tpu.memory_space<vmem_shared>>
        tpu.enqueue_indirect_dma source(%arg14 : memref<2048xf32, #tpu.memory_space<vmem>>) target(%dma_start3A_298 : memref<100352xf32, #tpu.memory_space<vmem_shared>>) offsets(%arg11 : memref<2048xi32, #tpu.memory_space<vmem>>) semaphore(%arg20 : memref<!tpu.dma_semaphore, #tpu.memory_space<semaphore_mem>>) {add = true}
        %add3A_299 = arith.constant 1 : i32
        %add3A_300 = arith.addi %select_n3A, %add3A_299 : i32
        %gt3A_301 = arith.cmpi sgt, %add3A_267, %add3A_300 : i32
        %convert_element_type3A_302 = arith.extui %gt3A_301 : i1 to i32
        %cond3A_303 = arith.constant 0 : i32
        %cond3A_304 = arith.cmpi ne, %convert_element_type3A_302, %cond3A_303 : i32
        scf.if %cond3A_304 {
          %dma_wait3A_311 = arith.constant 0 : i32
          %dma_wait3A_312 = tpu.memref_slice %arg6[%dma_wait3A_311] : memref<100352xf32, #tpu.memory_space<vmem_shared>> -> memref<100352xf32, #tpu.memory_space<vmem_shared>>
          tpu.wait_indirect_dma semaphore(%arg21 : memref<!tpu.dma_semaphore, #tpu.memory_space<semaphore_mem>>) src(%arg15 : memref<2048xf32, #tpu.memory_space<vmem>>) dst(%dma_wait3A_312 : memref<100352xf32, #tpu.memory_space<vmem_shared>>)
        } else {
        }
        %add3A_305 = arith.constant 1 : i32
        %add3A_306 = arith.addi %add3A_267, %add3A_305 : i32
        %lt3A_307 = arith.cmpi slt, %add3A_306, %select_n3A_65 : i32
        %convert_element_type3A_308 = arith.extui %lt3A_307 : i1 to i32
        %cond3A_309 = arith.constant 0 : i32
        %cond3A_310 = arith.cmpi ne, %convert_element_type3A_308, %cond3A_309 : i32
        scf.if %cond3A_310 {
          %add3A_311 = arith.constant 1 : i32
          %add3A_312 = arith.addi %add3A_267, %add3A_311 : i32
          %mul3A_313 = arith.constant 2048 : i32
          %mul3A_314 = arith.muli %add3A_312, %mul3A_313 : i32
          %dma_start3A_315 = tpu.memref_slice %arg2[%mul3A_314] : memref<6400000xi32, #tpu.memory_space<hbm>> -> memref<2048xi32, #tpu.memory_space<hbm>>
          %dma_start3A_316 = tpu.memref_slice %arg2[%mul3A_314] : memref<6400000xi32, #tpu.memory_space<hbm>> -> memref<2048xi32, #tpu.memory_space<hbm>>
          tpu.enqueue_dma source(%dma_start3A_316 : memref<2048xi32, #tpu.memory_space<hbm>>) target(%arg9 : memref<2048xi32, #tpu.memory_space<vmem>>) target_semaphore(%arg18 : memref<!tpu.dma_semaphore, #tpu.memory_space<semaphore_mem>>)
          %dma_start3A_317 = tpu.memref_slice %arg3[%mul3A_314] : memref<6400000xi32, #tpu.memory_space<hbm>> -> memref<2048xi32, #tpu.memory_space<hbm>>
          %dma_start3A_318 = tpu.memref_slice %arg3[%mul3A_314] : memref<6400000xi32, #tpu.memory_space<hbm>> -> memref<2048xi32, #tpu.memory_space<hbm>>
          tpu.enqueue_dma source(%dma_start3A_318 : memref<2048xi32, #tpu.memory_space<hbm>>) target(%arg12 : memref<2048xi32, #tpu.memory_space<vmem>>) target_semaphore(%arg18 : memref<!tpu.dma_semaphore, #tpu.memory_space<semaphore_mem>>)
        } else {
        }
      } else {
      }
      %mul3A_272 = arith.constant 3 : i32
      %mul3A_273 = arith.muli %while3A_261, %mul3A_272 : i32
      %add3A_274 = arith.addi %select_n3A, %mul3A_273 : i32
      %add3A_275 = arith.constant 1 : i32
      %add3A_276 = arith.addi %add3A_274, %add3A_275 : i32
      %lt3A_277 = arith.cmpi slt, %add3A_276, %select_n3A_65 : i32
      %convert_element_type3A_278 = arith.extui %lt3A_277 : i1 to i32
      %cond3A_279 = arith.constant 0 : i32
      %cond3A_280 = arith.cmpi ne, %convert_element_type3A_278, %cond3A_279 : i32
      scf.if %cond3A_280 {
        %mul3A_291 = arith.constant 2048 : i32
        %mul3A_292 = arith.muli %add3A_276, %mul3A_291 : i32
        %dma_wait3A = tpu.memref_slice %arg2[%mul3A_292] : memref<6400000xi32, #tpu.memory_space<hbm>> -> memref<2048xi32, #tpu.memory_space<hbm>>
        %dma_wait3A_293 = tpu.memref_slice %arg2[%mul3A_292] : memref<6400000xi32, #tpu.memory_space<hbm>> -> memref<2048xi32, #tpu.memory_space<hbm>>
        tpu.wait_dma2 semaphore(%arg18 : memref<!tpu.dma_semaphore, #tpu.memory_space<semaphore_mem>>) src(%dma_wait3A_293 : memref<2048xi32, #tpu.memory_space<hbm>>) dst(%arg9 : memref<2048xi32, #tpu.memory_space<vmem>>)
        %dma_wait3A_294 = tpu.memref_slice %arg3[%mul3A_292] : memref<6400000xi32, #tpu.memory_space<hbm>> -> memref<2048xi32, #tpu.memory_space<hbm>>
        %dma_wait3A_295 = tpu.memref_slice %arg3[%mul3A_292] : memref<6400000xi32, #tpu.memory_space<hbm>> -> memref<2048xi32, #tpu.memory_space<hbm>>
        tpu.wait_dma2 semaphore(%arg18 : memref<!tpu.dma_semaphore, #tpu.memory_space<semaphore_mem>>) src(%dma_wait3A_295 : memref<2048xi32, #tpu.memory_space<hbm>>) dst(%arg12 : memref<2048xi32, #tpu.memory_space<vmem>>)
        %parallel_loop3A = arith.constant 0 : i32
        %parallel_loop3A_296 = arith.constant 128 : i32
        %parallel_loop3A_297 = arith.constant 1 : i32
        scf.for %parallel_loop3A_311 = %parallel_loop3A to %parallel_loop3A_296 step %parallel_loop3A_297  : i32 {
          %parallel_loop3A_312 = arith.constant 16 : i32
          %parallel_loop3A_313 = arith.muli %parallel_loop3A_311, %parallel_loop3A_312 : i32
          %parallel_loop3A_314 = arith.index_cast %parallel_loop3A_313 : i32 to index
          %parallel_loop3A_315 = tpu.vector_load %arg9[%parallel_loop3A_314] {strides = array<i32>} : memref<2048xi32, #tpu.memory_space<vmem>>, vector<16xi32>,
          %parallel_loop3A_316 = tpu.vector_load_idx %arg7[%parallel_loop3A_315] : memref<100352xf32, #tpu.memory_space<vmem>>[vector<16xi32>], vector<16xf32>,
          %parallel_loop3A_317 = arith.constant 16 : i32
          %parallel_loop3A_318 = arith.muli %parallel_loop3A_311, %parallel_loop3A_317 : i32
          %parallel_loop3A_319 = arith.index_cast %parallel_loop3A_318 : i32 to index
          %parallel_loop3A_320 = tpu.vector_load %arg15[%parallel_loop3A_319] {strides = array<i32>} : memref<2048xf32, #tpu.memory_space<vmem>>, vector<16xf32>,
          tpu.vector_store %arg15[%parallel_loop3A_319], %parallel_loop3A_316 {strides = array<i32>} : memref<2048xf32, #tpu.memory_space<vmem>>, vector<16xf32>,
        } {sc.loop_unroll_factor = 16 : i64, sc.parallel_access}
        %dma_start3A = arith.constant 0 : i32
        %dma_start3A_298 = tpu.memref_slice %arg6[%dma_start3A] : memref<100352xf32, #tpu.memory_space<vmem_shared>> -> memref<100352xf32, #tpu.memory_space<vmem_shared>>
        tpu.enqueue_indirect_dma source(%arg15 : memref<2048xf32, #tpu.memory_space<vmem>>) target(%dma_start3A_298 : memref<100352xf32, #tpu.memory_space<vmem_shared>>) offsets(%arg12 : memref<2048xi32, #tpu.memory_space<vmem>>) semaphore(%arg21 : memref<!tpu.dma_semaphore, #tpu.memory_space<semaphore_mem>>) {add = true}
        %add3A_299 = arith.constant 1 : i32
        %add3A_300 = arith.addi %select_n3A, %add3A_299 : i32
        %gt3A_301 = arith.cmpi sgt, %add3A_276, %add3A_300 : i32
        %convert_element_type3A_302 = arith.extui %gt3A_301 : i1 to i32
        %cond3A_303 = arith.constant 0 : i32
        %cond3A_304 = arith.cmpi ne, %convert_element_type3A_302, %cond3A_303 : i32
        scf.if %cond3A_304 {
          %dma_wait3A_311 = arith.constant 0 : i32
          %dma_wait3A_312 = tpu.memref_slice %arg6[%dma_wait3A_311] : memref<100352xf32, #tpu.memory_space<vmem_shared>> -> memref<100352xf32, #tpu.memory_space<vmem_shared>>
          tpu.wait_indirect_dma semaphore(%arg22 : memref<!tpu.dma_semaphore, #tpu.memory_space<semaphore_mem>>) src(%arg16 : memref<2048xf32, #tpu.memory_space<vmem>>) dst(%dma_wait3A_312 : memref<100352xf32, #tpu.memory_space<vmem_shared>>)
        } else {
        }
        %add3A_305 = arith.constant 1 : i32
        %add3A_306 = arith.addi %add3A_276, %add3A_305 : i32
        %lt3A_307 = arith.cmpi slt, %add3A_306, %select_n3A_65 : i32
        %convert_element_type3A_308 = arith.extui %lt3A_307 : i1 to i32
        %cond3A_309 = arith.constant 0 : i32
        %cond3A_310 = arith.cmpi ne, %convert_element_type3A_308, %cond3A_309 : i32
        scf.if %cond3A_310 {
          %add3A_311 = arith.constant 1 : i32
          %add3A_312 = arith.addi %add3A_276, %add3A_311 : i32
          %mul3A_313 = arith.constant 2048 : i32
          %mul3A_314 = arith.muli %add3A_312, %mul3A_313 : i32
          %dma_start3A_315 = tpu.memref_slice %arg2[%mul3A_314] : memref<6400000xi32, #tpu.memory_space<hbm>> -> memref<2048xi32, #tpu.memory_space<hbm>>
          %dma_start3A_316 = tpu.memref_slice %arg2[%mul3A_314] : memref<6400000xi32, #tpu.memory_space<hbm>> -> memref<2048xi32, #tpu.memory_space<hbm>>
          tpu.enqueue_dma source(%dma_start3A_316 : memref<2048xi32, #tpu.memory_space<hbm>>) target(%arg10 : memref<2048xi32, #tpu.memory_space<vmem>>) target_semaphore(%arg19 : memref<!tpu.dma_semaphore, #tpu.memory_space<semaphore_mem>>)
          %dma_start3A_317 = tpu.memref_slice %arg3[%mul3A_314] : memref<6400000xi32, #tpu.memory_space<hbm>> -> memref<2048xi32, #tpu.memory_space<hbm>>
          %dma_start3A_318 = tpu.memref_slice %arg3[%mul3A_314] : memref<6400000xi32, #tpu.memory_space<hbm>> -> memref<2048xi32, #tpu.memory_space<hbm>>
          tpu.enqueue_dma source(%dma_start3A_318 : memref<2048xi32, #tpu.memory_space<hbm>>) target(%arg13 : memref<2048xi32, #tpu.memory_space<vmem>>) target_semaphore(%arg19 : memref<!tpu.dma_semaphore, #tpu.memory_space<semaphore_mem>>)
        } else {
        }
      } else {
      }
      %mul3A_281 = arith.constant 3 : i32
      %mul3A_282 = arith.muli %while3A_261, %mul3A_281 : i32
      %add3A_283 = arith.addi %select_n3A, %mul3A_282 : i32
      %add3A_284 = arith.constant 2 : i32
      %add3A_285 = arith.addi %add3A_283, %add3A_284 : i32
      %lt3A_286 = arith.cmpi slt, %add3A_285, %select_n3A_65 : i32
      %convert_element_type3A_287 = arith.extui %lt3A_286 : i1 to i32
      %cond3A_288 = arith.constant 0 : i32
      %cond3A_289 = arith.cmpi ne, %convert_element_type3A_287, %cond3A_288 : i32
      scf.if %cond3A_289 {
        %mul3A_291 = arith.constant 2048 : i32
        %mul3A_292 = arith.muli %add3A_285, %mul3A_291 : i32
        %dma_wait3A = tpu.memref_slice %arg2[%mul3A_292] : memref<6400000xi32, #tpu.memory_space<hbm>> -> memref<2048xi32, #tpu.memory_space<hbm>>
        %dma_wait3A_293 = tpu.memref_slice %arg2[%mul3A_292] : memref<6400000xi32, #tpu.memory_space<hbm>> -> memref<2048xi32, #tpu.memory_space<hbm>>
        tpu.wait_dma2 semaphore(%arg19 : memref<!tpu.dma_semaphore, #tpu.memory_space<semaphore_mem>>) src(%dma_wait3A_293 : memref<2048xi32, #tpu.memory_space<hbm>>) dst(%arg10 : memref<2048xi32, #tpu.memory_space<vmem>>)
        %dma_wait3A_294 = tpu.memref_slice %arg3[%mul3A_292] : memref<6400000xi32, #tpu.memory_space<hbm>> -> memref<2048xi32, #tpu.memory_space<hbm>>
        %dma_wait3A_295 = tpu.memref_slice %arg3[%mul3A_292] : memref<6400000xi32, #tpu.memory_space<hbm>> -> memref<2048xi32, #tpu.memory_space<hbm>>
        tpu.wait_dma2 semaphore(%arg19 : memref<!tpu.dma_semaphore, #tpu.memory_space<semaphore_mem>>) src(%dma_wait3A_295 : memref<2048xi32, #tpu.memory_space<hbm>>) dst(%arg13 : memref<2048xi32, #tpu.memory_space<vmem>>)
        %parallel_loop3A = arith.constant 0 : i32
        %parallel_loop3A_296 = arith.constant 128 : i32
        %parallel_loop3A_297 = arith.constant 1 : i32
        scf.for %parallel_loop3A_311 = %parallel_loop3A to %parallel_loop3A_296 step %parallel_loop3A_297  : i32 {
          %parallel_loop3A_312 = arith.constant 16 : i32
          %parallel_loop3A_313 = arith.muli %parallel_loop3A_311, %parallel_loop3A_312 : i32
          %parallel_loop3A_314 = arith.index_cast %parallel_loop3A_313 : i32 to index
          %parallel_loop3A_315 = tpu.vector_load %arg10[%parallel_loop3A_314] {strides = array<i32>} : memref<2048xi32, #tpu.memory_space<vmem>>, vector<16xi32>,
          %parallel_loop3A_316 = tpu.vector_load_idx %arg7[%parallel_loop3A_315] : memref<100352xf32, #tpu.memory_space<vmem>>[vector<16xi32>], vector<16xf32>,
          %parallel_loop3A_317 = arith.constant 16 : i32
          %parallel_loop3A_318 = arith.muli %parallel_loop3A_311, %parallel_loop3A_317 : i32
          %parallel_loop3A_319 = arith.index_cast %parallel_loop3A_318 : i32 to index
          %parallel_loop3A_320 = tpu.vector_load %arg16[%parallel_loop3A_319] {strides = array<i32>} : memref<2048xf32, #tpu.memory_space<vmem>>, vector<16xf32>,
          tpu.vector_store %arg16[%parallel_loop3A_319], %parallel_loop3A_316 {strides = array<i32>} : memref<2048xf32, #tpu.memory_space<vmem>>, vector<16xf32>,
        } {sc.loop_unroll_factor = 16 : i64, sc.parallel_access}
        %dma_start3A = arith.constant 0 : i32
        %dma_start3A_298 = tpu.memref_slice %arg6[%dma_start3A] : memref<100352xf32, #tpu.memory_space<vmem_shared>> -> memref<100352xf32, #tpu.memory_space<vmem_shared>>
        tpu.enqueue_indirect_dma source(%arg16 : memref<2048xf32, #tpu.memory_space<vmem>>) target(%dma_start3A_298 : memref<100352xf32, #tpu.memory_space<vmem_shared>>) offsets(%arg13 : memref<2048xi32, #tpu.memory_space<vmem>>) semaphore(%arg22 : memref<!tpu.dma_semaphore, #tpu.memory_space<semaphore_mem>>) {add = true}
        %add3A_299 = arith.constant 1 : i32
        %add3A_300 = arith.addi %select_n3A, %add3A_299 : i32
        %gt3A_301 = arith.cmpi sgt, %add3A_285, %add3A_300 : i32
        %convert_element_type3A_302 = arith.extui %gt3A_301 : i1 to i32
        %cond3A_303 = arith.constant 0 : i32
        %cond3A_304 = arith.cmpi ne, %convert_element_type3A_302, %cond3A_303 : i32
        scf.if %cond3A_304 {
          %dma_wait3A_311 = arith.constant 0 : i32
          %dma_wait3A_312 = tpu.memref_slice %arg6[%dma_wait3A_311] : memref<100352xf32, #tpu.memory_space<vmem_shared>> -> memref<100352xf32, #tpu.memory_space<vmem_shared>>
          tpu.wait_indirect_dma semaphore(%arg20 : memref<!tpu.dma_semaphore, #tpu.memory_space<semaphore_mem>>) src(%arg14 : memref<2048xf32, #tpu.memory_space<vmem>>) dst(%dma_wait3A_312 : memref<100352xf32, #tpu.memory_space<vmem_shared>>)
        } else {
        }
        %add3A_305 = arith.constant 1 : i32
        %add3A_306 = arith.addi %add3A_285, %add3A_305 : i32
        %lt3A_307 = arith.cmpi slt, %add3A_306, %select_n3A_65 : i32
        %convert_element_type3A_308 = arith.extui %lt3A_307 : i1 to i32
        %cond3A_309 = arith.constant 0 : i32
        %cond3A_310 = arith.cmpi ne, %convert_element_type3A_308, %cond3A_309 : i32
        scf.if %cond3A_310 {
          %add3A_311 = arith.constant 1 : i32
          %add3A_312 = arith.addi %add3A_285, %add3A_311 : i32
          %mul3A_313 = arith.constant 2048 : i32
          %mul3A_314 = arith.muli %add3A_312, %mul3A_313 : i32
          %dma_start3A_315 = tpu.memref_slice %arg2[%mul3A_314] : memref<6400000xi32, #tpu.memory_space<hbm>> -> memref<2048xi32, #tpu.memory_space<hbm>>
          %dma_start3A_316 = tpu.memref_slice %arg2[%mul3A_314] : memref<6400000xi32, #tpu.memory_space<hbm>> -> memref<2048xi32, #tpu.memory_space<hbm>>
          tpu.enqueue_dma source(%dma_start3A_316 : memref<2048xi32, #tpu.memory_space<hbm>>) target(%arg8 : memref<2048xi32, #tpu.memory_space<vmem>>) target_semaphore(%arg17 : memref<!tpu.dma_semaphore, #tpu.memory_space<semaphore_mem>>)
          %dma_start3A_317 = tpu.memref_slice %arg3[%mul3A_314] : memref<6400000xi32, #tpu.memory_space<hbm>> -> memref<2048xi32, #tpu.memory_space<hbm>>
          %dma_start3A_318 = tpu.memref_slice %arg3[%mul3A_314] : memref<6400000xi32, #tpu.memory_space<hbm>> -> memref<2048xi32, #tpu.memory_space<hbm>>
          tpu.enqueue_dma source(%dma_start3A_318 : memref<2048xi32, #tpu.memory_space<hbm>>) target(%arg11 : memref<2048xi32, #tpu.memory_space<vmem>>) target_semaphore(%arg17 : memref<!tpu.dma_semaphore, #tpu.memory_space<semaphore_mem>>)
        } else {
        }
      } else {
      }
      %while3A_290 = arith.constant 0 : i32
      scf.yield %while3A_290 : i32
    }
    %while3A_104 = arith.constant 1 : i32
    %while3A_105 = scf.for %while3A_261 = %while3A_101 to %while3A_97 step %while3A_104 iter_args(%while3A_262 = %while3A_103) -> (i32)  : i32 {
      %mul3A_263 = arith.constant 3 : i32
      %mul3A_264 = arith.muli %while3A_261, %mul3A_263 : i32
      %add3A_265 = arith.addi %select_n3A, %mul3A_264 : i32
      %add3A_266 = arith.constant 0 : i32
      %add3A_267 = arith.addi %add3A_265, %add3A_266 : i32
      %lt3A_268 = arith.cmpi slt, %add3A_267, %select_n3A_65 : i32
      %convert_element_type3A_269 = arith.extui %lt3A_268 : i1 to i32
      %cond3A_270 = arith.constant 0 : i32
      %cond3A_271 = arith.cmpi ne, %convert_element_type3A_269, %cond3A_270 : i32
      scf.if %cond3A_271 {
        %mul3A_291 = arith.constant 2048 : i32
        %mul3A_292 = arith.muli %add3A_267, %mul3A_291 : i32
        %dma_wait3A = tpu.memref_slice %arg2[%mul3A_292] : memref<6400000xi32, #tpu.memory_space<hbm>> -> memref<2048xi32, #tpu.memory_space<hbm>>
        %dma_wait3A_293 = tpu.memref_slice %arg2[%mul3A_292] : memref<6400000xi32, #tpu.memory_space<hbm>> -> memref<2048xi32, #tpu.memory_space<hbm>>
        tpu.wait_dma2 semaphore(%arg17 : memref<!tpu.dma_semaphore, #tpu.memory_space<semaphore_mem>>) src(%dma_wait3A_293 : memref<2048xi32, #tpu.memory_space<hbm>>) dst(%arg8 : memref<2048xi32, #tpu.memory_space<vmem>>)
        %dma_wait3A_294 = tpu.memref_slice %arg3[%mul3A_292] : memref<6400000xi32, #tpu.memory_space<hbm>> -> memref<2048xi32, #tpu.memory_space<hbm>>
        %dma_wait3A_295 = tpu.memref_slice %arg3[%mul3A_292] : memref<6400000xi32, #tpu.memory_space<hbm>> -> memref<2048xi32, #tpu.memory_space<hbm>>
        tpu.wait_dma2 semaphore(%arg17 : memref<!tpu.dma_semaphore, #tpu.memory_space<semaphore_mem>>) src(%dma_wait3A_295 : memref<2048xi32, #tpu.memory_space<hbm>>) dst(%arg11 : memref<2048xi32, #tpu.memory_space<vmem>>)
        %parallel_loop3A = arith.constant 0 : i32
        %parallel_loop3A_296 = arith.constant 128 : i32
        %parallel_loop3A_297 = arith.constant 1 : i32
        scf.for %parallel_loop3A_311 = %parallel_loop3A to %parallel_loop3A_296 step %parallel_loop3A_297  : i32 {
          %parallel_loop3A_312 = arith.constant 16 : i32
          %parallel_loop3A_313 = arith.muli %parallel_loop3A_311, %parallel_loop3A_312 : i32
          %parallel_loop3A_314 = arith.index_cast %parallel_loop3A_313 : i32 to index
          %parallel_loop3A_315 = tpu.vector_load %arg8[%parallel_loop3A_314] {strides = array<i32>} : memref<2048xi32, #tpu.memory_space<vmem>>, vector<16xi32>,
          %parallel_loop3A_316 = tpu.vector_load_idx %arg7[%parallel_loop3A_315] : memref<100352xf32, #tpu.memory_space<vmem>>[vector<16xi32>], vector<16xf32>,
          %parallel_loop3A_317 = arith.constant 16 : i32
          %parallel_loop3A_318 = arith.muli %parallel_loop3A_311, %parallel_loop3A_317 : i32
          %parallel_loop3A_319 = arith.index_cast %parallel_loop3A_318 : i32 to index
          %parallel_loop3A_320 = tpu.vector_load %arg14[%parallel_loop3A_319] {strides = array<i32>} : memref<2048xf32, #tpu.memory_space<vmem>>, vector<16xf32>,
          tpu.vector_store %arg14[%parallel_loop3A_319], %parallel_loop3A_316 {strides = array<i32>} : memref<2048xf32, #tpu.memory_space<vmem>>, vector<16xf32>,
        } {sc.loop_unroll_factor = 16 : i64, sc.parallel_access}
        %dma_start3A = arith.constant 0 : i32
        %dma_start3A_298 = tpu.memref_slice %arg6[%dma_start3A] : memref<100352xf32, #tpu.memory_space<vmem_shared>> -> memref<100352xf32, #tpu.memory_space<vmem_shared>>
        tpu.enqueue_indirect_dma source(%arg14 : memref<2048xf32, #tpu.memory_space<vmem>>) target(%dma_start3A_298 : memref<100352xf32, #tpu.memory_space<vmem_shared>>) offsets(%arg11 : memref<2048xi32, #tpu.memory_space<vmem>>) semaphore(%arg20 : memref<!tpu.dma_semaphore, #tpu.memory_space<semaphore_mem>>) {add = true}
        %add3A_299 = arith.constant 1 : i32
        %add3A_300 = arith.addi %select_n3A, %add3A_299 : i32
        %gt3A_301 = arith.cmpi sgt, %add3A_267, %add3A_300 : i32
        %convert_element_type3A_302 = arith.extui %gt3A_301 : i1 to i32
        %cond3A_303 = arith.constant 0 : i32
        %cond3A_304 = arith.cmpi ne, %convert_element_type3A_302, %cond3A_303 : i32
        scf.if %cond3A_304 {
          %dma_wait3A_311 = arith.constant 0 : i32
          %dma_wait3A_312 = tpu.memref_slice %arg6[%dma_wait3A_311] : memref<100352xf32, #tpu.memory_space<vmem_shared>> -> memref<100352xf32, #tpu.memory_space<vmem_shared>>
          tpu.wait_indirect_dma semaphore(%arg21 : memref<!tpu.dma_semaphore, #tpu.memory_space<semaphore_mem>>) src(%arg15 : memref<2048xf32, #tpu.memory_space<vmem>>) dst(%dma_wait3A_312 : memref<100352xf32, #tpu.memory_space<vmem_shared>>)
        } else {
        }
        %add3A_305 = arith.constant 1 : i32
        %add3A_306 = arith.addi %add3A_267, %add3A_305 : i32
        %lt3A_307 = arith.cmpi slt, %add3A_306, %select_n3A_65 : i32
        %convert_element_type3A_308 = arith.extui %lt3A_307 : i1 to i32
        %cond3A_309 = arith.constant 0 : i32
        %cond3A_310 = arith.cmpi ne, %convert_element_type3A_308, %cond3A_309 : i32
        scf.if %cond3A_310 {
          %add3A_311 = arith.constant 1 : i32
          %add3A_312 = arith.addi %add3A_267, %add3A_311 : i32
          %mul3A_313 = arith.constant 2048 : i32
          %mul3A_314 = arith.muli %add3A_312, %mul3A_313 : i32
          %dma_start3A_315 = tpu.memref_slice %arg2[%mul3A_314] : memref<6400000xi32, #tpu.memory_space<hbm>> -> memref<2048xi32, #tpu.memory_space<hbm>>
          %dma_start3A_316 = tpu.memref_slice %arg2[%mul3A_314] : memref<6400000xi32, #tpu.memory_space<hbm>> -> memref<2048xi32, #tpu.memory_space<hbm>>
          tpu.enqueue_dma source(%dma_start3A_316 : memref<2048xi32, #tpu.memory_space<hbm>>) target(%arg9 : memref<2048xi32, #tpu.memory_space<vmem>>) target_semaphore(%arg18 : memref<!tpu.dma_semaphore, #tpu.memory_space<semaphore_mem>>)
          %dma_start3A_317 = tpu.memref_slice %arg3[%mul3A_314] : memref<6400000xi32, #tpu.memory_space<hbm>> -> memref<2048xi32, #tpu.memory_space<hbm>>
          %dma_start3A_318 = tpu.memref_slice %arg3[%mul3A_314] : memref<6400000xi32, #tpu.memory_space<hbm>> -> memref<2048xi32, #tpu.memory_space<hbm>>
          tpu.enqueue_dma source(%dma_start3A_318 : memref<2048xi32, #tpu.memory_space<hbm>>) target(%arg12 : memref<2048xi32, #tpu.memory_space<vmem>>) target_semaphore(%arg18 : memref<!tpu.dma_semaphore, #tpu.memory_space<semaphore_mem>>)
        } else {
        }
      } else {
      }
      %mul3A_272 = arith.constant 3 : i32
      %mul3A_273 = arith.muli %while3A_261, %mul3A_272 : i32
      %add3A_274 = arith.addi %select_n3A, %mul3A_273 : i32
      %add3A_275 = arith.constant 1 : i32
      %add3A_276 = arith.addi %add3A_274, %add3A_275 : i32
      %lt3A_277 = arith.cmpi slt, %add3A_276, %select_n3A_65 : i32
      %convert_element_type3A_278 = arith.extui %lt3A_277 : i1 to i32
      %cond3A_279 = arith.constant 0 : i32
      %cond3A_280 = arith.cmpi ne, %convert_element_type3A_278, %cond3A_279 : i32
      scf.if %cond3A_280 {
        %mul3A_291 = arith.constant 2048 : i32
        %mul3A_292 = arith.muli %add3A_276, %mul3A_291 : i32
        %dma_wait3A = tpu.memref_slice %arg2[%mul3A_292] : memref<6400000xi32, #tpu.memory_space<hbm>> -> memref<2048xi32, #tpu.memory_space<hbm>>
        %dma_wait3A_293 = tpu.memref_slice %arg2[%mul3A_292] : memref<6400000xi32, #tpu.memory_space<hbm>> -> memref<2048xi32, #tpu.memory_space<hbm>>
        tpu.wait_dma2 semaphore(%arg18 : memref<!tpu.dma_semaphore, #tpu.memory_space<semaphore_mem>>) src(%dma_wait3A_293 : memref<2048xi32, #tpu.memory_space<hbm>>) dst(%arg9 : memref<2048xi32, #tpu.memory_space<vmem>>)
        %dma_wait3A_294 = tpu.memref_slice %arg3[%mul3A_292] : memref<6400000xi32, #tpu.memory_space<hbm>> -> memref<2048xi32, #tpu.memory_space<hbm>>
        %dma_wait3A_295 = tpu.memref_slice %arg3[%mul3A_292] : memref<6400000xi32, #tpu.memory_space<hbm>> -> memref<2048xi32, #tpu.memory_space<hbm>>
        tpu.wait_dma2 semaphore(%arg18 : memref<!tpu.dma_semaphore, #tpu.memory_space<semaphore_mem>>) src(%dma_wait3A_295 : memref<2048xi32, #tpu.memory_space<hbm>>) dst(%arg12 : memref<2048xi32, #tpu.memory_space<vmem>>)
        %parallel_loop3A = arith.constant 0 : i32
        %parallel_loop3A_296 = arith.constant 128 : i32
        %parallel_loop3A_297 = arith.constant 1 : i32
        scf.for %parallel_loop3A_311 = %parallel_loop3A to %parallel_loop3A_296 step %parallel_loop3A_297  : i32 {
          %parallel_loop3A_312 = arith.constant 16 : i32
          %parallel_loop3A_313 = arith.muli %parallel_loop3A_311, %parallel_loop3A_312 : i32
          %parallel_loop3A_314 = arith.index_cast %parallel_loop3A_313 : i32 to index
          %parallel_loop3A_315 = tpu.vector_load %arg9[%parallel_loop3A_314] {strides = array<i32>} : memref<2048xi32, #tpu.memory_space<vmem>>, vector<16xi32>,
          %parallel_loop3A_316 = tpu.vector_load_idx %arg7[%parallel_loop3A_315] : memref<100352xf32, #tpu.memory_space<vmem>>[vector<16xi32>], vector<16xf32>,
          %parallel_loop3A_317 = arith.constant 16 : i32
          %parallel_loop3A_318 = arith.muli %parallel_loop3A_311, %parallel_loop3A_317 : i32
          %parallel_loop3A_319 = arith.index_cast %parallel_loop3A_318 : i32 to index
          %parallel_loop3A_320 = tpu.vector_load %arg15[%parallel_loop3A_319] {strides = array<i32>} : memref<2048xf32, #tpu.memory_space<vmem>>, vector<16xf32>,
          tpu.vector_store %arg15[%parallel_loop3A_319], %parallel_loop3A_316 {strides = array<i32>} : memref<2048xf32, #tpu.memory_space<vmem>>, vector<16xf32>,
        } {sc.loop_unroll_factor = 16 : i64, sc.parallel_access}
        %dma_start3A = arith.constant 0 : i32
        %dma_start3A_298 = tpu.memref_slice %arg6[%dma_start3A] : memref<100352xf32, #tpu.memory_space<vmem_shared>> -> memref<100352xf32, #tpu.memory_space<vmem_shared>>
        tpu.enqueue_indirect_dma source(%arg15 : memref<2048xf32, #tpu.memory_space<vmem>>) target(%dma_start3A_298 : memref<100352xf32, #tpu.memory_space<vmem_shared>>) offsets(%arg12 : memref<2048xi32, #tpu.memory_space<vmem>>) semaphore(%arg21 : memref<!tpu.dma_semaphore, #tpu.memory_space<semaphore_mem>>) {add = true}
        %add3A_299 = arith.constant 1 : i32
        %add3A_300 = arith.addi %select_n3A, %add3A_299 : i32
        %gt3A_301 = arith.cmpi sgt, %add3A_276, %add3A_300 : i32
        %convert_element_type3A_302 = arith.extui %gt3A_301 : i1 to i32
        %cond3A_303 = arith.constant 0 : i32
        %cond3A_304 = arith.cmpi ne, %convert_element_type3A_302, %cond3A_303 : i32
        scf.if %cond3A_304 {
          %dma_wait3A_311 = arith.constant 0 : i32
          %dma_wait3A_312 = tpu.memref_slice %arg6[%dma_wait3A_311] : memref<100352xf32, #tpu.memory_space<vmem_shared>> -> memref<100352xf32, #tpu.memory_space<vmem_shared>>
          tpu.wait_indirect_dma semaphore(%arg22 : memref<!tpu.dma_semaphore, #tpu.memory_space<semaphore_mem>>) src(%arg16 : memref<2048xf32, #tpu.memory_space<vmem>>) dst(%dma_wait3A_312 : memref<100352xf32, #tpu.memory_space<vmem_shared>>)
        } else {
        }
        %add3A_305 = arith.constant 1 : i32
        %add3A_306 = arith.addi %add3A_276, %add3A_305 : i32
        %lt3A_307 = arith.cmpi slt, %add3A_306, %select_n3A_65 : i32
        %convert_element_type3A_308 = arith.extui %lt3A_307 : i1 to i32
        %cond3A_309 = arith.constant 0 : i32
        %cond3A_310 = arith.cmpi ne, %convert_element_type3A_308, %cond3A_309 : i32
        scf.if %cond3A_310 {
          %add3A_311 = arith.constant 1 : i32
          %add3A_312 = arith.addi %add3A_276, %add3A_311 : i32
          %mul3A_313 = arith.constant 2048 : i32
          %mul3A_314 = arith.muli %add3A_312, %mul3A_313 : i32
          %dma_start3A_315 = tpu.memref_slice %arg2[%mul3A_314] : memref<6400000xi32, #tpu.memory_space<hbm>> -> memref<2048xi32, #tpu.memory_space<hbm>>
          %dma_start3A_316 = tpu.memref_slice %arg2[%mul3A_314] : memref<6400000xi32, #tpu.memory_space<hbm>> -> memref<2048xi32, #tpu.memory_space<hbm>>
          tpu.enqueue_dma source(%dma_start3A_316 : memref<2048xi32, #tpu.memory_space<hbm>>) target(%arg10 : memref<2048xi32, #tpu.memory_space<vmem>>) target_semaphore(%arg19 : memref<!tpu.dma_semaphore, #tpu.memory_space<semaphore_mem>>)
          %dma_start3A_317 = tpu.memref_slice %arg3[%mul3A_314] : memref<6400000xi32, #tpu.memory_space<hbm>> -> memref<2048xi32, #tpu.memory_space<hbm>>
          %dma_start3A_318 = tpu.memref_slice %arg3[%mul3A_314] : memref<6400000xi32, #tpu.memory_space<hbm>> -> memref<2048xi32, #tpu.memory_space<hbm>>
          tpu.enqueue_dma source(%dma_start3A_318 : memref<2048xi32, #tpu.memory_space<hbm>>) target(%arg13 : memref<2048xi32, #tpu.memory_space<vmem>>) target_semaphore(%arg19 : memref<!tpu.dma_semaphore, #tpu.memory_space<semaphore_mem>>)
        } else {
        }
      } else {
      }
      %mul3A_281 = arith.constant 3 : i32
      %mul3A_282 = arith.muli %while3A_261, %mul3A_281 : i32
      %add3A_283 = arith.addi %select_n3A, %mul3A_282 : i32
      %add3A_284 = arith.constant 2 : i32
      %add3A_285 = arith.addi %add3A_283, %add3A_284 : i32
      %lt3A_286 = arith.cmpi slt, %add3A_285, %select_n3A_65 : i32
      %convert_element_type3A_287 = arith.extui %lt3A_286 : i1 to i32
      %cond3A_288 = arith.constant 0 : i32
      %cond3A_289 = arith.cmpi ne, %convert_element_type3A_287, %cond3A_288 : i32
      scf.if %cond3A_289 {
        %mul3A_291 = arith.constant 2048 : i32
        %mul3A_292 = arith.muli %add3A_285, %mul3A_291 : i32
        %dma_wait3A = tpu.memref_slice %arg2[%mul3A_292] : memref<6400000xi32, #tpu.memory_space<hbm>> -> memref<2048xi32, #tpu.memory_space<hbm>>
        %dma_wait3A_293 = tpu.memref_slice %arg2[%mul3A_292] : memref<6400000xi32, #tpu.memory_space<hbm>> -> memref<2048xi32, #tpu.memory_space<hbm>>
        tpu.wait_dma2 semaphore(%arg19 : memref<!tpu.dma_semaphore, #tpu.memory_space<semaphore_mem>>) src(%dma_wait3A_293 : memref<2048xi32, #tpu.memory_space<hbm>>) dst(%arg10 : memref<2048xi32, #tpu.memory_space<vmem>>)
        %dma_wait3A_294 = tpu.memref_slice %arg3[%mul3A_292] : memref<6400000xi32, #tpu.memory_space<hbm>> -> memref<2048xi32, #tpu.memory_space<hbm>>
        %dma_wait3A_295 = tpu.memref_slice %arg3[%mul3A_292] : memref<6400000xi32, #tpu.memory_space<hbm>> -> memref<2048xi32, #tpu.memory_space<hbm>>
        tpu.wait_dma2 semaphore(%arg19 : memref<!tpu.dma_semaphore, #tpu.memory_space<semaphore_mem>>) src(%dma_wait3A_295 : memref<2048xi32, #tpu.memory_space<hbm>>) dst(%arg13 : memref<2048xi32, #tpu.memory_space<vmem>>)
        %parallel_loop3A = arith.constant 0 : i32
        %parallel_loop3A_296 = arith.constant 128 : i32
        %parallel_loop3A_297 = arith.constant 1 : i32
        scf.for %parallel_loop3A_311 = %parallel_loop3A to %parallel_loop3A_296 step %parallel_loop3A_297  : i32 {
          %parallel_loop3A_312 = arith.constant 16 : i32
          %parallel_loop3A_313 = arith.muli %parallel_loop3A_311, %parallel_loop3A_312 : i32
          %parallel_loop3A_314 = arith.index_cast %parallel_loop3A_313 : i32 to index
          %parallel_loop3A_315 = tpu.vector_load %arg10[%parallel_loop3A_314] {strides = array<i32>} : memref<2048xi32, #tpu.memory_space<vmem>>, vector<16xi32>,
          %parallel_loop3A_316 = tpu.vector_load_idx %arg7[%parallel_loop3A_315] : memref<100352xf32, #tpu.memory_space<vmem>>[vector<16xi32>], vector<16xf32>,
          %parallel_loop3A_317 = arith.constant 16 : i32
          %parallel_loop3A_318 = arith.muli %parallel_loop3A_311, %parallel_loop3A_317 : i32
          %parallel_loop3A_319 = arith.index_cast %parallel_loop3A_318 : i32 to index
          %parallel_loop3A_320 = tpu.vector_load %arg16[%parallel_loop3A_319] {strides = array<i32>} : memref<2048xf32, #tpu.memory_space<vmem>>, vector<16xf32>,
          tpu.vector_store %arg16[%parallel_loop3A_319], %parallel_loop3A_316 {strides = array<i32>} : memref<2048xf32, #tpu.memory_space<vmem>>, vector<16xf32>,
        } {sc.loop_unroll_factor = 16 : i64, sc.parallel_access}
        %dma_start3A = arith.constant 0 : i32
        %dma_start3A_298 = tpu.memref_slice %arg6[%dma_start3A] : memref<100352xf32, #tpu.memory_space<vmem_shared>> -> memref<100352xf32, #tpu.memory_space<vmem_shared>>
        tpu.enqueue_indirect_dma source(%arg16 : memref<2048xf32, #tpu.memory_space<vmem>>) target(%dma_start3A_298 : memref<100352xf32, #tpu.memory_space<vmem_shared>>) offsets(%arg13 : memref<2048xi32, #tpu.memory_space<vmem>>) semaphore(%arg22 : memref<!tpu.dma_semaphore, #tpu.memory_space<semaphore_mem>>) {add = true}
        %add3A_299 = arith.constant 1 : i32
        %add3A_300 = arith.addi %select_n3A, %add3A_299 : i32
        %gt3A_301 = arith.cmpi sgt, %add3A_285, %add3A_300 : i32
        %convert_element_type3A_302 = arith.extui %gt3A_301 : i1 to i32
        %cond3A_303 = arith.constant 0 : i32
        %cond3A_304 = arith.cmpi ne, %convert_element_type3A_302, %cond3A_303 : i32
        scf.if %cond3A_304 {
          %dma_wait3A_311 = arith.constant 0 : i32
          %dma_wait3A_312 = tpu.memref_slice %arg6[%dma_wait3A_311] : memref<100352xf32, #tpu.memory_space<vmem_shared>> -> memref<100352xf32, #tpu.memory_space<vmem_shared>>
          tpu.wait_indirect_dma semaphore(%arg20 : memref<!tpu.dma_semaphore, #tpu.memory_space<semaphore_mem>>) src(%arg14 : memref<2048xf32, #tpu.memory_space<vmem>>) dst(%dma_wait3A_312 : memref<100352xf32, #tpu.memory_space<vmem_shared>>)
        } else {
        }
        %add3A_305 = arith.constant 1 : i32
        %add3A_306 = arith.addi %add3A_285, %add3A_305 : i32
        %lt3A_307 = arith.cmpi slt, %add3A_306, %select_n3A_65 : i32
        %convert_element_type3A_308 = arith.extui %lt3A_307 : i1 to i32
        %cond3A_309 = arith.constant 0 : i32
        %cond3A_310 = arith.cmpi ne, %convert_element_type3A_308, %cond3A_309 : i32
        scf.if %cond3A_310 {
          %add3A_311 = arith.constant 1 : i32
          %add3A_312 = arith.addi %add3A_285, %add3A_311 : i32
          %mul3A_313 = arith.constant 2048 : i32
          %mul3A_314 = arith.muli %add3A_312, %mul3A_313 : i32
          %dma_start3A_315 = tpu.memref_slice %arg2[%mul3A_314] : memref<6400000xi32, #tpu.memory_space<hbm>> -> memref<2048xi32, #tpu.memory_space<hbm>>
          %dma_start3A_316 = tpu.memref_slice %arg2[%mul3A_314] : memref<6400000xi32, #tpu.memory_space<hbm>> -> memref<2048xi32, #tpu.memory_space<hbm>>
          tpu.enqueue_dma source(%dma_start3A_316 : memref<2048xi32, #tpu.memory_space<hbm>>) target(%arg8 : memref<2048xi32, #tpu.memory_space<vmem>>) target_semaphore(%arg17 : memref<!tpu.dma_semaphore, #tpu.memory_space<semaphore_mem>>)
          %dma_start3A_317 = tpu.memref_slice %arg3[%mul3A_314] : memref<6400000xi32, #tpu.memory_space<hbm>> -> memref<2048xi32, #tpu.memory_space<hbm>>
          %dma_start3A_318 = tpu.memref_slice %arg3[%mul3A_314] : memref<6400000xi32, #tpu.memory_space<hbm>> -> memref<2048xi32, #tpu.memory_space<hbm>>
          tpu.enqueue_dma source(%dma_start3A_318 : memref<2048xi32, #tpu.memory_space<hbm>>) target(%arg11 : memref<2048xi32, #tpu.memory_space<vmem>>) target_semaphore(%arg17 : memref<!tpu.dma_semaphore, #tpu.memory_space<semaphore_mem>>)
        } else {
        }
      } else {
      }
      %while3A_290 = arith.constant 0 : i32
      scf.yield %while3A_290 : i32
    }
    %gt3A_106 = arith.constant 0 : i32
    %gt3A_107 = arith.cmpi sgt, %sub3A_66, %gt3A_106 : i32
    %sub3A_108 = arith.constant 1 : i32
    %sub3A_109 = arith.subi %sub3A_66, %sub3A_108 : i32
    %jit3A_110 = arith.constant 3 : i32
    %eq3A = arith.constant 0 : i32
    %eq3A_111 = arith.cmpi eq, %jit3A_110, %eq3A : i32
    %jit3A_112 = arith.constant 1 : i32
    %select_n3A_113 = arith.select %eq3A_111, %jit3A_112, %jit3A_110 : i32
    %rem3A_114 = arith.remsi %sub3A_109, %select_n3A_113 : i32
    %ne3A_115 = arith.constant 0 : i32
    %ne3A_116 = arith.cmpi ne, %rem3A_114, %ne3A_115 : i32
    %lt3A = arith.constant 0 : i32
    %lt3A_117 = arith.cmpi slt, %rem3A_114, %lt3A : i32
    %lt3A_118 = arith.constant 0 : i32
    %lt3A_119 = arith.cmpi slt, %select_n3A_113, %lt3A_118 : i32
    %ne3A_120 = arith.xori %lt3A_117, %lt3A_119 : i1
    %and3A_121 = arith.andi %ne3A_120, %ne3A_116 : i1
    %add3A_122 = arith.addi %rem3A_114, %select_n3A_113 : i32
    %select_n3A_123 = arith.select %and3A_121, %add3A_122, %rem3A_114 : i32
    %eq3A_124 = arith.constant 0 : i32
    %eq3A_125 = arith.cmpi eq, %select_n3A_123, %eq3A_124 : i32
    %and3A_126 = arith.andi %gt3A_107, %eq3A_125 : i1
    %convert_element_type3A_127 = arith.extui %and3A_126 : i1 to i32
    %cond3A_128 = arith.constant 0 : i32
    %cond3A_129 = arith.cmpi ne, %convert_element_type3A_127, %cond3A_128 : i32
    scf.if %cond3A_129 {
      %dma_wait3A = arith.constant 0 : i32
      %dma_wait3A_261 = tpu.memref_slice %arg6[%dma_wait3A] : memref<100352xf32, #tpu.memory_space<vmem_shared>> -> memref<100352xf32, #tpu.memory_space<vmem_shared>>
      tpu.wait_indirect_dma semaphore(%arg20 : memref<!tpu.dma_semaphore, #tpu.memory_space<semaphore_mem>>) src(%arg14 : memref<2048xf32, #tpu.memory_space<vmem>>) dst(%dma_wait3A_261 : memref<100352xf32, #tpu.memory_space<vmem_shared>>)
    } else {
    }
    %gt3A_130 = arith.constant 1 : i32
    %gt3A_131 = arith.cmpi sgt, %sub3A_66, %gt3A_130 : i32
    %sub3A_132 = arith.constant 2 : i32
    %sub3A_133 = arith.subi %sub3A_66, %sub3A_132 : i32
    %jit3A_134 = arith.constant 3 : i32
    %eq3A_135 = arith.constant 0 : i32
    %eq3A_136 = arith.cmpi eq, %jit3A_134, %eq3A_135 : i32
    %jit3A_137 = arith.constant 1 : i32
    %select_n3A_138 = arith.select %eq3A_136, %jit3A_137, %jit3A_134 : i32
    %rem3A_139 = arith.remsi %sub3A_133, %select_n3A_138 : i32
    %ne3A_140 = arith.constant 0 : i32
    %ne3A_141 = arith.cmpi ne, %rem3A_139, %ne3A_140 : i32
    %lt3A_142 = arith.constant 0 : i32
    %lt3A_143 = arith.cmpi slt, %rem3A_139, %lt3A_142 : i32
    %lt3A_144 = arith.constant 0 : i32
    %lt3A_145 = arith.cmpi slt, %select_n3A_138, %lt3A_144 : i32
    %ne3A_146 = arith.xori %lt3A_143, %lt3A_145 : i1
    %and3A_147 = arith.andi %ne3A_146, %ne3A_141 : i1
    %add3A_148 = arith.addi %rem3A_139, %select_n3A_138 : i32
    %select_n3A_149 = arith.select %and3A_147, %add3A_148, %rem3A_139 : i32
    %eq3A_150 = arith.constant 0 : i32
    %eq3A_151 = arith.cmpi eq, %select_n3A_149, %eq3A_150 : i32
    %and3A_152 = arith.andi %gt3A_131, %eq3A_151 : i1
    %convert_element_type3A_153 = arith.extui %and3A_152 : i1 to i32
    %cond3A_154 = arith.constant 0 : i32
    %cond3A_155 = arith.cmpi ne, %convert_element_type3A_153, %cond3A_154 : i32
    scf.if %cond3A_155 {
      %dma_wait3A = arith.constant 0 : i32
      %dma_wait3A_261 = tpu.memref_slice %arg6[%dma_wait3A] : memref<100352xf32, #tpu.memory_space<vmem_shared>> -> memref<100352xf32, #tpu.memory_space<vmem_shared>>
      tpu.wait_indirect_dma semaphore(%arg20 : memref<!tpu.dma_semaphore, #tpu.memory_space<semaphore_mem>>) src(%arg14 : memref<2048xf32, #tpu.memory_space<vmem>>) dst(%dma_wait3A_261 : memref<100352xf32, #tpu.memory_space<vmem_shared>>)
    } else {
    }
    %gt3A_156 = arith.constant 0 : i32
    %gt3A_157 = arith.cmpi sgt, %sub3A_66, %gt3A_156 : i32
    %sub3A_158 = arith.constant 1 : i32
    %sub3A_159 = arith.subi %sub3A_66, %sub3A_158 : i32
    %jit3A_160 = arith.constant 3 : i32
    %eq3A_161 = arith.constant 0 : i32
    %eq3A_162 = arith.cmpi eq, %jit3A_160, %eq3A_161 : i32
    %jit3A_163 = arith.constant 1 : i32
    %select_n3A_164 = arith.select %eq3A_162, %jit3A_163, %jit3A_160 : i32
    %rem3A_165 = arith.remsi %sub3A_159, %select_n3A_164 : i32
    %ne3A_166 = arith.constant 0 : i32
    %ne3A_167 = arith.cmpi ne, %rem3A_165, %ne3A_166 : i32
    %lt3A_168 = arith.constant 0 : i32
    %lt3A_169 = arith.cmpi slt, %rem3A_165, %lt3A_168 : i32
    %lt3A_170 = arith.constant 0 : i32
    %lt3A_171 = arith.cmpi slt, %select_n3A_164, %lt3A_170 : i32
    %ne3A_172 = arith.xori %lt3A_169, %lt3A_171 : i1
    %and3A_173 = arith.andi %ne3A_172, %ne3A_167 : i1
    %add3A_174 = arith.addi %rem3A_165, %select_n3A_164 : i32
    %select_n3A_175 = arith.select %and3A_173, %add3A_174, %rem3A_165 : i32
    %eq3A_176 = arith.constant 1 : i32
    %eq3A_177 = arith.cmpi eq, %select_n3A_175, %eq3A_176 : i32
    %and3A_178 = arith.andi %gt3A_157, %eq3A_177 : i1
    %convert_element_type3A_179 = arith.extui %and3A_178 : i1 to i32
    %cond3A_180 = arith.constant 0 : i32
    %cond3A_181 = arith.cmpi ne, %convert_element_type3A_179, %cond3A_180 : i32
    scf.if %cond3A_181 {
      %dma_wait3A = arith.constant 0 : i32
      %dma_wait3A_261 = tpu.memref_slice %arg6[%dma_wait3A] : memref<100352xf32, #tpu.memory_space<vmem_shared>> -> memref<100352xf32, #tpu.memory_space<vmem_shared>>
      tpu.wait_indirect_dma semaphore(%arg21 : memref<!tpu.dma_semaphore, #tpu.memory_space<semaphore_mem>>) src(%arg15 : memref<2048xf32, #tpu.memory_space<vmem>>) dst(%dma_wait3A_261 : memref<100352xf32, #tpu.memory_space<vmem_shared>>)
    } else {
    }
    %gt3A_182 = arith.constant 1 : i32
    %gt3A_183 = arith.cmpi sgt, %sub3A_66, %gt3A_182 : i32
    %sub3A_184 = arith.constant 2 : i32
    %sub3A_185 = arith.subi %sub3A_66, %sub3A_184 : i32
    %jit3A_186 = arith.constant 3 : i32
    %eq3A_187 = arith.constant 0 : i32
    %eq3A_188 = arith.cmpi eq, %jit3A_186, %eq3A_187 : i32
    %jit3A_189 = arith.constant 1 : i32
    %select_n3A_190 = arith.select %eq3A_188, %jit3A_189, %jit3A_186 : i32
    %rem3A_191 = arith.remsi %sub3A_185, %select_n3A_190 : i32
    %ne3A_192 = arith.constant 0 : i32
    %ne3A_193 = arith.cmpi ne, %rem3A_191, %ne3A_192 : i32
    %lt3A_194 = arith.constant 0 : i32
    %lt3A_195 = arith.cmpi slt, %rem3A_191, %lt3A_194 : i32
    %lt3A_196 = arith.constant 0 : i32
    %lt3A_197 = arith.cmpi slt, %select_n3A_190, %lt3A_196 : i32
    %ne3A_198 = arith.xori %lt3A_195, %lt3A_197 : i1
    %and3A_199 = arith.andi %ne3A_198, %ne3A_193 : i1
    %add3A_200 = arith.addi %rem3A_191, %select_n3A_190 : i32
    %select_n3A_201 = arith.select %and3A_199, %add3A_200, %rem3A_191 : i32
    %eq3A_202 = arith.constant 1 : i32
    %eq3A_203 = arith.cmpi eq, %select_n3A_201, %eq3A_202 : i32
    %and3A_204 = arith.andi %gt3A_183, %eq3A_203 : i1
    %convert_element_type3A_205 = arith.extui %and3A_204 : i1 to i32
    %cond3A_206 = arith.constant 0 : i32
    %cond3A_207 = arith.cmpi ne, %convert_element_type3A_205, %cond3A_206 : i32
    scf.if %cond3A_207 {
      %dma_wait3A = arith.constant 0 : i32
      %dma_wait3A_261 = tpu.memref_slice %arg6[%dma_wait3A] : memref<100352xf32, #tpu.memory_space<vmem_shared>> -> memref<100352xf32, #tpu.memory_space<vmem_shared>>
      tpu.wait_indirect_dma semaphore(%arg21 : memref<!tpu.dma_semaphore, #tpu.memory_space<semaphore_mem>>) src(%arg15 : memref<2048xf32, #tpu.memory_space<vmem>>) dst(%dma_wait3A_261 : memref<100352xf32, #tpu.memory_space<vmem_shared>>)
    } else {
    }
    %gt3A_208 = arith.constant 0 : i32
    %gt3A_209 = arith.cmpi sgt, %sub3A_66, %gt3A_208 : i32
    %sub3A_210 = arith.constant 1 : i32
    %sub3A_211 = arith.subi %sub3A_66, %sub3A_210 : i32
    %jit3A_212 = arith.constant 3 : i32
    %eq3A_213 = arith.constant 0 : i32
    %eq3A_214 = arith.cmpi eq, %jit3A_212, %eq3A_213 : i32
    %jit3A_215 = arith.constant 1 : i32
    %select_n3A_216 = arith.select %eq3A_214, %jit3A_215, %jit3A_212 : i32
    %rem3A_217 = arith.remsi %sub3A_211, %select_n3A_216 : i32
    %ne3A_218 = arith.constant 0 : i32
    %ne3A_219 = arith.cmpi ne, %rem3A_217, %ne3A_218 : i32
    %lt3A_220 = arith.constant 0 : i32
    %lt3A_221 = arith.cmpi slt, %rem3A_217, %lt3A_220 : i32
    %lt3A_222 = arith.constant 0 : i32
    %lt3A_223 = arith.cmpi slt, %select_n3A_216, %lt3A_222 : i32
    %ne3A_224 = arith.xori %lt3A_221, %lt3A_223 : i1
    %and3A_225 = arith.andi %ne3A_224, %ne3A_219 : i1
    %add3A_226 = arith.addi %rem3A_217, %select_n3A_216 : i32
    %select_n3A_227 = arith.select %and3A_225, %add3A_226, %rem3A_217 : i32
    %eq3A_228 = arith.constant 2 : i32
    %eq3A_229 = arith.cmpi eq, %select_n3A_227, %eq3A_228 : i32
    %and3A_230 = arith.andi %gt3A_209, %eq3A_229 : i1
    %convert_element_type3A_231 = arith.extui %and3A_230 : i1 to i32
    %cond3A_232 = arith.constant 0 : i32
    %cond3A_233 = arith.cmpi ne, %convert_element_type3A_231, %cond3A_232 : i32
    scf.if %cond3A_233 {
      %dma_wait3A = arith.constant 0 : i32
      %dma_wait3A_261 = tpu.memref_slice %arg6[%dma_wait3A] : memref<100352xf32, #tpu.memory_space<vmem_shared>> -> memref<100352xf32, #tpu.memory_space<vmem_shared>>
      tpu.wait_indirect_dma semaphore(%arg22 : memref<!tpu.dma_semaphore, #tpu.memory_space<semaphore_mem>>) src(%arg16 : memref<2048xf32, #tpu.memory_space<vmem>>) dst(%dma_wait3A_261 : memref<100352xf32, #tpu.memory_space<vmem_shared>>)
    } else {
    }
    %gt3A_234 = arith.constant 1 : i32
    %gt3A_235 = arith.cmpi sgt, %sub3A_66, %gt3A_234 : i32
    %sub3A_236 = arith.constant 2 : i32
    %sub3A_237 = arith.subi %sub3A_66, %sub3A_236 : i32
    %jit3A_238 = arith.constant 3 : i32
    %eq3A_239 = arith.constant 0 : i32
    %eq3A_240 = arith.cmpi eq, %jit3A_238, %eq3A_239 : i32
    %jit3A_241 = arith.constant 1 : i32
    %select_n3A_242 = arith.select %eq3A_240, %jit3A_241, %jit3A_238 : i32
    %rem3A_243 = arith.remsi %sub3A_237, %select_n3A_242 : i32
    %ne3A_244 = arith.constant 0 : i32
    %ne3A_245 = arith.cmpi ne, %rem3A_243, %ne3A_244 : i32
    %lt3A_246 = arith.constant 0 : i32
    %lt3A_247 = arith.cmpi slt, %rem3A_243, %lt3A_246 : i32
    %lt3A_248 = arith.constant 0 : i32
    %lt3A_249 = arith.cmpi slt, %select_n3A_242, %lt3A_248 : i32
    %ne3A_250 = arith.xori %lt3A_247, %lt3A_249 : i1
    %and3A_251 = arith.andi %ne3A_250, %ne3A_245 : i1
    %add3A_252 = arith.addi %rem3A_243, %select_n3A_242 : i32
    %select_n3A_253 = arith.select %and3A_251, %add3A_252, %rem3A_243 : i32
    %eq3A_254 = arith.constant 2 : i32
    %eq3A_255 = arith.cmpi eq, %select_n3A_253, %eq3A_254 : i32
    %and3A_256 = arith.andi %gt3A_235, %eq3A_255 : i1
    %convert_element_type3A_257 = arith.extui %and3A_256 : i1 to i32
    %cond3A_258 = arith.constant 0 : i32
    %cond3A_259 = arith.cmpi ne, %convert_element_type3A_257, %cond3A_258 : i32
    scf.if %cond3A_259 {
      %dma_wait3A = arith.constant 0 : i32
      %dma_wait3A_261 = tpu.memref_slice %arg6[%dma_wait3A] : memref<100352xf32, #tpu.memory_space<vmem_shared>> -> memref<100352xf32, #tpu.memory_space<vmem_shared>>
      tpu.wait_indirect_dma semaphore(%arg22 : memref<!tpu.dma_semaphore, #tpu.memory_space<semaphore_mem>>) src(%arg16 : memref<2048xf32, #tpu.memory_space<vmem>>) dst(%dma_wait3A_261 : memref<100352xf32, #tpu.memory_space<vmem_shared>>)
    } else {
    }
    %barrier3A_260 = arith.constant 0 : index
    tpu.barrier barrier_id(%barrier3A_260)
    "tpu.region"() ({
      %run_scoped3A = tpu.sem_alloc : memref<!tpu.dma_semaphore, #tpu.memory_space<semaphore_mem>>
      %dma_start3A = tpu.memref_slice %arg5[%arg0, %mul3A_0] : memref<2x100352xf32, #tpu.memory_space<hbm>> -> memref<1x6272xf32, #tpu.memory_space<hbm>>
      %dma_start3A_261 = tpu.memref_squeeze %dma_start3A : memref<1x6272xf32, #tpu.memory_space<hbm>> -> memref<6272xf32, #tpu.memory_space<hbm>>
      %dma_start3A_262 = tpu.memref_slice %arg6[%mul3A_0] : memref<100352xf32, #tpu.memory_space<vmem_shared>> -> memref<6272xf32, #tpu.memory_space<vmem_shared>>
      tpu.enqueue_dma source(%dma_start3A_262 : memref<6272xf32, #tpu.memory_space<vmem_shared>>) target(%dma_start3A_261 : memref<6272xf32, #tpu.memory_space<hbm>>) target_semaphore(%run_scoped3A : memref<!tpu.dma_semaphore, #tpu.memory_space<semaphore_mem>>)
      %dma_wait3A = tpu.memref_slice %arg5[%arg0, %mul3A_0] : memref<2x100352xf32, #tpu.memory_space<hbm>> -> memref<1x6272xf32, #tpu.memory_space<hbm>>
      %dma_wait3A_263 = tpu.memref_squeeze %dma_wait3A : memref<1x6272xf32, #tpu.memory_space<hbm>> -> memref<6272xf32, #tpu.memory_space<hbm>>
      %dma_wait3A_264 = tpu.memref_slice %arg6[%mul3A_0] : memref<100352xf32, #tpu.memory_space<vmem_shared>> -> memref<6272xf32, #tpu.memory_space<vmem_shared>>
      tpu.wait_dma2 semaphore(%run_scoped3A : memref<!tpu.dma_semaphore, #tpu.memory_space<semaphore_mem>>) src(%dma_wait3A_264 : memref<6272xf32, #tpu.memory_space<vmem_shared>>) dst(%dma_wait3A_263 : memref<6272xf32, #tpu.memory_space<hbm>>)
      tpu.yield
    }) : () -> ()
    return
  }
}

module attributes {stable_mosaic.version = 14 : i64} {
  func.func @_tc_prep_body(%arg0: memref<2x784x128xf32, #tpu.memory_space<vmem>>, %arg1: memref<784x128xf32, #tpu.memory_space<vmem>>, %arg2: memref<784x128xf32, #tpu.memory_space<vmem>>, %arg3: memref<784x128xf32, #tpu.memory_space<vmem>>) attributes {dimension_semantics = [], scalar_prefetch = 0 : i64, scratch_operands = 0 : i64, tpu.core_type = #tpu.core_type<tc>} {
    %get3A = arith.constant 0 : index
    %get3A_0 = arith.constant 0 : index
    %get3A_1 = arith.constant 0 : index
    %get3A_2 = vector.load %arg0[%get3A, %get3A_0, %get3A_1] : memref<2x784x128xf32, #tpu.memory_space<vmem>>, vector<1x784x128xf32>
    %get3A_3 = vector.shape_cast %get3A_2 : vector<1x784x128xf32> to vector<784x128xf32>
    %get3A_4 = arith.constant 1 : index
    %get3A_5 = arith.constant 0 : index
    %get3A_6 = arith.constant 0 : index
    %get3A_7 = vector.load %arg0[%get3A_4, %get3A_5, %get3A_6] : memref<2x784x128xf32, #tpu.memory_space<vmem>>, vector<1x784x128xf32>
    %get3A_8 = vector.shape_cast %get3A_7 : vector<1x784x128xf32> to vector<784x128xf32>
    %add3A = arith.addf %get3A_3, %get3A_8 : vector<784x128xf32>
    %add3A_9 = arith.constant 1.000000e+00 : f32
    %add3A_10 = vector.broadcast %add3A_9 : f32 to vector<784x128xf32>
    %add3A_11 = arith.addf %add3A, %add3A_10 : vector<784x128xf32>
    %rsqrt3A = math.rsqrt %add3A_11 : vector<784x128xf32>
    %swap3A = arith.constant 0 : index
    %swap3A_12 = arith.constant 0 : index
    %swap3A_13 = vector.load %arg2[%swap3A, %swap3A_12] : memref<784x128xf32, #tpu.memory_space<vmem>>, vector<784x128xf32>
    tpu.vector_store %arg2[%swap3A, %swap3A_12], %rsqrt3A {strides = array<i32>} : memref<784x128xf32, #tpu.memory_space<vmem>>, vector<784x128xf32>,
    %get3A_14 = arith.constant 0 : index
    %get3A_15 = arith.constant 0 : index
    %get3A_16 = vector.load %arg1[%get3A_14, %get3A_15] : memref<784x128xf32, #tpu.memory_space<vmem>>, vector<784x128xf32>
    %mul3A = arith.mulf %rsqrt3A, %get3A_16 : vector<784x128xf32>
    %swap3A_17 = arith.constant 0 : index
    %swap3A_18 = arith.constant 0 : index
    %swap3A_19 = vector.load %arg3[%swap3A_17, %swap3A_18] : memref<784x128xf32, #tpu.memory_space<vmem>>, vector<784x128xf32>
    tpu.vector_store %arg3[%swap3A_17, %swap3A_18], %mul3A {strides = array<i32>} : memref<784x128xf32, #tpu.memory_space<vmem>>, vector<784x128xf32>,
    return
  }
}

module attributes {stable_mosaic.version = 14 : i64} {
  func.func @_tc_mid_body(%arg0: memref<2x784x128xf32, #tpu.memory_space<vmem>>, %arg1: memref<784x128xf32, #tpu.memory_space<vmem>>, %arg2: memref<784x128xf32, #tpu.memory_space<vmem>>, %arg3: memref<1x16xf32, #tpu.memory_space<vmem>>, %arg4: memref<1x16xf32, #tpu.memory_space<vmem>>, %arg5: memref<16x2xf32, #tpu.memory_space<vmem>>, %arg6: memref<784x128xf32, #tpu.memory_space<vmem>>, %arg7: memref<784x128xf32, #tpu.memory_space<vmem>>, %arg8: memref<784x128xf32, #tpu.memory_space<vmem>>, %arg9: memref<784x128xf32, #tpu.memory_space<vmem>>) attributes {dimension_semantics = [], scalar_prefetch = 0 : i64, scratch_operands = 0 : i64, tpu.core_type = #tpu.core_type<tc>} {
    %get3A = arith.constant 0 : index
    %get3A_0 = arith.constant 0 : index
    %get3A_1 = vector.load %arg1[%get3A, %get3A_0] : memref<784x128xf32, #tpu.memory_space<vmem>>, vector<784x128xf32>
    %get3A_2 = arith.constant 0 : index
    %get3A_3 = arith.constant 0 : index
    %get3A_4 = arith.constant 0 : index
    %get3A_5 = vector.load %arg0[%get3A_2, %get3A_3, %get3A_4] : memref<2x784x128xf32, #tpu.memory_space<vmem>>, vector<1x784x128xf32>
    %get3A_6 = vector.shape_cast %get3A_5 : vector<1x784x128xf32> to vector<784x128xf32>
    %get3A_7 = arith.constant 1 : index
    %get3A_8 = arith.constant 0 : index
    %get3A_9 = arith.constant 0 : index
    %get3A_10 = vector.load %arg0[%get3A_7, %get3A_8, %get3A_9] : memref<2x784x128xf32, #tpu.memory_space<vmem>>, vector<1x784x128xf32>
    %get3A_11 = vector.shape_cast %get3A_10 : vector<1x784x128xf32> to vector<784x128xf32>
    %add3A = arith.addf %get3A_6, %get3A_11 : vector<784x128xf32>
    %mul3A = arith.mulf %get3A_1, %add3A : vector<784x128xf32>
    %mul3A_12 = arith.mulf %get3A_1, %get3A_1 : vector<784x128xf32>
    %get3A_13 = arith.constant 0 : index
    %get3A_14 = arith.constant 0 : index
    %get3A_15 = vector.load %arg2[%get3A_13, %get3A_14] : memref<784x128xf32, #tpu.memory_space<vmem>>, vector<784x128xf32>
    %mul3A_16 = arith.mulf %mul3A_12, %get3A_15 : vector<784x128xf32>
    %add3A_17 = arith.addf %mul3A, %mul3A_16 : vector<784x128xf32>
    %broadcast_in_dim3A = arith.constant 0.000000e+00 : f32
    %broadcast_in_dim3A_18 = vector.broadcast %broadcast_in_dim3A : f32 to vector<784x128xf32>
    %broadcast_in_dim3A_19 = arith.constant 0.000000e+00 : f32
    %broadcast_in_dim3A_20 = vector.broadcast %broadcast_in_dim3A_19 : f32 to vector<784x128xf32>
    %get3A_21 = arith.constant 0 : index
    %get3A_22 = arith.constant 0 : index
    %get3A_23 = vector.load %arg3[%get3A_21, %get3A_22] : memref<1x16xf32, #tpu.memory_space<vmem>>, vector<1x1xf32>
    %get3A_24 = vector.extract %get3A_23[0, 0] : f32 from vector<1x1xf32>
    %mul3A_25 = vector.broadcast %get3A_24 : f32 to vector<784x128xf32>
    %mul3A_26 = arith.mulf %add3A_17, %mul3A_25 : vector<784x128xf32>
    %get3A_27 = arith.constant 0 : index
    %get3A_28 = arith.constant 0 : index
    %get3A_29 = vector.load %arg4[%get3A_27, %get3A_28] : memref<1x16xf32, #tpu.memory_space<vmem>>, vector<1x1xf32>
    %get3A_30 = vector.extract %get3A_29[0, 0] : f32 from vector<1x1xf32>
    %add3A_31 = vector.broadcast %get3A_30 : f32 to vector<784x128xf32>
    %add3A_32 = arith.addf %mul3A_26, %add3A_31 : vector<784x128xf32>
    %max3A = arith.constant 0.000000e+00 : f32
    %max3A_33 = vector.broadcast %max3A : f32 to vector<784x128xf32>
    %max3A_34 = arith.maximumf %add3A_32, %max3A_33 : vector<784x128xf32>
    %get3A_35 = arith.constant 0 : index
    %get3A_36 = arith.constant 0 : index
    %get3A_37 = vector.load %arg5[%get3A_35, %get3A_36] : memref<16x2xf32, #tpu.memory_space<vmem>>, vector<1x1xf32>
    %get3A_38 = vector.extract %get3A_37[0, 0] : f32 from vector<1x1xf32>
    %mul3A_39 = vector.broadcast %get3A_38 : f32 to vector<784x128xf32>
    %mul3A_40 = arith.mulf %max3A_34, %mul3A_39 : vector<784x128xf32>
    %add3A_41 = arith.addf %broadcast_in_dim3A_18, %mul3A_40 : vector<784x128xf32>
    %get3A_42 = arith.constant 0 : index
    %get3A_43 = arith.constant 1 : index
    %get3A_44 = vector.load %arg5[%get3A_42, %get3A_43] : memref<16x2xf32, #tpu.memory_space<vmem>>, vector<1x1xf32>
    %get3A_45 = vector.extract %get3A_44[0, 0] : f32 from vector<1x1xf32>
    %mul3A_46 = vector.broadcast %get3A_45 : f32 to vector<784x128xf32>
    %mul3A_47 = arith.mulf %max3A_34, %mul3A_46 : vector<784x128xf32>
    %add3A_48 = arith.addf %broadcast_in_dim3A_20, %mul3A_47 : vector<784x128xf32>
    %get3A_49 = arith.constant 0 : index
    %get3A_50 = arith.constant 1 : index
    %get3A_51 = vector.load %arg3[%get3A_49, %get3A_50] : memref<1x16xf32, #tpu.memory_space<vmem>>, vector<1x1xf32>
    %get3A_52 = vector.extract %get3A_51[0, 0] : f32 from vector<1x1xf32>
    %mul3A_53 = vector.broadcast %get3A_52 : f32 to vector<784x128xf32>
    %mul3A_54 = arith.mulf %add3A_17, %mul3A_53 : vector<784x128xf32>
    %get3A_55 = arith.constant 0 : index
    %get3A_56 = arith.constant 1 : index
    %get3A_57 = vector.load %arg4[%get3A_55, %get3A_56] : memref<1x16xf32, #tpu.memory_space<vmem>>, vector<1x1xf32>
    %get3A_58 = vector.extract %get3A_57[0, 0] : f32 from vector<1x1xf32>
    %add3A_59 = vector.broadcast %get3A_58 : f32 to vector<784x128xf32>
    %add3A_60 = arith.addf %mul3A_54, %add3A_59 : vector<784x128xf32>
    %max3A_61 = arith.constant 0.000000e+00 : f32
    %max3A_62 = vector.broadcast %max3A_61 : f32 to vector<784x128xf32>
    %max3A_63 = arith.maximumf %add3A_60, %max3A_62 : vector<784x128xf32>
    %get3A_64 = arith.constant 1 : index
    %get3A_65 = arith.constant 0 : index
    %get3A_66 = vector.load %arg5[%get3A_64, %get3A_65] : memref<16x2xf32, #tpu.memory_space<vmem>>, vector<1x1xf32>
    %get3A_67 = vector.extract %get3A_66[0, 0] : f32 from vector<1x1xf32>
    %mul3A_68 = vector.broadcast %get3A_67 : f32 to vector<784x128xf32>
    %mul3A_69 = arith.mulf %max3A_63, %mul3A_68 : vector<784x128xf32>
    %add3A_70 = arith.addf %add3A_41, %mul3A_69 : vector<784x128xf32>
    %get3A_71 = arith.constant 1 : index
    %get3A_72 = arith.constant 1 : index
    %get3A_73 = vector.load %arg5[%get3A_71, %get3A_72] : memref<16x2xf32, #tpu.memory_space<vmem>>, vector<1x1xf32>
    %get3A_74 = vector.extract %get3A_73[0, 0] : f32 from vector<1x1xf32>
    %mul3A_75 = vector.broadcast %get3A_74 : f32 to vector<784x128xf32>
    %mul3A_76 = arith.mulf %max3A_63, %mul3A_75 : vector<784x128xf32>
    %add3A_77 = arith.addf %add3A_48, %mul3A_76 : vector<784x128xf32>
    %get3A_78 = arith.constant 0 : index
    %get3A_79 = arith.constant 2 : index
    %get3A_80 = vector.load %arg3[%get3A_78, %get3A_79] : memref<1x16xf32, #tpu.memory_space<vmem>>, vector<1x1xf32>
    %get3A_81 = vector.extract %get3A_80[0, 0] : f32 from vector<1x1xf32>
    %mul3A_82 = vector.broadcast %get3A_81 : f32 to vector<784x128xf32>
    %mul3A_83 = arith.mulf %add3A_17, %mul3A_82 : vector<784x128xf32>
    %get3A_84 = arith.constant 0 : index
    %get3A_85 = arith.constant 2 : index
    %get3A_86 = vector.load %arg4[%get3A_84, %get3A_85] : memref<1x16xf32, #tpu.memory_space<vmem>>, vector<1x1xf32>
    %get3A_87 = vector.extract %get3A_86[0, 0] : f32 from vector<1x1xf32>
    %add3A_88 = vector.broadcast %get3A_87 : f32 to vector<784x128xf32>
    %add3A_89 = arith.addf %mul3A_83, %add3A_88 : vector<784x128xf32>
    %max3A_90 = arith.constant 0.000000e+00 : f32
    %max3A_91 = vector.broadcast %max3A_90 : f32 to vector<784x128xf32>
    %max3A_92 = arith.maximumf %add3A_89, %max3A_91 : vector<784x128xf32>
    %get3A_93 = arith.constant 2 : index
    %get3A_94 = arith.constant 0 : index
    %get3A_95 = vector.load %arg5[%get3A_93, %get3A_94] : memref<16x2xf32, #tpu.memory_space<vmem>>, vector<1x1xf32>
    %get3A_96 = vector.extract %get3A_95[0, 0] : f32 from vector<1x1xf32>
    %mul3A_97 = vector.broadcast %get3A_96 : f32 to vector<784x128xf32>
    %mul3A_98 = arith.mulf %max3A_92, %mul3A_97 : vector<784x128xf32>
    %add3A_99 = arith.addf %add3A_70, %mul3A_98 : vector<784x128xf32>
    %get3A_100 = arith.constant 2 : index
    %get3A_101 = arith.constant 1 : index
    %get3A_102 = vector.load %arg5[%get3A_100, %get3A_101] : memref<16x2xf32, #tpu.memory_space<vmem>>, vector<1x1xf32>
    %get3A_103 = vector.extract %get3A_102[0, 0] : f32 from vector<1x1xf32>
    %mul3A_104 = vector.broadcast %get3A_103 : f32 to vector<784x128xf32>
    %mul3A_105 = arith.mulf %max3A_92, %mul3A_104 : vector<784x128xf32>
    %add3A_106 = arith.addf %add3A_77, %mul3A_105 : vector<784x128xf32>
    %get3A_107 = arith.constant 0 : index
    %get3A_108 = arith.constant 3 : index
    %get3A_109 = vector.load %arg3[%get3A_107, %get3A_108] : memref<1x16xf32, #tpu.memory_space<vmem>>, vector<1x1xf32>
    %get3A_110 = vector.extract %get3A_109[0, 0] : f32 from vector<1x1xf32>
    %mul3A_111 = vector.broadcast %get3A_110 : f32 to vector<784x128xf32>
    %mul3A_112 = arith.mulf %add3A_17, %mul3A_111 : vector<784x128xf32>
    %get3A_113 = arith.constant 0 : index
    %get3A_114 = arith.constant 3 : index
    %get3A_115 = vector.load %arg4[%get3A_113, %get3A_114] : memref<1x16xf32, #tpu.memory_space<vmem>>, vector<1x1xf32>
    %get3A_116 = vector.extract %get3A_115[0, 0] : f32 from vector<1x1xf32>
    %add3A_117 = vector.broadcast %get3A_116 : f32 to vector<784x128xf32>
    %add3A_118 = arith.addf %mul3A_112, %add3A_117 : vector<784x128xf32>
    %max3A_119 = arith.constant 0.000000e+00 : f32
    %max3A_120 = vector.broadcast %max3A_119 : f32 to vector<784x128xf32>
    %max3A_121 = arith.maximumf %add3A_118, %max3A_120 : vector<784x128xf32>
    %get3A_122 = arith.constant 3 : index
    %get3A_123 = arith.constant 0 : index
    %get3A_124 = vector.load %arg5[%get3A_122, %get3A_123] : memref<16x2xf32, #tpu.memory_space<vmem>>, vector<1x1xf32>
    %get3A_125 = vector.extract %get3A_124[0, 0] : f32 from vector<1x1xf32>
    %mul3A_126 = vector.broadcast %get3A_125 : f32 to vector<784x128xf32>
    %mul3A_127 = arith.mulf %max3A_121, %mul3A_126 : vector<784x128xf32>
    %add3A_128 = arith.addf %add3A_99, %mul3A_127 : vector<784x128xf32>
    %get3A_129 = arith.constant 3 : index
    %get3A_130 = arith.constant 1 : index
    %get3A_131 = vector.load %arg5[%get3A_129, %get3A_130] : memref<16x2xf32, #tpu.memory_space<vmem>>, vector<1x1xf32>
    %get3A_132 = vector.extract %get3A_131[0, 0] : f32 from vector<1x1xf32>
    %mul3A_133 = vector.broadcast %get3A_132 : f32 to vector<784x128xf32>
    %mul3A_134 = arith.mulf %max3A_121, %mul3A_133 : vector<784x128xf32>
    %add3A_135 = arith.addf %add3A_106, %mul3A_134 : vector<784x128xf32>
    %get3A_136 = arith.constant 0 : index
    %get3A_137 = arith.constant 4 : index
    %get3A_138 = vector.load %arg3[%get3A_136, %get3A_137] : memref<1x16xf32, #tpu.memory_space<vmem>>, vector<1x1xf32>
    %get3A_139 = vector.extract %get3A_138[0, 0] : f32 from vector<1x1xf32>
    %mul3A_140 = vector.broadcast %get3A_139 : f32 to vector<784x128xf32>
    %mul3A_141 = arith.mulf %add3A_17, %mul3A_140 : vector<784x128xf32>
    %get3A_142 = arith.constant 0 : index
    %get3A_143 = arith.constant 4 : index
    %get3A_144 = vector.load %arg4[%get3A_142, %get3A_143] : memref<1x16xf32, #tpu.memory_space<vmem>>, vector<1x1xf32>
    %get3A_145 = vector.extract %get3A_144[0, 0] : f32 from vector<1x1xf32>
    %add3A_146 = vector.broadcast %get3A_145 : f32 to vector<784x128xf32>
    %add3A_147 = arith.addf %mul3A_141, %add3A_146 : vector<784x128xf32>
    %max3A_148 = arith.constant 0.000000e+00 : f32
    %max3A_149 = vector.broadcast %max3A_148 : f32 to vector<784x128xf32>
    %max3A_150 = arith.maximumf %add3A_147, %max3A_149 : vector<784x128xf32>
    %get3A_151 = arith.constant 4 : index
    %get3A_152 = arith.constant 0 : index
    %get3A_153 = vector.load %arg5[%get3A_151, %get3A_152] : memref<16x2xf32, #tpu.memory_space<vmem>>, vector<1x1xf32>
    %get3A_154 = vector.extract %get3A_153[0, 0] : f32 from vector<1x1xf32>
    %mul3A_155 = vector.broadcast %get3A_154 : f32 to vector<784x128xf32>
    %mul3A_156 = arith.mulf %max3A_150, %mul3A_155 : vector<784x128xf32>
    %add3A_157 = arith.addf %add3A_128, %mul3A_156 : vector<784x128xf32>
    %get3A_158 = arith.constant 4 : index
    %get3A_159 = arith.constant 1 : index
    %get3A_160 = vector.load %arg5[%get3A_158, %get3A_159] : memref<16x2xf32, #tpu.memory_space<vmem>>, vector<1x1xf32>
    %get3A_161 = vector.extract %get3A_160[0, 0] : f32 from vector<1x1xf32>
    %mul3A_162 = vector.broadcast %get3A_161 : f32 to vector<784x128xf32>
    %mul3A_163 = arith.mulf %max3A_150, %mul3A_162 : vector<784x128xf32>
    %add3A_164 = arith.addf %add3A_135, %mul3A_163 : vector<784x128xf32>
    %get3A_165 = arith.constant 0 : index
    %get3A_166 = arith.constant 5 : index
    %get3A_167 = vector.load %arg3[%get3A_165, %get3A_166] : memref<1x16xf32, #tpu.memory_space<vmem>>, vector<1x1xf32>
    %get3A_168 = vector.extract %get3A_167[0, 0] : f32 from vector<1x1xf32>
    %mul3A_169 = vector.broadcast %get3A_168 : f32 to vector<784x128xf32>
    %mul3A_170 = arith.mulf %add3A_17, %mul3A_169 : vector<784x128xf32>
    %get3A_171 = arith.constant 0 : index
    %get3A_172 = arith.constant 5 : index
    %get3A_173 = vector.load %arg4[%get3A_171, %get3A_172] : memref<1x16xf32, #tpu.memory_space<vmem>>, vector<1x1xf32>
    %get3A_174 = vector.extract %get3A_173[0, 0] : f32 from vector<1x1xf32>
    %add3A_175 = vector.broadcast %get3A_174 : f32 to vector<784x128xf32>
    %add3A_176 = arith.addf %mul3A_170, %add3A_175 : vector<784x128xf32>
    %max3A_177 = arith.constant 0.000000e+00 : f32
    %max3A_178 = vector.broadcast %max3A_177 : f32 to vector<784x128xf32>
    %max3A_179 = arith.maximumf %add3A_176, %max3A_178 : vector<784x128xf32>
    %get3A_180 = arith.constant 5 : index
    %get3A_181 = arith.constant 0 : index
    %get3A_182 = vector.load %arg5[%get3A_180, %get3A_181] : memref<16x2xf32, #tpu.memory_space<vmem>>, vector<1x1xf32>
    %get3A_183 = vector.extract %get3A_182[0, 0] : f32 from vector<1x1xf32>
    %mul3A_184 = vector.broadcast %get3A_183 : f32 to vector<784x128xf32>
    %mul3A_185 = arith.mulf %max3A_179, %mul3A_184 : vector<784x128xf32>
    %add3A_186 = arith.addf %add3A_157, %mul3A_185 : vector<784x128xf32>
    %get3A_187 = arith.constant 5 : index
    %get3A_188 = arith.constant 1 : index
    %get3A_189 = vector.load %arg5[%get3A_187, %get3A_188] : memref<16x2xf32, #tpu.memory_space<vmem>>, vector<1x1xf32>
    %get3A_190 = vector.extract %get3A_189[0, 0] : f32 from vector<1x1xf32>
    %mul3A_191 = vector.broadcast %get3A_190 : f32 to vector<784x128xf32>
    %mul3A_192 = arith.mulf %max3A_179, %mul3A_191 : vector<784x128xf32>
    %add3A_193 = arith.addf %add3A_164, %mul3A_192 : vector<784x128xf32>
    %get3A_194 = arith.constant 0 : index
    %get3A_195 = arith.constant 6 : index
    %get3A_196 = vector.load %arg3[%get3A_194, %get3A_195] : memref<1x16xf32, #tpu.memory_space<vmem>>, vector<1x1xf32>
    %get3A_197 = vector.extract %get3A_196[0, 0] : f32 from vector<1x1xf32>
    %mul3A_198 = vector.broadcast %get3A_197 : f32 to vector<784x128xf32>
    %mul3A_199 = arith.mulf %add3A_17, %mul3A_198 : vector<784x128xf32>
    %get3A_200 = arith.constant 0 : index
    %get3A_201 = arith.constant 6 : index
    %get3A_202 = vector.load %arg4[%get3A_200, %get3A_201] : memref<1x16xf32, #tpu.memory_space<vmem>>, vector<1x1xf32>
    %get3A_203 = vector.extract %get3A_202[0, 0] : f32 from vector<1x1xf32>
    %add3A_204 = vector.broadcast %get3A_203 : f32 to vector<784x128xf32>
    %add3A_205 = arith.addf %mul3A_199, %add3A_204 : vector<784x128xf32>
    %max3A_206 = arith.constant 0.000000e+00 : f32
    %max3A_207 = vector.broadcast %max3A_206 : f32 to vector<784x128xf32>
    %max3A_208 = arith.maximumf %add3A_205, %max3A_207 : vector<784x128xf32>
    %get3A_209 = arith.constant 6 : index
    %get3A_210 = arith.constant 0 : index
    %get3A_211 = vector.load %arg5[%get3A_209, %get3A_210] : memref<16x2xf32, #tpu.memory_space<vmem>>, vector<1x1xf32>
    %get3A_212 = vector.extract %get3A_211[0, 0] : f32 from vector<1x1xf32>
    %mul3A_213 = vector.broadcast %get3A_212 : f32 to vector<784x128xf32>
    %mul3A_214 = arith.mulf %max3A_208, %mul3A_213 : vector<784x128xf32>
    %add3A_215 = arith.addf %add3A_186, %mul3A_214 : vector<784x128xf32>
    %get3A_216 = arith.constant 6 : index
    %get3A_217 = arith.constant 1 : index
    %get3A_218 = vector.load %arg5[%get3A_216, %get3A_217] : memref<16x2xf32, #tpu.memory_space<vmem>>, vector<1x1xf32>
    %get3A_219 = vector.extract %get3A_218[0, 0] : f32 from vector<1x1xf32>
    %mul3A_220 = vector.broadcast %get3A_219 : f32 to vector<784x128xf32>
    %mul3A_221 = arith.mulf %max3A_208, %mul3A_220 : vector<784x128xf32>
    %add3A_222 = arith.addf %add3A_193, %mul3A_221 : vector<784x128xf32>
    %get3A_223 = arith.constant 0 : index
    %get3A_224 = arith.constant 7 : index
    %get3A_225 = vector.load %arg3[%get3A_223, %get3A_224] : memref<1x16xf32, #tpu.memory_space<vmem>>, vector<1x1xf32>
    %get3A_226 = vector.extract %get3A_225[0, 0] : f32 from vector<1x1xf32>
    %mul3A_227 = vector.broadcast %get3A_226 : f32 to vector<784x128xf32>
    %mul3A_228 = arith.mulf %add3A_17, %mul3A_227 : vector<784x128xf32>
    %get3A_229 = arith.constant 0 : index
    %get3A_230 = arith.constant 7 : index
    %get3A_231 = vector.load %arg4[%get3A_229, %get3A_230] : memref<1x16xf32, #tpu.memory_space<vmem>>, vector<1x1xf32>
    %get3A_232 = vector.extract %get3A_231[0, 0] : f32 from vector<1x1xf32>
    %add3A_233 = vector.broadcast %get3A_232 : f32 to vector<784x128xf32>
    %add3A_234 = arith.addf %mul3A_228, %add3A_233 : vector<784x128xf32>
    %max3A_235 = arith.constant 0.000000e+00 : f32
    %max3A_236 = vector.broadcast %max3A_235 : f32 to vector<784x128xf32>
    %max3A_237 = arith.maximumf %add3A_234, %max3A_236 : vector<784x128xf32>
    %get3A_238 = arith.constant 7 : index
    %get3A_239 = arith.constant 0 : index
    %get3A_240 = vector.load %arg5[%get3A_238, %get3A_239] : memref<16x2xf32, #tpu.memory_space<vmem>>, vector<1x1xf32>
    %get3A_241 = vector.extract %get3A_240[0, 0] : f32 from vector<1x1xf32>
    %mul3A_242 = vector.broadcast %get3A_241 : f32 to vector<784x128xf32>
    %mul3A_243 = arith.mulf %max3A_237, %mul3A_242 : vector<784x128xf32>
    %add3A_244 = arith.addf %add3A_215, %mul3A_243 : vector<784x128xf32>
    %get3A_245 = arith.constant 7 : index
    %get3A_246 = arith.constant 1 : index
    %get3A_247 = vector.load %arg5[%get3A_245, %get3A_246] : memref<16x2xf32, #tpu.memory_space<vmem>>, vector<1x1xf32>
    %get3A_248 = vector.extract %get3A_247[0, 0] : f32 from vector<1x1xf32>
    %mul3A_249 = vector.broadcast %get3A_248 : f32 to vector<784x128xf32>
    %mul3A_250 = arith.mulf %max3A_237, %mul3A_249 : vector<784x128xf32>
    %add3A_251 = arith.addf %add3A_222, %mul3A_250 : vector<784x128xf32>
    %get3A_252 = arith.constant 0 : index
    %get3A_253 = arith.constant 8 : index
    %get3A_254 = vector.load %arg3[%get3A_252, %get3A_253] : memref<1x16xf32, #tpu.memory_space<vmem>>, vector<1x1xf32>
    %get3A_255 = vector.extract %get3A_254[0, 0] : f32 from vector<1x1xf32>
    %mul3A_256 = vector.broadcast %get3A_255 : f32 to vector<784x128xf32>
    %mul3A_257 = arith.mulf %add3A_17, %mul3A_256 : vector<784x128xf32>
    %get3A_258 = arith.constant 0 : index
    %get3A_259 = arith.constant 8 : index
    %get3A_260 = vector.load %arg4[%get3A_258, %get3A_259] : memref<1x16xf32, #tpu.memory_space<vmem>>, vector<1x1xf32>
    %get3A_261 = vector.extract %get3A_260[0, 0] : f32 from vector<1x1xf32>
    %add3A_262 = vector.broadcast %get3A_261 : f32 to vector<784x128xf32>
    %add3A_263 = arith.addf %mul3A_257, %add3A_262 : vector<784x128xf32>
    %max3A_264 = arith.constant 0.000000e+00 : f32
    %max3A_265 = vector.broadcast %max3A_264 : f32 to vector<784x128xf32>
    %max3A_266 = arith.maximumf %add3A_263, %max3A_265 : vector<784x128xf32>
    %get3A_267 = arith.constant 8 : index
    %get3A_268 = arith.constant 0 : index
    %get3A_269 = vector.load %arg5[%get3A_267, %get3A_268] : memref<16x2xf32, #tpu.memory_space<vmem>>, vector<1x1xf32>
    %get3A_270 = vector.extract %get3A_269[0, 0] : f32 from vector<1x1xf32>
    %mul3A_271 = vector.broadcast %get3A_270 : f32 to vector<784x128xf32>
    %mul3A_272 = arith.mulf %max3A_266, %mul3A_271 : vector<784x128xf32>
    %add3A_273 = arith.addf %add3A_244, %mul3A_272 : vector<784x128xf32>
    %get3A_274 = arith.constant 8 : index
    %get3A_275 = arith.constant 1 : index
    %get3A_276 = vector.load %arg5[%get3A_274, %get3A_275] : memref<16x2xf32, #tpu.memory_space<vmem>>, vector<1x1xf32>
    %get3A_277 = vector.extract %get3A_276[0, 0] : f32 from vector<1x1xf32>
    %mul3A_278 = vector.broadcast %get3A_277 : f32 to vector<784x128xf32>
    %mul3A_279 = arith.mulf %max3A_266, %mul3A_278 : vector<784x128xf32>
    %add3A_280 = arith.addf %add3A_251, %mul3A_279 : vector<784x128xf32>
    %get3A_281 = arith.constant 0 : index
    %get3A_282 = arith.constant 9 : index
    %get3A_283 = vector.load %arg3[%get3A_281, %get3A_282] : memref<1x16xf32, #tpu.memory_space<vmem>>, vector<1x1xf32>
    %get3A_284 = vector.extract %get3A_283[0, 0] : f32 from vector<1x1xf32>
    %mul3A_285 = vector.broadcast %get3A_284 : f32 to vector<784x128xf32>
    %mul3A_286 = arith.mulf %add3A_17, %mul3A_285 : vector<784x128xf32>
    %get3A_287 = arith.constant 0 : index
    %get3A_288 = arith.constant 9 : index
    %get3A_289 = vector.load %arg4[%get3A_287, %get3A_288] : memref<1x16xf32, #tpu.memory_space<vmem>>, vector<1x1xf32>
    %get3A_290 = vector.extract %get3A_289[0, 0] : f32 from vector<1x1xf32>
    %add3A_291 = vector.broadcast %get3A_290 : f32 to vector<784x128xf32>
    %add3A_292 = arith.addf %mul3A_286, %add3A_291 : vector<784x128xf32>
    %max3A_293 = arith.constant 0.000000e+00 : f32
    %max3A_294 = vector.broadcast %max3A_293 : f32 to vector<784x128xf32>
    %max3A_295 = arith.maximumf %add3A_292, %max3A_294 : vector<784x128xf32>
    %get3A_296 = arith.constant 9 : index
    %get3A_297 = arith.constant 0 : index
    %get3A_298 = vector.load %arg5[%get3A_296, %get3A_297] : memref<16x2xf32, #tpu.memory_space<vmem>>, vector<1x1xf32>
    %get3A_299 = vector.extract %get3A_298[0, 0] : f32 from vector<1x1xf32>
    %mul3A_300 = vector.broadcast %get3A_299 : f32 to vector<784x128xf32>
    %mul3A_301 = arith.mulf %max3A_295, %mul3A_300 : vector<784x128xf32>
    %add3A_302 = arith.addf %add3A_273, %mul3A_301 : vector<784x128xf32>
    %get3A_303 = arith.constant 9 : index
    %get3A_304 = arith.constant 1 : index
    %get3A_305 = vector.load %arg5[%get3A_303, %get3A_304] : memref<16x2xf32, #tpu.memory_space<vmem>>, vector<1x1xf32>
    %get3A_306 = vector.extract %get3A_305[0, 0] : f32 from vector<1x1xf32>
    %mul3A_307 = vector.broadcast %get3A_306 : f32 to vector<784x128xf32>
    %mul3A_308 = arith.mulf %max3A_295, %mul3A_307 : vector<784x128xf32>
    %add3A_309 = arith.addf %add3A_280, %mul3A_308 : vector<784x128xf32>
    %get3A_310 = arith.constant 0 : index
    %get3A_311 = arith.constant 10 : index
    %get3A_312 = vector.load %arg3[%get3A_310, %get3A_311] : memref<1x16xf32, #tpu.memory_space<vmem>>, vector<1x1xf32>
    %get3A_313 = vector.extract %get3A_312[0, 0] : f32 from vector<1x1xf32>
    %mul3A_314 = vector.broadcast %get3A_313 : f32 to vector<784x128xf32>
    %mul3A_315 = arith.mulf %add3A_17, %mul3A_314 : vector<784x128xf32>
    %get3A_316 = arith.constant 0 : index
    %get3A_317 = arith.constant 10 : index
    %get3A_318 = vector.load %arg4[%get3A_316, %get3A_317] : memref<1x16xf32, #tpu.memory_space<vmem>>, vector<1x1xf32>
    %get3A_319 = vector.extract %get3A_318[0, 0] : f32 from vector<1x1xf32>
    %add3A_320 = vector.broadcast %get3A_319 : f32 to vector<784x128xf32>
    %add3A_321 = arith.addf %mul3A_315, %add3A_320 : vector<784x128xf32>
    %max3A_322 = arith.constant 0.000000e+00 : f32
    %max3A_323 = vector.broadcast %max3A_322 : f32 to vector<784x128xf32>
    %max3A_324 = arith.maximumf %add3A_321, %max3A_323 : vector<784x128xf32>
    %get3A_325 = arith.constant 10 : index
    %get3A_326 = arith.constant 0 : index
    %get3A_327 = vector.load %arg5[%get3A_325, %get3A_326] : memref<16x2xf32, #tpu.memory_space<vmem>>, vector<1x1xf32>
    %get3A_328 = vector.extract %get3A_327[0, 0] : f32 from vector<1x1xf32>
    %mul3A_329 = vector.broadcast %get3A_328 : f32 to vector<784x128xf32>
    %mul3A_330 = arith.mulf %max3A_324, %mul3A_329 : vector<784x128xf32>
    %add3A_331 = arith.addf %add3A_302, %mul3A_330 : vector<784x128xf32>
    %get3A_332 = arith.constant 10 : index
    %get3A_333 = arith.constant 1 : index
    %get3A_334 = vector.load %arg5[%get3A_332, %get3A_333] : memref<16x2xf32, #tpu.memory_space<vmem>>, vector<1x1xf32>
    %get3A_335 = vector.extract %get3A_334[0, 0] : f32 from vector<1x1xf32>
    %mul3A_336 = vector.broadcast %get3A_335 : f32 to vector<784x128xf32>
    %mul3A_337 = arith.mulf %max3A_324, %mul3A_336 : vector<784x128xf32>
    %add3A_338 = arith.addf %add3A_309, %mul3A_337 : vector<784x128xf32>
    %get3A_339 = arith.constant 0 : index
    %get3A_340 = arith.constant 11 : index
    %get3A_341 = vector.load %arg3[%get3A_339, %get3A_340] : memref<1x16xf32, #tpu.memory_space<vmem>>, vector<1x1xf32>
    %get3A_342 = vector.extract %get3A_341[0, 0] : f32 from vector<1x1xf32>
    %mul3A_343 = vector.broadcast %get3A_342 : f32 to vector<784x128xf32>
    %mul3A_344 = arith.mulf %add3A_17, %mul3A_343 : vector<784x128xf32>
    %get3A_345 = arith.constant 0 : index
    %get3A_346 = arith.constant 11 : index
    %get3A_347 = vector.load %arg4[%get3A_345, %get3A_346] : memref<1x16xf32, #tpu.memory_space<vmem>>, vector<1x1xf32>
    %get3A_348 = vector.extract %get3A_347[0, 0] : f32 from vector<1x1xf32>
    %add3A_349 = vector.broadcast %get3A_348 : f32 to vector<784x128xf32>
    %add3A_350 = arith.addf %mul3A_344, %add3A_349 : vector<784x128xf32>
    %max3A_351 = arith.constant 0.000000e+00 : f32
    %max3A_352 = vector.broadcast %max3A_351 : f32 to vector<784x128xf32>
    %max3A_353 = arith.maximumf %add3A_350, %max3A_352 : vector<784x128xf32>
    %get3A_354 = arith.constant 11 : index
    %get3A_355 = arith.constant 0 : index
    %get3A_356 = vector.load %arg5[%get3A_354, %get3A_355] : memref<16x2xf32, #tpu.memory_space<vmem>>, vector<1x1xf32>
    %get3A_357 = vector.extract %get3A_356[0, 0] : f32 from vector<1x1xf32>
    %mul3A_358 = vector.broadcast %get3A_357 : f32 to vector<784x128xf32>
    %mul3A_359 = arith.mulf %max3A_353, %mul3A_358 : vector<784x128xf32>
    %add3A_360 = arith.addf %add3A_331, %mul3A_359 : vector<784x128xf32>
    %get3A_361 = arith.constant 11 : index
    %get3A_362 = arith.constant 1 : index
    %get3A_363 = vector.load %arg5[%get3A_361, %get3A_362] : memref<16x2xf32, #tpu.memory_space<vmem>>, vector<1x1xf32>
    %get3A_364 = vector.extract %get3A_363[0, 0] : f32 from vector<1x1xf32>
    %mul3A_365 = vector.broadcast %get3A_364 : f32 to vector<784x128xf32>
    %mul3A_366 = arith.mulf %max3A_353, %mul3A_365 : vector<784x128xf32>
    %add3A_367 = arith.addf %add3A_338, %mul3A_366 : vector<784x128xf32>
    %get3A_368 = arith.constant 0 : index
    %get3A_369 = arith.constant 12 : index
    %get3A_370 = vector.load %arg3[%get3A_368, %get3A_369] : memref<1x16xf32, #tpu.memory_space<vmem>>, vector<1x1xf32>
    %get3A_371 = vector.extract %get3A_370[0, 0] : f32 from vector<1x1xf32>
    %mul3A_372 = vector.broadcast %get3A_371 : f32 to vector<784x128xf32>
    %mul3A_373 = arith.mulf %add3A_17, %mul3A_372 : vector<784x128xf32>
    %get3A_374 = arith.constant 0 : index
    %get3A_375 = arith.constant 12 : index
    %get3A_376 = vector.load %arg4[%get3A_374, %get3A_375] : memref<1x16xf32, #tpu.memory_space<vmem>>, vector<1x1xf32>
    %get3A_377 = vector.extract %get3A_376[0, 0] : f32 from vector<1x1xf32>
    %add3A_378 = vector.broadcast %get3A_377 : f32 to vector<784x128xf32>
    %add3A_379 = arith.addf %mul3A_373, %add3A_378 : vector<784x128xf32>
    %max3A_380 = arith.constant 0.000000e+00 : f32
    %max3A_381 = vector.broadcast %max3A_380 : f32 to vector<784x128xf32>
    %max3A_382 = arith.maximumf %add3A_379, %max3A_381 : vector<784x128xf32>
    %get3A_383 = arith.constant 12 : index
    %get3A_384 = arith.constant 0 : index
    %get3A_385 = vector.load %arg5[%get3A_383, %get3A_384] : memref<16x2xf32, #tpu.memory_space<vmem>>, vector<1x1xf32>
    %get3A_386 = vector.extract %get3A_385[0, 0] : f32 from vector<1x1xf32>
    %mul3A_387 = vector.broadcast %get3A_386 : f32 to vector<784x128xf32>
    %mul3A_388 = arith.mulf %max3A_382, %mul3A_387 : vector<784x128xf32>
    %add3A_389 = arith.addf %add3A_360, %mul3A_388 : vector<784x128xf32>
    %get3A_390 = arith.constant 12 : index
    %get3A_391 = arith.constant 1 : index
    %get3A_392 = vector.load %arg5[%get3A_390, %get3A_391] : memref<16x2xf32, #tpu.memory_space<vmem>>, vector<1x1xf32>
    %get3A_393 = vector.extract %get3A_392[0, 0] : f32 from vector<1x1xf32>
    %mul3A_394 = vector.broadcast %get3A_393 : f32 to vector<784x128xf32>
    %mul3A_395 = arith.mulf %max3A_382, %mul3A_394 : vector<784x128xf32>
    %add3A_396 = arith.addf %add3A_367, %mul3A_395 : vector<784x128xf32>
    %get3A_397 = arith.constant 0 : index
    %get3A_398 = arith.constant 13 : index
    %get3A_399 = vector.load %arg3[%get3A_397, %get3A_398] : memref<1x16xf32, #tpu.memory_space<vmem>>, vector<1x1xf32>
    %get3A_400 = vector.extract %get3A_399[0, 0] : f32 from vector<1x1xf32>
    %mul3A_401 = vector.broadcast %get3A_400 : f32 to vector<784x128xf32>
    %mul3A_402 = arith.mulf %add3A_17, %mul3A_401 : vector<784x128xf32>
    %get3A_403 = arith.constant 0 : index
    %get3A_404 = arith.constant 13 : index
    %get3A_405 = vector.load %arg4[%get3A_403, %get3A_404] : memref<1x16xf32, #tpu.memory_space<vmem>>, vector<1x1xf32>
    %get3A_406 = vector.extract %get3A_405[0, 0] : f32 from vector<1x1xf32>
    %add3A_407 = vector.broadcast %get3A_406 : f32 to vector<784x128xf32>
    %add3A_408 = arith.addf %mul3A_402, %add3A_407 : vector<784x128xf32>
    %max3A_409 = arith.constant 0.000000e+00 : f32
    %max3A_410 = vector.broadcast %max3A_409 : f32 to vector<784x128xf32>
    %max3A_411 = arith.maximumf %add3A_408, %max3A_410 : vector<784x128xf32>
    %get3A_412 = arith.constant 13 : index
    %get3A_413 = arith.constant 0 : index
    %get3A_414 = vector.load %arg5[%get3A_412, %get3A_413] : memref<16x2xf32, #tpu.memory_space<vmem>>, vector<1x1xf32>
    %get3A_415 = vector.extract %get3A_414[0, 0] : f32 from vector<1x1xf32>
    %mul3A_416 = vector.broadcast %get3A_415 : f32 to vector<784x128xf32>
    %mul3A_417 = arith.mulf %max3A_411, %mul3A_416 : vector<784x128xf32>
    %add3A_418 = arith.addf %add3A_389, %mul3A_417 : vector<784x128xf32>
    %get3A_419 = arith.constant 13 : index
    %get3A_420 = arith.constant 1 : index
    %get3A_421 = vector.load %arg5[%get3A_419, %get3A_420] : memref<16x2xf32, #tpu.memory_space<vmem>>, vector<1x1xf32>
    %get3A_422 = vector.extract %get3A_421[0, 0] : f32 from vector<1x1xf32>
    %mul3A_423 = vector.broadcast %get3A_422 : f32 to vector<784x128xf32>
    %mul3A_424 = arith.mulf %max3A_411, %mul3A_423 : vector<784x128xf32>
    %add3A_425 = arith.addf %add3A_396, %mul3A_424 : vector<784x128xf32>
    %get3A_426 = arith.constant 0 : index
    %get3A_427 = arith.constant 14 : index
    %get3A_428 = vector.load %arg3[%get3A_426, %get3A_427] : memref<1x16xf32, #tpu.memory_space<vmem>>, vector<1x1xf32>
    %get3A_429 = vector.extract %get3A_428[0, 0] : f32 from vector<1x1xf32>
    %mul3A_430 = vector.broadcast %get3A_429 : f32 to vector<784x128xf32>
    %mul3A_431 = arith.mulf %add3A_17, %mul3A_430 : vector<784x128xf32>
    %get3A_432 = arith.constant 0 : index
    %get3A_433 = arith.constant 14 : index
    %get3A_434 = vector.load %arg4[%get3A_432, %get3A_433] : memref<1x16xf32, #tpu.memory_space<vmem>>, vector<1x1xf32>
    %get3A_435 = vector.extract %get3A_434[0, 0] : f32 from vector<1x1xf32>
    %add3A_436 = vector.broadcast %get3A_435 : f32 to vector<784x128xf32>
    %add3A_437 = arith.addf %mul3A_431, %add3A_436 : vector<784x128xf32>
    %max3A_438 = arith.constant 0.000000e+00 : f32
    %max3A_439 = vector.broadcast %max3A_438 : f32 to vector<784x128xf32>
    %max3A_440 = arith.maximumf %add3A_437, %max3A_439 : vector<784x128xf32>
    %get3A_441 = arith.constant 14 : index
    %get3A_442 = arith.constant 0 : index
    %get3A_443 = vector.load %arg5[%get3A_441, %get3A_442] : memref<16x2xf32, #tpu.memory_space<vmem>>, vector<1x1xf32>
    %get3A_444 = vector.extract %get3A_443[0, 0] : f32 from vector<1x1xf32>
    %mul3A_445 = vector.broadcast %get3A_444 : f32 to vector<784x128xf32>
    %mul3A_446 = arith.mulf %max3A_440, %mul3A_445 : vector<784x128xf32>
    %add3A_447 = arith.addf %add3A_418, %mul3A_446 : vector<784x128xf32>
    %get3A_448 = arith.constant 14 : index
    %get3A_449 = arith.constant 1 : index
    %get3A_450 = vector.load %arg5[%get3A_448, %get3A_449] : memref<16x2xf32, #tpu.memory_space<vmem>>, vector<1x1xf32>
    %get3A_451 = vector.extract %get3A_450[0, 0] : f32 from vector<1x1xf32>
    %mul3A_452 = vector.broadcast %get3A_451 : f32 to vector<784x128xf32>
    %mul3A_453 = arith.mulf %max3A_440, %mul3A_452 : vector<784x128xf32>
    %add3A_454 = arith.addf %add3A_425, %mul3A_453 : vector<784x128xf32>
    %get3A_455 = arith.constant 0 : index
    %get3A_456 = arith.constant 15 : index
    %get3A_457 = vector.load %arg3[%get3A_455, %get3A_456] : memref<1x16xf32, #tpu.memory_space<vmem>>, vector<1x1xf32>
    %get3A_458 = vector.extract %get3A_457[0, 0] : f32 from vector<1x1xf32>
    %mul3A_459 = vector.broadcast %get3A_458 : f32 to vector<784x128xf32>
    %mul3A_460 = arith.mulf %add3A_17, %mul3A_459 : vector<784x128xf32>
    %get3A_461 = arith.constant 0 : index
    %get3A_462 = arith.constant 15 : index
    %get3A_463 = vector.load %arg4[%get3A_461, %get3A_462] : memref<1x16xf32, #tpu.memory_space<vmem>>, vector<1x1xf32>
    %get3A_464 = vector.extract %get3A_463[0, 0] : f32 from vector<1x1xf32>
    %add3A_465 = vector.broadcast %get3A_464 : f32 to vector<784x128xf32>
    %add3A_466 = arith.addf %mul3A_460, %add3A_465 : vector<784x128xf32>
    %max3A_467 = arith.constant 0.000000e+00 : f32
    %max3A_468 = vector.broadcast %max3A_467 : f32 to vector<784x128xf32>
    %max3A_469 = arith.maximumf %add3A_466, %max3A_468 : vector<784x128xf32>
    %get3A_470 = arith.constant 15 : index
    %get3A_471 = arith.constant 0 : index
    %get3A_472 = vector.load %arg5[%get3A_470, %get3A_471] : memref<16x2xf32, #tpu.memory_space<vmem>>, vector<1x1xf32>
    %get3A_473 = vector.extract %get3A_472[0, 0] : f32 from vector<1x1xf32>
    %mul3A_474 = vector.broadcast %get3A_473 : f32 to vector<784x128xf32>
    %mul3A_475 = arith.mulf %max3A_469, %mul3A_474 : vector<784x128xf32>
    %add3A_476 = arith.addf %add3A_447, %mul3A_475 : vector<784x128xf32>
    %get3A_477 = arith.constant 15 : index
    %get3A_478 = arith.constant 1 : index
    %get3A_479 = vector.load %arg5[%get3A_477, %get3A_478] : memref<16x2xf32, #tpu.memory_space<vmem>>, vector<1x1xf32>
    %get3A_480 = vector.extract %get3A_479[0, 0] : f32 from vector<1x1xf32>
    %mul3A_481 = vector.broadcast %get3A_480 : f32 to vector<784x128xf32>
    %mul3A_482 = arith.mulf %max3A_469, %mul3A_481 : vector<784x128xf32>
    %add3A_483 = arith.addf %add3A_454, %mul3A_482 : vector<784x128xf32>
    %swap3A = arith.constant 0 : index
    %swap3A_484 = arith.constant 0 : index
    %swap3A_485 = vector.load %arg6[%swap3A, %swap3A_484] : memref<784x128xf32, #tpu.memory_space<vmem>>, vector<784x128xf32>
    tpu.vector_store %arg6[%swap3A, %swap3A_484], %add3A_476 {strides = array<i32>} : memref<784x128xf32, #tpu.memory_space<vmem>>, vector<784x128xf32>,
    %swap3A_486 = arith.constant 0 : index
    %swap3A_487 = arith.constant 0 : index
    %swap3A_488 = vector.load %arg7[%swap3A_486, %swap3A_487] : memref<784x128xf32, #tpu.memory_space<vmem>>, vector<784x128xf32>
    tpu.vector_store %arg7[%swap3A_486, %swap3A_487], %add3A_483 {strides = array<i32>} : memref<784x128xf32, #tpu.memory_space<vmem>>, vector<784x128xf32>,
    %mul3A_489 = arith.mulf %get3A_1, %add3A_476 : vector<784x128xf32>
    %swap3A_490 = arith.constant 0 : index
    %swap3A_491 = arith.constant 0 : index
    %swap3A_492 = vector.load %arg8[%swap3A_490, %swap3A_491] : memref<784x128xf32, #tpu.memory_space<vmem>>, vector<784x128xf32>
    tpu.vector_store %arg8[%swap3A_490, %swap3A_491], %mul3A_489 {strides = array<i32>} : memref<784x128xf32, #tpu.memory_space<vmem>>, vector<784x128xf32>,
    %mul3A_493 = arith.mulf %get3A_1, %add3A_483 : vector<784x128xf32>
    %swap3A_494 = arith.constant 0 : index
    %swap3A_495 = arith.constant 0 : index
    %swap3A_496 = vector.load %arg9[%swap3A_494, %swap3A_495] : memref<784x128xf32, #tpu.memory_space<vmem>>, vector<784x128xf32>
    tpu.vector_store %arg9[%swap3A_494, %swap3A_495], %mul3A_493 {strides = array<i32>} : memref<784x128xf32, #tpu.memory_space<vmem>>, vector<784x128xf32>,
    return
  }
}

module attributes {stable_mosaic.version = 14 : i64} {
  func.func @_tc_final_body(%arg0: memref<2x784x128xf32, #tpu.memory_space<vmem>>, %arg1: memref<784x128xf32, #tpu.memory_space<vmem>>, %arg2: memref<784x128xf32, #tpu.memory_space<vmem>>, %arg3: memref<784x128xf32, #tpu.memory_space<vmem>>, %arg4: memref<1x2xf32, #tpu.memory_space<vmem>>, %arg5: memref<784x128xf32, #tpu.memory_space<vmem>>, %arg6: memref<784x128xf32, #tpu.memory_space<vmem>>) attributes {dimension_semantics = [], scalar_prefetch = 0 : i64, scratch_operands = 0 : i64, tpu.core_type = #tpu.core_type<tc>} {
    %get3A = arith.constant 0 : index
    %get3A_0 = arith.constant 0 : index
    %get3A_1 = vector.load %arg1[%get3A, %get3A_0] : memref<784x128xf32, #tpu.memory_space<vmem>>, vector<784x128xf32>
    %mul3A = arith.mulf %get3A_1, %get3A_1 : vector<784x128xf32>
    %get3A_2 = arith.constant 0 : index
    %get3A_3 = arith.constant 0 : index
    %get3A_4 = arith.constant 0 : index
    %get3A_5 = vector.load %arg0[%get3A_2, %get3A_3, %get3A_4] : memref<2x784x128xf32, #tpu.memory_space<vmem>>, vector<1x784x128xf32>
    %get3A_6 = vector.shape_cast %get3A_5 : vector<1x784x128xf32> to vector<784x128xf32>
    %mul3A_7 = arith.mulf %get3A_1, %get3A_6 : vector<784x128xf32>
    %get3A_8 = arith.constant 0 : index
    %get3A_9 = arith.constant 0 : index
    %get3A_10 = vector.load %arg2[%get3A_8, %get3A_9] : memref<784x128xf32, #tpu.memory_space<vmem>>, vector<784x128xf32>
    %mul3A_11 = arith.mulf %mul3A, %get3A_10 : vector<784x128xf32>
    %add3A = arith.addf %mul3A_7, %mul3A_11 : vector<784x128xf32>
    %get3A_12 = arith.constant 0 : index
    %get3A_13 = arith.constant 0 : index
    %get3A_14 = vector.load %arg4[%get3A_12, %get3A_13] : memref<1x2xf32, #tpu.memory_space<vmem>>, vector<1x1xf32>
    %get3A_15 = vector.extract %get3A_14[0, 0] : f32 from vector<1x1xf32>
    %add3A_16 = vector.broadcast %get3A_15 : f32 to vector<784x128xf32>
    %add3A_17 = arith.addf %add3A, %add3A_16 : vector<784x128xf32>
    %swap3A = arith.constant 0 : index
    %swap3A_18 = arith.constant 0 : index
    %swap3A_19 = vector.load %arg5[%swap3A, %swap3A_18] : memref<784x128xf32, #tpu.memory_space<vmem>>, vector<784x128xf32>
    tpu.vector_store %arg5[%swap3A, %swap3A_18], %add3A_17 {strides = array<i32>} : memref<784x128xf32, #tpu.memory_space<vmem>>, vector<784x128xf32>,
    %get3A_20 = arith.constant 1 : index
    %get3A_21 = arith.constant 0 : index
    %get3A_22 = arith.constant 0 : index
    %get3A_23 = vector.load %arg0[%get3A_20, %get3A_21, %get3A_22] : memref<2x784x128xf32, #tpu.memory_space<vmem>>, vector<1x784x128xf32>
    %get3A_24 = vector.shape_cast %get3A_23 : vector<1x784x128xf32> to vector<784x128xf32>
    %mul3A_25 = arith.mulf %get3A_1, %get3A_24 : vector<784x128xf32>
    %get3A_26 = arith.constant 0 : index
    %get3A_27 = arith.constant 0 : index
    %get3A_28 = vector.load %arg3[%get3A_26, %get3A_27] : memref<784x128xf32, #tpu.memory_space<vmem>>, vector<784x128xf32>
    %mul3A_29 = arith.mulf %mul3A, %get3A_28 : vector<784x128xf32>
    %add3A_30 = arith.addf %mul3A_25, %mul3A_29 : vector<784x128xf32>
    %get3A_31 = arith.constant 0 : index
    %get3A_32 = arith.constant 1 : index
    %get3A_33 = vector.load %arg4[%get3A_31, %get3A_32] : memref<1x2xf32, #tpu.memory_space<vmem>>, vector<1x1xf32>
    %get3A_34 = vector.extract %get3A_33[0, 0] : f32 from vector<1x1xf32>
    %add3A_35 = vector.broadcast %get3A_34 : f32 to vector<784x128xf32>
    %add3A_36 = arith.addf %add3A_30, %add3A_35 : vector<784x128xf32>
    %swap3A_37 = arith.constant 0 : index
    %swap3A_38 = arith.constant 0 : index
    %swap3A_39 = vector.load %arg6[%swap3A_37, %swap3A_38] : memref<784x128xf32, #tpu.memory_space<vmem>>, vector<784x128xf32>
    tpu.vector_store %arg6[%swap3A_37, %swap3A_38], %add3A_36 {strides = array<i32>} : memref<784x128xf32, #tpu.memory_space<vmem>>, vector<784x128xf32>,
    return
  }
}

</mosaic_0001>

<sc_bundles>
// kernel: kernel.11.cloned.1.call-start
scs
__scs_entry_jumppad:
0x0: {  	(pc) =	sbr.rel $0x88, $3  }
0x1: {  	(tag) =	ssettag $0x0;
	lr =	simm.s32 $0x1  }
0x2: {  	[smem:$0x3F9B] =	sst lr;
	_ =	strace $0xD0000000  }
0x3: {  	_ = 	snop  }
0x4: {  	_ = 	snop  }
0x5: {  	_ = 	snop  }
0x6: {  	_ = 	snop  }
0x7: {  	_ = 	snop  }
__scs_overlays_trampoline_lowered:
0x8: {  	[smem:$0x3FAA] =	sst s0  }
0x9: {  	[smem:$0x3FAB] =	sst s1  }
0xa: {  	[smem:$0x3FAC] =	sst s2  }
0xb: {  	[smem:$0x3FAD] =	sst s3  }
0xc: {  	[smem:$0x3FAE] =	sst s4  }
0xd: {  	[smem:$0x3FAF] =	sst s5  }
0xe: {  	[smem:$0x3FB0] =	sst s6  }
0xf: {  	[smem:$0x3FB1] =	sst s7  }
0x10: {  	[smem:$0x3FB2] =	sst s8  }
0x11: {  	[smem:$0x3FB3] =	sst s9;
	s0 =	simm.s32 @!p0 $0x0  }
0x12: {  	s1 =	sld [smem:$0x3F99];
	s0 =	simm.s32 @p0 $0x1  }
0x13: {  	[smem:$0x3FB4] =	sst s0;
	s0 =	simm.s32 @!p1 $0x0  }
0x14: {  	s2 =	sld [smem:$0x3F98];
	s0 =	simm.s32 @p1 $0x1  }
0x15: {  	[smem:$0x3FB5] =	sst s0;
	s0 =	simm.s32 @!p2 $0x0  }
0x16: {  	s3 =	sld [smem:$0x3FDB];
	s0 =	simm.s32 @p2 $0x1  }
0x17: {  	s4 =	simm.s32 $0x1BF5;
	[smem:$0x3FB7] =	sst s0  }
0x18: {  	s0 =	sld [smem:$0x3F9A];
	_ =	swait.ge [sflag:s4], $0x0  }
0x19: {  	s7 =	sld [smem:$0x3F9B]  }
0x1a: {  	s8 =	sadd.s32 $0xFFFFE003, lr  }
0x1b: {  	s9 =	sadd.s32 $0xFFFFFEF7, lr;
	s5 =	simm.s32 $0xFFFFFFFF;
	p2 =	slt.u32 s8, $0xFFFFF086  }
0x1c: {  	p1 =	slt.u32 s9, $0xF7A;
	s5 =	simm.s32 @!p2 $0x0  }
0x1d: {  	s5 =	simm.s32 @p1 $0x1;
	p0 =	seq.s32 s7, s2  }
0x1e: {  	s7 =	smul.u32 @!p0 $0xF7A, s2;
	p2 =	seq.s32 @!p0 s5, $0x0  }
0x1f: {  	s9 =	smul.u32 $0xF7A, s1;
	s8 =	simm.s32 @!p0 $0x1BF5;
	p2 =	por !p2, p0  }
0x20: {  	[sflag:s8] =	ssyncset.s32 @!p0 $0xFFFFF086;
	s6 =	sadd.s32 @!p0 s3, s7;
	s7 =	simm.s32 @!p0 $0x108  }
0x21: {  	s3 =	sadd.s32 s3, s9;
	s6 =	sadd.s32 @!p0 $0x88, s6;
	s7 =	simm.s32 @p2 $0x1082  }
0x22: {  	[simem:s7], [sflag:s8] =	dma.local @!p0 [hbm:s6], $0xF7A  }
0x23: {  	s9 =	sor.u32 $0xD0000000, s2;
	s6 =	simm.s32 $0x108;
	_ =	swait.ge @!p0 [sflag:s8], $0x0  }
0x24: {  	s3 =	sadd.s32 $0x88, s3;
	s6 =	simm.s32 @!p1 $0x1082;
	[sflag:s4] =	ssyncset.s32 $0xFFFFF086  }
0x25: {  	[simem:s6], [sflag:s4] =	dma.local [hbm:s3], $0xF7A  }
0x26: {  	[smem:$0x3F9B] =	sst s1;
	(tag) =	ssettag s2;
	_ =	strace s9  }
0x27: {  	s1 =	sld [smem:$0x3FAB]  }
0x28: {  	s2 =	sld [smem:$0x3FAC]  }
0x29: {  	s4 =	sld [smem:$0x3FAE]  }
0x2a: {  	p0 =	seq.s32 s5, $0x0;
	s5 =	sld [smem:$0x3FAF]  }
0x2b: {  	s6 =	sld [smem:$0x3FB0]  }
0x2c: {  	s7 =	sld [smem:$0x3FB1]  }
0x2d: {  	s3 =	simm.s32 $0x108;
	s8 =	sld [smem:$0x3FB2]  }
0x2e: {  	s3 =	simm.s32 @!p0 $0x1082;
	s9 =	sld [smem:$0x3FB3]  }
0x2f: {  	lr =	sadd.s32 s0, s3;
	s0 =	sld [smem:$0x3FAA]  }
0x30: {  	s3 =	sld [smem:$0x3FAD]  }
0x31: {  	[smem:$0x3FB6] =	sst s10  }
0x32: {  	s10 =	sld [smem:$0x3FB4];
	_ =	sdelay $0x3  }
0x33: {  	p0 =	seq.s32 s10, $0x1;
	s10 =	sld [smem:$0x3FB6];
	_ =	sdelay $0x3  }
0x34: {  	[smem:$0x3FB6] =	sst s10  }
0x35: {  	s10 =	sld [smem:$0x3FB5];
	_ =	sdelay $0x3  }
0x36: {  	p1 =	seq.s32 s10, $0x1;
	s10 =	sld [smem:$0x3FB6];
	_ =	sdelay $0x3  }
0x37: {  	[smem:$0x3FB6] =	sst s10  }
0x38: {  	s10 =	sld [smem:$0x3FB7]  }
0x39: {  	_ = 	snop;
	(pc) =	sbr.ind lr, $3  }
0x3a: {  	_ = 	snop  }
0x3b: {  	_ = 	snop  }
0x3c: {  	p2 =	seq.s32 s10, $0x1;
	s10 =	sld [smem:$0x3FB6]  }
0x3d: {  	_ =	shalt  }
0x3e: {  	_ =	shalt  }
0x3f: {  	_ =	shalt  }
0x40: {  	_ =	shalt  }
0x41: {  	_ =	shalt  }
0x42: {  	_ =	shalt  }
0x43: {  	_ =	shalt  }
0x44: {  	_ =	shalt  }
0x45: {  	_ =	shalt  }
0x46: {  	_ =	shalt  }
0x47: {  	_ =	shalt  }
0x48: {  	_ =	shalt  }
0x49: {  	_ =	shalt  }
0x4a: {  	_ =	shalt  }
0x4b: {  	_ =	shalt  }
0x4c: {  	_ =	shalt  }
0x4d: {  	_ =	shalt  }
0x4e: {  	_ =	shalt  }
0x4f: {  	_ =	shalt  }
0x50: {  	_ =	shalt  }
0x51: {  	_ =	shalt  }
0x52: {  	_ =	shalt  }
0x53: {  	_ =	shalt  }
0x54: {  	_ =	shalt  }
0x55: {  	_ =	shalt  }
0x56: {  	_ =	shalt  }
0x57: {  	_ =	shalt  }
0x58: {  	_ =	shalt  }
0x59: {  	_ =	shalt  }
0x5a: {  	_ =	shalt  }
0x5b: {  	_ =	shalt  }
0x5c: {  	_ =	shalt  }
0x5d: {  	_ =	shalt  }
0x5e: {  	_ =	shalt  }
0x5f: {  	_ =	shalt  }
0x60: {  	_ =	shalt  }
0x61: {  	_ =	shalt  }
0x62: {  	_ =	shalt  }
0x63: {  	_ =	shalt  }
0x64: {  	_ =	shalt  }
0x65: {  	_ =	shalt  }
0x66: {  	_ =	shalt  }
0x67: {  	_ =	shalt  }
0x68: {  	_ =	shalt  }
0x69: {  	_ =	shalt  }
0x6a: {  	_ =	shalt  }
0x6b: {  	_ =	shalt  }
0x6c: {  	_ =	shalt  }
0x6d: {  	_ =	shalt  }
0x6e: {  	_ =	shalt  }
0x6f: {  	_ =	shalt  }
0x70: {  	_ =	shalt  }
0x71: {  	_ =	shalt  }
0x72: {  	_ =	shalt  }
0x73: {  	_ =	shalt  }
0x74: {  	_ =	shalt  }
0x75: {  	_ =	shalt  }
0x76: {  	_ =	shalt  }
0x77: {  	_ =	shalt  }
0x78: {  	_ =	shalt  }
0x79: {  	_ =	shalt  }
0x7a: {  	_ =	shalt  }
0x7b: {  	_ =	shalt  }
0x7c: {  	_ =	shalt  }
0x7d: {  	_ =	shalt  }
0x7e: {  	_ =	shalt  }
0x7f: {  	_ =	shalt  }
0x80: {  	_ =	shalt  }
0x81: {  	_ =	shalt  }
0x82: {  	_ =	shalt  }
0x83: {  	_ =	shalt  }
0x84: {  	_ =	shalt  }
0x85: {  	_ =	shalt  }
0x86: {  	_ =	shalt  }
0x87: {  	_ =	shalt  }
.Lfunc_end0:
.L_simem_size_0:
called_computation.1_lowered:
.L_overlay_start_0:
0x88: {  	s2 =	sld [smem:$0x3FD9]  }
0x89: {  	s3 =	sld [smem:$0x3FFE];
	_ =	sdelay $0x1  }
0x8a: {  	s1 =	srdreg.scid  }
0x8b: {  	s0 =	sand.u32 $0x1, s1  }
0x8c: {  	s17 =	sshll.u32 s0, $0xA;
	s2 =	sadd.s32 s3, s2  }
0x8d: {  	s2 =	sadd.s32 s2, s17  }
0x8e: {  	[smem:$0x3FC2] =	sst s2  }
0x8f: {  	_ = 	snop  }
0x90: {  	s2 =	sld [smem:$0x3FD0];
	(tm) =	ssettm $0x1  }
0x91: {  	s18 =	sld [smem:$0x3FFB];
	_ =	sdelay $0x3  }
0x92: {  	_ =	strace s18  }
0x93: {  	s3 =	sld [smem:$0x3FFC];
	_ =	sdelay $0x3  }
0x94: {  	_ =	strace s3  }
0x95: {  	s3 =	sld [smem:$0x3FFD];
	_ =	sdelay $0x3  }
0x96: {  	_ =	strace s3  }
0x97: {  	_ =	strace $0x8FFFFFFF  }
0x98: {  	s19 =	sld [smem:$0x3FDB];
	_ =	sdelay $0x1  }
0x99: {  	s4 =	simm.s32 $_scs_section_size  }
0x9a: {  	s5 =	simm.s32 $_size__tile_overlayer_lowered;
	s6 =	simm.s32 $_tile_overlayer_lowered  }
0x9b: {  	s22 =	simm.s32 $0x1BFF;
	s21 =	sshll.u32 s6, $0x1;
	s3 =	sadd.s32 s4, s19  }
0x9c: {  	s7 =	simm.s32 $0x0;
	s20 =	sshll.u32 s5, $0x1;
	s5 =	sadd.s32 s21, s3  }
0x9d: {  	[timem:s7], [sflag:s22] =	dma.local [hbm:s5], s20  }
0x9e: {  	_ =	swait.ge [sflag:s22], s20  }
0x9f: {  	s4 =	ssub.s32 $0x0, s20;
	[sflag:s22] =	ssyncset.done $0x0  }
0xa0: {  	[sflag:s22] =	ssyncadd.s32 s4;
	_ =	sdelay $0x1  }
0xa1: {  	s23 =	simm.s32 $0x1B8B  }
0xa2: {  	_ =	swait.ge [sflag:s23], $0x1  }
0xa3: {  	[sflag:s23] =	ssyncset.done $0x0  }
0xa4: {  	s25 =	simm.s32 $0x1B8E;
	s24 =	sld [smem:$0x3FFE];
	[sflag:s23] =	ssyncadd.s32 $0xFFFFFFFF  }
0xa5: {  	s26 =	simm.s32 $execute0_lowered;
	[smem:$0x3FD2] =	sst s25  }
0xa6: {  	s5 =	sshll.u32 s26, $0x1;
	_ =	strace $0x80000049;
	[dreg:$0x1] =	wrdreg $0xFFFFFFFF  }
0xa7: {  	s28 =	simm.s32 $_size_execute0_lowered;
	s3 =	sadd.s32 s3, s5;
	[dreg:$0x0] =	wrdreg $0x0  }
0xa8: {  	s5 =	sshll.u32 s28, $0x1;
	[dreg:$0x2] =	wrdreg s3  }
0xa9: {  	[dreg:$0x3] =	wrdreg s5  }
0xaa: {  	[dreg:$0x4] =	wrdreg $0xC0  }
0xab: {  	_ =	task [dreg:s7], $0x5FFFF  }
0xac: {  	[dreg:$0x1] =	wrdreg $0xFFFFFFFF  }
0xad: {  	[dreg:$0x0] =	wrdreg $0x60  }
0xae: {  	[dreg:$0x2] =	wrdreg s24  }
0xaf: {  	[dreg:$0x3] =	wrdreg s2  }
0xb0: {  	[dreg:$0x4] =	wrdreg $0x0  }
0xb1: {  	[dreg:$0x5] =	wrdreg $0x9  }
0xb2: {  	_ =	task.clear_ibuf [dreg:s7], $0x6FFFF;
	_ =	strace $0x90000049  }
0xb3: {  	s29 =	simm.s32 $0x9;
	_ =	strace $0x8000004B  }
0xb4: {  	_ =	swait.ge [sflag:s29], $0x1  }
0xb5: {  	[sflag:s29] =	ssyncadd.s32 $0xFFFFFFFF  }
0xb6: {  	_ =	strace $0x9000004B  }
0xb7: {  	_ =	sfence  }
0xb8: {  	s30 =	sld [smem:$0x0];
	_ =	sdelay $0x2  }
0xb9: {  	s31 =	sshll.u32 s1, $0xD;
	s1 =	sshrl.u32 s1, $0x2  }
0xba: {  	s3 =	sand.u32 $0x4000, s31;
	s1 =	sadd.s32 s1, s30  }
0xbb: {  	s0 =	sor.u32 s3, s0;
	s1 =	sshll.u32 s1, $0x11  }
0xbc: {  	s0 =	sor.u32 s1, s0  }
0xbd: {  	s0 =	sadd.s32 $0x8F2B, s0  }
0xbe: {  	[sflag:s0] =	ssyncadd.remote.s32 $0x1  }
0xbf: {  	_ =	sfence.sel $0xFFFF  }
0xc0: {  	[dreg:$0x0] =	wrdreg $0xFFFFFFFF;
	(pc) =	sbr.abs _section_cstart, $3  }
0xc1: {  	[dreg:$0x1] =	wrdreg $0xFFFFFFFF  }
0xc2: {  	_ =	task.clear_ibuf [dreg:s7], $0x2FFFF;
	_ =	strace $0x9FFFFFFF  }
0xc3: {  	(tm) =	ssettm $0x7FFFFFFF  }
tec
execute0_lowered:
.L_overlay_start_1:
0x0: {  	(tag) =	ssettag $0x1  }
0x1: {  	s0 =	rddreg [dreg:$0x0]  }
0x2: {  	s3 =	rddreg [dreg:$0x2]  }
0x3: {  	s1 =	srdreg.scid;
	s6 =	stileid.u32;
	s5 =	simm.s32 $0x0  }
0x4: {  	s28 =	simm.s32 $0x1D880;
	s29 =	simm.s32 $0x3;
	s30 =	simm.s32 $0x1C880  }
0x5: {  	s31 =	simm.s32 $0x1E080;
	s2 =	sand.u32 $0x1, s1;
	s8 =	sshll.u32 s6, $0x1  }
0x6: {  	s4 =	smul.u32 $0x3100, s6;
	[smem:$0x7FF] =	sst s5;
	s1 =	sor.u32 s2, s8  }
0x7: {  	s5 =	sadd.s32 $0xC5600, s0;
	s9 =	sshll.u32 s2, $0x7;
	s10 =	smul.u32 $0xC35, s1  }
0x8: {  	_ =	strace $0x8000004A;
	s11 =	sor.u32 s9, s4;
	s9 =	smul.u32 $0x6200, s6  }
0x9: {  	s8 =	sadd.s32 $0x2000, s0;
	s2 =	ssub.s32 $0x2, s2;
	s1 =	sshrl.u32 s11, $0x3  }
0xa: {  	s12 =	sadd.s32 $0xC35, s10;
	s6 =	sshrl.u32 s10, $0x5;
	s13 =	sshrl.u32 s9, $0x2  }
0xb: {  	s1 =	sadd.s32 s1, s0;
	s10 =	sshll.u32 s10, $0x3;
	s9 =	sadd.s32 s13, s3  }
0xc: {  	s7 =	sshrl.u32 s12, $0x5;
	s12 =	sshrl.u32 s2, $0x1;
	s15 =	sadd.s32 $0x800, s9  }
0xd: {  	s10 =	sand.u32 $0xFFF00, s10;
	s16 =	sadd.s32 $0x1000, s9;
	[dreg:$0x4] =	wrdreg s15  }
0xe: {  	s0 =	ssub.s32 s7, s6;
	s17 =	sadd.s32 $0x1800, s9;
	[dreg:$0x5] =	wrdreg s16  }
0xf: {  	s2 =	ssub.s32 s2, s12;
	s18 =	sadd.s32 s5, s10;
	[dreg:$0x6] =	wrdreg s17  }
0x10: {  	s11 =	sshll.u32 s0, $0x10;
	p0 =	sgt.s32 s0, $0x0;
	[dreg:$0x7] =	wrdreg s18  }
0x11: {  	s20 =	sadd.s32 $0xFFFFFFFF, s0;
	s21 =	smul.u32 $0xFFFFAAAB, s0;
	s16 =	sadd.s32 $0xFFFFFFFE, s0  }
0x12: {  	p1 =	slt.s32 s0, $0xFFFFFFFF;
	s17 =	simm.s32 $0x1;
	p3 =	sgt.s32 s0, $0x1  }
0x13: {  	s18 =	sadd.s32 $0x188C00, s1;
	s14 =	sadd.s32 $0x20000, s11;
	s22 =	sshll.u32 s20, $0x10  }
0x14: {  	s15 =	sshll.u32 s16, $0x10;
	s4 =	sshra.s32 s14, $0x10;
	s14 =	sadd.s32 s8, s10  }
0x15: {  	s12 =	sshra.s32 s22, $0x10;
	s11 =	sadd.s32 $0xFFFF8000, s21;
	s4 =	smul.u32 $0x5556, s4  }
0x16: {  	s15 =	sshra.s32 s15, $0x10;
	s21 =	simm.s32 $0x7;
	s12 =	smul.u32 $0x5556, s12  }
0x17: {  	s22 =	simm.s32 $0x1880;
	s11 =	sand.u32 $0xFFFF, s11;
	s15 =	smul.u32 $0x5556, s15  }
0x18: {  	p2 =	sgt.u32 s11, $0x5554;
	s19 =	sshrl.u32 s4, $0x1F;
	s4 =	sshrl.u32 s4, $0x10  }
0x19: {  	s23 =	sshrl.u32 s12, $0x1F;
	s12 =	sshrl.u32 s12, $0x10;
	s24 =	sshrl.u32 s15, $0x1F  }
0x1a: {  	s15 =	sshrl.u32 s15, $0x10;
	p1 =	por !p1, !p2;
	s4 =	sadd.s32 s19, s4  }
0x1b: {  	s11 =	sadd.s32 s23, s12;
	s12 =	sadd.s32 s24, s15;
	p1 =	por !p1, !p1  }
0x1c: {  	s15 =	simm.s32 $0x1;
	s19 =	smax.u32 s2, $0x1;
	s11 =	smul.u32 $0x3, s11  }
0x1d: {  	s23 =	simm.s32 $0x800;
	s24 =	simm.s32 $0x1B880;
	s12 =	smul.u32 $0x3, s12  }
0x1e: {  	s4 =	sshll.u32 s4, $0x10;
	s17 =	simm.s32 @!p1 $0x0;
	s10 =	ssub.s32 s20, s11  }
0x1f: {  	s4 =	sshra.s32 s4, $0x10;
	s25 =	ssub.s32 s16, s12;
	s10 =	sshll.u32 s10, $0x10  }
0x20: {  	s16 =	ssub.s32 s4, s17;
	s26 =	sshll.u32 s25, $0x10;
	s4 =	sshra.s32 s10, $0x10  }
0x21: {  	s10 =	sshra.s32 s26, $0x10;
	p1 =	slt.s32 s4, $0x0;
	s11 =	sadd.s32 $0x3, s4  }
0x22: {  	s4 =	smov.u32 @p1 s11;
	p1 =	slt.s32 s10, $0x0;
	s11 =	sadd.s32 $0x3, s10  }
0x23: {  	s17 =	sadd.s32 $0x1, s6;
	p4 =	seq.s32 s4, $0x0;
	s10 =	smov.u32 @p1 s11  }
0x24: {  	s20 =	simm.s32 $0x1D080;
	p5 =	por !p0, !p4;
	p6 =	seq.s32 s10, $0x0  }
0x25: {  	s25 =	simm.s32 $0x2;
	p1 =	por !p5, !p5;
	p4 =	por !p3, !p6  }
0x26: {  	p5 =	seq.s32 s4, $0x1;
	p6 =	seq.s32 s10, $0x2;
	s11 =	simm.s32 @!p1 $0x0  }
0x27: {  	p2 =	por !p0, !p5;
	p5 =	seq.s32 s10, $0x1;
	p6 =	por !p3, !p6  }
0x28: {  	s11 =	simm.s32 @p1 $0x1;
	p1 =	por !p4, !p4;
	p4 =	seq.s32 s4, $0x2  }
0x29: {  	p5 =	por !p3, !p5;
	[smem:$0x7FB] =	sst s11;
	s11 =	simm.s32 @!p1 $0x0  }
.Ltmp0:
0x2a: {  	p0 =	por !p0, !p4;
	p3 =	por !p5, !p5;
	(pc) =	sbr.rel .LBB2_1-.Ltmp0, $4  }
0x2b: {  	p5 =	por !p6, !p6;
	p4 =	por !p0, !p0;
	p0 =	slt.s32 s16, $0x1  }
0x2c: {  	p6 =	slt.s32 s0, $0x1;
	s11 =	simm.s32 @p1 $0x1;
	s0 =	simm.s32 @!p0 $0x0  }
0x2d: {  	s26 =	simm.s32 $0x1C080;
	[smem:$0x7FC] =	sst s11;
	s0 =	simm.s32 @p0 $0x1  }
0x2e: {  	v0 =	vimm.f32 $0.0e+00;
	p2 =	por !p2, !p2;
	s4 =	simm.s32 $0x0;
	[smem:$0x7FD] =	sst s0  }
.LBB2_19:
0x2f: {  	s0 =	sld [smem:$0x7FB];
	_ =	sdelay $0x2  }
0x30: {  	p0 =	seq.s32 s0, $0x1  }
0x31: {  	s0 =	simm.s32 @p0 $0x4  }
0x32: {  	_ =	swait.ge @p0 [sflag:s0], $0x800  }
0x33: {  	s12 =	sld [smem:$0x7FC];
	_ =	sdelay $0x1  }
0x34: {  	[sflag:s0] =	ssyncset.done @p0 $0x0  }
0x35: {  	[sflag:s0] =	ssyncadd.s32 @p0 $0xFFFFF800;
	p0 =	seq.s32 s12, $0x1  }
0x36: {  	s0 =	simm.s32 @p0 $0x4  }
0x37: {  	_ =	swait.ge @p0 [sflag:s0], $0x800  }
0x38: {  	[sflag:s0] =	ssyncset.done @p0 $0x0  }
0x39: {  	[sflag:s0] =	ssyncadd.s32 @p0 $0xFFFFF800;
	s0 =	simm.s32 @p2 $0x5  }
0x3a: {  	_ =	swait.ge @p2 [sflag:s0], $0x800  }
0x3b: {  	[sflag:s0] =	ssyncset.done @p2 $0x0  }
0x3c: {  	[sflag:s0] =	ssyncadd.s32 @p2 $0xFFFFF800;
	s0 =	simm.s32 @p3 $0x5  }
0x3d: {  	_ =	swait.ge @p3 [sflag:s0], $0x800  }
0x3e: {  	[sflag:s0] =	ssyncset.done @p3 $0x0  }
0x3f: {  	[sflag:s0] =	ssyncadd.s32 @p3 $0xFFFFF800;
	s0 =	simm.s32 @p4 $0x6  }
0x40: {  	_ =	swait.ge @p4 [sflag:s0], $0x800  }
0x41: {  	[sflag:s0] =	ssyncset.done @p4 $0x0  }
0x42: {  	s13 =	stileid.u32;
	[sflag:s0] =	ssyncadd.s32 @p4 $0xFFFFF800;
	s0 =	simm.s32 @p5 $0x6  }
0x43: {  	s1 =	sshrl.u32 s9, $0x3;
	s2 =	simm.s32 $0x20;
	_ =	swait.ge @p5 [sflag:s0], $0x800  }
0x44: {  	s10 =	simm.s32 $0x10;
	s4 =	sadd.s32 $0x1, s4;
	[sflag:s0] =	ssyncset.done @p5 $0x0  }
0x45: {  	p0 =	sne.s32 s4, s19;
	[sflag:s0] =	ssyncadd.s32 @p5 $0xFFFFF800;
	s0 =	sshll.u32 s13, $0x6  }
.Ltmp1:
0x46: {  	[bflag:$0x0] =	sbarrier.arrive $0xFFFF;
	s0 =	sor.u32 $0x1C07, s0;
	(pc) =	sbr.rel @!p0 .LBB2_20-.Ltmp1, $4  }
0x47: {  	[hbm:s18@s2], [sflag:s0] =	dma.strided [spmem:s1@s10], $0x310, s15, $0x10   }
0x48: {  	_ =	swait.ge [sflag:s21], $0x310  }
0x49: {  	[sflag:s21] =	ssyncset.done $0x0  }
0x4a: {  	[sflag:s21] =	ssyncadd.s32 $0xFFFFFCF0  }
.LBB2_1:
0x4b: {  	s0 =	simm.s32 $0x40;
	s1 =	simm.s32 $0x0  }
.LBB2_2:
0x4c: {  	p0 =	sne.s32 s0, $0x1FC0;
	[tilespmem:s1+$0x1D080] =	vst v0;
	s1 =	smov.u32 s0;
	s0 =	sadd.s32 $0x40, s0  }
.Ltmp2:
0x4d: {  	(pc) =	sbr.rel @p0 .LBB2_2-.Ltmp2, $2  }
0x4e: {  	_ =	sdelay $0x2  }
0x4f: {  	s1 =	sshra.s32 s1, $0x2  }
0x50: {  	[tilespmem:s1+$0x1D080] =	vst v0  }
0x51: {  	[spmem:s9] =	stream.linear.scatter [tilespmem:s20], [sflag:$0x7], $0x800, $0x38;
	[tilespmem:$0x1E880] =	vst v63  }
0x52: {  	_ =	swait.ge [sflag:s21], $0x800  }
0x53: {  	[sflag:s21] =	ssyncset.done $0x0  }
0x54: {  	s0 =	rddreg [dreg:$0x4];
	[sflag:s21] =	ssyncadd.s32 $0xFFFFF800  }
0x55: {  	[spmem:s0] =	stream.linear.scatter [tilespmem:s20], [sflag:$0x7], $0x800, $0x38;
	[tilespmem:$0x1E880] =	vst v63  }
0x56: {  	_ =	swait.ge [sflag:s21], $0x800  }
0x57: {  	[sflag:s21] =	ssyncset.done $0x0  }
0x58: {  	s2 =	rddreg [dreg:$0x5];
	[sflag:s21] =	ssyncadd.s32 $0xFFFFF800  }
0x59: {  	[spmem:s2] =	stream.linear.scatter [tilespmem:s20], [sflag:$0x7], $0x800, $0x38;
	[tilespmem:$0x1E880] =	vst v63  }
0x5a: {  	_ =	swait.ge [sflag:s21], $0x800  }
0x5b: {  	[sflag:s21] =	ssyncset.done $0x0  }
0x5c: {  	s10 =	rddreg [dreg:$0x6];
	[sflag:s21] =	ssyncadd.s32 $0xFFFFF800  }
0x5d: {  	[spmem:s10] =	stream.linear.scatter [tilespmem:s20], [sflag:$0x7], $0x80, $0x38;
	[tilespmem:$0x1E880] =	vst v63  }
0x5e: {  	_ =	swait.ge [sflag:s21], $0x80  }
0x5f: {  	[sflag:s21] =	ssyncset.done $0x0  }
0x60: {  	[sflag:s21] =	ssyncadd.s32 $0xFFFFFF80  }
0x61: {  	s12 =	simm.s32 $0x0;
	s11 =	rddreg [dreg:$0x1]  }
0x62: {  	[tilespmem:s22], [sflag:$0x7] =	stream.linear.gather [hbm4b:s11+s12], $0x18800, $0x38;
	[tilespmem:$0x1E880] =	vst v63  }
0x63: {  	_ =	swait.ge [sflag:s21], $0x18800  }
0x64: {  	[sflag:s21] =	ssyncset.done $0x0  }
0x65: {  	[sflag:s21] =	ssyncadd.s32 $0xFFFE7800  }
0x66: {  	[bflag:$0x0] =	sbarrier.arrive $0xFFFF  }
0x67: {  	s13 =	sld [smem:$0x7FD]  }
0x68: {  	s1 =	simm.s32 @!p6 $0x1A080;
	s0 =	simm.s32 @!p6 $0x0;
	s2 =	rddreg [dreg:$0x7]  }
0x69: {  	[tilespmem:s1], [sflag:$0x1] =	stream.linear.gather @!p6 [hbm4b:s2+s0], $0x800, $0x38;
	[tilespmem:$0x1E880] =	vst v63  }
0x6a: {  	p0 =	seq.s32 s13, $0x1  }
.Ltmp3:
0x6b: {  	_ = 	snop;
	(pc) =	sbr.rel @!p0 .LBB2_4-.Ltmp3, $4  }
.Ltmp4:
0x6c: {  	_ = 	snop;
	(pc) =	sbr.rel @p0 .LBB2_19-.Ltmp4, $4  }
0x6d: {  	s1 =	simm.s32 @!p6 $0x1B880  }
0x6e: {  	[tilespmem:s1], [sflag:$0x1] =	stream.linear.gather @!p6 [hbm4b:s14+s0], $0x800, $0x38;
	[tilespmem:$0x1E880] =	vst v63  }
0x6f: {  	s1 =	simm.s32 $0x0  }
0x70: {  	_ = 	snop  }
.LBB2_17:
0x71: {  	[tilespmem:s10+$0x10] =	vst v1  }
0x72: {  	[tilespmem:s10+$0x20] =	vst v2  }
0x73: {  	[tilespmem:s10+$0x30] =	vst v3  }
0x74: {  	[tilespmem:s10+$0x40] =	vst v4  }
0x75: {  	[tilespmem:s10+$0x50] =	vst v5  }
0x76: {  	[tilespmem:s10+$0x60] =	vst v6;
	p0 =	sle.u32 s2, s17;
	s0 =	sadd.s32 $0x3, s0  }
0x77: {  	[spmem:s3] =	stream.indirect.scatter.add.f32 [tilespmem:s31], [sflag:$0x6], $0x1, s30, s23, $0xb8;
	[tilespmem:$0x1E880] =	vst v63  }
0x78: {  	s2 =	simm.s32 @!p0 $0x4;
	p1 =	sge.u32 s0, s7  }
0x79: {  	_ =	swait.ge @!p0 [sflag:s2], $0x800;
	s0 =	sshll.u32 @!p1 s0, $0x8  }
0x7a: {  	s10 =	simm.s32 @!p1 $0x0;
	[sflag:s2] =	ssyncset.done @!p0 $0x0;
	s0 =	sand.u32 @!p1 $0x1FFFFF00, s0  }
0x7b: {  	s11 =	simm.s32 @!p1 $0x1A080;
	[sflag:s2] =	ssyncadd.s32 @!p0 $0xFFFFF800;
	s2 =	sadd.s32 @!p1 s5, s0  }
0x7c: {  	[tilespmem:s11], [sflag:$0x1] =	stream.linear.gather @!p1 [hbm4b:s2+s10], $0x800, $0x38;
	[tilespmem:$0x1E880] =	vst v63  }
0x7d: {  	s0 =	sadd.s32 @!p1 s8, s0;
	s2 =	simm.s32 @!p1 $0x1B880  }
0x7e: {  	[tilespmem:s2], [sflag:$0x1] =	stream.linear.gather @!p1 [hbm4b:s0+s10], $0x800, $0x38;
	[tilespmem:$0x1E880] =	vst v63  }
.LBB2_18:
0x7f: {  	s1 =	sadd.s32 $0x1, s1  }
0x80: {  	p0 =	sne.s32 s1, s16  }
.Ltmp5:
0x81: {  	_ = 	snop;
	(pc) =	sbr.rel @!p0 .LBB2_19-.Ltmp5, $1  }
0x82: {  	_ =	sdelay $0x3  }
.LBB2_4:
0x83: {  	s0 =	smul.u32 $0x3, s1;
	_ =	sdelay $0x1  }
0x84: {  	s0 =	sadd.s32 s6, s0  }
0x85: {  	p0 =	slt.u32 s0, s7  }
.Ltmp6:
0x86: {  	_ = 	snop;
	(pc) =	sbr.rel @!p0 .LBB2_5-.Ltmp6, $1  }
0x87: {  	_ =	sdelay $0x3  }
0x88: {  	_ =	swait.ge [sflag:s15], $0x800  }
0x89: {  	[sflag:s15] =	ssyncset.done $0x0  }
0x8a: {  	[sflag:s15] =	ssyncadd.s32 $0xFFFFF800  }
0x8b: {  	_ =	swait.ge [sflag:s15], $0x800  }
0x8c: {  	[sflag:s15] =	ssyncset.done $0x0  }
0x8d: {  	s2 =	simm.s32 $0x1A100;
	[sflag:s15] =	ssyncadd.s32 $0xFFFFF800  }
0x8e: {  	v1 =	vld [tilespmem:s2+$0x70]  }
0x8f: {  	v2 =	vld [tilespmem:s2+$0xFFFFFF90]  }
0x90: {  	v3 =	vld [tilespmem:s2+$0xFFFFFFA0]  }
0x91: {  	v4 =	vld [tilespmem:s2+$0xFFFFFFB0]  }
0x92: {  	v5 =	vld [tilespmem:s2+$0xFFFFFFC0]  }
0x93: {  	v6 =	vld [tilespmem:s2+$0xFFFFFFD0]  }
0x94: {  	v7 =	vld [tilespmem:s2+$0xFFFFFFE0]  }
0x95: {  	v8 =	vld [tilespmem:s2+$0xFFFFFFF0]  }
0x96: {  	v9 =	vld [tilespmem:s2+$0x0]  }
0x97: {  	v10 =	vld [tilespmem:s2+$0x10]  }
0x98: {  	v11 =	vld [tilespmem:s2+$0x20]  }
0x99: {  	v12 =	vld [tilespmem:s2+$0x30]  }
0x9a: {  	v13 =	vld [tilespmem:s2+$0x40]  }
0x9b: {  	v14 =	vld [tilespmem:s2+$0x50]  }
0x9c: {  	v15 =	vld [tilespmem:s2+$0x60]  }
0x9d: {  	v16 =	vld [tilespmem:s2+$0xFFFFFF80]  }
0x9e: {  	v1 =	vld.idx.msk [tilespmem:v1+s22+$0x0], $0xffff  }
0x9f: {  	v2 =	vld.idx.msk [tilespmem:v2+s22+$0x0], $0xffff  }
0xa0: {  	v3 =	vld.idx.msk [tilespmem:v3+s22+$0x0], $0xffff  }
0xa1: {  	v4 =	vld.idx.msk [tilespmem:v4+s22+$0x0], $0xffff  }
0xa2: {  	v5 =	vld.idx.msk [tilespmem:v5+s22+$0x0], $0xffff  }
0xa3: {  	s2 =	simm.s32 $0x1D100;
	v6 =	vld.idx.msk [tilespmem:v6+s22+$0x0], $0xffff  }
0xa4: {  	v7 =	vld.idx.msk [tilespmem:v7+s22+$0x0], $0xffff;
	[tilespmem:s2+$0x70] =	vst v1  }
0xa5: {  	v8 =	vld.idx.msk [tilespmem:v8+s22+$0x0], $0xffff;
	[tilespmem:s2+$0xFFFFFF90] =	vst v2  }
0xa6: {  	v16 =	vld.idx.msk [tilespmem:v16+s22+$0x0], $0xffff;
	[tilespmem:s2+$0xFFFFFFA0] =	vst v3  }
0xa7: {  	v9 =	vld.idx.msk [tilespmem:v9+s22+$0x0], $0xffff;
	[tilespmem:s2+$0xFFFFFFB0] =	vst v4  }
0xa8: {  	[tilespmem:s2+$0xFFFFFFC0] =	vst v5;
	v1 =	vld.idx.msk [tilespmem:v10+s22+$0x0], $0xffff  }
0xa9: {  	[tilespmem:s2+$0xFFFFFFD0] =	vst v6;
	v2 =	vld.idx.msk [tilespmem:v11+s22+$0x0], $0xffff  }
0xaa: {  	[tilespmem:s2+$0xFFFFFFE0] =	vst v7;
	v3 =	vld.idx.msk [tilespmem:v12+s22+$0x0], $0xffff  }
0xab: {  	[tilespmem:s2+$0xFFFFFFF0] =	vst v8;
	v4 =	vld.idx.msk [tilespmem:v13+s22+$0x0], $0xffff  }
0xac: {  	[tilespmem:s2+$0xFFFFFF80] =	vst v16;
	v5 =	vld.idx.msk [tilespmem:v14+s22+$0x0], $0xffff  }
0xad: {  	s10 =	simm.s32 $0x0;
	s11 =	simm.s32 $0x1A200;
	[tilespmem:s2+$0x0] =	vst v9;
	v6 =	vld.idx.msk [tilespmem:v15+s22+$0x0], $0xffff  }
.LBB2_7:
0xae: {  	v7 =	vld [tilespmem:s11+$0x70];
	s10 =	sadd.s32 $0x10, s10;
	[tilespmem:s2+$0x10] =	vst v1  }
0xaf: {  	v1 =	vld [tilespmem:s11+$0xFFFFFF90];
	p0 =	slt.u32 s10, $0x70;
	[tilespmem:s2+$0x20] =	vst v2  }
0xb0: {  	v2 =	vld [tilespmem:s11+$0xFFFFFFA0];
	[tilespmem:s2+$0x30] =	vst v3  }
0xb1: {  	v3 =	vld [tilespmem:s11+$0xFFFFFFB0];
	[tilespmem:s2+$0x40] =	vst v4  }
0xb2: {  	v4 =	vld [tilespmem:s11+$0xFFFFFFC0];
	[tilespmem:s2+$0x50] =	vst v5  }
0xb3: {  	v5 =	vld [tilespmem:s11+$0xFFFFFFD0];
	[tilespmem:s2+$0x60] =	vst v6  }
0xb4: {  	v6 =	vld [tilespmem:s11+$0xFFFFFFE0]  }
0xb5: {  	v8 =	vld [tilespmem:s11+$0xFFFFFFF0]  }
0xb6: {  	v7 =	vld.idx.msk [tilespmem:v7+s22+$0x0], $0xffff  }
0xb7: {  	v9 =	vld [tilespmem:s11+$0x0]  }
0xb8: {  	v10 =	vld [tilespmem:s11+$0x10]  }
0xb9: {  	v11 =	vld [tilespmem:s11+$0x20]  }
0xba: {  	v12 =	vld [tilespmem:s11+$0x30]  }
0xbb: {  	s2 =	sadd.s32 $0x100, s2;
	v13 =	vld [tilespmem:s11+$0x40]  }
0xbc: {  	v14 =	vld [tilespmem:s11+$0x50];
	[tilespmem:s2+$0x70] =	vst v7  }
0xbd: {  	v7 =	vld [tilespmem:s11+$0x60]  }
0xbe: {  	v15 =	vld [tilespmem:s11+$0xFFFFFF80]  }
0xbf: {  	v1 =	vld.idx.msk [tilespmem:v1+s22+$0x0], $0xffff  }
0xc0: {  	v2 =	vld.idx.msk [tilespmem:v2+s22+$0x0], $0xffff  }
0xc1: {  	v3 =	vld.idx.msk [tilespmem:v3+s22+$0x0], $0xffff  }
0xc2: {  	v4 =	vld.idx.msk [tilespmem:v4+s22+$0x0], $0xffff  }
0xc3: {  	v5 =	vld.idx.msk [tilespmem:v5+s22+$0x0], $0xffff  }
0xc4: {  	v6 =	vld.idx.msk [tilespmem:v6+s22+$0x0], $0xffff  }
0xc5: {  	[tilespmem:s2+$0xFFFFFF90] =	vst v1;
	v8 =	vld.idx.msk [tilespmem:v8+s22+$0x0], $0xffff  }
0xc6: {  	v15 =	vld.idx.msk [tilespmem:v15+s22+$0x0], $0xffff;
	[tilespmem:s2+$0xFFFFFFA0] =	vst v2  }
0xc7: {  	[tilespmem:s2+$0xFFFFFFB0] =	vst v3;
	v9 =	vld.idx.msk [tilespmem:v9+s22+$0x0], $0xffff  }
0xc8: {  	[tilespmem:s2+$0xFFFFFFC0] =	vst v4;
	v1 =	vld.idx.msk [tilespmem:v10+s22+$0x0], $0xffff  }
.Ltmp7:
0xc9: {  	[tilespmem:s2+$0xFFFFFFD0] =	vst v5;
	v2 =	vld.idx.msk [tilespmem:v11+s22+$0x0], $0xffff;
	(pc) =	sbr.rel @p0 .LBB2_7-.Ltmp7, $4  }
0xca: {  	[tilespmem:s2+$0xFFFFFFE0] =	vst v6;
	v3 =	vld.idx.msk [tilespmem:v12+s22+$0x0], $0xffff  }
0xcb: {  	[tilespmem:s2+$0xFFFFFFF0] =	vst v8;
	v4 =	vld.idx.msk [tilespmem:v13+s22+$0x0], $0xffff  }
0xcc: {  	[tilespmem:s2+$0xFFFFFF80] =	vst v15;
	v5 =	vld.idx.msk [tilespmem:v14+s22+$0x0], $0xffff  }
0xcd: {  	s11 =	sadd.s32 $0x100, s11;
	[tilespmem:s2+$0x0] =	vst v9;
	v6 =	vld.idx.msk [tilespmem:v7+s22+$0x0], $0xffff  }
0xce: {  	[tilespmem:s2+$0x10] =	vst v1  }
0xcf: {  	[tilespmem:s2+$0x20] =	vst v2  }
0xd0: {  	[tilespmem:s2+$0x30] =	vst v3  }
0xd1: {  	[tilespmem:s2+$0x40] =	vst v4  }
0xd2: {  	p0 =	seq.s32 s1, $0x0;
	[tilespmem:s2+$0x50] =	vst v5  }
0xd3: {  	s10 =	simm.s32 @!p0 $0x5;
	[tilespmem:s2+$0x60] =	vst v6;
	s2 =	sadd.s32 $0x1, s0  }
0xd4: {  	[spmem:s3] =	stream.indirect.scatter.add.f32 [tilespmem:s20], [sflag:$0x4], $0x1, s24, s23, $0xb8;
	[tilespmem:$0x1E880] =	vst v63  }
0xd5: {  	p1 =	sge.u32 s2, s7;
	_ =	swait.ge @!p0 [sflag:s10], $0x800  }
0xd6: {  	s11 =	sshll.u32 @!p1 s2, $0x8;
	[sflag:s10] =	ssyncset.done @!p0 $0x0  }
.Ltmp8:
0xd7: {  	[sflag:s10] =	ssyncadd.s32 @!p0 $0xFFFFF800;
	s10 =	sand.u32 @!p1 $0x1FFFFF00, s11;
	(pc) =	sbr.rel .LBB2_9-.Ltmp8, $4  }
0xd8: {  	s12 =	simm.s32 @!p1 $0x0;
	s13 =	simm.s32 @!p1 $0x1A880;
	s11 =	sadd.s32 @!p1 s5, s10  }
0xd9: {  	[tilespmem:s13], [sflag:$0x2] =	stream.linear.gather @!p1 [hbm4b:s11+s12], $0x800, $0x38;
	[tilespmem:$0x1E880] =	vst v63  }
0xda: {  	s10 =	sadd.s32 @!p1 s8, s10;
	s11 =	simm.s32 @!p1 $0x1C080  }
0xdb: {  	[tilespmem:s11], [sflag:$0x2] =	stream.linear.gather @!p1 [hbm4b:s10+s12], $0x800, $0x38;
	[tilespmem:$0x1E880] =	vst v63  }
.LBB2_5:
0xdc: {  	s2 =	sadd.s32 $0x1, s0  }
.LBB2_9:
0xdd: {  	p0 =	slt.u32 s2, s7  }
.Ltmp9:
0xde: {  	_ = 	snop;
	(pc) =	sbr.rel @!p0 .LBB2_10-.Ltmp9, $1  }
0xdf: {  	_ =	sdelay $0x3  }
0xe0: {  	_ =	swait.ge [sflag:s25], $0x800  }
0xe1: {  	[sflag:s25] =	ssyncset.done $0x0  }
0xe2: {  	[sflag:s25] =	ssyncadd.s32 $0xFFFFF800  }
0xe3: {  	_ =	swait.ge [sflag:s25], $0x800  }
0xe4: {  	[sflag:s25] =	ssyncset.done $0x0  }
0xe5: {  	s10 =	simm.s32 $0x1A900;
	[sflag:s25] =	ssyncadd.s32 $0xFFFFF800  }
0xe6: {  	v1 =	vld [tilespmem:s10+$0x70]  }
0xe7: {  	v2 =	vld [tilespmem:s10+$0xFFFFFF90]  }
0xe8: {  	v3 =	vld [tilespmem:s10+$0xFFFFFFA0]  }
0xe9: {  	v4 =	vld [tilespmem:s10+$0xFFFFFFB0]  }
0xea: {  	v5 =	vld [tilespmem:s10+$0xFFFFFFC0]  }
0xeb: {  	v6 =	vld [tilespmem:s10+$0xFFFFFFD0]  }
0xec: {  	v7 =	vld [tilespmem:s10+$0xFFFFFFE0]  }
0xed: {  	v8 =	vld [tilespmem:s10+$0xFFFFFFF0]  }
0xee: {  	v9 =	vld [tilespmem:s10+$0x0]  }
0xef: {  	v10 =	vld [tilespmem:s10+$0x10]  }
0xf0: {  	v11 =	vld [tilespmem:s10+$0x20]  }
0xf1: {  	v12 =	vld [tilespmem:s10+$0x30]  }
0xf2: {  	v13 =	vld [tilespmem:s10+$0x40]  }
0xf3: {  	v14 =	vld [tilespmem:s10+$0x50]  }
0xf4: {  	v15 =	vld [tilespmem:s10+$0x60]  }
0xf5: {  	v16 =	vld [tilespmem:s10+$0xFFFFFF80]  }
0xf6: {  	v1 =	vld.idx.msk [tilespmem:v1+s22+$0x0], $0xffff  }
0xf7: {  	v2 =	vld.idx.msk [tilespmem:v2+s22+$0x0], $0xffff  }
0xf8: {  	v3 =	vld.idx.msk [tilespmem:v3+s22+$0x0], $0xffff  }
0xf9: {  	v4 =	vld.idx.msk [tilespmem:v4+s22+$0x0], $0xffff  }
0xfa: {  	v5 =	vld.idx.msk [tilespmem:v5+s22+$0x0], $0xffff  }
0xfb: {  	s10 =	simm.s32 $0x1D900;
	v6 =	vld.idx.msk [tilespmem:v6+s22+$0x0], $0xffff  }
0xfc: {  	v7 =	vld.idx.msk [tilespmem:v7+s22+$0x0], $0xffff;
	[tilespmem:s10+$0x70] =	vst v1  }
0xfd: {  	v8 =	vld.idx.msk [tilespmem:v8+s22+$0x0], $0xffff;
	[tilespmem:s10+$0xFFFFFF90] =	vst v2  }
0xfe: {  	v16 =	vld.idx.msk [tilespmem:v16+s22+$0x0], $0xffff;
	[tilespmem:s10+$0xFFFFFFA0] =	vst v3  }
0xff: {  	v9 =	vld.idx.msk [tilespmem:v9+s22+$0x0], $0xffff;
	[tilespmem:s10+$0xFFFFFFB0] =	vst v4  }
0x100: {  	[tilespmem:s10+$0xFFFFFFC0] =	vst v5;
	v1 =	vld.idx.msk [tilespmem:v10+s22+$0x0], $0xffff  }
0x101: {  	[tilespmem:s10+$0xFFFFFFD0] =	vst v6;
	v2 =	vld.idx.msk [tilespmem:v11+s22+$0x0], $0xffff  }
0x102: {  	[tilespmem:s10+$0xFFFFFFE0] =	vst v7;
	v3 =	vld.idx.msk [tilespmem:v12+s22+$0x0], $0xffff  }
0x103: {  	[tilespmem:s10+$0xFFFFFFF0] =	vst v8;
	v4 =	vld.idx.msk [tilespmem:v13+s22+$0x0], $0xffff  }
0x104: {  	[tilespmem:s10+$0xFFFFFF80] =	vst v16;
	v5 =	vld.idx.msk [tilespmem:v14+s22+$0x0], $0xffff  }
0x105: {  	s11 =	simm.s32 $0x0;
	s12 =	simm.s32 $0x1AA00;
	[tilespmem:s10+$0x0] =	vst v9;
	v6 =	vld.idx.msk [tilespmem:v15+s22+$0x0], $0xffff  }
.LBB2_12:
0x106: {  	v7 =	vld [tilespmem:s12+$0x70];
	s11 =	sadd.s32 $0x10, s11;
	[tilespmem:s10+$0x10] =	vst v1  }
0x107: {  	v1 =	vld [tilespmem:s12+$0xFFFFFF90];
	p0 =	slt.u32 s11, $0x70;
	[tilespmem:s10+$0x20] =	vst v2  }
0x108: {  	v2 =	vld [tilespmem:s12+$0xFFFFFFA0];
	[tilespmem:s10+$0x30] =	vst v3  }
0x109: {  	v3 =	vld [tilespmem:s12+$0xFFFFFFB0];
	[tilespmem:s10+$0x40] =	vst v4  }
0x10a: {  	v4 =	vld [tilespmem:s12+$0xFFFFFFC0];
	[tilespmem:s10+$0x50] =	vst v5  }
0x10b: {  	v5 =	vld [tilespmem:s12+$0xFFFFFFD0];
	[tilespmem:s10+$0x60] =	vst v6  }
0x10c: {  	v6 =	vld [tilespmem:s12+$0xFFFFFFE0]  }
0x10d: {  	v8 =	vld [tilespmem:s12+$0xFFFFFFF0]  }
0x10e: {  	v7 =	vld.idx.msk [tilespmem:v7+s22+$0x0], $0xffff  }
0x10f: {  	v9 =	vld [tilespmem:s12+$0x0]  }
0x110: {  	v10 =	vld [tilespmem:s12+$0x10]  }
0x111: {  	v11 =	vld [tilespmem:s12+$0x20]  }
0x112: {  	v12 =	vld [tilespmem:s12+$0x30]  }
0x113: {  	s10 =	sadd.s32 $0x100, s10;
	v13 =	vld [tilespmem:s12+$0x40]  }
0x114: {  	v14 =	vld [tilespmem:s12+$0x50];
	[tilespmem:s10+$0x70] =	vst v7  }
0x115: {  	v7 =	vld [tilespmem:s12+$0x60]  }
0x116: {  	v15 =	vld [tilespmem:s12+$0xFFFFFF80]  }
0x117: {  	v1 =	vld.idx.msk [tilespmem:v1+s22+$0x0], $0xffff  }
0x118: {  	v2 =	vld.idx.msk [tilespmem:v2+s22+$0x0], $0xffff  }
0x119: {  	v3 =	vld.idx.msk [tilespmem:v3+s22+$0x0], $0xffff  }
0x11a: {  	v4 =	vld.idx.msk [tilespmem:v4+s22+$0x0], $0xffff  }
0x11b: {  	v5 =	vld.idx.msk [tilespmem:v5+s22+$0x0], $0xffff  }
0x11c: {  	v6 =	vld.idx.msk [tilespmem:v6+s22+$0x0], $0xffff  }
0x11d: {  	[tilespmem:s10+$0xFFFFFF90] =	vst v1;
	v8 =	vld.idx.msk [tilespmem:v8+s22+$0x0], $0xffff  }
0x11e: {  	v15 =	vld.idx.msk [tilespmem:v15+s22+$0x0], $0xffff;
	[tilespmem:s10+$0xFFFFFFA0] =	vst v2  }
0x11f: {  	[tilespmem:s10+$0xFFFFFFB0] =	vst v3;
	v9 =	vld.idx.msk [tilespmem:v9+s22+$0x0], $0xffff  }
0x120: {  	[tilespmem:s10+$0xFFFFFFC0] =	vst v4;
	v1 =	vld.idx.msk [tilespmem:v10+s22+$0x0], $0xffff  }
.Ltmp10:
0x121: {  	[tilespmem:s10+$0xFFFFFFD0] =	vst v5;
	v2 =	vld.idx.msk [tilespmem:v11+s22+$0x0], $0xffff;
	(pc) =	sbr.rel @p0 .LBB2_12-.Ltmp10, $4  }
0x122: {  	[tilespmem:s10+$0xFFFFFFE0] =	vst v6;
	v3 =	vld.idx.msk [tilespmem:v12+s22+$0x0], $0xffff  }
0x123: {  	[tilespmem:s10+$0xFFFFFFF0] =	vst v8;
	v4 =	vld.idx.msk [tilespmem:v13+s22+$0x0], $0xffff  }
0x124: {  	[tilespmem:s10+$0xFFFFFF80] =	vst v15;
	v5 =	vld.idx.msk [tilespmem:v14+s22+$0x0], $0xffff  }
0x125: {  	s12 =	sadd.s32 $0x100, s12;
	[tilespmem:s10+$0x0] =	vst v9;
	v6 =	vld.idx.msk [tilespmem:v7+s22+$0x0], $0xffff  }
0x126: {  	[tilespmem:s10+$0x10] =	vst v1  }
0x127: {  	[tilespmem:s10+$0x20] =	vst v2  }
0x128: {  	[tilespmem:s10+$0x30] =	vst v3  }
0x129: {  	[tilespmem:s10+$0x40] =	vst v4  }
0x12a: {  	p0 =	sle.u32 s2, s17;
	[tilespmem:s10+$0x50] =	vst v5  }
0x12b: {  	s2 =	sadd.s32 $0x2, s0;
	[tilespmem:s10+$0x60] =	vst v6;
	s10 =	simm.s32 @!p0 $0x6  }
0x12c: {  	[spmem:s3] =	stream.indirect.scatter.add.f32 [tilespmem:s28], [sflag:$0x5], $0x1, s26, s23, $0xb8;
	[tilespmem:$0x1E880] =	vst v63  }
0x12d: {  	p1 =	sge.u32 s2, s7;
	_ =	swait.ge @!p0 [sflag:s10], $0x800  }
0x12e: {  	s11 =	sshll.u32 @!p1 s2, $0x8;
	[sflag:s10] =	ssyncset.done @!p0 $0x0  }
.Ltmp11:
0x12f: {  	[sflag:s10] =	ssyncadd.s32 @!p0 $0xFFFFF800;
	s10 =	sand.u32 @!p1 $0x1FFFFF00, s11;
	(pc) =	sbr.rel .LBB2_14-.Ltmp11, $4  }
0x130: {  	s12 =	simm.s32 @!p1 $0x0;
	s13 =	simm.s32 @!p1 $0x1B080;
	s11 =	sadd.s32 @!p1 s5, s10  }
0x131: {  	[tilespmem:s13], [sflag:$0x3] =	stream.linear.gather @!p1 [hbm4b:s11+s12], $0x800, $0x38;
	[tilespmem:$0x1E880] =	vst v63  }
0x132: {  	s10 =	sadd.s32 @!p1 s8, s10;
	s11 =	simm.s32 @!p1 $0x1C880  }
0x133: {  	[tilespmem:s11], [sflag:$0x3] =	stream.linear.gather @!p1 [hbm4b:s10+s12], $0x800, $0x38;
	[tilespmem:$0x1E880] =	vst v63  }
.LBB2_10:
0x134: {  	s2 =	sadd.s32 $0x2, s0  }
.LBB2_14:
0x135: {  	p0 =	sge.u32 s2, s7  }
.Ltmp12:
0x136: {  	_ = 	snop;
	(pc) =	sbr.rel @p0 .LBB2_18-.Ltmp12, $1  }
0x137: {  	_ =	sdelay $0x3  }
0x138: {  	_ =	swait.ge [sflag:s29], $0x800  }
0x139: {  	[sflag:s29] =	ssyncset.done $0x0  }
0x13a: {  	[sflag:s29] =	ssyncadd.s32 $0xFFFFF800  }
0x13b: {  	_ =	swait.ge [sflag:s29], $0x800  }
0x13c: {  	[sflag:s29] =	ssyncset.done $0x0  }
0x13d: {  	s10 =	simm.s32 $0x1B100;
	[sflag:s29] =	ssyncadd.s32 $0xFFFFF800  }
0x13e: {  	v1 =	vld [tilespmem:s10+$0x70]  }
0x13f: {  	v2 =	vld [tilespmem:s10+$0xFFFFFF90]  }
0x140: {  	v3 =	vld [tilespmem:s10+$0xFFFFFFA0]  }
0x141: {  	v4 =	vld [tilespmem:s10+$0xFFFFFFB0]  }
0x142: {  	v5 =	vld [tilespmem:s10+$0xFFFFFFC0]  }
0x143: {  	v6 =	vld [tilespmem:s10+$0xFFFFFFD0]  }
0x144: {  	v7 =	vld [tilespmem:s10+$0xFFFFFFE0]  }
0x145: {  	v8 =	vld [tilespmem:s10+$0xFFFFFFF0]  }
0x146: {  	v9 =	vld [tilespmem:s10+$0x0]  }
0x147: {  	v10 =	vld [tilespmem:s10+$0x10]  }
0x148: {  	v11 =	vld [tilespmem:s10+$0x20]  }
0x149: {  	v12 =	vld [tilespmem:s10+$0x30]  }
0x14a: {  	v13 =	vld [tilespmem:s10+$0x40]  }
0x14b: {  	v14 =	vld [tilespmem:s10+$0x50]  }
0x14c: {  	v15 =	vld [tilespmem:s10+$0x60]  }
0x14d: {  	v16 =	vld [tilespmem:s10+$0xFFFFFF80]  }
0x14e: {  	v1 =	vld.idx.msk [tilespmem:v1+s22+$0x0], $0xffff  }
0x14f: {  	v2 =	vld.idx.msk [tilespmem:v2+s22+$0x0], $0xffff  }
0x150: {  	v3 =	vld.idx.msk [tilespmem:v3+s22+$0x0], $0xffff  }
0x151: {  	v4 =	vld.idx.msk [tilespmem:v4+s22+$0x0], $0xffff  }
0x152: {  	v5 =	vld.idx.msk [tilespmem:v5+s22+$0x0], $0xffff  }
0x153: {  	s10 =	simm.s32 $0x1E100;
	v6 =	vld.idx.msk [tilespmem:v6+s22+$0x0], $0xffff  }
0x154: {  	v7 =	vld.idx.msk [tilespmem:v7+s22+$0x0], $0xffff;
	[tilespmem:s10+$0x70] =	vst v1  }
0x155: {  	v8 =	vld.idx.msk [tilespmem:v8+s22+$0x0], $0xffff;
	[tilespmem:s10+$0xFFFFFF90] =	vst v2  }
0x156: {  	v16 =	vld.idx.msk [tilespmem:v16+s22+$0x0], $0xffff;
	[tilespmem:s10+$0xFFFFFFA0] =	vst v3  }
0x157: {  	v9 =	vld.idx.msk [tilespmem:v9+s22+$0x0], $0xffff;
	[tilespmem:s10+$0xFFFFFFB0] =	vst v4  }
0x158: {  	[tilespmem:s10+$0xFFFFFFC0] =	vst v5;
	v1 =	vld.idx.msk [tilespmem:v10+s22+$0x0], $0xffff  }
0x159: {  	[tilespmem:s10+$0xFFFFFFD0] =	vst v6;
	v2 =	vld.idx.msk [tilespmem:v11+s22+$0x0], $0xffff  }
0x15a: {  	[tilespmem:s10+$0xFFFFFFE0] =	vst v7;
	v3 =	vld.idx.msk [tilespmem:v12+s22+$0x0], $0xffff  }
0x15b: {  	[tilespmem:s10+$0xFFFFFFF0] =	vst v8;
	v4 =	vld.idx.msk [tilespmem:v13+s22+$0x0], $0xffff  }
0x15c: {  	[tilespmem:s10+$0xFFFFFF80] =	vst v16;
	v5 =	vld.idx.msk [tilespmem:v14+s22+$0x0], $0xffff  }
0x15d: {  	s11 =	simm.s32 $0x0;
	s12 =	simm.s32 $0x1B200;
	[tilespmem:s10+$0x0] =	vst v9;
	v6 =	vld.idx.msk [tilespmem:v15+s22+$0x0], $0xffff  }
.LBB2_16:
0x15e: {  	v7 =	vld [tilespmem:s12+$0x70];
	s11 =	sadd.s32 $0x10, s11;
	[tilespmem:s10+$0x10] =	vst v1  }
0x15f: {  	v1 =	vld [tilespmem:s12+$0xFFFFFF90];
	p0 =	slt.u32 s11, $0x70;
	[tilespmem:s10+$0x20] =	vst v2  }
0x160: {  	v2 =	vld [tilespmem:s12+$0xFFFFFFA0];
	[tilespmem:s10+$0x30] =	vst v3  }
0x161: {  	v3 =	vld [tilespmem:s12+$0xFFFFFFB0];
	[tilespmem:s10+$0x40] =	vst v4  }
0x162: {  	v4 =	vld [tilespmem:s12+$0xFFFFFFC0];
	[tilespmem:s10+$0x50] =	vst v5  }
0x163: {  	v5 =	vld [tilespmem:s12+$0xFFFFFFD0];
	[tilespmem:s10+$0x60] =	vst v6  }
0x164: {  	v6 =	vld [tilespmem:s12+$0xFFFFFFE0]  }
0x165: {  	v8 =	vld [tilespmem:s12+$0xFFFFFFF0]  }
0x166: {  	v7 =	vld.idx.msk [tilespmem:v7+s22+$0x0], $0xffff  }
0x167: {  	v9 =	vld [tilespmem:s12+$0x0]  }
0x168: {  	v10 =	vld [tilespmem:s12+$0x10]  }
0x169: {  	v11 =	vld [tilespmem:s12+$0x20]  }
0x16a: {  	v12 =	vld [tilespmem:s12+$0x30]  }
0x16b: {  	s10 =	sadd.s32 $0x100, s10;
	v13 =	vld [tilespmem:s12+$0x40]  }
0x16c: {  	v14 =	vld [tilespmem:s12+$0x50];
	[tilespmem:s10+$0x70] =	vst v7  }
0x16d: {  	v7 =	vld [tilespmem:s12+$0x60]  }
0x16e: {  	v15 =	vld [tilespmem:s12+$0xFFFFFF80]  }
0x16f: {  	v1 =	vld.idx.msk [tilespmem:v1+s22+$0x0], $0xffff  }
0x170: {  	v2 =	vld.idx.msk [tilespmem:v2+s22+$0x0], $0xffff  }
0x171: {  	v3 =	vld.idx.msk [tilespmem:v3+s22+$0x0], $0xffff  }
0x172: {  	v4 =	vld.idx.msk [tilespmem:v4+s22+$0x0], $0xffff  }
0x173: {  	v5 =	vld.idx.msk [tilespmem:v5+s22+$0x0], $0xffff  }
0x174: {  	v6 =	vld.idx.msk [tilespmem:v6+s22+$0x0], $0xffff  }
0x175: {  	[tilespmem:s10+$0xFFFFFF90] =	vst v1;
	v8 =	vld.idx.msk [tilespmem:v8+s22+$0x0], $0xffff  }
0x176: {  	v15 =	vld.idx.msk [tilespmem:v15+s22+$0x0], $0xffff;
	[tilespmem:s10+$0xFFFFFFA0] =	vst v2  }
0x177: {  	[tilespmem:s10+$0xFFFFFFB0] =	vst v3;
	v9 =	vld.idx.msk [tilespmem:v9+s22+$0x0], $0xffff  }
0x178: {  	[tilespmem:s10+$0xFFFFFFC0] =	vst v4;
	v1 =	vld.idx.msk [tilespmem:v10+s22+$0x0], $0xffff  }
.Ltmp13:
0x179: {  	[tilespmem:s10+$0xFFFFFFD0] =	vst v5;
	v2 =	vld.idx.msk [tilespmem:v11+s22+$0x0], $0xffff;
	(pc) =	sbr.rel @p0 .LBB2_16-.Ltmp13, $4  }
0x17a: {  	[tilespmem:s10+$0xFFFFFFE0] =	vst v6;
	v3 =	vld.idx.msk [tilespmem:v12+s22+$0x0], $0xffff  }
0x17b: {  	[tilespmem:s10+$0xFFFFFFF0] =	vst v8;
	v4 =	vld.idx.msk [tilespmem:v13+s22+$0x0], $0xffff  }
0x17c: {  	[tilespmem:s10+$0xFFFFFF80] =	vst v15;
	v5 =	vld.idx.msk [tilespmem:v14+s22+$0x0], $0xffff  }
0x17d: {  	s12 =	sadd.s32 $0x100, s12;
	[tilespmem:s10+$0x0] =	vst v9;
	v6 =	vld.idx.msk [tilespmem:v7+s22+$0x0], $0xffff  }
.Ltmp14:
0x17e: {  	_ = 	snop;
	(pc) =	sbr.rel .LBB2_17-.Ltmp14, $1  }
0x17f: {  	_ =	sdelay $0x3  }
.LBB2_20:
0x180: {  	_ =	sfence.sel $0x180000  }
0x181: {  	[bflag:$0x0] =	sbarrier.arrive $0xFFFF  }
0x182: {  	_ =	strace $0x9000004A  }
0x183: {  	s0 =	stileid.u32;
	[bflag:$0x2] =	sbarrier.arrive $0xFFFF  }
0x184: {  	p0 =	sne.s32 s0, $0x0;
	s0 =	rddreg [dreg:$0x3]  }
0x185: {  	s0 =	sadd.s32 @!p0 $0x100000, s0  }
0x186: {  	[sflag:s0] =	ssyncadd.tile.s32 @!p0 $0x1;
	_ =	shalt  }
.Lfunc_end2:
_tile_overlayer_lowered:
.L_overlay_start_2:
0x187: {  	(tag) =	ssettag $0x2  }
0x188: {  	s0 =	rddreg [dreg:$0x0];
	s2 =	stileid.u32  }
0x189: {  	s1 =	rddreg [dreg:$0x1];
	p0 =	sne.s32 s2, $0x0  }
0x18a: {  	s3 =	rddreg [dreg:$0x2];
	[bflag:$0x3] =	sbarrier.arrive $0xFFFF;
	s2 =	simm.s32 @!p0 $0x1C07  }
0x18b: {  	[timem:s3], [sflag:s2] =	dma.local @!p0 [hbm:s0], s1  }
0x18c: {  	s0 =	simm.s32 @!p0 $0x7  }
0x18d: {  	_ =	swait.ge @!p0 [sflag:s0], s1  }
0x18e: {  	s1 =	ssub.s32 @!p0 $0x0, s1;
	[sflag:s0] =	ssyncset.done @!p0 $0x0  }
0x18f: {  	[sflag:s0] =	ssyncadd.s32 @!p0 s1  }
0x190: {  	[bflag:$0x3] =	sbarrier.arrive $0xFFFF  }
0x191: {  	_ =	shalt  }

// kernel: kernel.14.cloned.1.call-start
scs
__scs_entry_jumppad:
0x0: {  	(pc) =	sbr.rel $0x88, $3  }
0x1: {  	(tag) =	ssettag $0x0;
	lr =	simm.s32 $0x1  }
0x2: {  	[smem:$0x3F9B] =	sst lr;
	_ =	strace $0xD0000000  }
0x3: {  	_ = 	snop  }
0x4: {  	_ = 	snop  }
0x5: {  	_ = 	snop  }
0x6: {  	_ = 	snop  }
0x7: {  	_ = 	snop  }
__scs_overlays_trampoline_lowered:
0x8: {  	[smem:$0x3FAA] =	sst s0  }
0x9: {  	[smem:$0x3FAB] =	sst s1  }
0xa: {  	[smem:$0x3FAC] =	sst s2  }
0xb: {  	[smem:$0x3FAD] =	sst s3  }
0xc: {  	[smem:$0x3FAE] =	sst s4  }
0xd: {  	[smem:$0x3FAF] =	sst s5  }
0xe: {  	[smem:$0x3FB0] =	sst s6  }
0xf: {  	[smem:$0x3FB1] =	sst s7  }
0x10: {  	[smem:$0x3FB2] =	sst s8  }
0x11: {  	[smem:$0x3FB3] =	sst s9;
	s0 =	simm.s32 @!p0 $0x0  }
0x12: {  	s1 =	sld [smem:$0x3F99];
	s0 =	simm.s32 @p0 $0x1  }
0x13: {  	[smem:$0x3FB4] =	sst s0;
	s0 =	simm.s32 @!p1 $0x0  }
0x14: {  	s2 =	sld [smem:$0x3F98];
	s0 =	simm.s32 @p1 $0x1  }
0x15: {  	[smem:$0x3FB5] =	sst s0;
	s0 =	simm.s32 @!p2 $0x0  }
0x16: {  	s3 =	sld [smem:$0x3FDB];
	s0 =	simm.s32 @p2 $0x1  }
0x17: {  	s4 =	simm.s32 $0x1BF5;
	[smem:$0x3FB7] =	sst s0  }
0x18: {  	s0 =	sld [smem:$0x3F9A];
	_ =	swait.ge [sflag:s4], $0x0  }
0x19: {  	s7 =	sld [smem:$0x3F9B]  }
0x1a: {  	s8 =	sadd.s32 $0xFFFFE003, lr  }
0x1b: {  	s9 =	sadd.s32 $0xFFFFFEF7, lr;
	s5 =	simm.s32 $0xFFFFFFFF;
	p2 =	slt.u32 s8, $0xFFFFF086  }
0x1c: {  	p1 =	slt.u32 s9, $0xF7A;
	s5 =	simm.s32 @!p2 $0x0  }
0x1d: {  	s5 =	simm.s32 @p1 $0x1;
	p0 =	seq.s32 s7, s2  }
0x1e: {  	s7 =	smul.u32 @!p0 $0xF7A, s2;
	p2 =	seq.s32 @!p0 s5, $0x0  }
0x1f: {  	s9 =	smul.u32 $0xF7A, s1;
	s8 =	simm.s32 @!p0 $0x1BF5;
	p2 =	por !p2, p0  }
0x20: {  	[sflag:s8] =	ssyncset.s32 @!p0 $0xFFFFF086;
	s6 =	sadd.s32 @!p0 s3, s7;
	s7 =	simm.s32 @!p0 $0x108  }
0x21: {  	s3 =	sadd.s32 s3, s9;
	s6 =	sadd.s32 @!p0 $0x88, s6;
	s7 =	simm.s32 @p2 $0x1082  }
0x22: {  	[simem:s7], [sflag:s8] =	dma.local @!p0 [hbm:s6], $0xF7A  }
0x23: {  	s9 =	sor.u32 $0xD0000000, s2;
	s6 =	simm.s32 $0x108;
	_ =	swait.ge @!p0 [sflag:s8], $0x0  }
0x24: {  	s3 =	sadd.s32 $0x88, s3;
	s6 =	simm.s32 @!p1 $0x1082;
	[sflag:s4] =	ssyncset.s32 $0xFFFFF086  }
0x25: {  	[simem:s6], [sflag:s4] =	dma.local [hbm:s3], $0xF7A  }
0x26: {  	[smem:$0x3F9B] =	sst s1;
	(tag) =	ssettag s2;
	_ =	strace s9  }
0x27: {  	s1 =	sld [smem:$0x3FAB]  }
0x28: {  	s2 =	sld [smem:$0x3FAC]  }
0x29: {  	s4 =	sld [smem:$0x3FAE]  }
0x2a: {  	p0 =	seq.s32 s5, $0x0;
	s5 =	sld [smem:$0x3FAF]  }
0x2b: {  	s6 =	sld [smem:$0x3FB0]  }
0x2c: {  	s7 =	sld [smem:$0x3FB1]  }
0x2d: {  	s3 =	simm.s32 $0x108;
	s8 =	sld [smem:$0x3FB2]  }
0x2e: {  	s3 =	simm.s32 @!p0 $0x1082;
	s9 =	sld [smem:$0x3FB3]  }
0x2f: {  	lr =	sadd.s32 s0, s3;
	s0 =	sld [smem:$0x3FAA]  }
0x30: {  	s3 =	sld [smem:$0x3FAD]  }
0x31: {  	[smem:$0x3FB6] =	sst s10  }
0x32: {  	s10 =	sld [smem:$0x3FB4];
	_ =	sdelay $0x3  }
0x33: {  	p0 =	seq.s32 s10, $0x1;
	s10 =	sld [smem:$0x3FB6];
	_ =	sdelay $0x3  }
0x34: {  	[smem:$0x3FB6] =	sst s10  }
0x35: {  	s10 =	sld [smem:$0x3FB5];
	_ =	sdelay $0x3  }
0x36: {  	p1 =	seq.s32 s10, $0x1;
	s10 =	sld [smem:$0x3FB6];
	_ =	sdelay $0x3  }
0x37: {  	[smem:$0x3FB6] =	sst s10  }
0x38: {  	s10 =	sld [smem:$0x3FB7]  }
0x39: {  	_ = 	snop;
	(pc) =	sbr.ind lr, $3  }
0x3a: {  	_ = 	snop  }
0x3b: {  	_ = 	snop  }
0x3c: {  	p2 =	seq.s32 s10, $0x1;
	s10 =	sld [smem:$0x3FB6]  }
0x3d: {  	_ =	shalt  }
0x3e: {  	_ =	shalt  }
0x3f: {  	_ =	shalt  }
0x40: {  	_ =	shalt  }
0x41: {  	_ =	shalt  }
0x42: {  	_ =	shalt  }
0x43: {  	_ =	shalt  }
0x44: {  	_ =	shalt  }
0x45: {  	_ =	shalt  }
0x46: {  	_ =	shalt  }
0x47: {  	_ =	shalt  }
0x48: {  	_ =	shalt  }
0x49: {  	_ =	shalt  }
0x4a: {  	_ =	shalt  }
0x4b: {  	_ =	shalt  }
0x4c: {  	_ =	shalt  }
0x4d: {  	_ =	shalt  }
0x4e: {  	_ =	shalt  }
0x4f: {  	_ =	shalt  }
0x50: {  	_ =	shalt  }
0x51: {  	_ =	shalt  }
0x52: {  	_ =	shalt  }
0x53: {  	_ =	shalt  }
0x54: {  	_ =	shalt  }
0x55: {  	_ =	shalt  }
0x56: {  	_ =	shalt  }
0x57: {  	_ =	shalt  }
0x58: {  	_ =	shalt  }
0x59: {  	_ =	shalt  }
0x5a: {  	_ =	shalt  }
0x5b: {  	_ =	shalt  }
0x5c: {  	_ =	shalt  }
0x5d: {  	_ =	shalt  }
0x5e: {  	_ =	shalt  }
0x5f: {  	_ =	shalt  }
0x60: {  	_ =	shalt  }
0x61: {  	_ =	shalt  }
0x62: {  	_ =	shalt  }
0x63: {  	_ =	shalt  }
0x64: {  	_ =	shalt  }
0x65: {  	_ =	shalt  }
0x66: {  	_ =	shalt  }
0x67: {  	_ =	shalt  }
0x68: {  	_ =	shalt  }
0x69: {  	_ =	shalt  }
0x6a: {  	_ =	shalt  }
0x6b: {  	_ =	shalt  }
0x6c: {  	_ =	shalt  }
0x6d: {  	_ =	shalt  }
0x6e: {  	_ =	shalt  }
0x6f: {  	_ =	shalt  }
0x70: {  	_ =	shalt  }
0x71: {  	_ =	shalt  }
0x72: {  	_ =	shalt  }
0x73: {  	_ =	shalt  }
0x74: {  	_ =	shalt  }
0x75: {  	_ =	shalt  }
0x76: {  	_ =	shalt  }
0x77: {  	_ =	shalt  }
0x78: {  	_ =	shalt  }
0x79: {  	_ =	shalt  }
0x7a: {  	_ =	shalt  }
0x7b: {  	_ =	shalt  }
0x7c: {  	_ =	shalt  }
0x7d: {  	_ =	shalt  }
0x7e: {  	_ =	shalt  }
0x7f: {  	_ =	shalt  }
0x80: {  	_ =	shalt  }
0x81: {  	_ =	shalt  }
0x82: {  	_ =	shalt  }
0x83: {  	_ =	shalt  }
0x84: {  	_ =	shalt  }
0x85: {  	_ =	shalt  }
0x86: {  	_ =	shalt  }
0x87: {  	_ =	shalt  }
.Lfunc_end0:
.L_simem_size_0:
called_computation.2_lowered:
.L_overlay_start_0:
0x88: {  	s2 =	sld [smem:$0x3FD9]  }
0x89: {  	s3 =	sld [smem:$0x3FFE];
	_ =	sdelay $0x1  }
0x8a: {  	s1 =	srdreg.scid  }
0x8b: {  	s0 =	sand.u32 $0x1, s1  }
0x8c: {  	s17 =	sshll.u32 s0, $0xA;
	s2 =	sadd.s32 s3, s2  }
0x8d: {  	s2 =	sadd.s32 s2, s17  }
0x8e: {  	[smem:$0x3FC2] =	sst s2  }
0x8f: {  	_ = 	snop  }
0x90: {  	s2 =	sld [smem:$0x3FD0];
	(tm) =	ssettm $0x1  }
0x91: {  	s18 =	sld [smem:$0x3FFB];
	_ =	sdelay $0x3  }
0x92: {  	_ =	strace s18  }
0x93: {  	s3 =	sld [smem:$0x3FFC];
	_ =	sdelay $0x3  }
0x94: {  	_ =	strace s3  }
0x95: {  	s3 =	sld [smem:$0x3FFD];
	_ =	sdelay $0x3  }
0x96: {  	_ =	strace s3  }
0x97: {  	_ =	strace $0x8FFFFFFF  }
0x98: {  	s19 =	sld [smem:$0x3FDB];
	_ =	sdelay $0x1  }
0x99: {  	s4 =	simm.s32 $_scs_section_size  }
0x9a: {  	s5 =	simm.s32 $_size__tile_overlayer_lowered;
	s6 =	simm.s32 $_tile_overlayer_lowered  }
0x9b: {  	s22 =	simm.s32 $0x1BFF;
	s21 =	sshll.u32 s6, $0x1;
	s3 =	sadd.s32 s4, s19  }
0x9c: {  	s7 =	simm.s32 $0x0;
	s20 =	sshll.u32 s5, $0x1;
	s5 =	sadd.s32 s21, s3  }
0x9d: {  	[timem:s7], [sflag:s22] =	dma.local [hbm:s5], s20  }
0x9e: {  	_ =	swait.ge [sflag:s22], s20  }
0x9f: {  	s4 =	ssub.s32 $0x0, s20;
	[sflag:s22] =	ssyncset.done $0x0  }
0xa0: {  	[sflag:s22] =	ssyncadd.s32 s4;
	_ =	sdelay $0x1  }
0xa1: {  	s23 =	simm.s32 $0x1B8B  }
0xa2: {  	_ =	swait.ge [sflag:s23], $0x1  }
0xa3: {  	[sflag:s23] =	ssyncset.done $0x0  }
0xa4: {  	s25 =	simm.s32 $0x1B8E;
	s24 =	sld [smem:$0x3FFE];
	[sflag:s23] =	ssyncadd.s32 $0xFFFFFFFF  }
0xa5: {  	s26 =	simm.s32 $execute0_lowered;
	[smem:$0x3FD2] =	sst s25  }
0xa6: {  	s5 =	sshll.u32 s26, $0x1;
	_ =	strace $0x8000004C;
	[dreg:$0x1] =	wrdreg $0xFFFFFFFF  }
0xa7: {  	s28 =	simm.s32 $_size_execute0_lowered;
	s3 =	sadd.s32 s3, s5;
	[dreg:$0x0] =	wrdreg $0x0  }
0xa8: {  	s5 =	sshll.u32 s28, $0x1;
	[dreg:$0x2] =	wrdreg s3  }
0xa9: {  	[dreg:$0x3] =	wrdreg s5  }
0xaa: {  	[dreg:$0x4] =	wrdreg $0xC0  }
0xab: {  	_ =	task [dreg:s7], $0x5FFFF  }
0xac: {  	[dreg:$0x1] =	wrdreg $0xFFFFFFFF  }
0xad: {  	[dreg:$0x0] =	wrdreg $0x60  }
0xae: {  	[dreg:$0x2] =	wrdreg s24  }
0xaf: {  	[dreg:$0x3] =	wrdreg s2  }
0xb0: {  	[dreg:$0x4] =	wrdreg $0x0  }
0xb1: {  	[dreg:$0x5] =	wrdreg $0x9  }
0xb2: {  	_ =	task.clear_ibuf [dreg:s7], $0x6FFFF;
	_ =	strace $0x9000004C  }
0xb3: {  	s29 =	simm.s32 $0x9;
	_ =	strace $0x8000004E  }
0xb4: {  	_ =	swait.ge [sflag:s29], $0x1  }
0xb5: {  	[sflag:s29] =	ssyncadd.s32 $0xFFFFFFFF  }
0xb6: {  	_ =	strace $0x9000004E  }
0xb7: {  	_ =	sfence  }
0xb8: {  	s30 =	sld [smem:$0x0];
	_ =	sdelay $0x2  }
0xb9: {  	s31 =	sshll.u32 s1, $0xD;
	s1 =	sshrl.u32 s1, $0x2  }
0xba: {  	s3 =	sand.u32 $0x4000, s31;
	s1 =	sadd.s32 s1, s30  }
0xbb: {  	s0 =	sor.u32 s3, s0;
	s1 =	sshll.u32 s1, $0x11  }
0xbc: {  	s0 =	sor.u32 s1, s0  }
0xbd: {  	s0 =	sadd.s32 $0x8F2B, s0  }
0xbe: {  	[sflag:s0] =	ssyncadd.remote.s32 $0x1  }
0xbf: {  	_ =	sfence.sel $0xFFFF  }
0xc0: {  	[dreg:$0x0] =	wrdreg $0xFFFFFFFF;
	(pc) =	sbr.abs _section_cstart, $3  }
0xc1: {  	[dreg:$0x1] =	wrdreg $0xFFFFFFFF  }
0xc2: {  	_ =	task.clear_ibuf [dreg:s7], $0x2FFFF;
	_ =	strace $0x9FFFFFFF  }
0xc3: {  	(tm) =	ssettm $0x7FFFFFFF  }
tec
execute0_lowered:
.L_overlay_start_1:
0x0: {  	(tag) =	ssettag $0x1  }
0x1: {  	s1 =	rddreg [dreg:$0x0]  }
0x2: {  	s20 =	rddreg [dreg:$0x1]  }
0x3: {  	s3 =	rddreg [dreg:$0x2];
	s2 =	simm.s32 $0x0  }
0x4: {  	s0 =	srdreg.scid;
	s8 =	stileid.u32;
	s28 =	simm.s32 $0x1D880  }
0x5: {  	s29 =	simm.s32 $0x3;
	s30 =	simm.s32 $0x1C880;
	s31 =	simm.s32 $0x1E080  }
0x6: {  	[smem:$0x7FF] =	sst s2;
	s2 =	sand.u32 $0x1, s0;
	s23 =	smul.u32 $0x3100, s8  }
0x7: {  	s5 =	sadd.s32 $0xC5600, s1;
	s6 =	sadd.s32 $0x2000, s1;
	s7 =	smul.u32 $0xC35, s8  }
0x8: {  	s0 =	sadd.s32 $0x188C00, s1;
	s8 =	smul.u32 $0x6200, s8;
	s4 =	sshll.u32 s2, $0x7  }
0x9: {  	_ =	strace $0x8000004D;
	s10 =	ssub.s32 $0x2, s2;
	s4 =	sor.u32 s4, s23  }
0xa: {  	s24 =	sadd.s32 $0xC35, s7;
	s9 =	sshrl.u32 s8, $0x2;
	s7 =	sshrl.u32 s7, $0x4  }
0xb: {  	s11 =	sshrl.u32 s10, $0x1;
	s4 =	sshrl.u32 s4, $0x3;
	s8 =	sshrl.u32 s24, $0x4  }
0xc: {  	s9 =	sadd.s32 s9, s3;
	s10 =	ssub.s32 s10, s11;
	s18 =	sshll.u32 s7, $0x8  }
0xd: {  	s1 =	sadd.s32 s4, s1;
	s4 =	ssub.s32 s8, s7;
	s25 =	sadd.s32 $0x800, s9  }
0xe: {  	s12 =	sadd.s32 $0x1000, s9;
	s17 =	sadd.s32 $0x1800, s9;
	[dreg:$0x4] =	wrdreg s25  }
0xf: {  	s23 =	sadd.s32 s5, s18;
	s26 =	smul.u32 $0x5556, s4;
	[dreg:$0x5] =	wrdreg s12  }
0x10: {  	[dreg:$0x6] =	wrdreg s17;
	p0 =	sgt.s32 s4, $0x0;
	s17 =	smul.u32 $0xFFFFAAAB, s4  }
0x11: {  	p1 =	slt.s32 s4, $0xFFFFFFFF;
	p3 =	sgt.s32 s4, $0x1;
	[dreg:$0x7] =	wrdreg s23  }
0x12: {  	s25 =	sadd.s32 s6, s18;
	s18 =	sadd.s32 $0x18BE00, s1;
	s23 =	simm.s32 $0x800  }
0x13: {  	[dreg:$0x8] =	wrdreg s25;
	s25 =	simm.s32 $0x2;
	s13 =	sadd.s32 $0xAAAC, s26  }
0x14: {  	s14 =	sadd.s32 $0xFFFFAAAA, s26;
	s11 =	sadd.s32 $0xFFFF5554, s26;
	s19 =	sadd.s32 $0xFFFF8000, s17  }
0x15: {  	s17 =	sadd.s32 $0x1, s7;
	s15 =	sshrl.u32 s13, $0x1F;
	s16 =	sshrl.u32 s14, $0x1F  }
0x16: {  	s14 =	sshrl.u32 s14, $0x10;
	s13 =	sshrl.u32 s13, $0x10;
	s21 =	sshrl.u32 s11, $0x1F  }
0x17: {  	s11 =	sshrl.u32 s11, $0x10;
	s14 =	sadd.s32 s16, s14;
	s16 =	sand.u32 $0xFFFF, s19  }
0x18: {  	s11 =	sadd.s32 s21, s11;
	s15 =	sadd.s32 s15, s13;
	s14 =	smul.u32 $0x3, s14  }
0x19: {  	s19 =	smax.u32 s10, $0x1;
	s21 =	simm.s32 $0x7;
	s11 =	smul.u32 $0x3, s11  }
0x1a: {  	p2 =	sgt.u32 s16, $0x5554;
	s16 =	simm.s32 $0x1;
	s24 =	sshll.u32 s15, $0x10  }
0x1b: {  	s15 =	simm.s32 $0x1;
	s14 =	sxor.u32 $0xFFFFFFFF, s14;
	s11 =	ssub.s32 s4, s11  }
0x1c: {  	p1 =	por !p1, !p2;
	s14 =	sadd.s32 s4, s14;
	s11 =	sshll.u32 s11, $0x10  }
0x1d: {  	p1 =	por !p1, !p1;
	s22 =	sshll.u32 s14, $0x10;
	s11 =	sadd.s32 $0xFFFE0000, s11  }
0x1e: {  	s16 =	simm.s32 @!p1 $0x0;
	s13 =	sshra.s32 s22, $0x10;
	s11 =	sshra.s32 s11, $0x10  }
0x1f: {  	s22 =	simm.s32 $0x1880;
	p2 =	slt.s32 s13, $0x0;
	s14 =	sadd.s32 $0x3, s13  }
0x20: {  	s13 =	smov.u32 @p2 s14;
	p2 =	slt.s32 s11, $0x0;
	s14 =	sadd.s32 $0x3, s11  }
0x21: {  	p5 =	seq.s32 s13, $0x0;
	s11 =	smov.u32 @p2 s14;
	p6 =	seq.s32 s13, $0x1  }
0x22: {  	p1 =	por !p0, !p5;
	p4 =	seq.s32 s11, $0x0;
	p5 =	seq.s32 s13, $0x2  }
0x23: {  	p2 =	por !p0, !p6;
	p6 =	seq.s32 s11, $0x1;
	p0 =	por !p0, !p5  }
0x24: {  	p5 =	seq.s32 s11, $0x2;
	p4 =	por !p3, !p4;
	p1 =	por !p1, !p1  }
0x25: {  	p2 =	por !p2, !p2;
	s13 =	simm.s32 @!p0 $0x0;
	p5 =	por !p3, !p5  }
0x26: {  	s13 =	simm.s32 @p0 $0x1;
	p0 =	por !p3, !p6;
	p6 =	seq.s32 s2, $0x1  }
0x27: {  	s2 =	sshra.s32 s24, $0x10;
	p5 =	por !p5, !p5;
	s24 =	simm.s32 $0x1B880  }
0x28: {  	[smem:$0x7FC] =	sst s13;
	s16 =	ssub.s32 s2, s16;
	s2 =	simm.s32 @!p1 $0x0  }
0x29: {  	p3 =	por !p0, !p0;
	s20 =	smov.u32 @p6 s0;
	s2 =	simm.s32 @p1 $0x1  }
0x2a: {  	p1 =	por !p4, !p4;
	s26 =	sld [smem:$0x7FC];
	p0 =	slt.s32 s16, $0x1  }
.Ltmp0:
0x2b: {  	[smem:$0x7FA] =	sst s2;
	s2 =	simm.s32 @!p1 $0x0;
	(pc) =	sbr.rel .LBB2_1-.Ltmp0, $4  }
0x2c: {  	p6 =	slt.s32 s4, $0x1;
	s0 =	simm.s32 @!p0 $0x0;
	s2 =	simm.s32 @p1 $0x1  }
0x2d: {  	s14 =	smov.u32 s20;
	s0 =	simm.s32 @p0 $0x1;
	[smem:$0x7FB] =	sst s2  }
0x2e: {  	s20 =	simm.s32 $0x1D080;
	p4 =	seq.s32 s26, $0x1;
	[smem:$0x7FD] =	sst s0  }
0x2f: {  	v0 =	vimm.f32 $0.0e+00;
	s26 =	simm.s32 $0x1C080;
	s2 =	simm.s32 $0x0;
	p4 =	por !p4, !p4  }
.LBB2_19:
0x30: {  	s0 =	sld [smem:$0x7FA];
	_ =	sdelay $0x2  }
0x31: {  	p0 =	seq.s32 s0, $0x1  }
0x32: {  	s0 =	simm.s32 @p0 $0x4  }
0x33: {  	_ =	swait.ge @p0 [sflag:s0], $0x800  }
0x34: {  	s12 =	sld [smem:$0x7FB];
	_ =	sdelay $0x1  }
0x35: {  	[sflag:s0] =	ssyncset.done @p0 $0x0  }
0x36: {  	[sflag:s0] =	ssyncadd.s32 @p0 $0xFFFFF800;
	p0 =	seq.s32 s12, $0x1  }
0x37: {  	s0 =	simm.s32 @p0 $0x4  }
0x38: {  	_ =	swait.ge @p0 [sflag:s0], $0x800  }
0x39: {  	[sflag:s0] =	ssyncset.done @p0 $0x0  }
0x3a: {  	[sflag:s0] =	ssyncadd.s32 @p0 $0xFFFFF800;
	s0 =	simm.s32 @p2 $0x5  }
0x3b: {  	_ =	swait.ge @p2 [sflag:s0], $0x800  }
0x3c: {  	[sflag:s0] =	ssyncset.done @p2 $0x0  }
0x3d: {  	[sflag:s0] =	ssyncadd.s32 @p2 $0xFFFFF800;
	s0 =	simm.s32 @p3 $0x5  }
0x3e: {  	_ =	swait.ge @p3 [sflag:s0], $0x800  }
0x3f: {  	[sflag:s0] =	ssyncset.done @p3 $0x0  }
0x40: {  	[sflag:s0] =	ssyncadd.s32 @p3 $0xFFFFF800;
	s0 =	simm.s32 @p4 $0x6  }
0x41: {  	_ =	swait.ge @p4 [sflag:s0], $0x800  }
0x42: {  	[sflag:s0] =	ssyncset.done @p4 $0x0  }
0x43: {  	s13 =	stileid.u32;
	[sflag:s0] =	ssyncadd.s32 @p4 $0xFFFFF800;
	s0 =	simm.s32 @p5 $0x6  }
0x44: {  	s1 =	sshrl.u32 s9, $0x3;
	s4 =	simm.s32 $0x20;
	_ =	swait.ge @p5 [sflag:s0], $0x800  }
0x45: {  	s10 =	simm.s32 $0x10;
	s2 =	sadd.s32 $0x1, s2;
	[sflag:s0] =	ssyncset.done @p5 $0x0  }
0x46: {  	p0 =	sne.s32 s2, s19;
	[sflag:s0] =	ssyncadd.s32 @p5 $0xFFFFF800;
	s0 =	sshll.u32 s13, $0x6  }
.Ltmp1:
0x47: {  	[bflag:$0x0] =	sbarrier.arrive $0xFFFF;
	s0 =	sor.u32 $0x1C07, s0;
	(pc) =	sbr.rel @!p0 .LBB2_20-.Ltmp1, $4  }
0x48: {  	[hbm:s18@s4], [sflag:s0] =	dma.strided [spmem:s1@s10], $0x310, s15, $0x10   }
0x49: {  	_ =	swait.ge [sflag:s21], $0x310  }
0x4a: {  	[sflag:s21] =	ssyncset.done $0x0  }
0x4b: {  	[sflag:s21] =	ssyncadd.s32 $0xFFFFFCF0  }
.LBB2_1:
0x4c: {  	s0 =	simm.s32 $0x40;
	s1 =	simm.s32 $0x0  }
.LBB2_2:
0x4d: {  	p0 =	sne.s32 s0, $0x1FC0;
	[tilespmem:s1+$0x1D080] =	vst v0;
	s1 =	smov.u32 s0;
	s0 =	sadd.s32 $0x40, s0  }
.Ltmp2:
0x4e: {  	(pc) =	sbr.rel @p0 .LBB2_2-.Ltmp2, $2  }
0x4f: {  	_ =	sdelay $0x2  }
0x50: {  	s1 =	sshra.s32 s1, $0x2  }
0x51: {  	[tilespmem:s1+$0x1D080] =	vst v0  }
0x52: {  	[spmem:s9] =	stream.linear.scatter [tilespmem:s20], [sflag:$0x7], $0x800, $0x38;
	[tilespmem:$0x1E880] =	vst v63  }
0x53: {  	_ =	swait.ge [sflag:s21], $0x800  }
0x54: {  	[sflag:s21] =	ssyncset.done $0x0  }
0x55: {  	s0 =	rddreg [dreg:$0x4];
	[sflag:s21] =	ssyncadd.s32 $0xFFFFF800  }
0x56: {  	[spmem:s0] =	stream.linear.scatter [tilespmem:s20], [sflag:$0x7], $0x800, $0x38;
	[tilespmem:$0x1E880] =	vst v63  }
0x57: {  	_ =	swait.ge [sflag:s21], $0x800  }
0x58: {  	[sflag:s21] =	ssyncset.done $0x0  }
0x59: {  	s10 =	rddreg [dreg:$0x5];
	[sflag:s21] =	ssyncadd.s32 $0xFFFFF800  }
0x5a: {  	[spmem:s10] =	stream.linear.scatter [tilespmem:s20], [sflag:$0x7], $0x800, $0x38;
	[tilespmem:$0x1E880] =	vst v63  }
0x5b: {  	_ =	swait.ge [sflag:s21], $0x800  }
0x5c: {  	[sflag:s21] =	ssyncset.done $0x0  }
0x5d: {  	s11 =	rddreg [dreg:$0x6];
	[sflag:s21] =	ssyncadd.s32 $0xFFFFF800  }
0x5e: {  	[spmem:s11] =	stream.linear.scatter [tilespmem:s20], [sflag:$0x7], $0x80, $0x38;
	[tilespmem:$0x1E880] =	vst v63  }
0x5f: {  	_ =	swait.ge [sflag:s21], $0x80  }
0x60: {  	[sflag:s21] =	ssyncset.done $0x0  }
0x61: {  	s12 =	simm.s32 $0x0;
	[sflag:s21] =	ssyncadd.s32 $0xFFFFFF80  }
0x62: {  	[tilespmem:s22], [sflag:$0x7] =	stream.linear.gather [hbm4b:s14+s12], $0x18800, $0x38;
	[tilespmem:$0x1E880] =	vst v63  }
0x63: {  	_ =	swait.ge [sflag:s21], $0x18800  }
0x64: {  	[sflag:s21] =	ssyncset.done $0x0  }
0x65: {  	[sflag:s21] =	ssyncadd.s32 $0xFFFE7800  }
0x66: {  	[bflag:$0x0] =	sbarrier.arrive $0xFFFF  }
0x67: {  	s13 =	sld [smem:$0x7FD]  }
0x68: {  	s1 =	simm.s32 @!p6 $0x1A080;
	s0 =	simm.s32 @!p6 $0x0;
	s4 =	rddreg [dreg:$0x7]  }
0x69: {  	[tilespmem:s1], [sflag:$0x1] =	stream.linear.gather @!p6 [hbm4b:s4+s0], $0x800, $0x38;
	[tilespmem:$0x1E880] =	vst v63  }
0x6a: {  	p0 =	seq.s32 s13, $0x1  }
.Ltmp3:
0x6b: {  	_ = 	snop;
	(pc) =	sbr.rel @!p0 .LBB2_4-.Ltmp3, $4  }
.Ltmp4:
0x6c: {  	_ = 	snop;
	(pc) =	sbr.rel @p0 .LBB2_19-.Ltmp4, $4  }
0x6d: {  	s1 =	simm.s32 @!p6 $0x1B880;
	s4 =	rddreg [dreg:$0x8]  }
0x6e: {  	[tilespmem:s1], [sflag:$0x1] =	stream.linear.gather @!p6 [hbm4b:s4+s0], $0x800, $0x38;
	[tilespmem:$0x1E880] =	vst v63  }
0x6f: {  	s0 =	simm.s32 $0x0  }
0x70: {  	_ = 	snop  }
.LBB2_17:
0x71: {  	[tilespmem:s11+$0x10] =	vst v1  }
0x72: {  	[tilespmem:s11+$0x20] =	vst v2  }
0x73: {  	[tilespmem:s11+$0x30] =	vst v3  }
0x74: {  	[tilespmem:s11+$0x40] =	vst v4  }
0x75: {  	[tilespmem:s11+$0x50] =	vst v5  }
0x76: {  	[tilespmem:s11+$0x60] =	vst v6;
	p0 =	sle.u32 s10, s17  }
0x77: {  	[spmem:s3] =	stream.indirect.scatter.add.f32 [tilespmem:s31], [sflag:$0x6], $0x1, s30, s23, $0xb8;
	[tilespmem:$0x1E880] =	vst v63  }
0x78: {  	s4 =	sadd.s32 $0x3, s4;
	s1 =	simm.s32 @!p0 $0x4  }
0x79: {  	p1 =	sge.u32 s4, s8;
	_ =	swait.ge @!p0 [sflag:s1], $0x800  }
0x7a: {  	s4 =	sshll.u32 @!p1 s4, $0x8;
	[sflag:s1] =	ssyncset.done @!p0 $0x0  }
0x7b: {  	[sflag:s1] =	ssyncadd.s32 @!p0 $0xFFFFF800;
	s1 =	sand.u32 @!p1 $0x1FFFFF00, s4  }
0x7c: {  	s10 =	simm.s32 @!p1 $0x0;
	s11 =	simm.s32 @!p1 $0x1A080;
	s4 =	sadd.s32 @!p1 s5, s1  }
0x7d: {  	[tilespmem:s11], [sflag:$0x1] =	stream.linear.gather @!p1 [hbm4b:s4+s10], $0x800, $0x38;
	[tilespmem:$0x1E880] =	vst v63  }
0x7e: {  	s1 =	sadd.s32 @!p1 s6, s1;
	s4 =	simm.s32 @!p1 $0x1B880  }
0x7f: {  	[tilespmem:s4], [sflag:$0x1] =	stream.linear.gather @!p1 [hbm4b:s1+s10], $0x800, $0x38;
	[tilespmem:$0x1E880] =	vst v63  }
.LBB2_18:
0x80: {  	s0 =	sadd.s32 $0x1, s0  }
0x81: {  	p0 =	sne.s32 s0, s16  }
.Ltmp5:
0x82: {  	_ = 	snop;
	(pc) =	sbr.rel @!p0 .LBB2_19-.Ltmp5, $1  }
0x83: {  	_ =	sdelay $0x3  }
.LBB2_4:
0x84: {  	s1 =	smul.u32 $0x3, s0;
	_ =	sdelay $0x1  }
0x85: {  	s4 =	sadd.s32 s7, s1  }
0x86: {  	p0 =	slt.u32 s4, s8  }
.Ltmp6:
0x87: {  	_ = 	snop;
	(pc) =	sbr.rel @!p0 .LBB2_5-.Ltmp6, $1  }
0x88: {  	_ =	sdelay $0x3  }
0x89: {  	_ =	swait.ge [sflag:s15], $0x800  }
0x8a: {  	[sflag:s15] =	ssyncset.done $0x0  }
0x8b: {  	[sflag:s15] =	ssyncadd.s32 $0xFFFFF800  }
0x8c: {  	_ =	swait.ge [sflag:s15], $0x800  }
0x8d: {  	[sflag:s15] =	ssyncset.done $0x0  }
0x8e: {  	s1 =	simm.s32 $0x1A100;
	[sflag:s15] =	ssyncadd.s32 $0xFFFFF800  }
0x8f: {  	v1 =	vld [tilespmem:s1+$0x70]  }
0x90: {  	v2 =	vld [tilespmem:s1+$0xFFFFFF90]  }
0x91: {  	v3 =	vld [tilespmem:s1+$0xFFFFFFA0]  }
0x92: {  	v4 =	vld [tilespmem:s1+$0xFFFFFFB0]  }
0x93: {  	v5 =	vld [tilespmem:s1+$0xFFFFFFC0]  }
0x94: {  	v6 =	vld [tilespmem:s1+$0xFFFFFFD0]  }
0x95: {  	v7 =	vld [tilespmem:s1+$0xFFFFFFE0]  }
0x96: {  	v8 =	vld [tilespmem:s1+$0xFFFFFFF0]  }
0x97: {  	v9 =	vld [tilespmem:s1+$0x0]  }
0x98: {  	v10 =	vld [tilespmem:s1+$0x10]  }
0x99: {  	v11 =	vld [tilespmem:s1+$0x20]  }
0x9a: {  	v12 =	vld [tilespmem:s1+$0x30]  }
0x9b: {  	v13 =	vld [tilespmem:s1+$0x40]  }
0x9c: {  	v14 =	vld [tilespmem:s1+$0x50]  }
0x9d: {  	v15 =	vld [tilespmem:s1+$0x60]  }
0x9e: {  	v16 =	vld [tilespmem:s1+$0xFFFFFF80]  }
0x9f: {  	v1 =	vld.idx.msk [tilespmem:v1+s22+$0x0], $0xffff  }
0xa0: {  	v2 =	vld.idx.msk [tilespmem:v2+s22+$0x0], $0xffff  }
0xa1: {  	v3 =	vld.idx.msk [tilespmem:v3+s22+$0x0], $0xffff  }
0xa2: {  	v4 =	vld.idx.msk [tilespmem:v4+s22+$0x0], $0xffff  }
0xa3: {  	v5 =	vld.idx.msk [tilespmem:v5+s22+$0x0], $0xffff  }
0xa4: {  	s10 =	simm.s32 $0x1D100;
	v6 =	vld.idx.msk [tilespmem:v6+s22+$0x0], $0xffff  }
0xa5: {  	v7 =	vld.idx.msk [tilespmem:v7+s22+$0x0], $0xffff;
	[tilespmem:s10+$0x70] =	vst v1  }
0xa6: {  	v8 =	vld.idx.msk [tilespmem:v8+s22+$0x0], $0xffff;
	[tilespmem:s10+$0xFFFFFF90] =	vst v2  }
0xa7: {  	v16 =	vld.idx.msk [tilespmem:v16+s22+$0x0], $0xffff;
	[tilespmem:s10+$0xFFFFFFA0] =	vst v3  }
0xa8: {  	v9 =	vld.idx.msk [tilespmem:v9+s22+$0x0], $0xffff;
	[tilespmem:s10+$0xFFFFFFB0] =	vst v4  }
0xa9: {  	[tilespmem:s10+$0xFFFFFFC0] =	vst v5;
	v1 =	vld.idx.msk [tilespmem:v10+s22+$0x0], $0xffff  }
0xaa: {  	[tilespmem:s10+$0xFFFFFFD0] =	vst v6;
	v2 =	vld.idx.msk [tilespmem:v11+s22+$0x0], $0xffff  }
0xab: {  	[tilespmem:s10+$0xFFFFFFE0] =	vst v7;
	v3 =	vld.idx.msk [tilespmem:v12+s22+$0x0], $0xffff  }
0xac: {  	[tilespmem:s10+$0xFFFFFFF0] =	vst v8;
	v4 =	vld.idx.msk [tilespmem:v13+s22+$0x0], $0xffff  }
0xad: {  	[tilespmem:s10+$0xFFFFFF80] =	vst v16;
	v5 =	vld.idx.msk [tilespmem:v14+s22+$0x0], $0xffff  }
0xae: {  	s11 =	simm.s32 $0x0;
	s12 =	simm.s32 $0x1A200;
	[tilespmem:s10+$0x0] =	vst v9;
	v6 =	vld.idx.msk [tilespmem:v15+s22+$0x0], $0xffff  }
.LBB2_7:
0xaf: {  	v7 =	vld [tilespmem:s12+$0x70];
	s11 =	sadd.s32 $0x10, s11;
	[tilespmem:s10+$0x10] =	vst v1  }
0xb0: {  	v1 =	vld [tilespmem:s12+$0xFFFFFF90];
	p0 =	slt.u32 s11, $0x70;
	[tilespmem:s10+$0x20] =	vst v2  }
0xb1: {  	v2 =	vld [tilespmem:s12+$0xFFFFFFA0];
	[tilespmem:s10+$0x30] =	vst v3  }
0xb2: {  	v3 =	vld [tilespmem:s12+$0xFFFFFFB0];
	[tilespmem:s10+$0x40] =	vst v4  }
0xb3: {  	v4 =	vld [tilespmem:s12+$0xFFFFFFC0];
	[tilespmem:s10+$0x50] =	vst v5  }
0xb4: {  	v5 =	vld [tilespmem:s12+$0xFFFFFFD0];
	[tilespmem:s10+$0x60] =	vst v6  }
0xb5: {  	v6 =	vld [tilespmem:s12+$0xFFFFFFE0]  }
0xb6: {  	v8 =	vld [tilespmem:s12+$0xFFFFFFF0]  }
0xb7: {  	v7 =	vld.idx.msk [tilespmem:v7+s22+$0x0], $0xffff  }
0xb8: {  	v9 =	vld [tilespmem:s12+$0x0]  }
0xb9: {  	v10 =	vld [tilespmem:s12+$0x10]  }
0xba: {  	v11 =	vld [tilespmem:s12+$0x20]  }
0xbb: {  	v12 =	vld [tilespmem:s12+$0x30]  }
0xbc: {  	s10 =	sadd.s32 $0x100, s10;
	v13 =	vld [tilespmem:s12+$0x40]  }
0xbd: {  	v14 =	vld [tilespmem:s12+$0x50];
	[tilespmem:s10+$0x70] =	vst v7  }
0xbe: {  	v7 =	vld [tilespmem:s12+$0x60]  }
0xbf: {  	v15 =	vld [tilespmem:s12+$0xFFFFFF80]  }
0xc0: {  	v1 =	vld.idx.msk [tilespmem:v1+s22+$0x0], $0xffff  }
0xc1: {  	v2 =	vld.idx.msk [tilespmem:v2+s22+$0x0], $0xffff  }
0xc2: {  	v3 =	vld.idx.msk [tilespmem:v3+s22+$0x0], $0xffff  }
0xc3: {  	v4 =	vld.idx.msk [tilespmem:v4+s22+$0x0], $0xffff  }
0xc4: {  	v5 =	vld.idx.msk [tilespmem:v5+s22+$0x0], $0xffff  }
0xc5: {  	v6 =	vld.idx.msk [tilespmem:v6+s22+$0x0], $0xffff  }
0xc6: {  	[tilespmem:s10+$0xFFFFFF90] =	vst v1;
	v8 =	vld.idx.msk [tilespmem:v8+s22+$0x0], $0xffff  }
0xc7: {  	v15 =	vld.idx.msk [tilespmem:v15+s22+$0x0], $0xffff;
	[tilespmem:s10+$0xFFFFFFA0] =	vst v2  }
0xc8: {  	[tilespmem:s10+$0xFFFFFFB0] =	vst v3;
	v9 =	vld.idx.msk [tilespmem:v9+s22+$0x0], $0xffff  }
0xc9: {  	[tilespmem:s10+$0xFFFFFFC0] =	vst v4;
	v1 =	vld.idx.msk [tilespmem:v10+s22+$0x0], $0xffff  }
.Ltmp7:
0xca: {  	[tilespmem:s10+$0xFFFFFFD0] =	vst v5;
	v2 =	vld.idx.msk [tilespmem:v11+s22+$0x0], $0xffff;
	(pc) =	sbr.rel @p0 .LBB2_7-.Ltmp7, $4  }
0xcb: {  	[tilespmem:s10+$0xFFFFFFE0] =	vst v6;
	v3 =	vld.idx.msk [tilespmem:v12+s22+$0x0], $0xffff  }
0xcc: {  	[tilespmem:s10+$0xFFFFFFF0] =	vst v8;
	v4 =	vld.idx.msk [tilespmem:v13+s22+$0x0], $0xffff  }
0xcd: {  	[tilespmem:s10+$0xFFFFFF80] =	vst v15;
	v5 =	vld.idx.msk [tilespmem:v14+s22+$0x0], $0xffff  }
0xce: {  	s12 =	sadd.s32 $0x100, s12;
	[tilespmem:s10+$0x0] =	vst v9;
	v6 =	vld.idx.msk [tilespmem:v7+s22+$0x0], $0xffff  }
0xcf: {  	[tilespmem:s10+$0x10] =	vst v1  }
0xd0: {  	[tilespmem:s10+$0x20] =	vst v2  }
0xd1: {  	[tilespmem:s10+$0x30] =	vst v3  }
0xd2: {  	[tilespmem:s10+$0x40] =	vst v4  }
0xd3: {  	p0 =	seq.s32 s0, $0x0;
	[tilespmem:s10+$0x50] =	vst v5  }
0xd4: {  	s1 =	simm.s32 @!p0 $0x5;
	[tilespmem:s10+$0x60] =	vst v6;
	s10 =	sadd.s32 $0x1, s4  }
0xd5: {  	[spmem:s3] =	stream.indirect.scatter.add.f32 [tilespmem:s20], [sflag:$0x4], $0x1, s24, s23, $0xb8;
	[tilespmem:$0x1E880] =	vst v63  }
0xd6: {  	p1 =	sge.u32 s10, s8;
	_ =	swait.ge @!p0 [sflag:s1], $0x800  }
0xd7: {  	s11 =	sshll.u32 @!p1 s10, $0x8;
	[sflag:s1] =	ssyncset.done @!p0 $0x0  }
.Ltmp8:
0xd8: {  	[sflag:s1] =	ssyncadd.s32 @!p0 $0xFFFFF800;
	s1 =	sand.u32 @!p1 $0x1FFFFF00, s11;
	(pc) =	sbr.rel .LBB2_9-.Ltmp8, $4  }
0xd9: {  	s12 =	simm.s32 @!p1 $0x0;
	s13 =	simm.s32 @!p1 $0x1A880;
	s11 =	sadd.s32 @!p1 s5, s1  }
0xda: {  	[tilespmem:s13], [sflag:$0x2] =	stream.linear.gather @!p1 [hbm4b:s11+s12], $0x800, $0x38;
	[tilespmem:$0x1E880] =	vst v63  }
0xdb: {  	s1 =	sadd.s32 @!p1 s6, s1;
	s11 =	simm.s32 @!p1 $0x1C080  }
0xdc: {  	[tilespmem:s11], [sflag:$0x2] =	stream.linear.gather @!p1 [hbm4b:s1+s12], $0x800, $0x38;
	[tilespmem:$0x1E880] =	vst v63  }
.LBB2_5:
0xdd: {  	s10 =	sadd.s32 $0x1, s4  }
.LBB2_9:
0xde: {  	p0 =	slt.u32 s10, s8  }
.Ltmp9:
0xdf: {  	_ = 	snop;
	(pc) =	sbr.rel @!p0 .LBB2_10-.Ltmp9, $1  }
0xe0: {  	_ =	sdelay $0x3  }
0xe1: {  	_ =	swait.ge [sflag:s25], $0x800  }
0xe2: {  	[sflag:s25] =	ssyncset.done $0x0  }
0xe3: {  	[sflag:s25] =	ssyncadd.s32 $0xFFFFF800  }
0xe4: {  	_ =	swait.ge [sflag:s25], $0x800  }
0xe5: {  	[sflag:s25] =	ssyncset.done $0x0  }
0xe6: {  	s1 =	simm.s32 $0x1A900;
	[sflag:s25] =	ssyncadd.s32 $0xFFFFF800  }
0xe7: {  	v1 =	vld [tilespmem:s1+$0x70]  }
0xe8: {  	v2 =	vld [tilespmem:s1+$0xFFFFFF90]  }
0xe9: {  	v3 =	vld [tilespmem:s1+$0xFFFFFFA0]  }
0xea: {  	v4 =	vld [tilespmem:s1+$0xFFFFFFB0]  }
0xeb: {  	v5 =	vld [tilespmem:s1+$0xFFFFFFC0]  }
0xec: {  	v6 =	vld [tilespmem:s1+$0xFFFFFFD0]  }
0xed: {  	v7 =	vld [tilespmem:s1+$0xFFFFFFE0]  }
0xee: {  	v8 =	vld [tilespmem:s1+$0xFFFFFFF0]  }
0xef: {  	v9 =	vld [tilespmem:s1+$0x0]  }
0xf0: {  	v10 =	vld [tilespmem:s1+$0x10]  }
0xf1: {  	v11 =	vld [tilespmem:s1+$0x20]  }
0xf2: {  	v12 =	vld [tilespmem:s1+$0x30]  }
0xf3: {  	v13 =	vld [tilespmem:s1+$0x40]  }
0xf4: {  	v14 =	vld [tilespmem:s1+$0x50]  }
0xf5: {  	v15 =	vld [tilespmem:s1+$0x60]  }
0xf6: {  	v16 =	vld [tilespmem:s1+$0xFFFFFF80]  }
0xf7: {  	v1 =	vld.idx.msk [tilespmem:v1+s22+$0x0], $0xffff  }
0xf8: {  	v2 =	vld.idx.msk [tilespmem:v2+s22+$0x0], $0xffff  }
0xf9: {  	v3 =	vld.idx.msk [tilespmem:v3+s22+$0x0], $0xffff  }
0xfa: {  	v4 =	vld.idx.msk [tilespmem:v4+s22+$0x0], $0xffff  }
0xfb: {  	v5 =	vld.idx.msk [tilespmem:v5+s22+$0x0], $0xffff  }
0xfc: {  	s11 =	simm.s32 $0x1D900;
	v6 =	vld.idx.msk [tilespmem:v6+s22+$0x0], $0xffff  }
0xfd: {  	v7 =	vld.idx.msk [tilespmem:v7+s22+$0x0], $0xffff;
	[tilespmem:s11+$0x70] =	vst v1  }
0xfe: {  	v8 =	vld.idx.msk [tilespmem:v8+s22+$0x0], $0xffff;
	[tilespmem:s11+$0xFFFFFF90] =	vst v2  }
0xff: {  	v16 =	vld.idx.msk [tilespmem:v16+s22+$0x0], $0xffff;
	[tilespmem:s11+$0xFFFFFFA0] =	vst v3  }
0x100: {  	v9 =	vld.idx.msk [tilespmem:v9+s22+$0x0], $0xffff;
	[tilespmem:s11+$0xFFFFFFB0] =	vst v4  }
0x101: {  	[tilespmem:s11+$0xFFFFFFC0] =	vst v5;
	v1 =	vld.idx.msk [tilespmem:v10+s22+$0x0], $0xffff  }
0x102: {  	[tilespmem:s11+$0xFFFFFFD0] =	vst v6;
	v2 =	vld.idx.msk [tilespmem:v11+s22+$0x0], $0xffff  }
0x103: {  	[tilespmem:s11+$0xFFFFFFE0] =	vst v7;
	v3 =	vld.idx.msk [tilespmem:v12+s22+$0x0], $0xffff  }
0x104: {  	[tilespmem:s11+$0xFFFFFFF0] =	vst v8;
	v4 =	vld.idx.msk [tilespmem:v13+s22+$0x0], $0xffff  }
0x105: {  	[tilespmem:s11+$0xFFFFFF80] =	vst v16;
	v5 =	vld.idx.msk [tilespmem:v14+s22+$0x0], $0xffff  }
0x106: {  	s12 =	simm.s32 $0x0;
	s1 =	simm.s32 $0x1AA00;
	[tilespmem:s11+$0x0] =	vst v9;
	v6 =	vld.idx.msk [tilespmem:v15+s22+$0x0], $0xffff  }
.LBB2_12:
0x107: {  	v7 =	vld [tilespmem:s1+$0x70];
	s12 =	sadd.s32 $0x10, s12;
	[tilespmem:s11+$0x10] =	vst v1  }
0x108: {  	v1 =	vld [tilespmem:s1+$0xFFFFFF90];
	p0 =	slt.u32 s12, $0x70;
	[tilespmem:s11+$0x20] =	vst v2  }
0x109: {  	v2 =	vld [tilespmem:s1+$0xFFFFFFA0];
	[tilespmem:s11+$0x30] =	vst v3  }
0x10a: {  	v3 =	vld [tilespmem:s1+$0xFFFFFFB0];
	[tilespmem:s11+$0x40] =	vst v4  }
0x10b: {  	v4 =	vld [tilespmem:s1+$0xFFFFFFC0];
	[tilespmem:s11+$0x50] =	vst v5  }
0x10c: {  	v5 =	vld [tilespmem:s1+$0xFFFFFFD0];
	[tilespmem:s11+$0x60] =	vst v6  }
0x10d: {  	v6 =	vld [tilespmem:s1+$0xFFFFFFE0]  }
0x10e: {  	v8 =	vld [tilespmem:s1+$0xFFFFFFF0]  }
0x10f: {  	v7 =	vld.idx.msk [tilespmem:v7+s22+$0x0], $0xffff  }
0x110: {  	v9 =	vld [tilespmem:s1+$0x0]  }
0x111: {  	v10 =	vld [tilespmem:s1+$0x10]  }
0x112: {  	v11 =	vld [tilespmem:s1+$0x20]  }
0x113: {  	v12 =	vld [tilespmem:s1+$0x30]  }
0x114: {  	s11 =	sadd.s32 $0x100, s11;
	v13 =	vld [tilespmem:s1+$0x40]  }
0x115: {  	v14 =	vld [tilespmem:s1+$0x50];
	[tilespmem:s11+$0x70] =	vst v7  }
0x116: {  	v7 =	vld [tilespmem:s1+$0x60]  }
0x117: {  	v15 =	vld [tilespmem:s1+$0xFFFFFF80]  }
0x118: {  	v1 =	vld.idx.msk [tilespmem:v1+s22+$0x0], $0xffff  }
0x119: {  	v2 =	vld.idx.msk [tilespmem:v2+s22+$0x0], $0xffff  }
0x11a: {  	v3 =	vld.idx.msk [tilespmem:v3+s22+$0x0], $0xffff  }
0x11b: {  	v4 =	vld.idx.msk [tilespmem:v4+s22+$0x0], $0xffff  }
0x11c: {  	v5 =	vld.idx.msk [tilespmem:v5+s22+$0x0], $0xffff  }
0x11d: {  	v6 =	vld.idx.msk [tilespmem:v6+s22+$0x0], $0xffff  }
0x11e: {  	[tilespmem:s11+$0xFFFFFF90] =	vst v1;
	v8 =	vld.idx.msk [tilespmem:v8+s22+$0x0], $0xffff  }
0x11f: {  	v15 =	vld.idx.msk [tilespmem:v15+s22+$0x0], $0xffff;
	[tilespmem:s11+$0xFFFFFFA0] =	vst v2  }
0x120: {  	[tilespmem:s11+$0xFFFFFFB0] =	vst v3;
	v9 =	vld.idx.msk [tilespmem:v9+s22+$0x0], $0xffff  }
0x121: {  	[tilespmem:s11+$0xFFFFFFC0] =	vst v4;
	v1 =	vld.idx.msk [tilespmem:v10+s22+$0x0], $0xffff  }
.Ltmp10:
0x122: {  	[tilespmem:s11+$0xFFFFFFD0] =	vst v5;
	v2 =	vld.idx.msk [tilespmem:v11+s22+$0x0], $0xffff;
	(pc) =	sbr.rel @p0 .LBB2_12-.Ltmp10, $4  }
0x123: {  	[tilespmem:s11+$0xFFFFFFE0] =	vst v6;
	v3 =	vld.idx.msk [tilespmem:v12+s22+$0x0], $0xffff  }
0x124: {  	[tilespmem:s11+$0xFFFFFFF0] =	vst v8;
	v4 =	vld.idx.msk [tilespmem:v13+s22+$0x0], $0xffff  }
0x125: {  	[tilespmem:s11+$0xFFFFFF80] =	vst v15;
	v5 =	vld.idx.msk [tilespmem:v14+s22+$0x0], $0xffff  }
0x126: {  	s1 =	sadd.s32 $0x100, s1;
	[tilespmem:s11+$0x0] =	vst v9;
	v6 =	vld.idx.msk [tilespmem:v7+s22+$0x0], $0xffff  }
0x127: {  	[tilespmem:s11+$0x10] =	vst v1  }
0x128: {  	[tilespmem:s11+$0x20] =	vst v2  }
0x129: {  	[tilespmem:s11+$0x30] =	vst v3  }
0x12a: {  	[tilespmem:s11+$0x40] =	vst v4  }
0x12b: {  	p0 =	sle.u32 s10, s17;
	[tilespmem:s11+$0x50] =	vst v5  }
0x12c: {  	s10 =	sadd.s32 $0x2, s4;
	s1 =	simm.s32 @!p0 $0x6;
	[tilespmem:s11+$0x60] =	vst v6  }
0x12d: {  	[spmem:s3] =	stream.indirect.scatter.add.f32 [tilespmem:s28], [sflag:$0x5], $0x1, s26, s23, $0xb8;
	[tilespmem:$0x1E880] =	vst v63  }
0x12e: {  	p1 =	sge.u32 s10, s8;
	_ =	swait.ge @!p0 [sflag:s1], $0x800  }
0x12f: {  	s11 =	sshll.u32 @!p1 s10, $0x8;
	[sflag:s1] =	ssyncset.done @!p0 $0x0  }
.Ltmp11:
0x130: {  	[sflag:s1] =	ssyncadd.s32 @!p0 $0xFFFFF800;
	s1 =	sand.u32 @!p1 $0x1FFFFF00, s11;
	(pc) =	sbr.rel .LBB2_14-.Ltmp11, $4  }
0x131: {  	s12 =	simm.s32 @!p1 $0x0;
	s13 =	simm.s32 @!p1 $0x1B080;
	s11 =	sadd.s32 @!p1 s5, s1  }
0x132: {  	[tilespmem:s13], [sflag:$0x3] =	stream.linear.gather @!p1 [hbm4b:s11+s12], $0x800, $0x38;
	[tilespmem:$0x1E880] =	vst v63  }
0x133: {  	s1 =	sadd.s32 @!p1 s6, s1;
	s11 =	simm.s32 @!p1 $0x1C880  }
0x134: {  	[tilespmem:s11], [sflag:$0x3] =	stream.linear.gather @!p1 [hbm4b:s1+s12], $0x800, $0x38;
	[tilespmem:$0x1E880] =	vst v63  }
.LBB2_10:
0x135: {  	s10 =	sadd.s32 $0x2, s4  }
.LBB2_14:
0x136: {  	p0 =	sge.u32 s10, s8  }
.Ltmp12:
0x137: {  	_ = 	snop;
	(pc) =	sbr.rel @p0 .LBB2_18-.Ltmp12, $1  }
0x138: {  	_ =	sdelay $0x3  }
0x139: {  	_ =	swait.ge [sflag:s29], $0x800  }
0x13a: {  	[sflag:s29] =	ssyncset.done $0x0  }
0x13b: {  	[sflag:s29] =	ssyncadd.s32 $0xFFFFF800  }
0x13c: {  	_ =	swait.ge [sflag:s29], $0x800  }
0x13d: {  	[sflag:s29] =	ssyncset.done $0x0  }
0x13e: {  	s1 =	simm.s32 $0x1B100;
	[sflag:s29] =	ssyncadd.s32 $0xFFFFF800  }
0x13f: {  	v1 =	vld [tilespmem:s1+$0x70]  }
0x140: {  	v2 =	vld [tilespmem:s1+$0xFFFFFF90]  }
0x141: {  	v3 =	vld [tilespmem:s1+$0xFFFFFFA0]  }
0x142: {  	v4 =	vld [tilespmem:s1+$0xFFFFFFB0]  }
0x143: {  	v5 =	vld [tilespmem:s1+$0xFFFFFFC0]  }
0x144: {  	v6 =	vld [tilespmem:s1+$0xFFFFFFD0]  }
0x145: {  	v7 =	vld [tilespmem:s1+$0xFFFFFFE0]  }
0x146: {  	v8 =	vld [tilespmem:s1+$0xFFFFFFF0]  }
0x147: {  	v9 =	vld [tilespmem:s1+$0x0]  }
0x148: {  	v10 =	vld [tilespmem:s1+$0x10]  }
0x149: {  	v11 =	vld [tilespmem:s1+$0x20]  }
0x14a: {  	v12 =	vld [tilespmem:s1+$0x30]  }
0x14b: {  	v13 =	vld [tilespmem:s1+$0x40]  }
0x14c: {  	v14 =	vld [tilespmem:s1+$0x50]  }
0x14d: {  	v15 =	vld [tilespmem:s1+$0x60]  }
0x14e: {  	v16 =	vld [tilespmem:s1+$0xFFFFFF80]  }
0x14f: {  	v1 =	vld.idx.msk [tilespmem:v1+s22+$0x0], $0xffff  }
0x150: {  	v2 =	vld.idx.msk [tilespmem:v2+s22+$0x0], $0xffff  }
0x151: {  	v3 =	vld.idx.msk [tilespmem:v3+s22+$0x0], $0xffff  }
0x152: {  	v4 =	vld.idx.msk [tilespmem:v4+s22+$0x0], $0xffff  }
0x153: {  	v5 =	vld.idx.msk [tilespmem:v5+s22+$0x0], $0xffff  }
0x154: {  	s11 =	simm.s32 $0x1E100;
	v6 =	vld.idx.msk [tilespmem:v6+s22+$0x0], $0xffff  }
0x155: {  	v7 =	vld.idx.msk [tilespmem:v7+s22+$0x0], $0xffff;
	[tilespmem:s11+$0x70] =	vst v1  }
0x156: {  	v8 =	vld.idx.msk [tilespmem:v8+s22+$0x0], $0xffff;
	[tilespmem:s11+$0xFFFFFF90] =	vst v2  }
0x157: {  	v16 =	vld.idx.msk [tilespmem:v16+s22+$0x0], $0xffff;
	[tilespmem:s11+$0xFFFFFFA0] =	vst v3  }
0x158: {  	v9 =	vld.idx.msk [tilespmem:v9+s22+$0x0], $0xffff;
	[tilespmem:s11+$0xFFFFFFB0] =	vst v4  }
0x159: {  	[tilespmem:s11+$0xFFFFFFC0] =	vst v5;
	v1 =	vld.idx.msk [tilespmem:v10+s22+$0x0], $0xffff  }
0x15a: {  	[tilespmem:s11+$0xFFFFFFD0] =	vst v6;
	v2 =	vld.idx.msk [tilespmem:v11+s22+$0x0], $0xffff  }
0x15b: {  	[tilespmem:s11+$0xFFFFFFE0] =	vst v7;
	v3 =	vld.idx.msk [tilespmem:v12+s22+$0x0], $0xffff  }
0x15c: {  	[tilespmem:s11+$0xFFFFFFF0] =	vst v8;
	v4 =	vld.idx.msk [tilespmem:v13+s22+$0x0], $0xffff  }
0x15d: {  	[tilespmem:s11+$0xFFFFFF80] =	vst v16;
	v5 =	vld.idx.msk [tilespmem:v14+s22+$0x0], $0xffff  }
0x15e: {  	s12 =	simm.s32 $0x0;
	s1 =	simm.s32 $0x1B200;
	[tilespmem:s11+$0x0] =	vst v9;
	v6 =	vld.idx.msk [tilespmem:v15+s22+$0x0], $0xffff  }
.LBB2_16:
0x15f: {  	v7 =	vld [tilespmem:s1+$0x70];
	s12 =	sadd.s32 $0x10, s12;
	[tilespmem:s11+$0x10] =	vst v1  }
0x160: {  	v1 =	vld [tilespmem:s1+$0xFFFFFF90];
	p0 =	slt.u32 s12, $0x70;
	[tilespmem:s11+$0x20] =	vst v2  }
0x161: {  	v2 =	vld [tilespmem:s1+$0xFFFFFFA0];
	[tilespmem:s11+$0x30] =	vst v3  }
0x162: {  	v3 =	vld [tilespmem:s1+$0xFFFFFFB0];
	[tilespmem:s11+$0x40] =	vst v4  }
0x163: {  	v4 =	vld [tilespmem:s1+$0xFFFFFFC0];
	[tilespmem:s11+$0x50] =	vst v5  }
0x164: {  	v5 =	vld [tilespmem:s1+$0xFFFFFFD0];
	[tilespmem:s11+$0x60] =	vst v6  }
0x165: {  	v6 =	vld [tilespmem:s1+$0xFFFFFFE0]  }
0x166: {  	v8 =	vld [tilespmem:s1+$0xFFFFFFF0]  }
0x167: {  	v7 =	vld.idx.msk [tilespmem:v7+s22+$0x0], $0xffff  }
0x168: {  	v9 =	vld [tilespmem:s1+$0x0]  }
0x169: {  	v10 =	vld [tilespmem:s1+$0x10]  }
0x16a: {  	v11 =	vld [tilespmem:s1+$0x20]  }
0x16b: {  	v12 =	vld [tilespmem:s1+$0x30]  }
0x16c: {  	s11 =	sadd.s32 $0x100, s11;
	v13 =	vld [tilespmem:s1+$0x40]  }
0x16d: {  	v14 =	vld [tilespmem:s1+$0x50];
	[tilespmem:s11+$0x70] =	vst v7  }
0x16e: {  	v7 =	vld [tilespmem:s1+$0x60]  }
0x16f: {  	v15 =	vld [tilespmem:s1+$0xFFFFFF80]  }
0x170: {  	v1 =	vld.idx.msk [tilespmem:v1+s22+$0x0], $0xffff  }
0x171: {  	v2 =	vld.idx.msk [tilespmem:v2+s22+$0x0], $0xffff  }
0x172: {  	v3 =	vld.idx.msk [tilespmem:v3+s22+$0x0], $0xffff  }
0x173: {  	v4 =	vld.idx.msk [tilespmem:v4+s22+$0x0], $0xffff  }
0x174: {  	v5 =	vld.idx.msk [tilespmem:v5+s22+$0x0], $0xffff  }
0x175: {  	v6 =	vld.idx.msk [tilespmem:v6+s22+$0x0], $0xffff  }
0x176: {  	[tilespmem:s11+$0xFFFFFF90] =	vst v1;
	v8 =	vld.idx.msk [tilespmem:v8+s22+$0x0], $0xffff  }
0x177: {  	v15 =	vld.idx.msk [tilespmem:v15+s22+$0x0], $0xffff;
	[tilespmem:s11+$0xFFFFFFA0] =	vst v2  }
0x178: {  	[tilespmem:s11+$0xFFFFFFB0] =	vst v3;
	v9 =	vld.idx.msk [tilespmem:v9+s22+$0x0], $0xffff  }
0x179: {  	[tilespmem:s11+$0xFFFFFFC0] =	vst v4;
	v1 =	vld.idx.msk [tilespmem:v10+s22+$0x0], $0xffff  }
.Ltmp13:
0x17a: {  	[tilespmem:s11+$0xFFFFFFD0] =	vst v5;
	v2 =	vld.idx.msk [tilespmem:v11+s22+$0x0], $0xffff;
	(pc) =	sbr.rel @p0 .LBB2_16-.Ltmp13, $4  }
0x17b: {  	[tilespmem:s11+$0xFFFFFFE0] =	vst v6;
	v3 =	vld.idx.msk [tilespmem:v12+s22+$0x0], $0xffff  }
0x17c: {  	[tilespmem:s11+$0xFFFFFFF0] =	vst v8;
	v4 =	vld.idx.msk [tilespmem:v13+s22+$0x0], $0xffff  }
0x17d: {  	[tilespmem:s11+$0xFFFFFF80] =	vst v15;
	v5 =	vld.idx.msk [tilespmem:v14+s22+$0x0], $0xffff  }
0x17e: {  	s1 =	sadd.s32 $0x100, s1;
	[tilespmem:s11+$0x0] =	vst v9;
	v6 =	vld.idx.msk [tilespmem:v7+s22+$0x0], $0xffff  }
.Ltmp14:
0x17f: {  	_ = 	snop;
	(pc) =	sbr.rel .LBB2_17-.Ltmp14, $1  }
0x180: {  	_ =	sdelay $0x3  }
.LBB2_20:
0x181: {  	_ =	sfence.sel $0x180000  }
0x182: {  	[bflag:$0x0] =	sbarrier.arrive $0xFFFF  }
0x183: {  	_ =	strace $0x9000004D  }
0x184: {  	s0 =	stileid.u32;
	[bflag:$0x2] =	sbarrier.arrive $0xFFFF  }
0x185: {  	p0 =	sne.s32 s0, $0x0;
	s0 =	rddreg [dreg:$0x3]  }
0x186: {  	s0 =	sadd.s32 @!p0 $0x100000, s0  }
0x187: {  	[sflag:s0] =	ssyncadd.tile.s32 @!p0 $0x1;
	_ =	shalt  }
.Lfunc_end2:
_tile_overlayer_lowered:
.L_overlay_start_2:
0x188: {  	(tag) =	ssettag $0x2  }
0x189: {  	s0 =	rddreg [dreg:$0x0];
	s2 =	stileid.u32  }
0x18a: {  	s1 =	rddreg [dreg:$0x1];
	p0 =	sne.s32 s2, $0x0  }
0x18b: {  	s3 =	rddreg [dreg:$0x2];
	[bflag:$0x3] =	sbarrier.arrive $0xFFFF;
	s2 =	simm.s32 @!p0 $0x1C07  }
0x18c: {  	[timem:s3], [sflag:s2] =	dma.local @!p0 [hbm:s0], s1  }
0x18d: {  	s0 =	simm.s32 @!p0 $0x7  }
0x18e: {  	_ =	swait.ge @!p0 [sflag:s0], s1  }
0x18f: {  	s1 =	ssub.s32 @!p0 $0x0, s1;
	[sflag:s0] =	ssyncset.done @!p0 $0x0  }
0x190: {  	[sflag:s0] =	ssyncadd.s32 @!p0 s1  }
0x191: {  	[bflag:$0x3] =	sbarrier.arrive $0xFFFF  }
0x192: {  	_ =	shalt  }

// kernel: kernel.8.cloned.1.call-start
scs
__scs_entry_jumppad:
0x0: {  	(pc) =	sbr.rel $0x88, $3  }
0x1: {  	(tag) =	ssettag $0x0;
	lr =	simm.s32 $0x1  }
0x2: {  	[smem:$0x3F9B] =	sst lr;
	_ =	strace $0xD0000000  }
0x3: {  	_ = 	snop  }
0x4: {  	_ = 	snop  }
0x5: {  	_ = 	snop  }
0x6: {  	_ = 	snop  }
0x7: {  	_ = 	snop  }
__scs_overlays_trampoline_lowered:
0x8: {  	[smem:$0x3FAA] =	sst s0  }
0x9: {  	[smem:$0x3FAB] =	sst s1  }
0xa: {  	[smem:$0x3FAC] =	sst s2  }
0xb: {  	[smem:$0x3FAD] =	sst s3  }
0xc: {  	[smem:$0x3FAE] =	sst s4  }
0xd: {  	[smem:$0x3FAF] =	sst s5  }
0xe: {  	[smem:$0x3FB0] =	sst s6  }
0xf: {  	[smem:$0x3FB1] =	sst s7  }
0x10: {  	[smem:$0x3FB2] =	sst s8  }
0x11: {  	[smem:$0x3FB3] =	sst s9;
	s0 =	simm.s32 @!p0 $0x0  }
0x12: {  	s1 =	sld [smem:$0x3F99];
	s0 =	simm.s32 @p0 $0x1  }
0x13: {  	[smem:$0x3FB4] =	sst s0;
	s0 =	simm.s32 @!p1 $0x0  }
0x14: {  	s2 =	sld [smem:$0x3F98];
	s0 =	simm.s32 @p1 $0x1  }
0x15: {  	[smem:$0x3FB5] =	sst s0;
	s0 =	simm.s32 @!p2 $0x0  }
0x16: {  	s3 =	sld [smem:$0x3FDB];
	s0 =	simm.s32 @p2 $0x1  }
0x17: {  	s4 =	simm.s32 $0x1BF5;
	[smem:$0x3FB7] =	sst s0  }
0x18: {  	s0 =	sld [smem:$0x3F9A];
	_ =	swait.ge [sflag:s4], $0x0  }
0x19: {  	s7 =	sld [smem:$0x3F9B]  }
0x1a: {  	s8 =	sadd.s32 $0xFFFFE003, lr  }
0x1b: {  	s9 =	sadd.s32 $0xFFFFFEF7, lr;
	s5 =	simm.s32 $0xFFFFFFFF;
	p2 =	slt.u32 s8, $0xFFFFF086  }
0x1c: {  	p1 =	slt.u32 s9, $0xF7A;
	s5 =	simm.s32 @!p2 $0x0  }
0x1d: {  	s5 =	simm.s32 @p1 $0x1;
	p0 =	seq.s32 s7, s2  }
0x1e: {  	s7 =	smul.u32 @!p0 $0xF7A, s2;
	p2 =	seq.s32 @!p0 s5, $0x0  }
0x1f: {  	s9 =	smul.u32 $0xF7A, s1;
	s8 =	simm.s32 @!p0 $0x1BF5;
	p2 =	por !p2, p0  }
0x20: {  	[sflag:s8] =	ssyncset.s32 @!p0 $0xFFFFF086;
	s6 =	sadd.s32 @!p0 s3, s7;
	s7 =	simm.s32 @!p0 $0x108  }
0x21: {  	s3 =	sadd.s32 s3, s9;
	s6 =	sadd.s32 @!p0 $0x88, s6;
	s7 =	simm.s32 @p2 $0x1082  }
0x22: {  	[simem:s7], [sflag:s8] =	dma.local @!p0 [hbm:s6], $0xF7A  }
0x23: {  	s9 =	sor.u32 $0xD0000000, s2;
	s6 =	simm.s32 $0x108;
	_ =	swait.ge @!p0 [sflag:s8], $0x0  }
0x24: {  	s3 =	sadd.s32 $0x88, s3;
	s6 =	simm.s32 @!p1 $0x1082;
	[sflag:s4] =	ssyncset.s32 $0xFFFFF086  }
0x25: {  	[simem:s6], [sflag:s4] =	dma.local [hbm:s3], $0xF7A  }
0x26: {  	[smem:$0x3F9B] =	sst s1;
	(tag) =	ssettag s2;
	_ =	strace s9  }
0x27: {  	s1 =	sld [smem:$0x3FAB]  }
0x28: {  	s2 =	sld [smem:$0x3FAC]  }
0x29: {  	s4 =	sld [smem:$0x3FAE]  }
0x2a: {  	p0 =	seq.s32 s5, $0x0;
	s5 =	sld [smem:$0x3FAF]  }
0x2b: {  	s6 =	sld [smem:$0x3FB0]  }
0x2c: {  	s7 =	sld [smem:$0x3FB1]  }
0x2d: {  	s3 =	simm.s32 $0x108;
	s8 =	sld [smem:$0x3FB2]  }
0x2e: {  	s3 =	simm.s32 @!p0 $0x1082;
	s9 =	sld [smem:$0x3FB3]  }
0x2f: {  	lr =	sadd.s32 s0, s3;
	s0 =	sld [smem:$0x3FAA]  }
0x30: {  	s3 =	sld [smem:$0x3FAD]  }
0x31: {  	[smem:$0x3FB6] =	sst s10  }
0x32: {  	s10 =	sld [smem:$0x3FB4];
	_ =	sdelay $0x3  }
0x33: {  	p0 =	seq.s32 s10, $0x1;
	s10 =	sld [smem:$0x3FB6];
	_ =	sdelay $0x3  }
0x34: {  	[smem:$0x3FB6] =	sst s10  }
0x35: {  	s10 =	sld [smem:$0x3FB5];
	_ =	sdelay $0x3  }
0x36: {  	p1 =	seq.s32 s10, $0x1;
	s10 =	sld [smem:$0x3FB6];
	_ =	sdelay $0x3  }
0x37: {  	[smem:$0x3FB6] =	sst s10  }
0x38: {  	s10 =	sld [smem:$0x3FB7]  }
0x39: {  	_ = 	snop;
	(pc) =	sbr.ind lr, $3  }
0x3a: {  	_ = 	snop  }
0x3b: {  	_ = 	snop  }
0x3c: {  	p2 =	seq.s32 s10, $0x1;
	s10 =	sld [smem:$0x3FB6]  }
0x3d: {  	_ =	shalt  }
0x3e: {  	_ =	shalt  }
0x3f: {  	_ =	shalt  }
0x40: {  	_ =	shalt  }
0x41: {  	_ =	shalt  }
0x42: {  	_ =	shalt  }
0x43: {  	_ =	shalt  }
0x44: {  	_ =	shalt  }
0x45: {  	_ =	shalt  }
0x46: {  	_ =	shalt  }
0x47: {  	_ =	shalt  }
0x48: {  	_ =	shalt  }
0x49: {  	_ =	shalt  }
0x4a: {  	_ =	shalt  }
0x4b: {  	_ =	shalt  }
0x4c: {  	_ =	shalt  }
0x4d: {  	_ =	shalt  }
0x4e: {  	_ =	shalt  }
0x4f: {  	_ =	shalt  }
0x50: {  	_ =	shalt  }
0x51: {  	_ =	shalt  }
0x52: {  	_ =	shalt  }
0x53: {  	_ =	shalt  }
0x54: {  	_ =	shalt  }
0x55: {  	_ =	shalt  }
0x56: {  	_ =	shalt  }
0x57: {  	_ =	shalt  }
0x58: {  	_ =	shalt  }
0x59: {  	_ =	shalt  }
0x5a: {  	_ =	shalt  }
0x5b: {  	_ =	shalt  }
0x5c: {  	_ =	shalt  }
0x5d: {  	_ =	shalt  }
0x5e: {  	_ =	shalt  }
0x5f: {  	_ =	shalt  }
0x60: {  	_ =	shalt  }
0x61: {  	_ =	shalt  }
0x62: {  	_ =	shalt  }
0x63: {  	_ =	shalt  }
0x64: {  	_ =	shalt  }
0x65: {  	_ =	shalt  }
0x66: {  	_ =	shalt  }
0x67: {  	_ =	shalt  }
0x68: {  	_ =	shalt  }
0x69: {  	_ =	shalt  }
0x6a: {  	_ =	shalt  }
0x6b: {  	_ =	shalt  }
0x6c: {  	_ =	shalt  }
0x6d: {  	_ =	shalt  }
0x6e: {  	_ =	shalt  }
0x6f: {  	_ =	shalt  }
0x70: {  	_ =	shalt  }
0x71: {  	_ =	shalt  }
0x72: {  	_ =	shalt  }
0x73: {  	_ =	shalt  }
0x74: {  	_ =	shalt  }
0x75: {  	_ =	shalt  }
0x76: {  	_ =	shalt  }
0x77: {  	_ =	shalt  }
0x78: {  	_ =	shalt  }
0x79: {  	_ =	shalt  }
0x7a: {  	_ =	shalt  }
0x7b: {  	_ =	shalt  }
0x7c: {  	_ =	shalt  }
0x7d: {  	_ =	shalt  }
0x7e: {  	_ =	shalt  }
0x7f: {  	_ =	shalt  }
0x80: {  	_ =	shalt  }
0x81: {  	_ =	shalt  }
0x82: {  	_ =	shalt  }
0x83: {  	_ =	shalt  }
0x84: {  	_ =	shalt  }
0x85: {  	_ =	shalt  }
0x86: {  	_ =	shalt  }
0x87: {  	_ =	shalt  }
.Lfunc_end0:
.L_simem_size_0:
called_computation_lowered:
.L_overlay_start_0:
0x88: {  	s2 =	sld [smem:$0x3FD9]  }
0x89: {  	s3 =	sld [smem:$0x3FFE];
	_ =	sdelay $0x1  }
0x8a: {  	s1 =	srdreg.scid  }
0x8b: {  	s0 =	sand.u32 $0x1, s1  }
0x8c: {  	s16 =	sshll.u32 s0, $0xA;
	s2 =	sadd.s32 s3, s2  }
0x8d: {  	s2 =	sadd.s32 s2, s16  }
0x8e: {  	[smem:$0x3FC2] =	sst s2  }
0x8f: {  	_ = 	snop  }
0x90: {  	(tm) =	ssettm $0x1  }
0x91: {  	s17 =	sld [smem:$0x3FFB];
	_ =	sdelay $0x3  }
0x92: {  	_ =	strace s17  }
0x93: {  	s2 =	sld [smem:$0x3FFC];
	_ =	sdelay $0x3  }
0x94: {  	_ =	strace s2  }
0x95: {  	s2 =	sld [smem:$0x3FFD];
	_ =	sdelay $0x3  }
0x96: {  	_ =	strace s2  }
0x97: {  	_ =	strace $0x8FFFFFFF  }
0x98: {  	s18 =	sld [smem:$0x3FDB];
	_ =	sdelay $0x1  }
0x99: {  	s19 =	simm.s32 $_scs_section_size  }
0x9a: {  	s4 =	simm.s32 $_size__tile_overlayer_lowered;
	s5 =	simm.s32 $_tile_overlayer_lowered  }
0x9b: {  	s22 =	simm.s32 $0x1BFF;
	s21 =	sshll.u32 s5, $0x1;
	s2 =	sadd.s32 s19, s18  }
0x9c: {  	s6 =	simm.s32 $0x0;
	s20 =	sshll.u32 s4, $0x1;
	s4 =	sadd.s32 s21, s2  }
0x9d: {  	[timem:s6], [sflag:s22] =	dma.local [hbm:s4], s20  }
0x9e: {  	_ =	swait.ge [sflag:s22], s20  }
0x9f: {  	s3 =	ssub.s32 $0x0, s20;
	[sflag:s22] =	ssyncset.done $0x0  }
0xa0: {  	[sflag:s22] =	ssyncadd.s32 s3;
	_ =	sdelay $0x1  }
0xa1: {  	s23 =	simm.s32 $0x1B8B  }
0xa2: {  	_ =	swait.ge [sflag:s23], $0x1  }
0xa3: {  	[sflag:s23] =	ssyncset.done $0x0  }
0xa4: {  	s25 =	simm.s32 $0x1B8E;
	s24 =	sld [smem:$0x3FFE];
	[sflag:s23] =	ssyncadd.s32 $0xFFFFFFFF  }
0xa5: {  	s26 =	simm.s32 $execute0_lowered;
	[smem:$0x3FD2] =	sst s25  }
0xa6: {  	s4 =	sshll.u32 s26, $0x1;
	_ =	strace $0x80000046;
	[dreg:$0x1] =	wrdreg $0xFFFFFFFF  }
0xa7: {  	s28 =	simm.s32 $_size_execute0_lowered;
	s2 =	sadd.s32 s2, s4;
	[dreg:$0x0] =	wrdreg $0x0  }
0xa8: {  	s4 =	sshll.u32 s28, $0x1;
	[dreg:$0x2] =	wrdreg s2  }
0xa9: {  	[dreg:$0x3] =	wrdreg s4  }
0xaa: {  	[dreg:$0x4] =	wrdreg $0xC0  }
0xab: {  	_ =	task [dreg:s6], $0x5FFFF  }
0xac: {  	[dreg:$0x1] =	wrdreg $0xFFFFFFFF  }
0xad: {  	[dreg:$0x0] =	wrdreg $0x60  }
0xae: {  	[dreg:$0x2] =	wrdreg s24  }
0xaf: {  	[dreg:$0x3] =	wrdreg $0x0  }
0xb0: {  	[dreg:$0x4] =	wrdreg $0x9  }
0xb1: {  	_ =	task.clear_ibuf [dreg:s6], $0x5FFFF;
	_ =	strace $0x90000046  }
0xb2: {  	s29 =	simm.s32 $0x9;
	_ =	strace $0x80000048  }
0xb3: {  	_ =	swait.ge [sflag:s29], $0x1  }
0xb4: {  	[sflag:s29] =	ssyncadd.s32 $0xFFFFFFFF  }
0xb5: {  	_ =	strace $0x90000048  }
0xb6: {  	_ =	sfence  }
0xb7: {  	s30 =	sld [smem:$0x0];
	_ =	sdelay $0x2  }
0xb8: {  	s31 =	sshll.u32 s1, $0xD;
	s1 =	sshrl.u32 s1, $0x2  }
0xb9: {  	s3 =	sand.u32 $0x4000, s31;
	s1 =	sadd.s32 s1, s30  }
0xba: {  	s0 =	sor.u32 s3, s0;
	s1 =	sshll.u32 s1, $0x11  }
0xbb: {  	s0 =	sor.u32 s1, s0  }
0xbc: {  	s0 =	sadd.s32 $0x8F2B, s0  }
0xbd: {  	[sflag:s0] =	ssyncadd.remote.s32 $0x1  }
0xbe: {  	_ =	sfence.sel $0xFFFF  }
0xbf: {  	[dreg:$0x0] =	wrdreg $0xFFFFFFFF;
	(pc) =	sbr.abs _section_cstart, $3  }
0xc0: {  	[dreg:$0x1] =	wrdreg $0xFFFFFFFF  }
0xc1: {  	_ =	task.clear_ibuf [dreg:s6], $0x2FFFF;
	_ =	strace $0x9FFFFFFF  }
0xc2: {  	(tm) =	ssettm $0x7FFFFFFF  }
0xc3: {  	_ =	shalt  }
tec
execute0_lowered:
.L_overlay_start_1:
0x0: {  	(tag) =	ssettag $0x1  }
0x1: {  	s4 =	rddreg [dreg:$0x0]  }
0x2: {  	s2 =	rddreg [dreg:$0x1]  }
0x3: {  	s3 =	srdreg.scid;
	s1 =	stileid.u32  }
0x4: {  	s13 =	sand.u32 $0x1, s3;
	s5 =	sshll.u32 s1, $0x1;
	s6 =	smul.u32 $0x3100, s1  }
0x5: {  	s3 =	simm.s32 $0x0;
	s25 =	smul.u32 $0x6200, s1;
	s5 =	sor.u32 s13, s5  }
0x6: {  	s7 =	sshll.u32 s13, $0x7;
	s28 =	ssub.s32 $0x2, s13;
	s13 =	smul.u32 $0xC35, s13  }
0x7: {  	s14 =	sadd.s32 $0x2000, s4;
	[smem:$0x7FF] =	sst s3;
	s9 =	smul.u32 $0xC35, s5  }
0x8: {  	_ =	strace $0x80000047;
	s24 =	sor.u32 s7, s6;
	s30 =	sshrl.u32 s28, $0x1  }
0x9: {  	s29 =	sshrl.u32 s25, $0x2;
	s5 =	sshrl.u32 s24, $0x3;
	s16 =	ssub.s32 s28, s30  }
0xa: {  	s30 =	smul.u32 $0x186A, s1;
	s26 =	sadd.s32 $0xC35, s9;
	s15 =	sadd.s32 s5, s4  }
0xb: {  	s12 =	sshrl.u32 s9, $0x5;
	s5 =	sadd.s32 s29, s2;
	s9 =	sshll.u32 s9, $0x3  }
0xc: {  	s4 =	sshrl.u32 s26, $0x5;
	s6 =	sadd.s32 $0x800, s5;
	s7 =	sadd.s32 $0x1000, s5  }
0xd: {  	s9 =	sand.u32 $0xFFF00, s9;
	s13 =	sadd.s32 s13, s30;
	s19 =	ssub.s32 s4, s12  }
0xe: {  	s9 =	sadd.s32 s14, s9;
	s12 =	sadd.s32 $0x1, s12;
	s8 =	sshll.u32 s19, $0x10  }
0xf: {  	s13 =	sshrl.u32 s13, $0x5;
	s11 =	sadd.s32 $0xFFFFFFFF, s19;
	s8 =	sadd.s32 $0x20000, s8  }
0x10: {  	s31 =	smul.u32 $0xFFFFAAAB, s19;
	s17 =	sshll.u32 s11, $0x10;
	s10 =	sshra.s32 s8, $0x10  }
0x11: {  	p3 =	sgt.s32 s19, $0x0;
	s17 =	sshra.s32 s17, $0x10;
	s10 =	smul.u32 $0x5556, s10  }
0x12: {  	s21 =	sadd.s32 $0xFFFFFFFE, s19;
	p0 =	slt.s32 s19, $0xFFFFFFFF;
	s17 =	smul.u32 $0x5556, s17  }
0x13: {  	s0 =	sshll.u32 s21, $0x10;
	s18 =	sshrl.u32 s10, $0x1F;
	s10 =	sshrl.u32 s10, $0x10  }
0x14: {  	s20 =	sshrl.u32 s17, $0x1F;
	s17 =	sshrl.u32 s17, $0x10;
	s10 =	sadd.s32 s18, s10  }
0x15: {  	s17 =	sadd.s32 s20, s17;
	s18 =	sadd.s32 $0xFFFF8000, s31;
	s20 =	sshra.s32 s0, $0x10  }
0x16: {  	s10 =	sshll.u32 s10, $0x10;
	s18 =	sand.u32 $0xFFFF, s18;
	s20 =	smul.u32 $0x5556, s20  }
0x17: {  	s23 =	smul.u32 $0x3, s17;
	s17 =	simm.s32 $0x1;
	s22 =	sshra.s32 s10, $0x10  }
0x18: {  	p1 =	sgt.u32 s18, $0x5554;
	s24 =	sshrl.u32 s20, $0x1F;
	s18 =	sshrl.u32 s20, $0x10  }
0x19: {  	p0 =	por !p0, !p1;
	s10 =	ssub.s32 s11, s23;
	s25 =	sadd.s32 s24, s18  }
0x1a: {  	p0 =	por !p0, !p0;
	s26 =	sshll.u32 s10, $0x10;
	s11 =	smul.u32 $0x3, s25  }
0x1b: {  	s8 =	sadd.s32 $0x1800, s5;
	s17 =	simm.s32 @!p0 $0x0;
	s18 =	sshra.s32 s26, $0x10  }
0x1c: {  	p0 =	slt.s32 s18, $0x0;
	s28 =	ssub.s32 s21, s11;
	s21 =	sadd.s32 $0x3, s18  }
0x1d: {  	s31 =	sshll.u32 s13, $0x8;
	s10 =	simm.s32 $0x1;
	s18 =	smov.u32 @p0 s21  }
0x1e: {  	s11 =	ssub.s32 s22, s17;
	s29 =	sshll.u32 s28, $0x10;
	p0 =	seq.s32 s18, $0x0  }
0x1f: {  	s17 =	sshra.s32 s29, $0x10;
	p2 =	seq.s32 s18, $0x1;
	p0 =	por !p3, !p0  }
0x20: {  	p1 =	slt.s32 s17, $0x0;
	s20 =	sadd.s32 $0x3, s17;
	p0 =	por !p0, !p0  }
0x21: {  	p4 =	seq.s32 s18, $0x2;
	s17 =	smov.u32 @p1 s20;
	s0 =	simm.s32 @!p0 $0x0  }
0x22: {  	p1 =	seq.s32 s17, $0x0;
	s0 =	simm.s32 @p0 $0x1;
	p0 =	sgt.s32 s19, $0x1  }
0x23: {  	s18 =	simm.s32 $0x7;
	p4 =	por !p3, !p4;
	p1 =	por !p0, !p1  }
0x24: {  	p2 =	por !p3, !p2;
	p4 =	por !p4, !p4;
	p1 =	por !p1, !p1  }
0x25: {  	s20 =	simm.s32 $0x10;
	[smem:$0x7F9] =	sst s0;
	s0 =	simm.s32 @!p1 $0x0  }
0x26: {  	p6 =	seq.s32 s17, $0x1;
	s0 =	simm.s32 @p1 $0x1;
	p1 =	por !p2, !p2  }
0x27: {  	p5 =	seq.s32 s17, $0x2;
	[smem:$0x7FA] =	sst s0;
	s0 =	simm.s32 @!p1 $0x0  }
0x28: {  	s0 =	simm.s32 @p1 $0x1;
	p1 =	por !p0, !p6;
	p0 =	por !p0, !p5  }
0x29: {  	s17 =	sadd.s32 s31, s14;
	p5 =	por !p0, !p0;
	p0 =	slt.s32 s19, $0x1  }
.Ltmp0:
0x2a: {  	[smem:$0x7FB] =	sst s0;
	s0 =	simm.s32 @!p0 $0x0;
	(pc) =	sbr.rel .LBB2_1-.Ltmp0, $4  }
0x2b: {  	s14 =	sadd.s32 $0x188C00, s15;
	s0 =	simm.s32 @p0 $0x1;
	p0 =	slt.s32 s11, $0x1  }
0x2c: {  	s15 =	smax.u32 s16, $0x1;
	[smem:$0x7FC] =	sst s0;
	s0 =	simm.s32 @!p0 $0x0  }
0x2d: {  	s16 =	sadd.s32 $0x200, s17;
	s17 =	simm.s32 $0x3080;
	s0 =	simm.s32 @p0 $0x1  }
0x2e: {  	v0 =	vimm.f32 $0.0e+00;
	v1 =	vimm.f32 $1.000000000e+00;
	p3 =	por !p1, !p1;
	s19 =	simm.s32 $0x20;
	[smem:$0x7FD] =	sst s0  }
.LBB2_8:
0x2f: {  	_ =	swait.ge @!p1 [sflag:s25], $0x800  }
0x30: {  	p2 =	sge.u32 @!p0 s26, s4;
	[sflag:s25] =	ssyncset.done @!p1 $0x0  }
0x31: {  	p0 =	por p2, p0;
	[sflag:s25] =	ssyncadd.s32 @!p1 $0xFFFFF800  }
0x32: {  	s0 =	sadd.s32 @!p0 $0x100, s24;
	s21 =	simm.s32 @!p0 $0x0;
	s22 =	simm.s32 @!p0 $0x1880  }
0x33: {  	[tilespmem:s22], [sflag:$0x1] =	stream.linear.gather @!p0 [hbm4b:s0+s21], $0x800, $0x38;
	[tilespmem:$0x3880] =	vst v63  }
.LBB2_9:
0x34: {  	s0 =	sld [smem:$0x7F9];
	_ =	sdelay $0x2  }
0x35: {  	p0 =	seq.s32 s0, $0x1  }
0x36: {  	s0 =	simm.s32 @p0 $0x4  }
0x37: {  	_ =	swait.ge @p0 [sflag:s0], $0x800  }
0x38: {  	s29 =	sld [smem:$0x7FA];
	_ =	sdelay $0x1  }
0x39: {  	[sflag:s0] =	ssyncset.done @p0 $0x0  }
0x3a: {  	[sflag:s0] =	ssyncadd.s32 @p0 $0xFFFFF800;
	p0 =	seq.s32 s29, $0x1  }
0x3b: {  	s0 =	simm.s32 @p0 $0x4  }
0x3c: {  	_ =	swait.ge @p0 [sflag:s0], $0x800  }
0x3d: {  	s30 =	sld [smem:$0x7FB];
	_ =	sdelay $0x1  }
0x3e: {  	[sflag:s0] =	ssyncset.done @p0 $0x0  }
0x3f: {  	[sflag:s0] =	ssyncadd.s32 @p0 $0xFFFFF800;
	p0 =	seq.s32 s30, $0x1  }
0x40: {  	s0 =	simm.s32 @p0 $0x5  }
0x41: {  	_ =	swait.ge @p0 [sflag:s0], $0x800  }
0x42: {  	[sflag:s0] =	ssyncset.done @p0 $0x0  }
0x43: {  	[sflag:s0] =	ssyncadd.s32 @p0 $0xFFFFF800;
	s0 =	simm.s32 @p3 $0x5  }
0x44: {  	_ =	swait.ge @p3 [sflag:s0], $0x800  }
0x45: {  	[sflag:s0] =	ssyncset.done @p3 $0x0  }
0x46: {  	[sflag:s0] =	ssyncadd.s32 @p3 $0xFFFFF800;
	s0 =	simm.s32 @p4 $0x6  }
0x47: {  	_ =	swait.ge @p4 [sflag:s0], $0x800  }
0x48: {  	[sflag:s0] =	ssyncset.done @p4 $0x0  }
0x49: {  	[sflag:s0] =	ssyncadd.s32 @p4 $0xFFFFF800;
	s0 =	simm.s32 @p5 $0x6  }
0x4a: {  	_ =	swait.ge @p5 [sflag:s0], $0x800  }
0x4b: {  	s31 =	sshll.u32 s1, $0x6;
	s3 =	sadd.s32 $0x1, s3;
	[sflag:s0] =	ssyncset.done @p5 $0x0  }
0x4c: {  	s21 =	sshrl.u32 s5, $0x3;
	p0 =	sne.s32 s3, s15;
	[sflag:s0] =	ssyncadd.s32 @p5 $0xFFFFF800  }
.Ltmp1:
0x4d: {  	s0 =	sor.u32 $0x1C07, s31;
	[bflag:$0x0] =	sbarrier.arrive $0xFFFF;
	(pc) =	sbr.rel @!p0 .LBB2_10-.Ltmp1, $4  }
0x4e: {  	[hbm:s14@s19], [sflag:s0] =	dma.strided [spmem:s21@s20], $0x310, s10, $0x10   }
0x4f: {  	_ =	swait.ge [sflag:s18], $0x310  }
0x50: {  	[sflag:s18] =	ssyncset.done $0x0  }
0x51: {  	[sflag:s18] =	ssyncadd.s32 $0xFFFFFCF0  }
.LBB2_1:
0x52: {  	s21 =	simm.s32 $0x40;
	s22 =	simm.s32 $0x0  }
.LBB2_2:
0x53: {  	p0 =	sne.s32 s21, $0x1FC0;
	[tilespmem:s22+$0x3080] =	vst v0;
	s22 =	smov.u32 s21;
	s21 =	sadd.s32 $0x40, s21  }
.Ltmp2:
0x54: {  	(pc) =	sbr.rel @p0 .LBB2_2-.Ltmp2, $2  }
0x55: {  	_ =	sdelay $0x2  }
0x56: {  	s22 =	sshra.s32 s22, $0x2  }
0x57: {  	[tilespmem:s22+$0x3080] =	vst v0  }
0x58: {  	[spmem:s5] =	stream.linear.scatter [tilespmem:s17], [sflag:$0x7], $0x800, $0x38;
	[tilespmem:$0x3880] =	vst v63  }
0x59: {  	_ =	swait.ge [sflag:s18], $0x800  }
0x5a: {  	[sflag:s18] =	ssyncset.done $0x0  }
0x5b: {  	[sflag:s18] =	ssyncadd.s32 $0xFFFFF800  }
0x5c: {  	[spmem:s6] =	stream.linear.scatter [tilespmem:s17], [sflag:$0x7], $0x800, $0x38;
	[tilespmem:$0x3880] =	vst v63  }
0x5d: {  	_ =	swait.ge [sflag:s18], $0x800  }
0x5e: {  	[sflag:s18] =	ssyncset.done $0x0  }
0x5f: {  	[sflag:s18] =	ssyncadd.s32 $0xFFFFF800  }
0x60: {  	[spmem:s7] =	stream.linear.scatter [tilespmem:s17], [sflag:$0x7], $0x800, $0x38;
	[tilespmem:$0x3880] =	vst v63  }
0x61: {  	_ =	swait.ge [sflag:s18], $0x800  }
0x62: {  	[sflag:s18] =	ssyncset.done $0x0  }
0x63: {  	[sflag:s18] =	ssyncadd.s32 $0xFFFFF800  }
0x64: {  	[spmem:s8] =	stream.linear.scatter [tilespmem:s17], [sflag:$0x7], $0x80, $0x38;
	[tilespmem:$0x3880] =	vst v63  }
0x65: {  	_ =	swait.ge [sflag:s18], $0x80  }
0x66: {  	[sflag:s18] =	ssyncset.done $0x0  }
0x67: {  	s21 =	simm.s32 $0x40;
	s22 =	simm.s32 $0x0;
	[sflag:s18] =	ssyncadd.s32 $0xFFFFFF80  }
.LBB2_4:
0x68: {  	p0 =	sne.s32 s21, $0x1FC0;
	[tilespmem:s22+$0x3080] =	vst v1;
	s22 =	smov.u32 s21;
	s21 =	sadd.s32 $0x40, s21  }
.Ltmp3:
0x69: {  	(pc) =	sbr.rel @p0 .LBB2_4-.Ltmp3, $2  }
0x6a: {  	_ =	sdelay $0x2  }
0x6b: {  	s22 =	sshra.s32 s22, $0x2  }
0x6c: {  	[tilespmem:s22+$0x3080] =	vst v1  }
0x6d: {  	[bflag:$0x0] =	sbarrier.arrive $0xFFFF  }
0x6e: {  	s0 =	sld [smem:$0x7FC];
	_ =	sdelay $0x2  }
0x6f: {  	s31 =	sld [smem:$0x7FD];
	p0 =	seq.s32 s0, $0x1  }
0x70: {  	s21 =	simm.s32 @!p0 $0x0;
	s22 =	simm.s32 @!p0 $0x1880  }
0x71: {  	[tilespmem:s22], [sflag:$0x1] =	stream.linear.gather @!p0 [hbm4b:s9+s21], $0x800, $0x38;
	[tilespmem:$0x3880] =	vst v63  }
0x72: {  	p0 =	seq.s32 s31, $0x1  }
.Ltmp4:
0x73: {  	_ = 	snop;
	(pc) =	sbr.rel @p0 .LBB2_9-.Ltmp4, $1  }
0x74: {  	_ =	sdelay $0x3  }
0x75: {  	s21 =	sadd.s32 $0x0, s13  }
0x76: {  	p0 =	sge.u32 s21, s4  }
0x77: {  	s22 =	simm.s32 @!p0 $0x1;
	p1 =	por @!p0 $0x1, $0x1;
	s23 =	sadd.s32 @!p0 $0x0, s13  }
0x78: {  	s24 =	simm.s32 @!p0 $0x1880;
	s25 =	simm.s32 @!p0 $0x3080;
	_ =	swait.ge @!p0 [sflag:s22], $0x800  }
0x79: {  	s23 =	sadd.s32 @!p0 $0x1, s23;
	p1 =	por p1, p0;
	[sflag:s22] =	ssyncset.done @!p0 $0x0  }
0x7a: {  	p6 =	sge.u32 @!p0 s23, s4;
	[sflag:s22] =	ssyncadd.s32 @!p0 $0xFFFFF800;
	s22 =	simm.s32 @!p0 $0x800  }
0x7b: {  	[spmem:s2] =	stream.indirect.scatter.add.f32 @!p0 [tilespmem:s25], [sflag:$0x4], $0x1, s24, s22, $0xb8;
	[tilespmem:$0x3880] =	vst v63  }
0x7c: {  	s26 =	simm.s32 @!p1 $0x5;
	p6 =	por p6, p0;
	s22 =	sadd.s32 $0x1, s21  }
0x7d: {  	s23 =	sadd.s32 @!p6 $0xFFFFFF00, s16;
	_ =	swait.ge @!p1 [sflag:s26], $0x800;
	p0 =	sge.u32 s22, s4  }
0x7e: {  	s24 =	simm.s32 @!p6 $0x2080;
	[sflag:s26] =	ssyncset.done @!p1 $0x0;
	s25 =	simm.s32 @!p0 $0x2  }
0x7f: {  	[sflag:s26] =	ssyncadd.s32 @!p1 $0xFFFFF800;
	p1 =	sle.u32 @!p0 s22, s12;
	s22 =	simm.s32 @!p6 $0x0  }
0x80: {  	[tilespmem:s24], [sflag:$0x2] =	stream.linear.gather @!p6 [hbm4b:s23+s22], $0x800, $0x38;
	[tilespmem:$0x3880] =	vst v63  }
0x81: {  	s26 =	sadd.s32 @!p0 $0x0, s13;
	s22 =	simm.s32 @!p0 $0x2080;
	_ =	swait.ge @!p0 [sflag:s25], $0x800  }
0x82: {  	s23 =	simm.s32 @!p0 $0x3080;
	p1 =	por p1, p0;
	[sflag:s25] =	ssyncset.done @!p0 $0x0  }
0x83: {  	s24 =	simm.s32 @!p0 $0x800;
	[sflag:s25] =	ssyncadd.s32 @!p0 $0xFFFFF800;
	s25 =	simm.s32 @!p1 $0x6  }
0x84: {  	[spmem:s2] =	stream.indirect.scatter.add.f32 @!p0 [tilespmem:s23], [sflag:$0x5], $0x1, s22, s24, $0xb8;
	[tilespmem:$0x3880] =	vst v63  }
0x85: {  	s22 =	sadd.s32 @!p0 $0x2, s26;
	_ =	swait.ge @!p1 [sflag:s25], $0x800  }
0x86: {  	p6 =	sge.u32 @!p0 s22, s4;
	[sflag:s25] =	ssyncset.done @!p1 $0x0  }
0x87: {  	s22 =	sadd.s32 $0x2, s21;
	[sflag:s25] =	ssyncadd.s32 @!p1 $0xFFFFF800;
	p1 =	por p6, p0  }
0x88: {  	p0 =	sge.u32 s22, s4;
	s21 =	simm.s32 @!p1 $0x0;
	s23 =	simm.s32 @!p1 $0x2880  }
0x89: {  	[tilespmem:s23], [sflag:$0x3] =	stream.linear.gather @!p1 [hbm4b:s16+s21], $0x800, $0x38;
	[tilespmem:$0x3880] =	vst v63  }
0x8a: {  	s24 =	simm.s32 @!p0 $0x2880;
	s21 =	sadd.s32 $0xFFFFFFFF, s11;
	s23 =	simm.s32 @!p0 $0x3  }
0x8b: {  	p1 =	sle.u32 @!p0 s22, s12;
	p6 =	sne.s32 s21, $0x0;
	_ =	swait.ge @!p0 [sflag:s23], $0x800  }
.Ltmp5:
0x8c: {  	s22 =	simm.s32 @!p0 $0x800;
	[sflag:s23] =	ssyncset.done @!p0 $0x0;
	(pc) =	sbr.rel @!p6 .LBB2_8-.Ltmp5, $4  }
0x8d: {  	p1 =	por p1, p0;
	[sflag:s23] =	ssyncadd.s32 @!p0 $0xFFFFF800;
	s23 =	simm.s32 @!p0 $0x3080  }
0x8e: {  	[spmem:s2] =	stream.indirect.scatter.add.f32 @!p0 [tilespmem:s23], [sflag:$0x6], $0x1, s24, s22, $0xb8;
	[tilespmem:$0x3880] =	vst v63  }
0x8f: {  	s25 =	simm.s32 @!p1 $0x4;
	s22 =	sadd.s32 $0x300, s16;
	s24 =	sadd.s32 @!p0 $0x0, s13  }
0x90: {  	s23 =	simm.s32 $0x3;
	s26 =	sadd.s32 @!p0 $0x3, s24;
	s24 =	smov.u32 s16  }
.LBB2_7:
0x91: {  	s21 =	sadd.s32 $0xFFFFFFFF, s21;
	_ =	swait.ge @!p1 [sflag:s25], $0x800;
	p2 =	sge.u32 @!p0 s26, s4  }
0x92: {  	p6 =	sne.s32 s21, $0x0;
	[sflag:s25] =	ssyncset.done @!p1 $0x0;
	p0 =	por p2, p0  }
0x93: {  	[sflag:s25] =	ssyncadd.s32 @!p1 $0xFFFFF800;
	s25 =	sadd.s32 @!p0 $0x100, s24;
	s26 =	simm.s32 @!p0 $0x0  }
0x94: {  	s28 =	sadd.s32 s23, s13;
	s29 =	simm.s32 @!p0 $0x1880;
	s24 =	smov.u32 s22  }
0x95: {  	[tilespmem:s29], [sflag:$0x1] =	stream.linear.gather @!p0 [hbm4b:s25+s26], $0x800, $0x38;
	[tilespmem:$0x3880] =	vst v63  }
0x96: {  	p0 =	sge.u32 s28, s4;
	s26 =	sadd.s32 $0x1, s28;
	s25 =	sadd.s32 $0x2, s28  }
0x97: {  	s28 =	simm.s32 @!p0 $0x1;
	p1 =	seq.s32 @!p0 s23, $0x0;
	s29 =	sadd.s32 @!p0 s23, s13  }
0x98: {  	s30 =	simm.s32 @!p0 $0x1880;
	s29 =	sadd.s32 @!p0 $0x1, s29;
	_ =	swait.ge @!p0 [sflag:s28], $0x800  }
0x99: {  	s31 =	simm.s32 @!p0 $0x3080;
	p1 =	por p1, p0;
	[sflag:s28] =	ssyncset.done @!p0 $0x0  }
0x9a: {  	s0 =	simm.s32 @!p1 $0x5;
	[sflag:s28] =	ssyncadd.s32 @!p0 $0xFFFFF800;
	s28 =	simm.s32 @!p0 $0x800  }
0x9b: {  	[spmem:s2] =	stream.indirect.scatter.add.f32 @!p0 [tilespmem:s31], [sflag:$0x4], $0x1, s30, s28, $0xb8;
	[tilespmem:$0x3880] =	vst v63  }
0x9c: {  	p2 =	sge.u32 @!p0 s29, s4;
	s28 =	smov.u32 s23;
	_ =	swait.ge @!p1 [sflag:s0], $0x800  }
0x9d: {  	p2 =	por p2, p0;
	p0 =	sge.u32 s26, s4;
	[sflag:s0] =	ssyncset.done @!p1 $0x0  }
0x9e: {  	[sflag:s0] =	ssyncadd.s32 @!p1 $0xFFFFF800;
	s0 =	sadd.s32 @!p2 $0xFFFFFF00, s22;
	p1 =	sle.u32 @!p0 s26, s12  }
0x9f: {  	s29 =	simm.s32 @!p2 $0x2080;
	s30 =	simm.s32 @!p0 $0x2;
	s26 =	simm.s32 @!p2 $0x0  }
0xa0: {  	[tilespmem:s29], [sflag:$0x2] =	stream.linear.gather @!p2 [hbm4b:s0+s26], $0x800, $0x38;
	[tilespmem:$0x3880] =	vst v63  }
0xa1: {  	s0 =	simm.s32 @!p0 $0x2080;
	s26 =	simm.s32 @!p0 $0x3080;
	_ =	swait.ge @!p0 [sflag:s30], $0x800  }
0xa2: {  	p1 =	por p1, p0;
	s29 =	simm.s32 @!p0 $0x800;
	[sflag:s30] =	ssyncset.done @!p0 $0x0  }
0xa3: {  	s31 =	sadd.s32 @!p0 s23, s13;
	[sflag:s30] =	ssyncadd.s32 @!p0 $0xFFFFF800;
	s30 =	simm.s32 @!p1 $0x6  }
0xa4: {  	[spmem:s2] =	stream.indirect.scatter.add.f32 @!p0 [tilespmem:s26], [sflag:$0x5], $0x1, s0, s29, $0xb8;
	[tilespmem:$0x3880] =	vst v63  }
0xa5: {  	s22 =	sadd.s32 $0x300, s22;
	s0 =	sadd.s32 @!p0 $0x2, s31;
	_ =	swait.ge @!p1 [sflag:s30], $0x800  }
0xa6: {  	s23 =	sadd.s32 $0x3, s23;
	p2 =	sge.u32 @!p0 s0, s4;
	[sflag:s30] =	ssyncset.done @!p1 $0x0  }
0xa7: {  	[sflag:s30] =	ssyncadd.s32 @!p1 $0xFFFFF800;
	p1 =	por p2, p0;
	p0 =	sge.u32 s25, s4  }
0xa8: {  	s0 =	simm.s32 @!p1 $0x0;
	s26 =	simm.s32 @!p1 $0x2880;
	s28 =	sadd.s32 @!p0 s28, s13  }
0xa9: {  	[tilespmem:s26], [sflag:$0x3] =	stream.linear.gather @!p1 [hbm4b:s24+s0], $0x800, $0x38;
	[tilespmem:$0x3880] =	vst v63  }
.Ltmp6:
0xaa: {  	s0 =	simm.s32 @!p0 $0x3;
	p1 =	sle.u32 @!p0 s25, s12;
	(pc) =	sbr.rel @p6 .LBB2_7-.Ltmp6, $4  }
0xab: {  	s29 =	simm.s32 @!p0 $0x800;
	p1 =	por p1, p0;
	_ =	swait.ge @!p0 [sflag:s0], $0x800  }
0xac: {  	s30 =	simm.s32 @!p0 $0x2880;
	s25 =	simm.s32 @!p1 $0x4;
	[sflag:s0] =	ssyncset.done @!p0 $0x0  }
0xad: {  	s26 =	sadd.s32 @!p0 $0x3, s28;
	[sflag:s0] =	ssyncadd.s32 @!p0 $0xFFFFF800;
	s0 =	simm.s32 @!p0 $0x3080  }
0xae: {  	[spmem:s2] =	stream.indirect.scatter.add.f32 @!p0 [tilespmem:s0], [sflag:$0x6], $0x1, s30, s29, $0xb8;
	[tilespmem:$0x3880] =	vst v63  }
.Ltmp7:
0xaf: {  	_ = 	snop;
	(pc) =	sbr.rel .LBB2_8-.Ltmp7, $1  }
0xb0: {  	_ =	sdelay $0x3  }
.LBB2_10:
0xb1: {  	_ =	sfence.sel $0x180000  }
0xb2: {  	[bflag:$0x0] =	sbarrier.arrive $0xFFFF  }
0xb3: {  	_ =	strace $0x90000047  }
0xb4: {  	[bflag:$0x2] =	sbarrier.arrive $0xFFFF  }
0xb5: {  	p0 =	sne.s32 s1, $0x0;
	s0 =	rddreg [dreg:$0x2]  }
0xb6: {  	s0 =	sadd.s32 @!p0 $0x100000, s0  }
0xb7: {  	[sflag:s0] =	ssyncadd.tile.s32 @!p0 $0x1;
	_ =	shalt  }
.Lfunc_end2:
_tile_overlayer_lowered:
.L_overlay_start_2:
0xb8: {  	(tag) =	ssettag $0x2  }
0xb9: {  	s0 =	rddreg [dreg:$0x0];
	s2 =	stileid.u32  }
0xba: {  	s1 =	rddreg [dreg:$0x1];
	p0 =	sne.s32 s2, $0x0  }
0xbb: {  	s3 =	rddreg [dreg:$0x2];
	[bflag:$0x3] =	sbarrier.arrive $0xFFFF;
	s2 =	simm.s32 @!p0 $0x1C07  }
0xbc: {  	[timem:s3], [sflag:s2] =	dma.local @!p0 [hbm:s0], s1  }
0xbd: {  	s0 =	simm.s32 @!p0 $0x7  }
0xbe: {  	_ =	swait.ge @!p0 [sflag:s0], s1  }
0xbf: {  	s1 =	ssub.s32 @!p0 $0x0, s1;
	[sflag:s0] =	ssyncset.done @!p0 $0x0  }
0xc0: {  	[sflag:s0] =	ssyncadd.s32 @!p0 s1  }
0xc1: {  	[bflag:$0x3] =	sbarrier.arrive $0xFFFF  }
0xc2: {  	_ =	shalt  }

</sc_bundles>
